<compile_context>
chip_gen: v7x
topology: tpu7x:2x2x1
jax: 0.10.2.dev20260603
libtpu: 0.0.44.dev20260713+nightly
codegen_flags: <defaults>
</compile_context>

<pallas_src>
import functools

import jax
import jax.numpy as jnp
from jax import lax
from jax.experimental import pallas as pl
from jax.experimental.pallas import tpu as pltpu
from jax.experimental.pallas import tpu_sc as plsc

BATCH = 4
SEQ = 2048
DIM = 2048
NW = 32
S_PER_W = SEQ // NW
ROWS = 8
CHUNK = ROWS * DIM
N_CHUNK = S_PER_W // ROWS
LANES = 16
N_IT = N_CHUNK * BATCH


def _make_sc_kernel():
    mesh = plsc.VectorSubcoreMesh(core_axis_name="c", subcore_axis_name="s")

    @functools.partial(
        pl.kernel,
        mesh=mesh,
        out_type=jax.ShapeDtypeStruct((BATCH * SEQ * DIM,), jnp.float32),
        scratch_types=[
            pltpu.VMEM((2, CHUNK), jnp.float32),
            pltpu.VMEM((2, CHUNK), jnp.float32),
            pltpu.VMEM((CHUNK,), jnp.float32),
            pltpu.SemaphoreType.DMA,
            pltpu.SemaphoreType.DMA,
            pltpu.SemaphoreType.DMA,
            pltpu.SemaphoreType.DMA,
        ],
    )
    def sc_add(x_hbm, pe_hbm, out_hbm, x_buf, o_buf, pe_buf, xs0, xs1, os0, os1):
        wid = lax.axis_index("s") * 2 + lax.axis_index("c")
        s_base = wid * S_PER_W
        x_sems = (xs0, xs1)
        o_sems = (os0, os1)

        def x_off(it):
            chunk, b = it // BATCH, it % BATCH
            return b * SEQ * DIM + (s_base + chunk * ROWS) * DIM

        x_descs = {}
        o_descs = {}
        x_descs[0] = pltpu.async_copy(
            x_hbm.at[pl.ds(x_off(0), CHUNK)], x_buf.at[0], x_sems[0])

        for it in range(N_IT):
            cur = it % 2
            chunk, b = it // BATCH, it % BATCH
            if b == 0:
                pltpu.sync_copy(
                    pe_hbm.at[pl.ds((s_base + chunk * ROWS) * DIM, CHUNK)],
                    pe_buf)
            if it + 1 < N_IT:
                x_descs[it + 1] = pltpu.async_copy(
                    x_hbm.at[pl.ds(x_off(it + 1), CHUNK)],
                    x_buf.at[(it + 1) % 2], x_sems[(it + 1) % 2])
            x_descs[it].wait()
            if it - 2 >= 0:
                o_descs[it - 2].wait()

            @plsc.parallel_loop(0, CHUNK // LANES, 1, unroll=8)
            def add_body(i):
                sl = pl.ds(i * LANES, LANES)
                o_buf[cur, sl] = x_buf[cur, sl] + pe_buf[sl]

            o_descs[it] = pltpu.async_copy(
                o_buf.at[cur], out_hbm.at[pl.ds(x_off(it), CHUNK)],
                o_sems[cur])

        o_descs[N_IT - 2].wait()
        o_descs[N_IT - 1].wait()

    return sc_add


_SC_ADD = _make_sc_kernel()


def kernel(x, pe_table):
    out_flat = _SC_ADD(x.reshape(-1), pe_table.reshape(-1))
    return out_flat.reshape(x.shape)

# --- scband reference (transcript-rebuilt; emitter-appended) ---
"""Pipeline reference for scband-positional-embedding-4853313044618 (READ-ONLY COPY).

The authoritative reference and input builder live on the scoring server;
editing this copy changes nothing except your own understanding.
"""

import jax, jax.numpy as jnp
import numpy as np

EMBED_DIM = 2048
MAX_SEQ_LEN = 2048
BATCH = 4
SEQ_LEN = 2048

def setup_inputs(seed: int = 0) -> dict:
    key = jax.random.key(seed)
    k1, k2 = jax.random.split(key)
    x = jax.random.normal(k1, (BATCH, SEQ_LEN, EMBED_DIM), dtype=jnp.float32)
    # nn.Embedding default init: N(0, 1)
    pe_table = jax.random.normal(k2, (MAX_SEQ_LEN, EMBED_DIM), dtype=jnp.float32)
    return {"x": x, "pe_table": pe_table}

def reference(x, pe_table):
    batch_size, seq_length, embed_dim = x.shape
    positions_idx = jnp.arange(seq_length)
    positions = jnp.take(pe_table, positions_idx, axis=0)  # [S, D]
    positions = jnp.broadcast_to(positions[None, :, :], (batch_size, seq_length, embed_dim))
    return x + positions

if __name__ == "__main__":
    import jax
    _d = setup_inputs()
    print(jax.jit(kernel)(*tuple(_d.values())))

</pallas_src>

<mosaic_0001>
#map = affine_map<(d0, d1) -> (0)>
module attributes {stable_mosaic.version = 14 : i64} {
  func.func @sc_add(%arg0: i32, %arg1: i32, %arg2: memref<16777216xf32, #tpu.memory_space<hbm>>, %arg3: memref<4194304xf32, #tpu.memory_space<hbm>>, %arg4: memref<16777216xf32, #tpu.memory_space<hbm>>, %arg5: memref<2x16384xf32, #tpu.memory_space<vmem>>, %arg6: memref<2x16384xf32, #tpu.memory_space<vmem>>, %arg7: memref<16384xf32, #tpu.memory_space<vmem>>, %arg8: memref<!tpu.dma_semaphore, #tpu.memory_space<semaphore_mem>>, %arg9: memref<!tpu.dma_semaphore, #tpu.memory_space<semaphore_mem>>, %arg10: memref<!tpu.dma_semaphore, #tpu.memory_space<semaphore_mem>>, %arg11: memref<!tpu.dma_semaphore, #tpu.memory_space<semaphore_mem>>) attributes {dimension_semantics = [#tpu.dimension_semantics<core_parallel>, #tpu.dimension_semantics<subcore_parallel>], iteration_bounds = array<i64: 2, 16>, scalar_prefetch = 0 : i64, scratch_operands = 7 : i64, tpu.core_type = #tpu.core_type<sc_vector_subcore>, window_params = [{transform_indices = #map}, {transform_indices = #map}, {transform_indices = #map}]} {
    %mul3A = arith.constant 2 : i32
    %mul3A_0 = arith.muli %arg1, %mul3A : i32
    %add3A = arith.addi %mul3A_0, %arg0 : i32
    %mul3A_1 = arith.constant 64 : i32
    %mul3A_2 = arith.muli %add3A, %mul3A_1 : i32
    %add3A_3 = arith.constant 0 : i32
    %add3A_4 = arith.addi %mul3A_2, %add3A_3 : i32
    %mul3A_5 = arith.constant 2048 : i32
    %mul3A_6 = arith.muli %add3A_4, %mul3A_5 : i32
    %add3A_7 = arith.constant 0 : i32
    %add3A_8 = arith.addi %add3A_7, %mul3A_6 : i32
    %dma_start3A = arith.constant 0 : i32
    %dma_start3A_9 = arith.constant 0 : i32
    %dma_start3A_10 = tpu.memref_slice %arg5[%dma_start3A, %dma_start3A_9] : memref<2x16384xf32, #tpu.memory_space<vmem>> -> memref<1x16384xf32, #tpu.memory_space<vmem>>
    %dma_start3A_11 = tpu.memref_squeeze %dma_start3A_10 : memref<1x16384xf32, #tpu.memory_space<vmem>> -> memref<16384xf32, #tpu.memory_space<vmem>>
    %dma_start3A_12 = tpu.memref_slice %arg2[%add3A_8] : memref<16777216xf32, #tpu.memory_space<hbm>> -> memref<16384xf32, #tpu.memory_space<hbm>>
    %dma_start3A_13 = arith.constant 0 : i32
    %dma_start3A_14 = tpu.memref_slice %arg5[%dma_start3A, %dma_start3A_13] : memref<2x16384xf32, #tpu.memory_space<vmem>> -> memref<1x16384xf32, #tpu.memory_space<vmem>>
    %dma_start3A_15 = tpu.memref_squeeze %dma_start3A_14 : memref<1x16384xf32, #tpu.memory_space<vmem>> -> memref<16384xf32, #tpu.memory_space<vmem>>
    %dma_start3A_16 = tpu.memref_slice %arg2[%add3A_8] : memref<16777216xf32, #tpu.memory_space<hbm>> -> memref<16384xf32, #tpu.memory_space<hbm>>
    tpu.enqueue_dma source(%dma_start3A_16 : memref<16384xf32, #tpu.memory_space<hbm>>) target(%dma_start3A_15 : memref<16384xf32, #tpu.memory_space<vmem>>) target_semaphore(%arg8 : memref<!tpu.dma_semaphore, #tpu.memory_space<semaphore_mem>>)
    %add3A_17 = arith.constant 0 : i32
    %add3A_18 = arith.addi %mul3A_2, %add3A_17 : i32
    %mul3A_19 = arith.constant 2048 : i32
    %mul3A_20 = arith.muli %add3A_18, %mul3A_19 : i32
    "tpu.region"() ({
      %run_scoped3A = tpu.sem_alloc : memref<!tpu.dma_semaphore, #tpu.memory_space<semaphore_mem>>
      %dma_start3A_1664 = tpu.memref_slice %arg3[%mul3A_20] : memref<4194304xf32, #tpu.memory_space<hbm>> -> memref<16384xf32, #tpu.memory_space<hbm>>
      %dma_start3A_1665 = tpu.memref_slice %arg3[%mul3A_20] : memref<4194304xf32, #tpu.memory_space<hbm>> -> memref<16384xf32, #tpu.memory_space<hbm>>
      tpu.enqueue_dma source(%dma_start3A_1665 : memref<16384xf32, #tpu.memory_space<hbm>>) target(%arg7 : memref<16384xf32, #tpu.memory_space<vmem>>) target_semaphore(%run_scoped3A : memref<!tpu.dma_semaphore, #tpu.memory_space<semaphore_mem>>)
      %dma_wait3A_1666 = tpu.memref_slice %arg3[%mul3A_20] : memref<4194304xf32, #tpu.memory_space<hbm>> -> memref<16384xf32, #tpu.memory_space<hbm>>
      %dma_wait3A_1667 = tpu.memref_slice %arg3[%mul3A_20] : memref<4194304xf32, #tpu.memory_space<hbm>> -> memref<16384xf32, #tpu.memory_space<hbm>>
      tpu.wait_dma2 semaphore(%run_scoped3A : memref<!tpu.dma_semaphore, #tpu.memory_space<semaphore_mem>>) src(%dma_wait3A_1667 : memref<16384xf32, #tpu.memory_space<hbm>>) dst(%arg7 : memref<16384xf32, #tpu.memory_space<vmem>>)
      tpu.yield
    }) : () -> ()
    %add3A_21 = arith.constant 0 : i32
    %add3A_22 = arith.addi %mul3A_2, %add3A_21 : i32
    %mul3A_23 = arith.constant 2048 : i32
    %mul3A_24 = arith.muli %add3A_22, %mul3A_23 : i32
    %add3A_25 = arith.constant 4194304 : i32
    %add3A_26 = arith.addi %add3A_25, %mul3A_24 : i32
    %dma_start3A_27 = arith.constant 1 : i32
    %dma_start3A_28 = arith.constant 0 : i32
    %dma_start3A_29 = tpu.memref_slice %arg5[%dma_start3A_27, %dma_start3A_28] : memref<2x16384xf32, #tpu.memory_space<vmem>> -> memref<1x16384xf32, #tpu.memory_space<vmem>>
    %dma_start3A_30 = tpu.memref_squeeze %dma_start3A_29 : memref<1x16384xf32, #tpu.memory_space<vmem>> -> memref<16384xf32, #tpu.memory_space<vmem>>
    %dma_start3A_31 = tpu.memref_slice %arg2[%add3A_26] : memref<16777216xf32, #tpu.memory_space<hbm>> -> memref<16384xf32, #tpu.memory_space<hbm>>
    %dma_start3A_32 = arith.constant 0 : i32
    %dma_start3A_33 = tpu.memref_slice %arg5[%dma_start3A_27, %dma_start3A_32] : memref<2x16384xf32, #tpu.memory_space<vmem>> -> memref<1x16384xf32, #tpu.memory_space<vmem>>
    %dma_start3A_34 = tpu.memref_squeeze %dma_start3A_33 : memref<1x16384xf32, #tpu.memory_space<vmem>> -> memref<16384xf32, #tpu.memory_space<vmem>>
    %dma_start3A_35 = tpu.memref_slice %arg2[%add3A_26] : memref<16777216xf32, #tpu.memory_space<hbm>> -> memref<16384xf32, #tpu.memory_space<hbm>>
    tpu.enqueue_dma source(%dma_start3A_35 : memref<16384xf32, #tpu.memory_space<hbm>>) target(%dma_start3A_34 : memref<16384xf32, #tpu.memory_space<vmem>>) target_semaphore(%arg9 : memref<!tpu.dma_semaphore, #tpu.memory_space<semaphore_mem>>)
    %dma_wait3A = arith.constant 0 : i32
    %dma_wait3A_36 = arith.constant 0 : i32
    %dma_wait3A_37 = tpu.memref_slice %arg5[%dma_wait3A, %dma_wait3A_36] : memref<2x16384xf32, #tpu.memory_space<vmem>> -> memref<1x16384xf32, #tpu.memory_space<vmem>>
    %dma_wait3A_38 = tpu.memref_squeeze %dma_wait3A_37 : memref<1x16384xf32, #tpu.memory_space<vmem>> -> memref<16384xf32, #tpu.memory_space<vmem>>
    %dma_wait3A_39 = tpu.memref_slice %arg2[%add3A_8] : memref<16777216xf32, #tpu.memory_space<hbm>> -> memref<16384xf32, #tpu.memory_space<hbm>>
    %dma_wait3A_40 = arith.constant 0 : i32
    %dma_wait3A_41 = tpu.memref_slice %arg5[%dma_wait3A, %dma_wait3A_40] : memref<2x16384xf32, #tpu.memory_space<vmem>> -> memref<1x16384xf32, #tpu.memory_space<vmem>>
    %dma_wait3A_42 = tpu.memref_squeeze %dma_wait3A_41 : memref<1x16384xf32, #tpu.memory_space<vmem>> -> memref<16384xf32, #tpu.memory_space<vmem>>
    %dma_wait3A_43 = tpu.memref_slice %arg2[%add3A_8] : memref<16777216xf32, #tpu.memory_space<hbm>> -> memref<16384xf32, #tpu.memory_space<hbm>>
    tpu.wait_dma2 semaphore(%arg8 : memref<!tpu.dma_semaphore, #tpu.memory_space<semaphore_mem>>) src(%dma_wait3A_43 : memref<16384xf32, #tpu.memory_space<hbm>>) dst(%dma_wait3A_42 : memref<16384xf32, #tpu.memory_space<vmem>>)
    %parallel_loop3A = arith.constant 0 : i32
    %parallel_loop3A_44 = arith.constant 1024 : i32
    %parallel_loop3A_45 = arith.constant 1 : i32
    scf.for %parallel_loop3A_1664 = %parallel_loop3A to %parallel_loop3A_44 step %parallel_loop3A_45  : i32 {
      %parallel_loop3A_1665 = arith.constant 16 : i32
      %parallel_loop3A_1666 = arith.muli %parallel_loop3A_1664, %parallel_loop3A_1665 : i32
      %parallel_loop3A_1667 = arith.constant 0 : i32
      %parallel_loop3A_1668 = arith.index_cast %parallel_loop3A_1667 : i32 to index
      %parallel_loop3A_1669 = arith.index_cast %parallel_loop3A_1666 : i32 to index
      %parallel_loop3A_1670 = tpu.vector_load %arg5[%parallel_loop3A_1668, %parallel_loop3A_1669] {strides = array<i32>} : memref<2x16384xf32, #tpu.memory_space<vmem>>, vector<1x16xf32>,
      %parallel_loop3A_1671 = vector.shape_cast %parallel_loop3A_1670 : vector<1x16xf32> to vector<16xf32>
      %parallel_loop3A_1672 = arith.index_cast %parallel_loop3A_1666 : i32 to index
      %parallel_loop3A_1673 = tpu.vector_load %arg7[%parallel_loop3A_1672] {strides = array<i32>} : memref<16384xf32, #tpu.memory_space<vmem>>, vector<16xf32>,
      %parallel_loop3A_1674 = vector.shape_cast %parallel_loop3A_1673 : vector<16xf32> to vector<16xf32>
      %parallel_loop3A_1675 = arith.addf %parallel_loop3A_1671, %parallel_loop3A_1674 : vector<16xf32>
      %parallel_loop3A_1676 = arith.constant 0 : i32
      %parallel_loop3A_1677 = arith.index_cast %parallel_loop3A_1676 : i32 to index
      %parallel_loop3A_1678 = arith.index_cast %parallel_loop3A_1666 : i32 to index
      %parallel_loop3A_1679 = tpu.vector_load %arg6[%parallel_loop3A_1677, %parallel_loop3A_1678] {strides = array<i32>} : memref<2x16384xf32, #tpu.memory_space<vmem>>, vector<1x16xf32>,
      %parallel_loop3A_1680 = vector.shape_cast %parallel_loop3A_1679 : vector<1x16xf32> to vector<16xf32>
      %parallel_loop3A_1681 = vector.shape_cast %parallel_loop3A_1675 : vector<16xf32> to vector<1x16xf32>
      tpu.vector_store %arg6[%parallel_loop3A_1677, %parallel_loop3A_1678], %parallel_loop3A_1681 {strides = array<i32>} : memref<2x16384xf32, #tpu.memory_space<vmem>>, vector<1x16xf32>,
    } {sc.loop_unroll_factor = 8 : i64, sc.parallel_access}
    %add3A_46 = arith.constant 0 : i32
    %add3A_47 = arith.addi %mul3A_2, %add3A_46 : i32
    %mul3A_48 = arith.constant 2048 : i32
    %mul3A_49 = arith.muli %add3A_47, %mul3A_48 : i32
    %add3A_50 = arith.constant 0 : i32
    %add3A_51 = arith.addi %add3A_50, %mul3A_49 : i32
    %dma_start3A_52 = arith.constant 0 : i32
    %dma_start3A_53 = arith.constant 0 : i32
    %dma_start3A_54 = tpu.memref_slice %arg6[%dma_start3A_52, %dma_start3A_53] : memref<2x16384xf32, #tpu.memory_space<vmem>> -> memref<1x16384xf32, #tpu.memory_space<vmem>>
    %dma_start3A_55 = tpu.memref_squeeze %dma_start3A_54 : memref<1x16384xf32, #tpu.memory_space<vmem>> -> memref<16384xf32, #tpu.memory_space<vmem>>
    %dma_start3A_56 = tpu.memref_slice %arg4[%add3A_51] : memref<16777216xf32, #tpu.memory_space<hbm>> -> memref<16384xf32, #tpu.memory_space<hbm>>
    %dma_start3A_57 = tpu.memref_slice %arg4[%add3A_51] : memref<16777216xf32, #tpu.memory_space<hbm>> -> memref<16384xf32, #tpu.memory_space<hbm>>
    %dma_start3A_58 = arith.constant 0 : i32
    %dma_start3A_59 = tpu.memref_slice %arg6[%dma_start3A_52, %dma_start3A_58] : memref<2x16384xf32, #tpu.memory_space<vmem>> -> memref<1x16384xf32, #tpu.memory_space<vmem>>
    %dma_start3A_60 = tpu.memref_squeeze %dma_start3A_59 : memref<1x16384xf32, #tpu.memory_space<vmem>> -> memref<16384xf32, #tpu.memory_space<vmem>>
    tpu.enqueue_dma source(%dma_start3A_60 : memref<16384xf32, #tpu.memory_space<vmem>>) target(%dma_start3A_57 : memref<16384xf32, #tpu.memory_space<hbm>>) target_semaphore(%arg10 : memref<!tpu.dma_semaphore, #tpu.memory_space<semaphore_mem>>)
    %add3A_61 = arith.constant 0 : i32
    %add3A_62 = arith.addi %mul3A_2, %add3A_61 : i32
    %mul3A_63 = arith.constant 2048 : i32
    %mul3A_64 = arith.muli %add3A_62, %mul3A_63 : i32
    %add3A_65 = arith.constant 8388608 : i32
    %add3A_66 = arith.addi %add3A_65, %mul3A_64 : i32
    %dma_start3A_67 = arith.constant 0 : i32
    %dma_start3A_68 = arith.constant 0 : i32
    %dma_start3A_69 = tpu.memref_slice %arg5[%dma_start3A_67, %dma_start3A_68] : memref<2x16384xf32, #tpu.memory_space<vmem>> -> memref<1x16384xf32, #tpu.memory_space<vmem>>
    %dma_start3A_70 = tpu.memref_squeeze %dma_start3A_69 : memref<1x16384xf32, #tpu.memory_space<vmem>> -> memref<16384xf32, #tpu.memory_space<vmem>>
    %dma_start3A_71 = tpu.memref_slice %arg2[%add3A_66] : memref<16777216xf32, #tpu.memory_space<hbm>> -> memref<16384xf32, #tpu.memory_space<hbm>>
    %dma_start3A_72 = arith.constant 0 : i32
    %dma_start3A_73 = tpu.memref_slice %arg5[%dma_start3A_67, %dma_start3A_72] : memref<2x16384xf32, #tpu.memory_space<vmem>> -> memref<1x16384xf32, #tpu.memory_space<vmem>>
    %dma_start3A_74 = tpu.memref_squeeze %dma_start3A_73 : memref<1x16384xf32, #tpu.memory_space<vmem>> -> memref<16384xf32, #tpu.memory_space<vmem>>
    %dma_start3A_75 = tpu.memref_slice %arg2[%add3A_66] : memref<16777216xf32, #tpu.memory_space<hbm>> -> memref<16384xf32, #tpu.memory_space<hbm>>
    tpu.enqueue_dma source(%dma_start3A_75 : memref<16384xf32, #tpu.memory_space<hbm>>) target(%dma_start3A_74 : memref<16384xf32, #tpu.memory_space<vmem>>) target_semaphore(%arg8 : memref<!tpu.dma_semaphore, #tpu.memory_space<semaphore_mem>>)
    %dma_wait3A_76 = arith.constant 1 : i32
    %dma_wait3A_77 = arith.constant 0 : i32
    %dma_wait3A_78 = tpu.memref_slice %arg5[%dma_wait3A_76, %dma_wait3A_77] : memref<2x16384xf32, #tpu.memory_space<vmem>> -> memref<1x16384xf32, #tpu.memory_space<vmem>>
    %dma_wait3A_79 = tpu.memref_squeeze %dma_wait3A_78 : memref<1x16384xf32, #tpu.memory_space<vmem>> -> memref<16384xf32, #tpu.memory_space<vmem>>
    %dma_wait3A_80 = tpu.memref_slice %arg2[%add3A_26] : memref<16777216xf32, #tpu.memory_space<hbm>> -> memref<16384xf32, #tpu.memory_space<hbm>>
    %dma_wait3A_81 = arith.constant 0 : i32
    %dma_wait3A_82 = tpu.memref_slice %arg5[%dma_wait3A_76, %dma_wait3A_81] : memref<2x16384xf32, #tpu.memory_space<vmem>> -> memref<1x16384xf32, #tpu.memory_space<vmem>>
    %dma_wait3A_83 = tpu.memref_squeeze %dma_wait3A_82 : memref<1x16384xf32, #tpu.memory_space<vmem>> -> memref<16384xf32, #tpu.memory_space<vmem>>
    %dma_wait3A_84 = tpu.memref_slice %arg2[%add3A_26] : memref<16777216xf32, #tpu.memory_space<hbm>> -> memref<16384xf32, #tpu.memory_space<hbm>>
    tpu.wait_dma2 semaphore(%arg9 : memref<!tpu.dma_semaphore, #tpu.memory_space<semaphore_mem>>) src(%dma_wait3A_84 : memref<16384xf32, #tpu.memory_space<hbm>>) dst(%dma_wait3A_83 : memref<16384xf32, #tpu.memory_space<vmem>>)
    %parallel_loop3A_85 = arith.constant 0 : i32
    %parallel_loop3A_86 = arith.constant 1024 : i32
    %parallel_loop3A_87 = arith.constant 1 : i32
    scf.for %parallel_loop3A_1664 = %parallel_loop3A_85 to %parallel_loop3A_86 step %parallel_loop3A_87  : i32 {
      %parallel_loop3A_1665 = arith.constant 16 : i32
      %parallel_loop3A_1666 = arith.muli %parallel_loop3A_1664, %parallel_loop3A_1665 : i32
      %parallel_loop3A_1667 = arith.constant 1 : i32
      %parallel_loop3A_1668 = arith.index_cast %parallel_loop3A_1667 : i32 to index
      %parallel_loop3A_1669 = arith.index_cast %parallel_loop3A_1666 : i32 to index
      %parallel_loop3A_1670 = tpu.vector_load %arg5[%parallel_loop3A_1668, %parallel_loop3A_1669] {strides = array<i32>} : memref<2x16384xf32, #tpu.memory_space<vmem>>, vector<1x16xf32>,
      %parallel_loop3A_1671 = vector.shape_cast %parallel_loop3A_1670 : vector<1x16xf32> to vector<16xf32>
      %parallel_loop3A_1672 = arith.index_cast %parallel_loop3A_1666 : i32 to index
      %parallel_loop3A_1673 = tpu.vector_load %arg7[%parallel_loop3A_1672] {strides = array<i32>} : memref<16384xf32, #tpu.memory_space<vmem>>, vector<16xf32>,
      %parallel_loop3A_1674 = vector.shape_cast %parallel_loop3A_1673 : vector<16xf32> to vector<16xf32>
      %parallel_loop3A_1675 = arith.addf %parallel_loop3A_1671, %parallel_loop3A_1674 : vector<16xf32>
      %parallel_loop3A_1676 = arith.constant 1 : i32
      %parallel_loop3A_1677 = arith.index_cast %parallel_loop3A_1676 : i32 to index
      %parallel_loop3A_1678 = arith.index_cast %parallel_loop3A_1666 : i32 to index
      %parallel_loop3A_1679 = tpu.vector_load %arg6[%parallel_loop3A_1677, %parallel_loop3A_1678] {strides = array<i32>} : memref<2x16384xf32, #tpu.memory_space<vmem>>, vector<1x16xf32>,
      %parallel_loop3A_1680 = vector.shape_cast %parallel_loop3A_1679 : vector<1x16xf32> to vector<16xf32>
      %parallel_loop3A_1681 = vector.shape_cast %parallel_loop3A_1675 : vector<16xf32> to vector<1x16xf32>
      tpu.vector_store %arg6[%parallel_loop3A_1677, %parallel_loop3A_1678], %parallel_loop3A_1681 {strides = array<i32>} : memref<2x16384xf32, #tpu.memory_space<vmem>>, vector<1x16xf32>,
    } {sc.loop_unroll_factor = 8 : i64, sc.parallel_access}
    %add3A_88 = arith.constant 0 : i32
    %add3A_89 = arith.addi %mul3A_2, %add3A_88 : i32
    %mul3A_90 = arith.constant 2048 : i32
    %mul3A_91 = arith.muli %add3A_89, %mul3A_90 : i32
    %add3A_92 = arith.constant 4194304 : i32
    %add3A_93 = arith.addi %add3A_92, %mul3A_91 : i32
    %dma_start3A_94 = arith.constant 1 : i32
    %dma_start3A_95 = arith.constant 0 : i32
    %dma_start3A_96 = tpu.memref_slice %arg6[%dma_start3A_94, %dma_start3A_95] : memref<2x16384xf32, #tpu.memory_space<vmem>> -> memref<1x16384xf32, #tpu.memory_space<vmem>>
    %dma_start3A_97 = tpu.memref_squeeze %dma_start3A_96 : memref<1x16384xf32, #tpu.memory_space<vmem>> -> memref<16384xf32, #tpu.memory_space<vmem>>
    %dma_start3A_98 = tpu.memref_slice %arg4[%add3A_93] : memref<16777216xf32, #tpu.memory_space<hbm>> -> memref<16384xf32, #tpu.memory_space<hbm>>
    %dma_start3A_99 = tpu.memref_slice %arg4[%add3A_93] : memref<16777216xf32, #tpu.memory_space<hbm>> -> memref<16384xf32, #tpu.memory_space<hbm>>
    %dma_start3A_100 = arith.constant 0 : i32
    %dma_start3A_101 = tpu.memref_slice %arg6[%dma_start3A_94, %dma_start3A_100] : memref<2x16384xf32, #tpu.memory_space<vmem>> -> memref<1x16384xf32, #tpu.memory_space<vmem>>
    %dma_start3A_102 = tpu.memref_squeeze %dma_start3A_101 : memref<1x16384xf32, #tpu.memory_space<vmem>> -> memref<16384xf32, #tpu.memory_space<vmem>>
    tpu.enqueue_dma source(%dma_start3A_102 : memref<16384xf32, #tpu.memory_space<vmem>>) target(%dma_start3A_99 : memref<16384xf32, #tpu.memory_space<hbm>>) target_semaphore(%arg11 : memref<!tpu.dma_semaphore, #tpu.memory_space<semaphore_mem>>)
    %add3A_103 = arith.constant 0 : i32
    %add3A_104 = arith.addi %mul3A_2, %add3A_103 : i32
    %mul3A_105 = arith.constant 2048 : i32
    %mul3A_106 = arith.muli %add3A_104, %mul3A_105 : i32
    %add3A_107 = arith.constant 12582912 : i32
    %add3A_108 = arith.addi %add3A_107, %mul3A_106 : i32
    %dma_start3A_109 = arith.constant 1 : i32
    %dma_start3A_110 = arith.constant 0 : i32
    %dma_start3A_111 = tpu.memref_slice %arg5[%dma_start3A_109, %dma_start3A_110] : memref<2x16384xf32, #tpu.memory_space<vmem>> -> memref<1x16384xf32, #tpu.memory_space<vmem>>
    %dma_start3A_112 = tpu.memref_squeeze %dma_start3A_111 : memref<1x16384xf32, #tpu.memory_space<vmem>> -> memref<16384xf32, #tpu.memory_space<vmem>>
    %dma_start3A_113 = tpu.memref_slice %arg2[%add3A_108] : memref<16777216xf32, #tpu.memory_space<hbm>> -> memref<16384xf32, #tpu.memory_space<hbm>>
    %dma_start3A_114 = arith.constant 0 : i32
    %dma_start3A_115 = tpu.memref_slice %arg5[%dma_start3A_109, %dma_start3A_114] : memref<2x16384xf32, #tpu.memory_space<vmem>> -> memref<1x16384xf32, #tpu.memory_space<vmem>>
    %dma_start3A_116 = tpu.memref_squeeze %dma_start3A_115 : memref<1x16384xf32, #tpu.memory_space<vmem>> -> memref<16384xf32, #tpu.memory_space<vmem>>
    %dma_start3A_117 = tpu.memref_slice %arg2[%add3A_108] : memref<16777216xf32, #tpu.memory_space<hbm>> -> memref<16384xf32, #tpu.memory_space<hbm>>
    tpu.enqueue_dma source(%dma_start3A_117 : memref<16384xf32, #tpu.memory_space<hbm>>) target(%dma_start3A_116 : memref<16384xf32, #tpu.memory_space<vmem>>) target_semaphore(%arg9 : memref<!tpu.dma_semaphore, #tpu.memory_space<semaphore_mem>>)
    %dma_wait3A_118 = arith.constant 0 : i32
    %dma_wait3A_119 = arith.constant 0 : i32
    %dma_wait3A_120 = tpu.memref_slice %arg5[%dma_wait3A_118, %dma_wait3A_119] : memref<2x16384xf32, #tpu.memory_space<vmem>> -> memref<1x16384xf32, #tpu.memory_space<vmem>>
    %dma_wait3A_121 = tpu.memref_squeeze %dma_wait3A_120 : memref<1x16384xf32, #tpu.memory_space<vmem>> -> memref<16384xf32, #tpu.memory_space<vmem>>
    %dma_wait3A_122 = tpu.memref_slice %arg2[%add3A_66] : memref<16777216xf32, #tpu.memory_space<hbm>> -> memref<16384xf32, #tpu.memory_space<hbm>>
    %dma_wait3A_123 = arith.constant 0 : i32
    %dma_wait3A_124 = tpu.memref_slice %arg5[%dma_wait3A_118, %dma_wait3A_123] : memref<2x16384xf32, #tpu.memory_space<vmem>> -> memref<1x16384xf32, #tpu.memory_space<vmem>>
    %dma_wait3A_125 = tpu.memref_squeeze %dma_wait3A_124 : memref<1x16384xf32, #tpu.memory_space<vmem>> -> memref<16384xf32, #tpu.memory_space<vmem>>
    %dma_wait3A_126 = tpu.memref_slice %arg2[%add3A_66] : memref<16777216xf32, #tpu.memory_space<hbm>> -> memref<16384xf32, #tpu.memory_space<hbm>>
    tpu.wait_dma2 semaphore(%arg8 : memref<!tpu.dma_semaphore, #tpu.memory_space<semaphore_mem>>) src(%dma_wait3A_126 : memref<16384xf32, #tpu.memory_space<hbm>>) dst(%dma_wait3A_125 : memref<16384xf32, #tpu.memory_space<vmem>>)
    %dma_wait3A_127 = arith.constant 0 : i32
    %dma_wait3A_128 = arith.constant 0 : i32
    %dma_wait3A_129 = tpu.memref_slice %arg6[%dma_wait3A_127, %dma_wait3A_128] : memref<2x16384xf32, #tpu.memory_space<vmem>> -> memref<1x16384xf32, #tpu.memory_space<vmem>>
    %dma_wait3A_130 = tpu.memref_squeeze %dma_wait3A_129 : memref<1x16384xf32, #tpu.memory_space<vmem>> -> memref<16384xf32, #tpu.memory_space<vmem>>
    %dma_wait3A_131 = tpu.memref_slice %arg4[%add3A_51] : memref<16777216xf32, #tpu.memory_space<hbm>> -> memref<16384xf32, #tpu.memory_space<hbm>>
    %dma_wait3A_132 = tpu.memref_slice %arg4[%add3A_51] : memref<16777216xf32, #tpu.memory_space<hbm>> -> memref<16384xf32, #tpu.memory_space<hbm>>
    %dma_wait3A_133 = arith.constant 0 : i32
    %dma_wait3A_134 = tpu.memref_slice %arg6[%dma_wait3A_127, %dma_wait3A_133] : memref<2x16384xf32, #tpu.memory_space<vmem>> -> memref<1x16384xf32, #tpu.memory_space<vmem>>
    %dma_wait3A_135 = tpu.memref_squeeze %dma_wait3A_134 : memref<1x16384xf32, #tpu.memory_space<vmem>> -> memref<16384xf32, #tpu.memory_space<vmem>>
    tpu.wait_dma2 semaphore(%arg10 : memref<!tpu.dma_semaphore, #tpu.memory_space<semaphore_mem>>) src(%dma_wait3A_135 : memref<16384xf32, #tpu.memory_space<vmem>>) dst(%dma_wait3A_132 : memref<16384xf32, #tpu.memory_space<hbm>>)
    %parallel_loop3A_136 = arith.constant 0 : i32
    %parallel_loop3A_137 = arith.constant 1024 : i32
    %parallel_loop3A_138 = arith.constant 1 : i32
    scf.for %parallel_loop3A_1664 = %parallel_loop3A_136 to %parallel_loop3A_137 step %parallel_loop3A_138  : i32 {
      %parallel_loop3A_1665 = arith.constant 16 : i32
      %parallel_loop3A_1666 = arith.muli %parallel_loop3A_1664, %parallel_loop3A_1665 : i32
      %parallel_loop3A_1667 = arith.constant 0 : i32
      %parallel_loop3A_1668 = arith.index_cast %parallel_loop3A_1667 : i32 to index
      %parallel_loop3A_1669 = arith.index_cast %parallel_loop3A_1666 : i32 to index
      %parallel_loop3A_1670 = tpu.vector_load %arg5[%parallel_loop3A_1668, %parallel_loop3A_1669] {strides = array<i32>} : memref<2x16384xf32, #tpu.memory_space<vmem>>, vector<1x16xf32>,
      %parallel_loop3A_1671 = vector.shape_cast %parallel_loop3A_1670 : vector<1x16xf32> to vector<16xf32>
      %parallel_loop3A_1672 = arith.index_cast %parallel_loop3A_1666 : i32 to index
      %parallel_loop3A_1673 = tpu.vector_load %arg7[%parallel_loop3A_1672] {strides = array<i32>} : memref<16384xf32, #tpu.memory_space<vmem>>, vector<16xf32>,
      %parallel_loop3A_1674 = vector.shape_cast %parallel_loop3A_1673 : vector<16xf32> to vector<16xf32>
      %parallel_loop3A_1675 = arith.addf %parallel_loop3A_1671, %parallel_loop3A_1674 : vector<16xf32>
      %parallel_loop3A_1676 = arith.constant 0 : i32
      %parallel_loop3A_1677 = arith.index_cast %parallel_loop3A_1676 : i32 to index
      %parallel_loop3A_1678 = arith.index_cast %parallel_loop3A_1666 : i32 to index
      %parallel_loop3A_1679 = tpu.vector_load %arg6[%parallel_loop3A_1677, %parallel_loop3A_1678] {strides = array<i32>} : memref<2x16384xf32, #tpu.memory_space<vmem>>, vector<1x16xf32>,
      %parallel_loop3A_1680 = vector.shape_cast %parallel_loop3A_1679 : vector<1x16xf32> to vector<16xf32>
      %parallel_loop3A_1681 = vector.shape_cast %parallel_loop3A_1675 : vector<16xf32> to vector<1x16xf32>
      tpu.vector_store %arg6[%parallel_loop3A_1677, %parallel_loop3A_1678], %parallel_loop3A_1681 {strides = array<i32>} : memref<2x16384xf32, #tpu.memory_space<vmem>>, vector<1x16xf32>,
    } {sc.loop_unroll_factor = 8 : i64, sc.parallel_access}
    %add3A_139 = arith.constant 0 : i32
    %add3A_140 = arith.addi %mul3A_2, %add3A_139 : i32
    %mul3A_141 = arith.constant 2048 : i32
    %mul3A_142 = arith.muli %add3A_140, %mul3A_141 : i32
    %add3A_143 = arith.constant 8388608 : i32
    %add3A_144 = arith.addi %add3A_143, %mul3A_142 : i32
    %dma_start3A_145 = arith.constant 0 : i32
    %dma_start3A_146 = arith.constant 0 : i32
    %dma_start3A_147 = tpu.memref_slice %arg6[%dma_start3A_145, %dma_start3A_146] : memref<2x16384xf32, #tpu.memory_space<vmem>> -> memref<1x16384xf32, #tpu.memory_space<vmem>>
    %dma_start3A_148 = tpu.memref_squeeze %dma_start3A_147 : memref<1x16384xf32, #tpu.memory_space<vmem>> -> memref<16384xf32, #tpu.memory_space<vmem>>
    %dma_start3A_149 = tpu.memref_slice %arg4[%add3A_144] : memref<16777216xf32, #tpu.memory_space<hbm>> -> memref<16384xf32, #tpu.memory_space<hbm>>
    %dma_start3A_150 = tpu.memref_slice %arg4[%add3A_144] : memref<16777216xf32, #tpu.memory_space<hbm>> -> memref<16384xf32, #tpu.memory_space<hbm>>
    %dma_start3A_151 = arith.constant 0 : i32
    %dma_start3A_152 = tpu.memref_slice %arg6[%dma_start3A_145, %dma_start3A_151] : memref<2x16384xf32, #tpu.memory_space<vmem>> -> memref<1x16384xf32, #tpu.memory_space<vmem>>
    %dma_start3A_153 = tpu.memref_squeeze %dma_start3A_152 : memref<1x16384xf32, #tpu.memory_space<vmem>> -> memref<16384xf32, #tpu.memory_space<vmem>>
    tpu.enqueue_dma source(%dma_start3A_153 : memref<16384xf32, #tpu.memory_space<vmem>>) target(%dma_start3A_150 : memref<16384xf32, #tpu.memory_space<hbm>>) target_semaphore(%arg10 : memref<!tpu.dma_semaphore, #tpu.memory_space<semaphore_mem>>)
    %add3A_154 = arith.constant 8 : i32
    %add3A_155 = arith.addi %mul3A_2, %add3A_154 : i32
    %mul3A_156 = arith.constant 2048 : i32
    %mul3A_157 = arith.muli %add3A_155, %mul3A_156 : i32
    %add3A_158 = arith.constant 0 : i32
    %add3A_159 = arith.addi %add3A_158, %mul3A_157 : i32
    %dma_start3A_160 = arith.constant 0 : i32
    %dma_start3A_161 = arith.constant 0 : i32
    %dma_start3A_162 = tpu.memref_slice %arg5[%dma_start3A_160, %dma_start3A_161] : memref<2x16384xf32, #tpu.memory_space<vmem>> -> memref<1x16384xf32, #tpu.memory_space<vmem>>
    %dma_start3A_163 = tpu.memref_squeeze %dma_start3A_162 : memref<1x16384xf32, #tpu.memory_space<vmem>> -> memref<16384xf32, #tpu.memory_space<vmem>>
    %dma_start3A_164 = tpu.memref_slice %arg2[%add3A_159] : memref<16777216xf32, #tpu.memory_space<hbm>> -> memref<16384xf32, #tpu.memory_space<hbm>>
    %dma_start3A_165 = arith.constant 0 : i32
    %dma_start3A_166 = tpu.memref_slice %arg5[%dma_start3A_160, %dma_start3A_165] : memref<2x16384xf32, #tpu.memory_space<vmem>> -> memref<1x16384xf32, #tpu.memory_space<vmem>>
    %dma_start3A_167 = tpu.memref_squeeze %dma_start3A_166 : memref<1x16384xf32, #tpu.memory_space<vmem>> -> memref<16384xf32, #tpu.memory_space<vmem>>
    %dma_start3A_168 = tpu.memref_slice %arg2[%add3A_159] : memref<16777216xf32, #tpu.memory_space<hbm>> -> memref<16384xf32, #tpu.memory_space<hbm>>
    tpu.enqueue_dma source(%dma_start3A_168 : memref<16384xf32, #tpu.memory_space<hbm>>) target(%dma_start3A_167 : memref<16384xf32, #tpu.memory_space<vmem>>) target_semaphore(%arg8 : memref<!tpu.dma_semaphore, #tpu.memory_space<semaphore_mem>>)
    %dma_wait3A_169 = arith.constant 1 : i32
    %dma_wait3A_170 = arith.constant 0 : i32
    %dma_wait3A_171 = tpu.memref_slice %arg5[%dma_wait3A_169, %dma_wait3A_170] : memref<2x16384xf32, #tpu.memory_space<vmem>> -> memref<1x16384xf32, #tpu.memory_space<vmem>>
    %dma_wait3A_172 = tpu.memref_squeeze %dma_wait3A_171 : memref<1x16384xf32, #tpu.memory_space<vmem>> -> memref<16384xf32, #tpu.memory_space<vmem>>
    %dma_wait3A_173 = tpu.memref_slice %arg2[%add3A_108] : memref<16777216xf32, #tpu.memory_space<hbm>> -> memref<16384xf32, #tpu.memory_space<hbm>>
    %dma_wait3A_174 = arith.constant 0 : i32
    %dma_wait3A_175 = tpu.memref_slice %arg5[%dma_wait3A_169, %dma_wait3A_174] : memref<2x16384xf32, #tpu.memory_space<vmem>> -> memref<1x16384xf32, #tpu.memory_space<vmem>>
    %dma_wait3A_176 = tpu.memref_squeeze %dma_wait3A_175 : memref<1x16384xf32, #tpu.memory_space<vmem>> -> memref<16384xf32, #tpu.memory_space<vmem>>
    %dma_wait3A_177 = tpu.memref_slice %arg2[%add3A_108] : memref<16777216xf32, #tpu.memory_space<hbm>> -> memref<16384xf32, #tpu.memory_space<hbm>>
    tpu.wait_dma2 semaphore(%arg9 : memref<!tpu.dma_semaphore, #tpu.memory_space<semaphore_mem>>) src(%dma_wait3A_177 : memref<16384xf32, #tpu.memory_space<hbm>>) dst(%dma_wait3A_176 : memref<16384xf32, #tpu.memory_space<vmem>>)
    %dma_wait3A_178 = arith.constant 1 : i32
    %dma_wait3A_179 = arith.constant 0 : i32
    %dma_wait3A_180 = tpu.memref_slice %arg6[%dma_wait3A_178, %dma_wait3A_179] : memref<2x16384xf32, #tpu.memory_space<vmem>> -> memref<1x16384xf32, #tpu.memory_space<vmem>>
    %dma_wait3A_181 = tpu.memref_squeeze %dma_wait3A_180 : memref<1x16384xf32, #tpu.memory_space<vmem>> -> memref<16384xf32, #tpu.memory_space<vmem>>
    %dma_wait3A_182 = tpu.memref_slice %arg4[%add3A_93] : memref<16777216xf32, #tpu.memory_space<hbm>> -> memref<16384xf32, #tpu.memory_space<hbm>>
    %dma_wait3A_183 = tpu.memref_slice %arg4[%add3A_93] : memref<16777216xf32, #tpu.memory_space<hbm>> -> memref<16384xf32, #tpu.memory_space<hbm>>
    %dma_wait3A_184 = arith.constant 0 : i32
    %dma_wait3A_185 = tpu.memref_slice %arg6[%dma_wait3A_178, %dma_wait3A_184] : memref<2x16384xf32, #tpu.memory_space<vmem>> -> memref<1x16384xf32, #tpu.memory_space<vmem>>
    %dma_wait3A_186 = tpu.memref_squeeze %dma_wait3A_185 : memref<1x16384xf32, #tpu.memory_space<vmem>> -> memref<16384xf32, #tpu.memory_space<vmem>>
    tpu.wait_dma2 semaphore(%arg11 : memref<!tpu.dma_semaphore, #tpu.memory_space<semaphore_mem>>) src(%dma_wait3A_186 : memref<16384xf32, #tpu.memory_space<vmem>>) dst(%dma_wait3A_183 : memref<16384xf32, #tpu.memory_space<hbm>>)
    %parallel_loop3A_187 = arith.constant 0 : i32
    %parallel_loop3A_188 = arith.constant 1024 : i32
    %parallel_loop3A_189 = arith.constant 1 : i32
    scf.for %parallel_loop3A_1664 = %parallel_loop3A_187 to %parallel_loop3A_188 step %parallel_loop3A_189  : i32 {
      %parallel_loop3A_1665 = arith.constant 16 : i32
      %parallel_loop3A_1666 = arith.muli %parallel_loop3A_1664, %parallel_loop3A_1665 : i32
      %parallel_loop3A_1667 = arith.constant 1 : i32
      %parallel_loop3A_1668 = arith.index_cast %parallel_loop3A_1667 : i32 to index
      %parallel_loop3A_1669 = arith.index_cast %parallel_loop3A_1666 : i32 to index
      %parallel_loop3A_1670 = tpu.vector_load %arg5[%parallel_loop3A_1668, %parallel_loop3A_1669] {strides = array<i32>} : memref<2x16384xf32, #tpu.memory_space<vmem>>, vector<1x16xf32>,
      %parallel_loop3A_1671 = vector.shape_cast %parallel_loop3A_1670 : vector<1x16xf32> to vector<16xf32>
      %parallel_loop3A_1672 = arith.index_cast %parallel_loop3A_1666 : i32 to index
      %parallel_loop3A_1673 = tpu.vector_load %arg7[%parallel_loop3A_1672] {strides = array<i32>} : memref<16384xf32, #tpu.memory_space<vmem>>, vector<16xf32>,
      %parallel_loop3A_1674 = vector.shape_cast %parallel_loop3A_1673 : vector<16xf32> to vector<16xf32>
      %parallel_loop3A_1675 = arith.addf %parallel_loop3A_1671, %parallel_loop3A_1674 : vector<16xf32>
      %parallel_loop3A_1676 = arith.constant 1 : i32
      %parallel_loop3A_1677 = arith.index_cast %parallel_loop3A_1676 : i32 to index
      %parallel_loop3A_1678 = arith.index_cast %parallel_loop3A_1666 : i32 to index
      %parallel_loop3A_1679 = tpu.vector_load %arg6[%parallel_loop3A_1677, %parallel_loop3A_1678] {strides = array<i32>} : memref<2x16384xf32, #tpu.memory_space<vmem>>, vector<1x16xf32>,
      %parallel_loop3A_1680 = vector.shape_cast %parallel_loop3A_1679 : vector<1x16xf32> to vector<16xf32>
      %parallel_loop3A_1681 = vector.shape_cast %parallel_loop3A_1675 : vector<16xf32> to vector<1x16xf32>
      tpu.vector_store %arg6[%parallel_loop3A_1677, %parallel_loop3A_1678], %parallel_loop3A_1681 {strides = array<i32>} : memref<2x16384xf32, #tpu.memory_space<vmem>>, vector<1x16xf32>,
    } {sc.loop_unroll_factor = 8 : i64, sc.parallel_access}
    %add3A_190 = arith.constant 0 : i32
    %add3A_191 = arith.addi %mul3A_2, %add3A_190 : i32
    %mul3A_192 = arith.constant 2048 : i32
    %mul3A_193 = arith.muli %add3A_191, %mul3A_192 : i32
    %add3A_194 = arith.constant 12582912 : i32
    %add3A_195 = arith.addi %add3A_194, %mul3A_193 : i32
    %dma_start3A_196 = arith.constant 1 : i32
    %dma_start3A_197 = arith.constant 0 : i32
    %dma_start3A_198 = tpu.memref_slice %arg6[%dma_start3A_196, %dma_start3A_197] : memref<2x16384xf32, #tpu.memory_space<vmem>> -> memref<1x16384xf32, #tpu.memory_space<vmem>>
    %dma_start3A_199 = tpu.memref_squeeze %dma_start3A_198 : memref<1x16384xf32, #tpu.memory_space<vmem>> -> memref<16384xf32, #tpu.memory_space<vmem>>
    %dma_start3A_200 = tpu.memref_slice %arg4[%add3A_195] : memref<16777216xf32, #tpu.memory_space<hbm>> -> memref<16384xf32, #tpu.memory_space<hbm>>
    %dma_start3A_201 = tpu.memref_slice %arg4[%add3A_195] : memref<16777216xf32, #tpu.memory_space<hbm>> -> memref<16384xf32, #tpu.memory_space<hbm>>
    %dma_start3A_202 = arith.constant 0 : i32
    %dma_start3A_203 = tpu.memref_slice %arg6[%dma_start3A_196, %dma_start3A_202] : memref<2x16384xf32, #tpu.memory_space<vmem>> -> memref<1x16384xf32, #tpu.memory_space<vmem>>
    %dma_start3A_204 = tpu.memref_squeeze %dma_start3A_203 : memref<1x16384xf32, #tpu.memory_space<vmem>> -> memref<16384xf32, #tpu.memory_space<vmem>>
    tpu.enqueue_dma source(%dma_start3A_204 : memref<16384xf32, #tpu.memory_space<vmem>>) target(%dma_start3A_201 : memref<16384xf32, #tpu.memory_space<hbm>>) target_semaphore(%arg11 : memref<!tpu.dma_semaphore, #tpu.memory_space<semaphore_mem>>)
    %add3A_205 = arith.constant 8 : i32
    %add3A_206 = arith.addi %mul3A_2, %add3A_205 : i32
    %mul3A_207 = arith.constant 2048 : i32
    %mul3A_208 = arith.muli %add3A_206, %mul3A_207 : i32
    "tpu.region"() ({
      %run_scoped3A = tpu.sem_alloc : memref<!tpu.dma_semaphore, #tpu.memory_space<semaphore_mem>>
      %dma_start3A_1664 = tpu.memref_slice %arg3[%mul3A_208] : memref<4194304xf32, #tpu.memory_space<hbm>> -> memref<16384xf32, #tpu.memory_space<hbm>>
      %dma_start3A_1665 = tpu.memref_slice %arg3[%mul3A_208] : memref<4194304xf32, #tpu.memory_space<hbm>> -> memref<16384xf32, #tpu.memory_space<hbm>>
      tpu.enqueue_dma source(%dma_start3A_1665 : memref<16384xf32, #tpu.memory_space<hbm>>) target(%arg7 : memref<16384xf32, #tpu.memory_space<vmem>>) target_semaphore(%run_scoped3A : memref<!tpu.dma_semaphore, #tpu.memory_space<semaphore_mem>>)
      %dma_wait3A_1666 = tpu.memref_slice %arg3[%mul3A_208] : memref<4194304xf32, #tpu.memory_space<hbm>> -> memref<16384xf32, #tpu.memory_space<hbm>>
      %dma_wait3A_1667 = tpu.memref_slice %arg3[%mul3A_208] : memref<4194304xf32, #tpu.memory_space<hbm>> -> memref<16384xf32, #tpu.memory_space<hbm>>
      tpu.wait_dma2 semaphore(%run_scoped3A : memref<!tpu.dma_semaphore, #tpu.memory_space<semaphore_mem>>) src(%dma_wait3A_1667 : memref<16384xf32, #tpu.memory_space<hbm>>) dst(%arg7 : memref<16384xf32, #tpu.memory_space<vmem>>)
      tpu.yield
    }) : () -> ()
    %add3A_209 = arith.constant 8 : i32
    %add3A_210 = arith.addi %mul3A_2, %add3A_209 : i32
    %mul3A_211 = arith.constant 2048 : i32
    %mul3A_212 = arith.muli %add3A_210, %mul3A_211 : i32
    %add3A_213 = arith.constant 4194304 : i32
    %add3A_214 = arith.addi %add3A_213, %mul3A_212 : i32
    %dma_start3A_215 = arith.constant 1 : i32
    %dma_start3A_216 = arith.constant 0 : i32
    %dma_start3A_217 = tpu.memref_slice %arg5[%dma_start3A_215, %dma_start3A_216] : memref<2x16384xf32, #tpu.memory_space<vmem>> -> memref<1x16384xf32, #tpu.memory_space<vmem>>
    %dma_start3A_218 = tpu.memref_squeeze %dma_start3A_217 : memref<1x16384xf32, #tpu.memory_space<vmem>> -> memref<16384xf32, #tpu.memory_space<vmem>>
    %dma_start3A_219 = tpu.memref_slice %arg2[%add3A_214] : memref<16777216xf32, #tpu.memory_space<hbm>> -> memref<16384xf32, #tpu.memory_space<hbm>>
    %dma_start3A_220 = arith.constant 0 : i32
    %dma_start3A_221 = tpu.memref_slice %arg5[%dma_start3A_215, %dma_start3A_220] : memref<2x16384xf32, #tpu.memory_space<vmem>> -> memref<1x16384xf32, #tpu.memory_space<vmem>>
    %dma_start3A_222 = tpu.memref_squeeze %dma_start3A_221 : memref<1x16384xf32, #tpu.memory_space<vmem>> -> memref<16384xf32, #tpu.memory_space<vmem>>
    %dma_start3A_223 = tpu.memref_slice %arg2[%add3A_214] : memref<16777216xf32, #tpu.memory_space<hbm>> -> memref<16384xf32, #tpu.memory_space<hbm>>
    tpu.enqueue_dma source(%dma_start3A_223 : memref<16384xf32, #tpu.memory_space<hbm>>) target(%dma_start3A_222 : memref<16384xf32, #tpu.memory_space<vmem>>) target_semaphore(%arg9 : memref<!tpu.dma_semaphore, #tpu.memory_space<semaphore_mem>>)
    %dma_wait3A_224 = arith.constant 0 : i32
    %dma_wait3A_225 = arith.constant 0 : i32
    %dma_wait3A_226 = tpu.memref_slice %arg5[%dma_wait3A_224, %dma_wait3A_225] : memref<2x16384xf32, #tpu.memory_space<vmem>> -> memref<1x16384xf32, #tpu.memory_space<vmem>>
    %dma_wait3A_227 = tpu.memref_squeeze %dma_wait3A_226 : memref<1x16384xf32, #tpu.memory_space<vmem>> -> memref<16384xf32, #tpu.memory_space<vmem>>
    %dma_wait3A_228 = tpu.memref_slice %arg2[%add3A_159] : memref<16777216xf32, #tpu.memory_space<hbm>> -> memref<16384xf32, #tpu.memory_space<hbm>>
    %dma_wait3A_229 = arith.constant 0 : i32
    %dma_wait3A_230 = tpu.memref_slice %arg5[%dma_wait3A_224, %dma_wait3A_229] : memref<2x16384xf32, #tpu.memory_space<vmem>> -> memref<1x16384xf32, #tpu.memory_space<vmem>>
    %dma_wait3A_231 = tpu.memref_squeeze %dma_wait3A_230 : memref<1x16384xf32, #tpu.memory_space<vmem>> -> memref<16384xf32, #tpu.memory_space<vmem>>
    %dma_wait3A_232 = tpu.memref_slice %arg2[%add3A_159] : memref<16777216xf32, #tpu.memory_space<hbm>> -> memref<16384xf32, #tpu.memory_space<hbm>>
    tpu.wait_dma2 semaphore(%arg8 : memref<!tpu.dma_semaphore, #tpu.memory_space<semaphore_mem>>) src(%dma_wait3A_232 : memref<16384xf32, #tpu.memory_space<hbm>>) dst(%dma_wait3A_231 : memref<16384xf32, #tpu.memory_space<vmem>>)
    %dma_wait3A_233 = arith.constant 0 : i32
    %dma_wait3A_234 = arith.constant 0 : i32
    %dma_wait3A_235 = tpu.memref_slice %arg6[%dma_wait3A_233, %dma_wait3A_234] : memref<2x16384xf32, #tpu.memory_space<vmem>> -> memref<1x16384xf32, #tpu.memory_space<vmem>>
    %dma_wait3A_236 = tpu.memref_squeeze %dma_wait3A_235 : memref<1x16384xf32, #tpu.memory_space<vmem>> -> memref<16384xf32, #tpu.memory_space<vmem>>
    %dma_wait3A_237 = tpu.memref_slice %arg4[%add3A_144] : memref<16777216xf32, #tpu.memory_space<hbm>> -> memref<16384xf32, #tpu.memory_space<hbm>>
    %dma_wait3A_238 = tpu.memref_slice %arg4[%add3A_144] : memref<16777216xf32, #tpu.memory_space<hbm>> -> memref<16384xf32, #tpu.memory_space<hbm>>
    %dma_wait3A_239 = arith.constant 0 : i32
    %dma_wait3A_240 = tpu.memref_slice %arg6[%dma_wait3A_233, %dma_wait3A_239] : memref<2x16384xf32, #tpu.memory_space<vmem>> -> memref<1x16384xf32, #tpu.memory_space<vmem>>
    %dma_wait3A_241 = tpu.memref_squeeze %dma_wait3A_240 : memref<1x16384xf32, #tpu.memory_space<vmem>> -> memref<16384xf32, #tpu.memory_space<vmem>>
    tpu.wait_dma2 semaphore(%arg10 : memref<!tpu.dma_semaphore, #tpu.memory_space<semaphore_mem>>) src(%dma_wait3A_241 : memref<16384xf32, #tpu.memory_space<vmem>>) dst(%dma_wait3A_238 : memref<16384xf32, #tpu.memory_space<hbm>>)
    %parallel_loop3A_242 = arith.constant 0 : i32
    %parallel_loop3A_243 = arith.constant 1024 : i32
    %parallel_loop3A_244 = arith.constant 1 : i32
    scf.for %parallel_loop3A_1664 = %parallel_loop3A_242 to %parallel_loop3A_243 step %parallel_loop3A_244  : i32 {
      %parallel_loop3A_1665 = arith.constant 16 : i32
      %parallel_loop3A_1666 = arith.muli %parallel_loop3A_1664, %parallel_loop3A_1665 : i32
      %parallel_loop3A_1667 = arith.constant 0 : i32
      %parallel_loop3A_1668 = arith.index_cast %parallel_loop3A_1667 : i32 to index
      %parallel_loop3A_1669 = arith.index_cast %parallel_loop3A_1666 : i32 to index
      %parallel_loop3A_1670 = tpu.vector_load %arg5[%parallel_loop3A_1668, %parallel_loop3A_1669] {strides = array<i32>} : memref<2x16384xf32, #tpu.memory_space<vmem>>, vector<1x16xf32>,
      %parallel_loop3A_1671 = vector.shape_cast %parallel_loop3A_1670 : vector<1x16xf32> to vector<16xf32>
      %parallel_loop3A_1672 = arith.index_cast %parallel_loop3A_1666 : i32 to index
      %parallel_loop3A_1673 = tpu.vector_load %arg7[%parallel_loop3A_1672] {strides = array<i32>} : memref<16384xf32, #tpu.memory_space<vmem>>, vector<16xf32>,
      %parallel_loop3A_1674 = vector.shape_cast %parallel_loop3A_1673 : vector<16xf32> to vector<16xf32>
      %parallel_loop3A_1675 = arith.addf %parallel_loop3A_1671, %parallel_loop3A_1674 : vector<16xf32>
      %parallel_loop3A_1676 = arith.constant 0 : i32
      %parallel_loop3A_1677 = arith.index_cast %parallel_loop3A_1676 : i32 to index
      %parallel_loop3A_1678 = arith.index_cast %parallel_loop3A_1666 : i32 to index
      %parallel_loop3A_1679 = tpu.vector_load %arg6[%parallel_loop3A_1677, %parallel_loop3A_1678] {strides = array<i32>} : memref<2x16384xf32, #tpu.memory_space<vmem>>, vector<1x16xf32>,
      %parallel_loop3A_1680 = vector.shape_cast %parallel_loop3A_1679 : vector<1x16xf32> to vector<16xf32>
      %parallel_loop3A_1681 = vector.shape_cast %parallel_loop3A_1675 : vector<16xf32> to vector<1x16xf32>
      tpu.vector_store %arg6[%parallel_loop3A_1677, %parallel_loop3A_1678], %parallel_loop3A_1681 {strides = array<i32>} : memref<2x16384xf32, #tpu.memory_space<vmem>>, vector<1x16xf32>,
    } {sc.loop_unroll_factor = 8 : i64, sc.parallel_access}
    %add3A_245 = arith.constant 8 : i32
    %add3A_246 = arith.addi %mul3A_2, %add3A_245 : i32
    %mul3A_247 = arith.constant 2048 : i32
    %mul3A_248 = arith.muli %add3A_246, %mul3A_247 : i32
    %add3A_249 = arith.constant 0 : i32
    %add3A_250 = arith.addi %add3A_249, %mul3A_248 : i32
    %dma_start3A_251 = arith.constant 0 : i32
    %dma_start3A_252 = arith.constant 0 : i32
    %dma_start3A_253 = tpu.memref_slice %arg6[%dma_start3A_251, %dma_start3A_252] : memref<2x16384xf32, #tpu.memory_space<vmem>> -> memref<1x16384xf32, #tpu.memory_space<vmem>>
    %dma_start3A_254 = tpu.memref_squeeze %dma_start3A_253 : memref<1x16384xf32, #tpu.memory_space<vmem>> -> memref<16384xf32, #tpu.memory_space<vmem>>
    %dma_start3A_255 = tpu.memref_slice %arg4[%add3A_250] : memref<16777216xf32, #tpu.memory_space<hbm>> -> memref<16384xf32, #tpu.memory_space<hbm>>
    %dma_start3A_256 = tpu.memref_slice %arg4[%add3A_250] : memref<16777216xf32, #tpu.memory_space<hbm>> -> memref<16384xf32, #tpu.memory_space<hbm>>
    %dma_start3A_257 = arith.constant 0 : i32
    %dma_start3A_258 = tpu.memref_slice %arg6[%dma_start3A_251, %dma_start3A_257] : memref<2x16384xf32, #tpu.memory_space<vmem>> -> memref<1x16384xf32, #tpu.memory_space<vmem>>
    %dma_start3A_259 = tpu.memref_squeeze %dma_start3A_258 : memref<1x16384xf32, #tpu.memory_space<vmem>> -> memref<16384xf32, #tpu.memory_space<vmem>>
    tpu.enqueue_dma source(%dma_start3A_259 : memref<16384xf32, #tpu.memory_space<vmem>>) target(%dma_start3A_256 : memref<16384xf32, #tpu.memory_space<hbm>>) target_semaphore(%arg10 : memref<!tpu.dma_semaphore, #tpu.memory_space<semaphore_mem>>)
    %add3A_260 = arith.constant 8 : i32
    %add3A_261 = arith.addi %mul3A_2, %add3A_260 : i32
    %mul3A_262 = arith.constant 2048 : i32
    %mul3A_263 = arith.muli %add3A_261, %mul3A_262 : i32
    %add3A_264 = arith.constant 8388608 : i32
    %add3A_265 = arith.addi %add3A_264, %mul3A_263 : i32
    %dma_start3A_266 = arith.constant 0 : i32
    %dma_start3A_267 = arith.constant 0 : i32
    %dma_start3A_268 = tpu.memref_slice %arg5[%dma_start3A_266, %dma_start3A_267] : memref<2x16384xf32, #tpu.memory_space<vmem>> -> memref<1x16384xf32, #tpu.memory_space<vmem>>
    %dma_start3A_269 = tpu.memref_squeeze %dma_start3A_268 : memref<1x16384xf32, #tpu.memory_space<vmem>> -> memref<16384xf32, #tpu.memory_space<vmem>>
    %dma_start3A_270 = tpu.memref_slice %arg2[%add3A_265] : memref<16777216xf32, #tpu.memory_space<hbm>> -> memref<16384xf32, #tpu.memory_space<hbm>>
    %dma_start3A_271 = arith.constant 0 : i32
    %dma_start3A_272 = tpu.memref_slice %arg5[%dma_start3A_266, %dma_start3A_271] : memref<2x16384xf32, #tpu.memory_space<vmem>> -> memref<1x16384xf32, #tpu.memory_space<vmem>>
    %dma_start3A_273 = tpu.memref_squeeze %dma_start3A_272 : memref<1x16384xf32, #tpu.memory_space<vmem>> -> memref<16384xf32, #tpu.memory_space<vmem>>
    %dma_start3A_274 = tpu.memref_slice %arg2[%add3A_265] : memref<16777216xf32, #tpu.memory_space<hbm>> -> memref<16384xf32, #tpu.memory_space<hbm>>
    tpu.enqueue_dma source(%dma_start3A_274 : memref<16384xf32, #tpu.memory_space<hbm>>) target(%dma_start3A_273 : memref<16384xf32, #tpu.memory_space<vmem>>) target_semaphore(%arg8 : memref<!tpu.dma_semaphore, #tpu.memory_space<semaphore_mem>>)
    %dma_wait3A_275 = arith.constant 1 : i32
    %dma_wait3A_276 = arith.constant 0 : i32
    %dma_wait3A_277 = tpu.memref_slice %arg5[%dma_wait3A_275, %dma_wait3A_276] : memref<2x16384xf32, #tpu.memory_space<vmem>> -> memref<1x16384xf32, #tpu.memory_space<vmem>>
    %dma_wait3A_278 = tpu.memref_squeeze %dma_wait3A_277 : memref<1x16384xf32, #tpu.memory_space<vmem>> -> memref<16384xf32, #tpu.memory_space<vmem>>
    %dma_wait3A_279 = tpu.memref_slice %arg2[%add3A_214] : memref<16777216xf32, #tpu.memory_space<hbm>> -> memref<16384xf32, #tpu.memory_space<hbm>>
    %dma_wait3A_280 = arith.constant 0 : i32
    %dma_wait3A_281 = tpu.memref_slice %arg5[%dma_wait3A_275, %dma_wait3A_280] : memref<2x16384xf32, #tpu.memory_space<vmem>> -> memref<1x16384xf32, #tpu.memory_space<vmem>>
    %dma_wait3A_282 = tpu.memref_squeeze %dma_wait3A_281 : memref<1x16384xf32, #tpu.memory_space<vmem>> -> memref<16384xf32, #tpu.memory_space<vmem>>
    %dma_wait3A_283 = tpu.memref_slice %arg2[%add3A_214] : memref<16777216xf32, #tpu.memory_space<hbm>> -> memref<16384xf32, #tpu.memory_space<hbm>>
    tpu.wait_dma2 semaphore(%arg9 : memref<!tpu.dma_semaphore, #tpu.memory_space<semaphore_mem>>) src(%dma_wait3A_283 : memref<16384xf32, #tpu.memory_space<hbm>>) dst(%dma_wait3A_282 : memref<16384xf32, #tpu.memory_space<vmem>>)
    %dma_wait3A_284 = arith.constant 1 : i32
    %dma_wait3A_285 = arith.constant 0 : i32
    %dma_wait3A_286 = tpu.memref_slice %arg6[%dma_wait3A_284, %dma_wait3A_285] : memref<2x16384xf32, #tpu.memory_space<vmem>> -> memref<1x16384xf32, #tpu.memory_space<vmem>>
    %dma_wait3A_287 = tpu.memref_squeeze %dma_wait3A_286 : memref<1x16384xf32, #tpu.memory_space<vmem>> -> memref<16384xf32, #tpu.memory_space<vmem>>
    %dma_wait3A_288 = tpu.memref_slice %arg4[%add3A_195] : memref<16777216xf32, #tpu.memory_space<hbm>> -> memref<16384xf32, #tpu.memory_space<hbm>>
    %dma_wait3A_289 = tpu.memref_slice %arg4[%add3A_195] : memref<16777216xf32, #tpu.memory_space<hbm>> -> memref<16384xf32, #tpu.memory_space<hbm>>
    %dma_wait3A_290 = arith.constant 0 : i32
    %dma_wait3A_291 = tpu.memref_slice %arg6[%dma_wait3A_284, %dma_wait3A_290] : memref<2x16384xf32, #tpu.memory_space<vmem>> -> memref<1x16384xf32, #tpu.memory_space<vmem>>
    %dma_wait3A_292 = tpu.memref_squeeze %dma_wait3A_291 : memref<1x16384xf32, #tpu.memory_space<vmem>> -> memref<16384xf32, #tpu.memory_space<vmem>>
    tpu.wait_dma2 semaphore(%arg11 : memref<!tpu.dma_semaphore, #tpu.memory_space<semaphore_mem>>) src(%dma_wait3A_292 : memref<16384xf32, #tpu.memory_space<vmem>>) dst(%dma_wait3A_289 : memref<16384xf32, #tpu.memory_space<hbm>>)
    %parallel_loop3A_293 = arith.constant 0 : i32
    %parallel_loop3A_294 = arith.constant 1024 : i32
    %parallel_loop3A_295 = arith.constant 1 : i32
    scf.for %parallel_loop3A_1664 = %parallel_loop3A_293 to %parallel_loop3A_294 step %parallel_loop3A_295  : i32 {
      %parallel_loop3A_1665 = arith.constant 16 : i32
      %parallel_loop3A_1666 = arith.muli %parallel_loop3A_1664, %parallel_loop3A_1665 : i32
      %parallel_loop3A_1667 = arith.constant 1 : i32
      %parallel_loop3A_1668 = arith.index_cast %parallel_loop3A_1667 : i32 to index
      %parallel_loop3A_1669 = arith.index_cast %parallel_loop3A_1666 : i32 to index
      %parallel_loop3A_1670 = tpu.vector_load %arg5[%parallel_loop3A_1668, %parallel_loop3A_1669] {strides = array<i32>} : memref<2x16384xf32, #tpu.memory_space<vmem>>, vector<1x16xf32>,
      %parallel_loop3A_1671 = vector.shape_cast %parallel_loop3A_1670 : vector<1x16xf32> to vector<16xf32>
      %parallel_loop3A_1672 = arith.index_cast %parallel_loop3A_1666 : i32 to index
      %parallel_loop3A_1673 = tpu.vector_load %arg7[%parallel_loop3A_1672] {strides = array<i32>} : memref<16384xf32, #tpu.memory_space<vmem>>, vector<16xf32>,
      %parallel_loop3A_1674 = vector.shape_cast %parallel_loop3A_1673 : vector<16xf32> to vector<16xf32>
      %parallel_loop3A_1675 = arith.addf %parallel_loop3A_1671, %parallel_loop3A_1674 : vector<16xf32>
      %parallel_loop3A_1676 = arith.constant 1 : i32
      %parallel_loop3A_1677 = arith.index_cast %parallel_loop3A_1676 : i32 to index
      %parallel_loop3A_1678 = arith.index_cast %parallel_loop3A_1666 : i32 to index
      %parallel_loop3A_1679 = tpu.vector_load %arg6[%parallel_loop3A_1677, %parallel_loop3A_1678] {strides = array<i32>} : memref<2x16384xf32, #tpu.memory_space<vmem>>, vector<1x16xf32>,
      %parallel_loop3A_1680 = vector.shape_cast %parallel_loop3A_1679 : vector<1x16xf32> to vector<16xf32>
      %parallel_loop3A_1681 = vector.shape_cast %parallel_loop3A_1675 : vector<16xf32> to vector<1x16xf32>
      tpu.vector_store %arg6[%parallel_loop3A_1677, %parallel_loop3A_1678], %parallel_loop3A_1681 {strides = array<i32>} : memref<2x16384xf32, #tpu.memory_space<vmem>>, vector<1x16xf32>,
    } {sc.loop_unroll_factor = 8 : i64, sc.parallel_access}
    %add3A_296 = arith.constant 8 : i32
    %add3A_297 = arith.addi %mul3A_2, %add3A_296 : i32
    %mul3A_298 = arith.constant 2048 : i32
    %mul3A_299 = arith.muli %add3A_297, %mul3A_298 : i32
    %add3A_300 = arith.constant 4194304 : i32
    %add3A_301 = arith.addi %add3A_300, %mul3A_299 : i32
    %dma_start3A_302 = arith.constant 1 : i32
    %dma_start3A_303 = arith.constant 0 : i32
    %dma_start3A_304 = tpu.memref_slice %arg6[%dma_start3A_302, %dma_start3A_303] : memref<2x16384xf32, #tpu.memory_space<vmem>> -> memref<1x16384xf32, #tpu.memory_space<vmem>>
    %dma_start3A_305 = tpu.memref_squeeze %dma_start3A_304 : memref<1x16384xf32, #tpu.memory_space<vmem>> -> memref<16384xf32, #tpu.memory_space<vmem>>
    %dma_start3A_306 = tpu.memref_slice %arg4[%add3A_301] : memref<16777216xf32, #tpu.memory_space<hbm>> -> memref<16384xf32, #tpu.memory_space<hbm>>
    %dma_start3A_307 = tpu.memref_slice %arg4[%add3A_301] : memref<16777216xf32, #tpu.memory_space<hbm>> -> memref<16384xf32, #tpu.memory_space<hbm>>
    %dma_start3A_308 = arith.constant 0 : i32
    %dma_start3A_309 = tpu.memref_slice %arg6[%dma_start3A_302, %dma_start3A_308] : memref<2x16384xf32, #tpu.memory_space<vmem>> -> memref<1x16384xf32, #tpu.memory_space<vmem>>
    %dma_start3A_310 = tpu.memref_squeeze %dma_start3A_309 : memref<1x16384xf32, #tpu.memory_space<vmem>> -> memref<16384xf32, #tpu.memory_space<vmem>>
    tpu.enqueue_dma source(%dma_start3A_310 : memref<16384xf32, #tpu.memory_space<vmem>>) target(%dma_start3A_307 : memref<16384xf32, #tpu.memory_space<hbm>>) target_semaphore(%arg11 : memref<!tpu.dma_semaphore, #tpu.memory_space<semaphore_mem>>)
    %add3A_311 = arith.constant 8 : i32
    %add3A_312 = arith.addi %mul3A_2, %add3A_311 : i32
    %mul3A_313 = arith.constant 2048 : i32
    %mul3A_314 = arith.muli %add3A_312, %mul3A_313 : i32
    %add3A_315 = arith.constant 12582912 : i32
    %add3A_316 = arith.addi %add3A_315, %mul3A_314 : i32
    %dma_start3A_317 = arith.constant 1 : i32
    %dma_start3A_318 = arith.constant 0 : i32
    %dma_start3A_319 = tpu.memref_slice %arg5[%dma_start3A_317, %dma_start3A_318] : memref<2x16384xf32, #tpu.memory_space<vmem>> -> memref<1x16384xf32, #tpu.memory_space<vmem>>
    %dma_start3A_320 = tpu.memref_squeeze %dma_start3A_319 : memref<1x16384xf32, #tpu.memory_space<vmem>> -> memref<16384xf32, #tpu.memory_space<vmem>>
    %dma_start3A_321 = tpu.memref_slice %arg2[%add3A_316] : memref<16777216xf32, #tpu.memory_space<hbm>> -> memref<16384xf32, #tpu.memory_space<hbm>>
    %dma_start3A_322 = arith.constant 0 : i32
    %dma_start3A_323 = tpu.memref_slice %arg5[%dma_start3A_317, %dma_start3A_322] : memref<2x16384xf32, #tpu.memory_space<vmem>> -> memref<1x16384xf32, #tpu.memory_space<vmem>>
    %dma_start3A_324 = tpu.memref_squeeze %dma_start3A_323 : memref<1x16384xf32, #tpu.memory_space<vmem>> -> memref<16384xf32, #tpu.memory_space<vmem>>
    %dma_start3A_325 = tpu.memref_slice %arg2[%add3A_316] : memref<16777216xf32, #tpu.memory_space<hbm>> -> memref<16384xf32, #tpu.memory_space<hbm>>
    tpu.enqueue_dma source(%dma_start3A_325 : memref<16384xf32, #tpu.memory_space<hbm>>) target(%dma_start3A_324 : memref<16384xf32, #tpu.memory_space<vmem>>) target_semaphore(%arg9 : memref<!tpu.dma_semaphore, #tpu.memory_space<semaphore_mem>>)
    %dma_wait3A_326 = arith.constant 0 : i32
    %dma_wait3A_327 = arith.constant 0 : i32
    %dma_wait3A_328 = tpu.memref_slice %arg5[%dma_wait3A_326, %dma_wait3A_327] : memref<2x16384xf32, #tpu.memory_space<vmem>> -> memref<1x16384xf32, #tpu.memory_space<vmem>>
    %dma_wait3A_329 = tpu.memref_squeeze %dma_wait3A_328 : memref<1x16384xf32, #tpu.memory_space<vmem>> -> memref<16384xf32, #tpu.memory_space<vmem>>
    %dma_wait3A_330 = tpu.memref_slice %arg2[%add3A_265] : memref<16777216xf32, #tpu.memory_space<hbm>> -> memref<16384xf32, #tpu.memory_space<hbm>>
    %dma_wait3A_331 = arith.constant 0 : i32
    %dma_wait3A_332 = tpu.memref_slice %arg5[%dma_wait3A_326, %dma_wait3A_331] : memref<2x16384xf32, #tpu.memory_space<vmem>> -> memref<1x16384xf32, #tpu.memory_space<vmem>>
    %dma_wait3A_333 = tpu.memref_squeeze %dma_wait3A_332 : memref<1x16384xf32, #tpu.memory_space<vmem>> -> memref<16384xf32, #tpu.memory_space<vmem>>
    %dma_wait3A_334 = tpu.memref_slice %arg2[%add3A_265] : memref<16777216xf32, #tpu.memory_space<hbm>> -> memref<16384xf32, #tpu.memory_space<hbm>>
    tpu.wait_dma2 semaphore(%arg8 : memref<!tpu.dma_semaphore, #tpu.memory_space<semaphore_mem>>) src(%dma_wait3A_334 : memref<16384xf32, #tpu.memory_space<hbm>>) dst(%dma_wait3A_333 : memref<16384xf32, #tpu.memory_space<vmem>>)
    %dma_wait3A_335 = arith.constant 0 : i32
    %dma_wait3A_336 = arith.constant 0 : i32
    %dma_wait3A_337 = tpu.memref_slice %arg6[%dma_wait3A_335, %dma_wait3A_336] : memref<2x16384xf32, #tpu.memory_space<vmem>> -> memref<1x16384xf32, #tpu.memory_space<vmem>>
    %dma_wait3A_338 = tpu.memref_squeeze %dma_wait3A_337 : memref<1x16384xf32, #tpu.memory_space<vmem>> -> memref<16384xf32, #tpu.memory_space<vmem>>
    %dma_wait3A_339 = tpu.memref_slice %arg4[%add3A_250] : memref<16777216xf32, #tpu.memory_space<hbm>> -> memref<16384xf32, #tpu.memory_space<hbm>>
    %dma_wait3A_340 = tpu.memref_slice %arg4[%add3A_250] : memref<16777216xf32, #tpu.memory_space<hbm>> -> memref<16384xf32, #tpu.memory_space<hbm>>
    %dma_wait3A_341 = arith.constant 0 : i32
    %dma_wait3A_342 = tpu.memref_slice %arg6[%dma_wait3A_335, %dma_wait3A_341] : memref<2x16384xf32, #tpu.memory_space<vmem>> -> memref<1x16384xf32, #tpu.memory_space<vmem>>
    %dma_wait3A_343 = tpu.memref_squeeze %dma_wait3A_342 : memref<1x16384xf32, #tpu.memory_space<vmem>> -> memref<16384xf32, #tpu.memory_space<vmem>>
    tpu.wait_dma2 semaphore(%arg10 : memref<!tpu.dma_semaphore, #tpu.memory_space<semaphore_mem>>) src(%dma_wait3A_343 : memref<16384xf32, #tpu.memory_space<vmem>>) dst(%dma_wait3A_340 : memref<16384xf32, #tpu.memory_space<hbm>>)
    %parallel_loop3A_344 = arith.constant 0 : i32
    %parallel_loop3A_345 = arith.constant 1024 : i32
    %parallel_loop3A_346 = arith.constant 1 : i32
    scf.for %parallel_loop3A_1664 = %parallel_loop3A_344 to %parallel_loop3A_345 step %parallel_loop3A_346  : i32 {
      %parallel_loop3A_1665 = arith.constant 16 : i32
      %parallel_loop3A_1666 = arith.muli %parallel_loop3A_1664, %parallel_loop3A_1665 : i32
      %parallel_loop3A_1667 = arith.constant 0 : i32
      %parallel_loop3A_1668 = arith.index_cast %parallel_loop3A_1667 : i32 to index
      %parallel_loop3A_1669 = arith.index_cast %parallel_loop3A_1666 : i32 to index
      %parallel_loop3A_1670 = tpu.vector_load %arg5[%parallel_loop3A_1668, %parallel_loop3A_1669] {strides = array<i32>} : memref<2x16384xf32, #tpu.memory_space<vmem>>, vector<1x16xf32>,
      %parallel_loop3A_1671 = vector.shape_cast %parallel_loop3A_1670 : vector<1x16xf32> to vector<16xf32>
      %parallel_loop3A_1672 = arith.index_cast %parallel_loop3A_1666 : i32 to index
      %parallel_loop3A_1673 = tpu.vector_load %arg7[%parallel_loop3A_1672] {strides = array<i32>} : memref<16384xf32, #tpu.memory_space<vmem>>, vector<16xf32>,
      %parallel_loop3A_1674 = vector.shape_cast %parallel_loop3A_1673 : vector<16xf32> to vector<16xf32>
      %parallel_loop3A_1675 = arith.addf %parallel_loop3A_1671, %parallel_loop3A_1674 : vector<16xf32>
      %parallel_loop3A_1676 = arith.constant 0 : i32
      %parallel_loop3A_1677 = arith.index_cast %parallel_loop3A_1676 : i32 to index
      %parallel_loop3A_1678 = arith.index_cast %parallel_loop3A_1666 : i32 to index
      %parallel_loop3A_1679 = tpu.vector_load %arg6[%parallel_loop3A_1677, %parallel_loop3A_1678] {strides = array<i32>} : memref<2x16384xf32, #tpu.memory_space<vmem>>, vector<1x16xf32>,
      %parallel_loop3A_1680 = vector.shape_cast %parallel_loop3A_1679 : vector<1x16xf32> to vector<16xf32>
      %parallel_loop3A_1681 = vector.shape_cast %parallel_loop3A_1675 : vector<16xf32> to vector<1x16xf32>
      tpu.vector_store %arg6[%parallel_loop3A_1677, %parallel_loop3A_1678], %parallel_loop3A_1681 {strides = array<i32>} : memref<2x16384xf32, #tpu.memory_space<vmem>>, vector<1x16xf32>,
    } {sc.loop_unroll_factor = 8 : i64, sc.parallel_access}
    %add3A_347 = arith.constant 8 : i32
    %add3A_348 = arith.addi %mul3A_2, %add3A_347 : i32
    %mul3A_349 = arith.constant 2048 : i32
    %mul3A_350 = arith.muli %add3A_348, %mul3A_349 : i32
    %add3A_351 = arith.constant 8388608 : i32
    %add3A_352 = arith.addi %add3A_351, %mul3A_350 : i32
    %dma_start3A_353 = arith.constant 0 : i32
    %dma_start3A_354 = arith.constant 0 : i32
    %dma_start3A_355 = tpu.memref_slice %arg6[%dma_start3A_353, %dma_start3A_354] : memref<2x16384xf32, #tpu.memory_space<vmem>> -> memref<1x16384xf32, #tpu.memory_space<vmem>>
    %dma_start3A_356 = tpu.memref_squeeze %dma_start3A_355 : memref<1x16384xf32, #tpu.memory_space<vmem>> -> memref<16384xf32, #tpu.memory_space<vmem>>
    %dma_start3A_357 = tpu.memref_slice %arg4[%add3A_352] : memref<16777216xf32, #tpu.memory_space<hbm>> -> memref<16384xf32, #tpu.memory_space<hbm>>
    %dma_start3A_358 = tpu.memref_slice %arg4[%add3A_352] : memref<16777216xf32, #tpu.memory_space<hbm>> -> memref<16384xf32, #tpu.memory_space<hbm>>
    %dma_start3A_359 = arith.constant 0 : i32
    %dma_start3A_360 = tpu.memref_slice %arg6[%dma_start3A_353, %dma_start3A_359] : memref<2x16384xf32, #tpu.memory_space<vmem>> -> memref<1x16384xf32, #tpu.memory_space<vmem>>
    %dma_start3A_361 = tpu.memref_squeeze %dma_start3A_360 : memref<1x16384xf32, #tpu.memory_space<vmem>> -> memref<16384xf32, #tpu.memory_space<vmem>>
    tpu.enqueue_dma source(%dma_start3A_361 : memref<16384xf32, #tpu.memory_space<vmem>>) target(%dma_start3A_358 : memref<16384xf32, #tpu.memory_space<hbm>>) target_semaphore(%arg10 : memref<!tpu.dma_semaphore, #tpu.memory_space<semaphore_mem>>)
    %add3A_362 = arith.constant 16 : i32
    %add3A_363 = arith.addi %mul3A_2, %add3A_362 : i32
    %mul3A_364 = arith.constant 2048 : i32
    %mul3A_365 = arith.muli %add3A_363, %mul3A_364 : i32
    %add3A_366 = arith.constant 0 : i32
    %add3A_367 = arith.addi %add3A_366, %mul3A_365 : i32
    %dma_start3A_368 = arith.constant 0 : i32
    %dma_start3A_369 = arith.constant 0 : i32
    %dma_start3A_370 = tpu.memref_slice %arg5[%dma_start3A_368, %dma_start3A_369] : memref<2x16384xf32, #tpu.memory_space<vmem>> -> memref<1x16384xf32, #tpu.memory_space<vmem>>
    %dma_start3A_371 = tpu.memref_squeeze %dma_start3A_370 : memref<1x16384xf32, #tpu.memory_space<vmem>> -> memref<16384xf32, #tpu.memory_space<vmem>>
    %dma_start3A_372 = tpu.memref_slice %arg2[%add3A_367] : memref<16777216xf32, #tpu.memory_space<hbm>> -> memref<16384xf32, #tpu.memory_space<hbm>>
    %dma_start3A_373 = arith.constant 0 : i32
    %dma_start3A_374 = tpu.memref_slice %arg5[%dma_start3A_368, %dma_start3A_373] : memref<2x16384xf32, #tpu.memory_space<vmem>> -> memref<1x16384xf32, #tpu.memory_space<vmem>>
    %dma_start3A_375 = tpu.memref_squeeze %dma_start3A_374 : memref<1x16384xf32, #tpu.memory_space<vmem>> -> memref<16384xf32, #tpu.memory_space<vmem>>
    %dma_start3A_376 = tpu.memref_slice %arg2[%add3A_367] : memref<16777216xf32, #tpu.memory_space<hbm>> -> memref<16384xf32, #tpu.memory_space<hbm>>
    tpu.enqueue_dma source(%dma_start3A_376 : memref<16384xf32, #tpu.memory_space<hbm>>) target(%dma_start3A_375 : memref<16384xf32, #tpu.memory_space<vmem>>) target_semaphore(%arg8 : memref<!tpu.dma_semaphore, #tpu.memory_space<semaphore_mem>>)
    %dma_wait3A_377 = arith.constant 1 : i32
    %dma_wait3A_378 = arith.constant 0 : i32
    %dma_wait3A_379 = tpu.memref_slice %arg5[%dma_wait3A_377, %dma_wait3A_378] : memref<2x16384xf32, #tpu.memory_space<vmem>> -> memref<1x16384xf32, #tpu.memory_space<vmem>>
    %dma_wait3A_380 = tpu.memref_squeeze %dma_wait3A_379 : memref<1x16384xf32, #tpu.memory_space<vmem>> -> memref<16384xf32, #tpu.memory_space<vmem>>
    %dma_wait3A_381 = tpu.memref_slice %arg2[%add3A_316] : memref<16777216xf32, #tpu.memory_space<hbm>> -> memref<16384xf32, #tpu.memory_space<hbm>>
    %dma_wait3A_382 = arith.constant 0 : i32
    %dma_wait3A_383 = tpu.memref_slice %arg5[%dma_wait3A_377, %dma_wait3A_382] : memref<2x16384xf32, #tpu.memory_space<vmem>> -> memref<1x16384xf32, #tpu.memory_space<vmem>>
    %dma_wait3A_384 = tpu.memref_squeeze %dma_wait3A_383 : memref<1x16384xf32, #tpu.memory_space<vmem>> -> memref<16384xf32, #tpu.memory_space<vmem>>
    %dma_wait3A_385 = tpu.memref_slice %arg2[%add3A_316] : memref<16777216xf32, #tpu.memory_space<hbm>> -> memref<16384xf32, #tpu.memory_space<hbm>>
    tpu.wait_dma2 semaphore(%arg9 : memref<!tpu.dma_semaphore, #tpu.memory_space<semaphore_mem>>) src(%dma_wait3A_385 : memref<16384xf32, #tpu.memory_space<hbm>>) dst(%dma_wait3A_384 : memref<16384xf32, #tpu.memory_space<vmem>>)
    %dma_wait3A_386 = arith.constant 1 : i32
    %dma_wait3A_387 = arith.constant 0 : i32
    %dma_wait3A_388 = tpu.memref_slice %arg6[%dma_wait3A_386, %dma_wait3A_387] : memref<2x16384xf32, #tpu.memory_space<vmem>> -> memref<1x16384xf32, #tpu.memory_space<vmem>>
    %dma_wait3A_389 = tpu.memref_squeeze %dma_wait3A_388 : memref<1x16384xf32, #tpu.memory_space<vmem>> -> memref<16384xf32, #tpu.memory_space<vmem>>
    %dma_wait3A_390 = tpu.memref_slice %arg4[%add3A_301] : memref<16777216xf32, #tpu.memory_space<hbm>> -> memref<16384xf32, #tpu.memory_space<hbm>>
    %dma_wait3A_391 = tpu.memref_slice %arg4[%add3A_301] : memref<16777216xf32, #tpu.memory_space<hbm>> -> memref<16384xf32, #tpu.memory_space<hbm>>
    %dma_wait3A_392 = arith.constant 0 : i32
    %dma_wait3A_393 = tpu.memref_slice %arg6[%dma_wait3A_386, %dma_wait3A_392] : memref<2x16384xf32, #tpu.memory_space<vmem>> -> memref<1x16384xf32, #tpu.memory_space<vmem>>
    %dma_wait3A_394 = tpu.memref_squeeze %dma_wait3A_393 : memref<1x16384xf32, #tpu.memory_space<vmem>> -> memref<16384xf32, #tpu.memory_space<vmem>>
    tpu.wait_dma2 semaphore(%arg11 : memref<!tpu.dma_semaphore, #tpu.memory_space<semaphore_mem>>) src(%dma_wait3A_394 : memref<16384xf32, #tpu.memory_space<vmem>>) dst(%dma_wait3A_391 : memref<16384xf32, #tpu.memory_space<hbm>>)
    %parallel_loop3A_395 = arith.constant 0 : i32
    %parallel_loop3A_396 = arith.constant 1024 : i32
    %parallel_loop3A_397 = arith.constant 1 : i32
    scf.for %parallel_loop3A_1664 = %parallel_loop3A_395 to %parallel_loop3A_396 step %parallel_loop3A_397  : i32 {
      %parallel_loop3A_1665 = arith.constant 16 : i32
      %parallel_loop3A_1666 = arith.muli %parallel_loop3A_1664, %parallel_loop3A_1665 : i32
      %parallel_loop3A_1667 = arith.constant 1 : i32
      %parallel_loop3A_1668 = arith.index_cast %parallel_loop3A_1667 : i32 to index
      %parallel_loop3A_1669 = arith.index_cast %parallel_loop3A_1666 : i32 to index
      %parallel_loop3A_1670 = tpu.vector_load %arg5[%parallel_loop3A_1668, %parallel_loop3A_1669] {strides = array<i32>} : memref<2x16384xf32, #tpu.memory_space<vmem>>, vector<1x16xf32>,
      %parallel_loop3A_1671 = vector.shape_cast %parallel_loop3A_1670 : vector<1x16xf32> to vector<16xf32>
      %parallel_loop3A_1672 = arith.index_cast %parallel_loop3A_1666 : i32 to index
      %parallel_loop3A_1673 = tpu.vector_load %arg7[%parallel_loop3A_1672] {strides = array<i32>} : memref<16384xf32, #tpu.memory_space<vmem>>, vector<16xf32>,
      %parallel_loop3A_1674 = vector.shape_cast %parallel_loop3A_1673 : vector<16xf32> to vector<16xf32>
      %parallel_loop3A_1675 = arith.addf %parallel_loop3A_1671, %parallel_loop3A_1674 : vector<16xf32>
      %parallel_loop3A_1676 = arith.constant 1 : i32
      %parallel_loop3A_1677 = arith.index_cast %parallel_loop3A_1676 : i32 to index
      %parallel_loop3A_1678 = arith.index_cast %parallel_loop3A_1666 : i32 to index
      %parallel_loop3A_1679 = tpu.vector_load %arg6[%parallel_loop3A_1677, %parallel_loop3A_1678] {strides = array<i32>} : memref<2x16384xf32, #tpu.memory_space<vmem>>, vector<1x16xf32>,
      %parallel_loop3A_1680 = vector.shape_cast %parallel_loop3A_1679 : vector<1x16xf32> to vector<16xf32>
      %parallel_loop3A_1681 = vector.shape_cast %parallel_loop3A_1675 : vector<16xf32> to vector<1x16xf32>
      tpu.vector_store %arg6[%parallel_loop3A_1677, %parallel_loop3A_1678], %parallel_loop3A_1681 {strides = array<i32>} : memref<2x16384xf32, #tpu.memory_space<vmem>>, vector<1x16xf32>,
    } {sc.loop_unroll_factor = 8 : i64, sc.parallel_access}
    %add3A_398 = arith.constant 8 : i32
    %add3A_399 = arith.addi %mul3A_2, %add3A_398 : i32
    %mul3A_400 = arith.constant 2048 : i32
    %mul3A_401 = arith.muli %add3A_399, %mul3A_400 : i32
    %add3A_402 = arith.constant 12582912 : i32
    %add3A_403 = arith.addi %add3A_402, %mul3A_401 : i32
    %dma_start3A_404 = arith.constant 1 : i32
    %dma_start3A_405 = arith.constant 0 : i32
    %dma_start3A_406 = tpu.memref_slice %arg6[%dma_start3A_404, %dma_start3A_405] : memref<2x16384xf32, #tpu.memory_space<vmem>> -> memref<1x16384xf32, #tpu.memory_space<vmem>>
    %dma_start3A_407 = tpu.memref_squeeze %dma_start3A_406 : memref<1x16384xf32, #tpu.memory_space<vmem>> -> memref<16384xf32, #tpu.memory_space<vmem>>
    %dma_start3A_408 = tpu.memref_slice %arg4[%add3A_403] : memref<16777216xf32, #tpu.memory_space<hbm>> -> memref<16384xf32, #tpu.memory_space<hbm>>
    %dma_start3A_409 = tpu.memref_slice %arg4[%add3A_403] : memref<16777216xf32, #tpu.memory_space<hbm>> -> memref<16384xf32, #tpu.memory_space<hbm>>
    %dma_start3A_410 = arith.constant 0 : i32
    %dma_start3A_411 = tpu.memref_slice %arg6[%dma_start3A_404, %dma_start3A_410] : memref<2x16384xf32, #tpu.memory_space<vmem>> -> memref<1x16384xf32, #tpu.memory_space<vmem>>
    %dma_start3A_412 = tpu.memref_squeeze %dma_start3A_411 : memref<1x16384xf32, #tpu.memory_space<vmem>> -> memref<16384xf32, #tpu.memory_space<vmem>>
    tpu.enqueue_dma source(%dma_start3A_412 : memref<16384xf32, #tpu.memory_space<vmem>>) target(%dma_start3A_409 : memref<16384xf32, #tpu.memory_space<hbm>>) target_semaphore(%arg11 : memref<!tpu.dma_semaphore, #tpu.memory_space<semaphore_mem>>)
    %add3A_413 = arith.constant 16 : i32
    %add3A_414 = arith.addi %mul3A_2, %add3A_413 : i32
    %mul3A_415 = arith.constant 2048 : i32
    %mul3A_416 = arith.muli %add3A_414, %mul3A_415 : i32
    "tpu.region"() ({
      %run_scoped3A = tpu.sem_alloc : memref<!tpu.dma_semaphore, #tpu.memory_space<semaphore_mem>>
      %dma_start3A_1664 = tpu.memref_slice %arg3[%mul3A_416] : memref<4194304xf32, #tpu.memory_space<hbm>> -> memref<16384xf32, #tpu.memory_space<hbm>>
      %dma_start3A_1665 = tpu.memref_slice %arg3[%mul3A_416] : memref<4194304xf32, #tpu.memory_space<hbm>> -> memref<16384xf32, #tpu.memory_space<hbm>>
      tpu.enqueue_dma source(%dma_start3A_1665 : memref<16384xf32, #tpu.memory_space<hbm>>) target(%arg7 : memref<16384xf32, #tpu.memory_space<vmem>>) target_semaphore(%run_scoped3A : memref<!tpu.dma_semaphore, #tpu.memory_space<semaphore_mem>>)
      %dma_wait3A_1666 = tpu.memref_slice %arg3[%mul3A_416] : memref<4194304xf32, #tpu.memory_space<hbm>> -> memref<16384xf32, #tpu.memory_space<hbm>>
      %dma_wait3A_1667 = tpu.memref_slice %arg3[%mul3A_416] : memref<4194304xf32, #tpu.memory_space<hbm>> -> memref<16384xf32, #tpu.memory_space<hbm>>
      tpu.wait_dma2 semaphore(%run_scoped3A : memref<!tpu.dma_semaphore, #tpu.memory_space<semaphore_mem>>) src(%dma_wait3A_1667 : memref<16384xf32, #tpu.memory_space<hbm>>) dst(%arg7 : memref<16384xf32, #tpu.memory_space<vmem>>)
      tpu.yield
    }) : () -> ()
    %add3A_417 = arith.constant 16 : i32
    %add3A_418 = arith.addi %mul3A_2, %add3A_417 : i32
    %mul3A_419 = arith.constant 2048 : i32
    %mul3A_420 = arith.muli %add3A_418, %mul3A_419 : i32
    %add3A_421 = arith.constant 4194304 : i32
    %add3A_422 = arith.addi %add3A_421, %mul3A_420 : i32
    %dma_start3A_423 = arith.constant 1 : i32
    %dma_start3A_424 = arith.constant 0 : i32
    %dma_start3A_425 = tpu.memref_slice %arg5[%dma_start3A_423, %dma_start3A_424] : memref<2x16384xf32, #tpu.memory_space<vmem>> -> memref<1x16384xf32, #tpu.memory_space<vmem>>
    %dma_start3A_426 = tpu.memref_squeeze %dma_start3A_425 : memref<1x16384xf32, #tpu.memory_space<vmem>> -> memref<16384xf32, #tpu.memory_space<vmem>>
    %dma_start3A_427 = tpu.memref_slice %arg2[%add3A_422] : memref<16777216xf32, #tpu.memory_space<hbm>> -> memref<16384xf32, #tpu.memory_space<hbm>>
    %dma_start3A_428 = arith.constant 0 : i32
    %dma_start3A_429 = tpu.memref_slice %arg5[%dma_start3A_423, %dma_start3A_428] : memref<2x16384xf32, #tpu.memory_space<vmem>> -> memref<1x16384xf32, #tpu.memory_space<vmem>>
    %dma_start3A_430 = tpu.memref_squeeze %dma_start3A_429 : memref<1x16384xf32, #tpu.memory_space<vmem>> -> memref<16384xf32, #tpu.memory_space<vmem>>
    %dma_start3A_431 = tpu.memref_slice %arg2[%add3A_422] : memref<16777216xf32, #tpu.memory_space<hbm>> -> memref<16384xf32, #tpu.memory_space<hbm>>
    tpu.enqueue_dma source(%dma_start3A_431 : memref<16384xf32, #tpu.memory_space<hbm>>) target(%dma_start3A_430 : memref<16384xf32, #tpu.memory_space<vmem>>) target_semaphore(%arg9 : memref<!tpu.dma_semaphore, #tpu.memory_space<semaphore_mem>>)
    %dma_wait3A_432 = arith.constant 0 : i32
    %dma_wait3A_433 = arith.constant 0 : i32
    %dma_wait3A_434 = tpu.memref_slice %arg5[%dma_wait3A_432, %dma_wait3A_433] : memref<2x16384xf32, #tpu.memory_space<vmem>> -> memref<1x16384xf32, #tpu.memory_space<vmem>>
    %dma_wait3A_435 = tpu.memref_squeeze %dma_wait3A_434 : memref<1x16384xf32, #tpu.memory_space<vmem>> -> memref<16384xf32, #tpu.memory_space<vmem>>
    %dma_wait3A_436 = tpu.memref_slice %arg2[%add3A_367] : memref<16777216xf32, #tpu.memory_space<hbm>> -> memref<16384xf32, #tpu.memory_space<hbm>>
    %dma_wait3A_437 = arith.constant 0 : i32
    %dma_wait3A_438 = tpu.memref_slice %arg5[%dma_wait3A_432, %dma_wait3A_437] : memref<2x16384xf32, #tpu.memory_space<vmem>> -> memref<1x16384xf32, #tpu.memory_space<vmem>>
    %dma_wait3A_439 = tpu.memref_squeeze %dma_wait3A_438 : memref<1x16384xf32, #tpu.memory_space<vmem>> -> memref<16384xf32, #tpu.memory_space<vmem>>
    %dma_wait3A_440 = tpu.memref_slice %arg2[%add3A_367] : memref<16777216xf32, #tpu.memory_space<hbm>> -> memref<16384xf32, #tpu.memory_space<hbm>>
    tpu.wait_dma2 semaphore(%arg8 : memref<!tpu.dma_semaphore, #tpu.memory_space<semaphore_mem>>) src(%dma_wait3A_440 : memref<16384xf32, #tpu.memory_space<hbm>>) dst(%dma_wait3A_439 : memref<16384xf32, #tpu.memory_space<vmem>>)
    %dma_wait3A_441 = arith.constant 0 : i32
    %dma_wait3A_442 = arith.constant 0 : i32
    %dma_wait3A_443 = tpu.memref_slice %arg6[%dma_wait3A_441, %dma_wait3A_442] : memref<2x16384xf32, #tpu.memory_space<vmem>> -> memref<1x16384xf32, #tpu.memory_space<vmem>>
    %dma_wait3A_444 = tpu.memref_squeeze %dma_wait3A_443 : memref<1x16384xf32, #tpu.memory_space<vmem>> -> memref<16384xf32, #tpu.memory_space<vmem>>
    %dma_wait3A_445 = tpu.memref_slice %arg4[%add3A_352] : memref<16777216xf32, #tpu.memory_space<hbm>> -> memref<16384xf32, #tpu.memory_space<hbm>>
    %dma_wait3A_446 = tpu.memref_slice %arg4[%add3A_352] : memref<16777216xf32, #tpu.memory_space<hbm>> -> memref<16384xf32, #tpu.memory_space<hbm>>
    %dma_wait3A_447 = arith.constant 0 : i32
    %dma_wait3A_448 = tpu.memref_slice %arg6[%dma_wait3A_441, %dma_wait3A_447] : memref<2x16384xf32, #tpu.memory_space<vmem>> -> memref<1x16384xf32, #tpu.memory_space<vmem>>
    %dma_wait3A_449 = tpu.memref_squeeze %dma_wait3A_448 : memref<1x16384xf32, #tpu.memory_space<vmem>> -> memref<16384xf32, #tpu.memory_space<vmem>>
    tpu.wait_dma2 semaphore(%arg10 : memref<!tpu.dma_semaphore, #tpu.memory_space<semaphore_mem>>) src(%dma_wait3A_449 : memref<16384xf32, #tpu.memory_space<vmem>>) dst(%dma_wait3A_446 : memref<16384xf32, #tpu.memory_space<hbm>>)
    %parallel_loop3A_450 = arith.constant 0 : i32
    %parallel_loop3A_451 = arith.constant 1024 : i32
    %parallel_loop3A_452 = arith.constant 1 : i32
    scf.for %parallel_loop3A_1664 = %parallel_loop3A_450 to %parallel_loop3A_451 step %parallel_loop3A_452  : i32 {
      %parallel_loop3A_1665 = arith.constant 16 : i32
      %parallel_loop3A_1666 = arith.muli %parallel_loop3A_1664, %parallel_loop3A_1665 : i32
      %parallel_loop3A_1667 = arith.constant 0 : i32
      %parallel_loop3A_1668 = arith.index_cast %parallel_loop3A_1667 : i32 to index
      %parallel_loop3A_1669 = arith.index_cast %parallel_loop3A_1666 : i32 to index
      %parallel_loop3A_1670 = tpu.vector_load %arg5[%parallel_loop3A_1668, %parallel_loop3A_1669] {strides = array<i32>} : memref<2x16384xf32, #tpu.memory_space<vmem>>, vector<1x16xf32>,
      %parallel_loop3A_1671 = vector.shape_cast %parallel_loop3A_1670 : vector<1x16xf32> to vector<16xf32>
      %parallel_loop3A_1672 = arith.index_cast %parallel_loop3A_1666 : i32 to index
      %parallel_loop3A_1673 = tpu.vector_load %arg7[%parallel_loop3A_1672] {strides = array<i32>} : memref<16384xf32, #tpu.memory_space<vmem>>, vector<16xf32>,
      %parallel_loop3A_1674 = vector.shape_cast %parallel_loop3A_1673 : vector<16xf32> to vector<16xf32>
      %parallel_loop3A_1675 = arith.addf %parallel_loop3A_1671, %parallel_loop3A_1674 : vector<16xf32>
      %parallel_loop3A_1676 = arith.constant 0 : i32
      %parallel_loop3A_1677 = arith.index_cast %parallel_loop3A_1676 : i32 to index
      %parallel_loop3A_1678 = arith.index_cast %parallel_loop3A_1666 : i32 to index
      %parallel_loop3A_1679 = tpu.vector_load %arg6[%parallel_loop3A_1677, %parallel_loop3A_1678] {strides = array<i32>} : memref<2x16384xf32, #tpu.memory_space<vmem>>, vector<1x16xf32>,
      %parallel_loop3A_1680 = vector.shape_cast %parallel_loop3A_1679 : vector<1x16xf32> to vector<16xf32>
      %parallel_loop3A_1681 = vector.shape_cast %parallel_loop3A_1675 : vector<16xf32> to vector<1x16xf32>
      tpu.vector_store %arg6[%parallel_loop3A_1677, %parallel_loop3A_1678], %parallel_loop3A_1681 {strides = array<i32>} : memref<2x16384xf32, #tpu.memory_space<vmem>>, vector<1x16xf32>,
    } {sc.loop_unroll_factor = 8 : i64, sc.parallel_access}
    %add3A_453 = arith.constant 16 : i32
    %add3A_454 = arith.addi %mul3A_2, %add3A_453 : i32
    %mul3A_455 = arith.constant 2048 : i32
    %mul3A_456 = arith.muli %add3A_454, %mul3A_455 : i32
    %add3A_457 = arith.constant 0 : i32
    %add3A_458 = arith.addi %add3A_457, %mul3A_456 : i32
    %dma_start3A_459 = arith.constant 0 : i32
    %dma_start3A_460 = arith.constant 0 : i32
    %dma_start3A_461 = tpu.memref_slice %arg6[%dma_start3A_459, %dma_start3A_460] : memref<2x16384xf32, #tpu.memory_space<vmem>> -> memref<1x16384xf32, #tpu.memory_space<vmem>>
    %dma_start3A_462 = tpu.memref_squeeze %dma_start3A_461 : memref<1x16384xf32, #tpu.memory_space<vmem>> -> memref<16384xf32, #tpu.memory_space<vmem>>
    %dma_start3A_463 = tpu.memref_slice %arg4[%add3A_458] : memref<16777216xf32, #tpu.memory_space<hbm>> -> memref<16384xf32, #tpu.memory_space<hbm>>
    %dma_start3A_464 = tpu.memref_slice %arg4[%add3A_458] : memref<16777216xf32, #tpu.memory_space<hbm>> -> memref<16384xf32, #tpu.memory_space<hbm>>
    %dma_start3A_465 = arith.constant 0 : i32
    %dma_start3A_466 = tpu.memref_slice %arg6[%dma_start3A_459, %dma_start3A_465] : memref<2x16384xf32, #tpu.memory_space<vmem>> -> memref<1x16384xf32, #tpu.memory_space<vmem>>
    %dma_start3A_467 = tpu.memref_squeeze %dma_start3A_466 : memref<1x16384xf32, #tpu.memory_space<vmem>> -> memref<16384xf32, #tpu.memory_space<vmem>>
    tpu.enqueue_dma source(%dma_start3A_467 : memref<16384xf32, #tpu.memory_space<vmem>>) target(%dma_start3A_464 : memref<16384xf32, #tpu.memory_space<hbm>>) target_semaphore(%arg10 : memref<!tpu.dma_semaphore, #tpu.memory_space<semaphore_mem>>)
    %add3A_468 = arith.constant 16 : i32
    %add3A_469 = arith.addi %mul3A_2, %add3A_468 : i32
    %mul3A_470 = arith.constant 2048 : i32
    %mul3A_471 = arith.muli %add3A_469, %mul3A_470 : i32
    %add3A_472 = arith.constant 8388608 : i32
    %add3A_473 = arith.addi %add3A_472, %mul3A_471 : i32
    %dma_start3A_474 = arith.constant 0 : i32
    %dma_start3A_475 = arith.constant 0 : i32
    %dma_start3A_476 = tpu.memref_slice %arg5[%dma_start3A_474, %dma_start3A_475] : memref<2x16384xf32, #tpu.memory_space<vmem>> -> memref<1x16384xf32, #tpu.memory_space<vmem>>
    %dma_start3A_477 = tpu.memref_squeeze %dma_start3A_476 : memref<1x16384xf32, #tpu.memory_space<vmem>> -> memref<16384xf32, #tpu.memory_space<vmem>>
    %dma_start3A_478 = tpu.memref_slice %arg2[%add3A_473] : memref<16777216xf32, #tpu.memory_space<hbm>> -> memref<16384xf32, #tpu.memory_space<hbm>>
    %dma_start3A_479 = arith.constant 0 : i32
    %dma_start3A_480 = tpu.memref_slice %arg5[%dma_start3A_474, %dma_start3A_479] : memref<2x16384xf32, #tpu.memory_space<vmem>> -> memref<1x16384xf32, #tpu.memory_space<vmem>>
    %dma_start3A_481 = tpu.memref_squeeze %dma_start3A_480 : memref<1x16384xf32, #tpu.memory_space<vmem>> -> memref<16384xf32, #tpu.memory_space<vmem>>
    %dma_start3A_482 = tpu.memref_slice %arg2[%add3A_473] : memref<16777216xf32, #tpu.memory_space<hbm>> -> memref<16384xf32, #tpu.memory_space<hbm>>
    tpu.enqueue_dma source(%dma_start3A_482 : memref<16384xf32, #tpu.memory_space<hbm>>) target(%dma_start3A_481 : memref<16384xf32, #tpu.memory_space<vmem>>) target_semaphore(%arg8 : memref<!tpu.dma_semaphore, #tpu.memory_space<semaphore_mem>>)
    %dma_wait3A_483 = arith.constant 1 : i32
    %dma_wait3A_484 = arith.constant 0 : i32
    %dma_wait3A_485 = tpu.memref_slice %arg5[%dma_wait3A_483, %dma_wait3A_484] : memref<2x16384xf32, #tpu.memory_space<vmem>> -> memref<1x16384xf32, #tpu.memory_space<vmem>>
    %dma_wait3A_486 = tpu.memref_squeeze %dma_wait3A_485 : memref<1x16384xf32, #tpu.memory_space<vmem>> -> memref<16384xf32, #tpu.memory_space<vmem>>
    %dma_wait3A_487 = tpu.memref_slice %arg2[%add3A_422] : memref<16777216xf32, #tpu.memory_space<hbm>> -> memref<16384xf32, #tpu.memory_space<hbm>>
    %dma_wait3A_488 = arith.constant 0 : i32
    %dma_wait3A_489 = tpu.memref_slice %arg5[%dma_wait3A_483, %dma_wait3A_488] : memref<2x16384xf32, #tpu.memory_space<vmem>> -> memref<1x16384xf32, #tpu.memory_space<vmem>>
    %dma_wait3A_490 = tpu.memref_squeeze %dma_wait3A_489 : memref<1x16384xf32, #tpu.memory_space<vmem>> -> memref<16384xf32, #tpu.memory_space<vmem>>
    %dma_wait3A_491 = tpu.memref_slice %arg2[%add3A_422] : memref<16777216xf32, #tpu.memory_space<hbm>> -> memref<16384xf32, #tpu.memory_space<hbm>>
    tpu.wait_dma2 semaphore(%arg9 : memref<!tpu.dma_semaphore, #tpu.memory_space<semaphore_mem>>) src(%dma_wait3A_491 : memref<16384xf32, #tpu.memory_space<hbm>>) dst(%dma_wait3A_490 : memref<16384xf32, #tpu.memory_space<vmem>>)
    %dma_wait3A_492 = arith.constant 1 : i32
    %dma_wait3A_493 = arith.constant 0 : i32
    %dma_wait3A_494 = tpu.memref_slice %arg6[%dma_wait3A_492, %dma_wait3A_493] : memref<2x16384xf32, #tpu.memory_space<vmem>> -> memref<1x16384xf32, #tpu.memory_space<vmem>>
    %dma_wait3A_495 = tpu.memref_squeeze %dma_wait3A_494 : memref<1x16384xf32, #tpu.memory_space<vmem>> -> memref<16384xf32, #tpu.memory_space<vmem>>
    %dma_wait3A_496 = tpu.memref_slice %arg4[%add3A_403] : memref<16777216xf32, #tpu.memory_space<hbm>> -> memref<16384xf32, #tpu.memory_space<hbm>>
    %dma_wait3A_497 = tpu.memref_slice %arg4[%add3A_403] : memref<16777216xf32, #tpu.memory_space<hbm>> -> memref<16384xf32, #tpu.memory_space<hbm>>
    %dma_wait3A_498 = arith.constant 0 : i32
    %dma_wait3A_499 = tpu.memref_slice %arg6[%dma_wait3A_492, %dma_wait3A_498] : memref<2x16384xf32, #tpu.memory_space<vmem>> -> memref<1x16384xf32, #tpu.memory_space<vmem>>
    %dma_wait3A_500 = tpu.memref_squeeze %dma_wait3A_499 : memref<1x16384xf32, #tpu.memory_space<vmem>> -> memref<16384xf32, #tpu.memory_space<vmem>>
    tpu.wait_dma2 semaphore(%arg11 : memref<!tpu.dma_semaphore, #tpu.memory_space<semaphore_mem>>) src(%dma_wait3A_500 : memref<16384xf32, #tpu.memory_space<vmem>>) dst(%dma_wait3A_497 : memref<16384xf32, #tpu.memory_space<hbm>>)
    %parallel_loop3A_501 = arith.constant 0 : i32
    %parallel_loop3A_502 = arith.constant 1024 : i32
    %parallel_loop3A_503 = arith.constant 1 : i32
    scf.for %parallel_loop3A_1664 = %parallel_loop3A_501 to %parallel_loop3A_502 step %parallel_loop3A_503  : i32 {
      %parallel_loop3A_1665 = arith.constant 16 : i32
      %parallel_loop3A_1666 = arith.muli %parallel_loop3A_1664, %parallel_loop3A_1665 : i32
      %parallel_loop3A_1667 = arith.constant 1 : i32
      %parallel_loop3A_1668 = arith.index_cast %parallel_loop3A_1667 : i32 to index
      %parallel_loop3A_1669 = arith.index_cast %parallel_loop3A_1666 : i32 to index
      %parallel_loop3A_1670 = tpu.vector_load %arg5[%parallel_loop3A_1668, %parallel_loop3A_1669] {strides = array<i32>} : memref<2x16384xf32, #tpu.memory_space<vmem>>, vector<1x16xf32>,
      %parallel_loop3A_1671 = vector.shape_cast %parallel_loop3A_1670 : vector<1x16xf32> to vector<16xf32>
      %parallel_loop3A_1672 = arith.index_cast %parallel_loop3A_1666 : i32 to index
      %parallel_loop3A_1673 = tpu.vector_load %arg7[%parallel_loop3A_1672] {strides = array<i32>} : memref<16384xf32, #tpu.memory_space<vmem>>, vector<16xf32>,
      %parallel_loop3A_1674 = vector.shape_cast %parallel_loop3A_1673 : vector<16xf32> to vector<16xf32>
      %parallel_loop3A_1675 = arith.addf %parallel_loop3A_1671, %parallel_loop3A_1674 : vector<16xf32>
      %parallel_loop3A_1676 = arith.constant 1 : i32
      %parallel_loop3A_1677 = arith.index_cast %parallel_loop3A_1676 : i32 to index
      %parallel_loop3A_1678 = arith.index_cast %parallel_loop3A_1666 : i32 to index
      %parallel_loop3A_1679 = tpu.vector_load %arg6[%parallel_loop3A_1677, %parallel_loop3A_1678] {strides = array<i32>} : memref<2x16384xf32, #tpu.memory_space<vmem>>, vector<1x16xf32>,
      %parallel_loop3A_1680 = vector.shape_cast %parallel_loop3A_1679 : vector<1x16xf32> to vector<16xf32>
      %parallel_loop3A_1681 = vector.shape_cast %parallel_loop3A_1675 : vector<16xf32> to vector<1x16xf32>
      tpu.vector_store %arg6[%parallel_loop3A_1677, %parallel_loop3A_1678], %parallel_loop3A_1681 {strides = array<i32>} : memref<2x16384xf32, #tpu.memory_space<vmem>>, vector<1x16xf32>,
    } {sc.loop_unroll_factor = 8 : i64, sc.parallel_access}
    %add3A_504 = arith.constant 16 : i32
    %add3A_505 = arith.addi %mul3A_2, %add3A_504 : i32
    %mul3A_506 = arith.constant 2048 : i32
    %mul3A_507 = arith.muli %add3A_505, %mul3A_506 : i32
    %add3A_508 = arith.constant 4194304 : i32
    %add3A_509 = arith.addi %add3A_508, %mul3A_507 : i32
    %dma_start3A_510 = arith.constant 1 : i32
    %dma_start3A_511 = arith.constant 0 : i32
    %dma_start3A_512 = tpu.memref_slice %arg6[%dma_start3A_510, %dma_start3A_511] : memref<2x16384xf32, #tpu.memory_space<vmem>> -> memref<1x16384xf32, #tpu.memory_space<vmem>>
    %dma_start3A_513 = tpu.memref_squeeze %dma_start3A_512 : memref<1x16384xf32, #tpu.memory_space<vmem>> -> memref<16384xf32, #tpu.memory_space<vmem>>
    %dma_start3A_514 = tpu.memref_slice %arg4[%add3A_509] : memref<16777216xf32, #tpu.memory_space<hbm>> -> memref<16384xf32, #tpu.memory_space<hbm>>
    %dma_start3A_515 = tpu.memref_slice %arg4[%add3A_509] : memref<16777216xf32, #tpu.memory_space<hbm>> -> memref<16384xf32, #tpu.memory_space<hbm>>
    %dma_start3A_516 = arith.constant 0 : i32
    %dma_start3A_517 = tpu.memref_slice %arg6[%dma_start3A_510, %dma_start3A_516] : memref<2x16384xf32, #tpu.memory_space<vmem>> -> memref<1x16384xf32, #tpu.memory_space<vmem>>
    %dma_start3A_518 = tpu.memref_squeeze %dma_start3A_517 : memref<1x16384xf32, #tpu.memory_space<vmem>> -> memref<16384xf32, #tpu.memory_space<vmem>>
    tpu.enqueue_dma source(%dma_start3A_518 : memref<16384xf32, #tpu.memory_space<vmem>>) target(%dma_start3A_515 : memref<16384xf32, #tpu.memory_space<hbm>>) target_semaphore(%arg11 : memref<!tpu.dma_semaphore, #tpu.memory_space<semaphore_mem>>)
    %add3A_519 = arith.constant 16 : i32
    %add3A_520 = arith.addi %mul3A_2, %add3A_519 : i32
    %mul3A_521 = arith.constant 2048 : i32
    %mul3A_522 = arith.muli %add3A_520, %mul3A_521 : i32
    %add3A_523 = arith.constant 12582912 : i32
    %add3A_524 = arith.addi %add3A_523, %mul3A_522 : i32
    %dma_start3A_525 = arith.constant 1 : i32
    %dma_start3A_526 = arith.constant 0 : i32
    %dma_start3A_527 = tpu.memref_slice %arg5[%dma_start3A_525, %dma_start3A_526] : memref<2x16384xf32, #tpu.memory_space<vmem>> -> memref<1x16384xf32, #tpu.memory_space<vmem>>
    %dma_start3A_528 = tpu.memref_squeeze %dma_start3A_527 : memref<1x16384xf32, #tpu.memory_space<vmem>> -> memref<16384xf32, #tpu.memory_space<vmem>>
    %dma_start3A_529 = tpu.memref_slice %arg2[%add3A_524] : memref<16777216xf32, #tpu.memory_space<hbm>> -> memref<16384xf32, #tpu.memory_space<hbm>>
    %dma_start3A_530 = arith.constant 0 : i32
    %dma_start3A_531 = tpu.memref_slice %arg5[%dma_start3A_525, %dma_start3A_530] : memref<2x16384xf32, #tpu.memory_space<vmem>> -> memref<1x16384xf32, #tpu.memory_space<vmem>>
    %dma_start3A_532 = tpu.memref_squeeze %dma_start3A_531 : memref<1x16384xf32, #tpu.memory_space<vmem>> -> memref<16384xf32, #tpu.memory_space<vmem>>
    %dma_start3A_533 = tpu.memref_slice %arg2[%add3A_524] : memref<16777216xf32, #tpu.memory_space<hbm>> -> memref<16384xf32, #tpu.memory_space<hbm>>
    tpu.enqueue_dma source(%dma_start3A_533 : memref<16384xf32, #tpu.memory_space<hbm>>) target(%dma_start3A_532 : memref<16384xf32, #tpu.memory_space<vmem>>) target_semaphore(%arg9 : memref<!tpu.dma_semaphore, #tpu.memory_space<semaphore_mem>>)
    %dma_wait3A_534 = arith.constant 0 : i32
    %dma_wait3A_535 = arith.constant 0 : i32
    %dma_wait3A_536 = tpu.memref_slice %arg5[%dma_wait3A_534, %dma_wait3A_535] : memref<2x16384xf32, #tpu.memory_space<vmem>> -> memref<1x16384xf32, #tpu.memory_space<vmem>>
    %dma_wait3A_537 = tpu.memref_squeeze %dma_wait3A_536 : memref<1x16384xf32, #tpu.memory_space<vmem>> -> memref<16384xf32, #tpu.memory_space<vmem>>
    %dma_wait3A_538 = tpu.memref_slice %arg2[%add3A_473] : memref<16777216xf32, #tpu.memory_space<hbm>> -> memref<16384xf32, #tpu.memory_space<hbm>>
    %dma_wait3A_539 = arith.constant 0 : i32
    %dma_wait3A_540 = tpu.memref_slice %arg5[%dma_wait3A_534, %dma_wait3A_539] : memref<2x16384xf32, #tpu.memory_space<vmem>> -> memref<1x16384xf32, #tpu.memory_space<vmem>>
    %dma_wait3A_541 = tpu.memref_squeeze %dma_wait3A_540 : memref<1x16384xf32, #tpu.memory_space<vmem>> -> memref<16384xf32, #tpu.memory_space<vmem>>
    %dma_wait3A_542 = tpu.memref_slice %arg2[%add3A_473] : memref<16777216xf32, #tpu.memory_space<hbm>> -> memref<16384xf32, #tpu.memory_space<hbm>>
    tpu.wait_dma2 semaphore(%arg8 : memref<!tpu.dma_semaphore, #tpu.memory_space<semaphore_mem>>) src(%dma_wait3A_542 : memref<16384xf32, #tpu.memory_space<hbm>>) dst(%dma_wait3A_541 : memref<16384xf32, #tpu.memory_space<vmem>>)
    %dma_wait3A_543 = arith.constant 0 : i32
    %dma_wait3A_544 = arith.constant 0 : i32
    %dma_wait3A_545 = tpu.memref_slice %arg6[%dma_wait3A_543, %dma_wait3A_544] : memref<2x16384xf32, #tpu.memory_space<vmem>> -> memref<1x16384xf32, #tpu.memory_space<vmem>>
    %dma_wait3A_546 = tpu.memref_squeeze %dma_wait3A_545 : memref<1x16384xf32, #tpu.memory_space<vmem>> -> memref<16384xf32, #tpu.memory_space<vmem>>
    %dma_wait3A_547 = tpu.memref_slice %arg4[%add3A_458] : memref<16777216xf32, #tpu.memory_space<hbm>> -> memref<16384xf32, #tpu.memory_space<hbm>>
    %dma_wait3A_548 = tpu.memref_slice %arg4[%add3A_458] : memref<16777216xf32, #tpu.memory_space<hbm>> -> memref<16384xf32, #tpu.memory_space<hbm>>
    %dma_wait3A_549 = arith.constant 0 : i32
    %dma_wait3A_550 = tpu.memref_slice %arg6[%dma_wait3A_543, %dma_wait3A_549] : memref<2x16384xf32, #tpu.memory_space<vmem>> -> memref<1x16384xf32, #tpu.memory_space<vmem>>
    %dma_wait3A_551 = tpu.memref_squeeze %dma_wait3A_550 : memref<1x16384xf32, #tpu.memory_space<vmem>> -> memref<16384xf32, #tpu.memory_space<vmem>>
    tpu.wait_dma2 semaphore(%arg10 : memref<!tpu.dma_semaphore, #tpu.memory_space<semaphore_mem>>) src(%dma_wait3A_551 : memref<16384xf32, #tpu.memory_space<vmem>>) dst(%dma_wait3A_548 : memref<16384xf32, #tpu.memory_space<hbm>>)
    %parallel_loop3A_552 = arith.constant 0 : i32
    %parallel_loop3A_553 = arith.constant 1024 : i32
    %parallel_loop3A_554 = arith.constant 1 : i32
    scf.for %parallel_loop3A_1664 = %parallel_loop3A_552 to %parallel_loop3A_553 step %parallel_loop3A_554  : i32 {
      %parallel_loop3A_1665 = arith.constant 16 : i32
      %parallel_loop3A_1666 = arith.muli %parallel_loop3A_1664, %parallel_loop3A_1665 : i32
      %parallel_loop3A_1667 = arith.constant 0 : i32
      %parallel_loop3A_1668 = arith.index_cast %parallel_loop3A_1667 : i32 to index
      %parallel_loop3A_1669 = arith.index_cast %parallel_loop3A_1666 : i32 to index
      %parallel_loop3A_1670 = tpu.vector_load %arg5[%parallel_loop3A_1668, %parallel_loop3A_1669] {strides = array<i32>} : memref<2x16384xf32, #tpu.memory_space<vmem>>, vector<1x16xf32>,
      %parallel_loop3A_1671 = vector.shape_cast %parallel_loop3A_1670 : vector<1x16xf32> to vector<16xf32>
      %parallel_loop3A_1672 = arith.index_cast %parallel_loop3A_1666 : i32 to index
      %parallel_loop3A_1673 = tpu.vector_load %arg7[%parallel_loop3A_1672] {strides = array<i32>} : memref<16384xf32, #tpu.memory_space<vmem>>, vector<16xf32>,
      %parallel_loop3A_1674 = vector.shape_cast %parallel_loop3A_1673 : vector<16xf32> to vector<16xf32>
      %parallel_loop3A_1675 = arith.addf %parallel_loop3A_1671, %parallel_loop3A_1674 : vector<16xf32>
      %parallel_loop3A_1676 = arith.constant 0 : i32
      %parallel_loop3A_1677 = arith.index_cast %parallel_loop3A_1676 : i32 to index
      %parallel_loop3A_1678 = arith.index_cast %parallel_loop3A_1666 : i32 to index
      %parallel_loop3A_1679 = tpu.vector_load %arg6[%parallel_loop3A_1677, %parallel_loop3A_1678] {strides = array<i32>} : memref<2x16384xf32, #tpu.memory_space<vmem>>, vector<1x16xf32>,
      %parallel_loop3A_1680 = vector.shape_cast %parallel_loop3A_1679 : vector<1x16xf32> to vector<16xf32>
      %parallel_loop3A_1681 = vector.shape_cast %parallel_loop3A_1675 : vector<16xf32> to vector<1x16xf32>
      tpu.vector_store %arg6[%parallel_loop3A_1677, %parallel_loop3A_1678], %parallel_loop3A_1681 {strides = array<i32>} : memref<2x16384xf32, #tpu.memory_space<vmem>>, vector<1x16xf32>,
    } {sc.loop_unroll_factor = 8 : i64, sc.parallel_access}
    %add3A_555 = arith.constant 16 : i32
    %add3A_556 = arith.addi %mul3A_2, %add3A_555 : i32
    %mul3A_557 = arith.constant 2048 : i32
    %mul3A_558 = arith.muli %add3A_556, %mul3A_557 : i32
    %add3A_559 = arith.constant 8388608 : i32
    %add3A_560 = arith.addi %add3A_559, %mul3A_558 : i32
    %dma_start3A_561 = arith.constant 0 : i32
    %dma_start3A_562 = arith.constant 0 : i32
    %dma_start3A_563 = tpu.memref_slice %arg6[%dma_start3A_561, %dma_start3A_562] : memref<2x16384xf32, #tpu.memory_space<vmem>> -> memref<1x16384xf32, #tpu.memory_space<vmem>>
    %dma_start3A_564 = tpu.memref_squeeze %dma_start3A_563 : memref<1x16384xf32, #tpu.memory_space<vmem>> -> memref<16384xf32, #tpu.memory_space<vmem>>
    %dma_start3A_565 = tpu.memref_slice %arg4[%add3A_560] : memref<16777216xf32, #tpu.memory_space<hbm>> -> memref<16384xf32, #tpu.memory_space<hbm>>
    %dma_start3A_566 = tpu.memref_slice %arg4[%add3A_560] : memref<16777216xf32, #tpu.memory_space<hbm>> -> memref<16384xf32, #tpu.memory_space<hbm>>
    %dma_start3A_567 = arith.constant 0 : i32
    %dma_start3A_568 = tpu.memref_slice %arg6[%dma_start3A_561, %dma_start3A_567] : memref<2x16384xf32, #tpu.memory_space<vmem>> -> memref<1x16384xf32, #tpu.memory_space<vmem>>
    %dma_start3A_569 = tpu.memref_squeeze %dma_start3A_568 : memref<1x16384xf32, #tpu.memory_space<vmem>> -> memref<16384xf32, #tpu.memory_space<vmem>>
    tpu.enqueue_dma source(%dma_start3A_569 : memref<16384xf32, #tpu.memory_space<vmem>>) target(%dma_start3A_566 : memref<16384xf32, #tpu.memory_space<hbm>>) target_semaphore(%arg10 : memref<!tpu.dma_semaphore, #tpu.memory_space<semaphore_mem>>)
    %add3A_570 = arith.constant 24 : i32
    %add3A_571 = arith.addi %mul3A_2, %add3A_570 : i32
    %mul3A_572 = arith.constant 2048 : i32
    %mul3A_573 = arith.muli %add3A_571, %mul3A_572 : i32
    %add3A_574 = arith.constant 0 : i32
    %add3A_575 = arith.addi %add3A_574, %mul3A_573 : i32
    %dma_start3A_576 = arith.constant 0 : i32
    %dma_start3A_577 = arith.constant 0 : i32
    %dma_start3A_578 = tpu.memref_slice %arg5[%dma_start3A_576, %dma_start3A_577] : memref<2x16384xf32, #tpu.memory_space<vmem>> -> memref<1x16384xf32, #tpu.memory_space<vmem>>
    %dma_start3A_579 = tpu.memref_squeeze %dma_start3A_578 : memref<1x16384xf32, #tpu.memory_space<vmem>> -> memref<16384xf32, #tpu.memory_space<vmem>>
    %dma_start3A_580 = tpu.memref_slice %arg2[%add3A_575] : memref<16777216xf32, #tpu.memory_space<hbm>> -> memref<16384xf32, #tpu.memory_space<hbm>>
    %dma_start3A_581 = arith.constant 0 : i32
    %dma_start3A_582 = tpu.memref_slice %arg5[%dma_start3A_576, %dma_start3A_581] : memref<2x16384xf32, #tpu.memory_space<vmem>> -> memref<1x16384xf32, #tpu.memory_space<vmem>>
    %dma_start3A_583 = tpu.memref_squeeze %dma_start3A_582 : memref<1x16384xf32, #tpu.memory_space<vmem>> -> memref<16384xf32, #tpu.memory_space<vmem>>
    %dma_start3A_584 = tpu.memref_slice %arg2[%add3A_575] : memref<16777216xf32, #tpu.memory_space<hbm>> -> memref<16384xf32, #tpu.memory_space<hbm>>
    tpu.enqueue_dma source(%dma_start3A_584 : memref<16384xf32, #tpu.memory_space<hbm>>) target(%dma_start3A_583 : memref<16384xf32, #tpu.memory_space<vmem>>) target_semaphore(%arg8 : memref<!tpu.dma_semaphore, #tpu.memory_space<semaphore_mem>>)
    %dma_wait3A_585 = arith.constant 1 : i32
    %dma_wait3A_586 = arith.constant 0 : i32
    %dma_wait3A_587 = tpu.memref_slice %arg5[%dma_wait3A_585, %dma_wait3A_586] : memref<2x16384xf32, #tpu.memory_space<vmem>> -> memref<1x16384xf32, #tpu.memory_space<vmem>>
    %dma_wait3A_588 = tpu.memref_squeeze %dma_wait3A_587 : memref<1x16384xf32, #tpu.memory_space<vmem>> -> memref<16384xf32, #tpu.memory_space<vmem>>
    %dma_wait3A_589 = tpu.memref_slice %arg2[%add3A_524] : memref<16777216xf32, #tpu.memory_space<hbm>> -> memref<16384xf32, #tpu.memory_space<hbm>>
    %dma_wait3A_590 = arith.constant 0 : i32
    %dma_wait3A_591 = tpu.memref_slice %arg5[%dma_wait3A_585, %dma_wait3A_590] : memref<2x16384xf32, #tpu.memory_space<vmem>> -> memref<1x16384xf32, #tpu.memory_space<vmem>>
    %dma_wait3A_592 = tpu.memref_squeeze %dma_wait3A_591 : memref<1x16384xf32, #tpu.memory_space<vmem>> -> memref<16384xf32, #tpu.memory_space<vmem>>
    %dma_wait3A_593 = tpu.memref_slice %arg2[%add3A_524] : memref<16777216xf32, #tpu.memory_space<hbm>> -> memref<16384xf32, #tpu.memory_space<hbm>>
    tpu.wait_dma2 semaphore(%arg9 : memref<!tpu.dma_semaphore, #tpu.memory_space<semaphore_mem>>) src(%dma_wait3A_593 : memref<16384xf32, #tpu.memory_space<hbm>>) dst(%dma_wait3A_592 : memref<16384xf32, #tpu.memory_space<vmem>>)
    %dma_wait3A_594 = arith.constant 1 : i32
    %dma_wait3A_595 = arith.constant 0 : i32
    %dma_wait3A_596 = tpu.memref_slice %arg6[%dma_wait3A_594, %dma_wait3A_595] : memref<2x16384xf32, #tpu.memory_space<vmem>> -> memref<1x16384xf32, #tpu.memory_space<vmem>>
    %dma_wait3A_597 = tpu.memref_squeeze %dma_wait3A_596 : memref<1x16384xf32, #tpu.memory_space<vmem>> -> memref<16384xf32, #tpu.memory_space<vmem>>
    %dma_wait3A_598 = tpu.memref_slice %arg4[%add3A_509] : memref<16777216xf32, #tpu.memory_space<hbm>> -> memref<16384xf32, #tpu.memory_space<hbm>>
    %dma_wait3A_599 = tpu.memref_slice %arg4[%add3A_509] : memref<16777216xf32, #tpu.memory_space<hbm>> -> memref<16384xf32, #tpu.memory_space<hbm>>
    %dma_wait3A_600 = arith.constant 0 : i32
    %dma_wait3A_601 = tpu.memref_slice %arg6[%dma_wait3A_594, %dma_wait3A_600] : memref<2x16384xf32, #tpu.memory_space<vmem>> -> memref<1x16384xf32, #tpu.memory_space<vmem>>
    %dma_wait3A_602 = tpu.memref_squeeze %dma_wait3A_601 : memref<1x16384xf32, #tpu.memory_space<vmem>> -> memref<16384xf32, #tpu.memory_space<vmem>>
    tpu.wait_dma2 semaphore(%arg11 : memref<!tpu.dma_semaphore, #tpu.memory_space<semaphore_mem>>) src(%dma_wait3A_602 : memref<16384xf32, #tpu.memory_space<vmem>>) dst(%dma_wait3A_599 : memref<16384xf32, #tpu.memory_space<hbm>>)
    %parallel_loop3A_603 = arith.constant 0 : i32
    %parallel_loop3A_604 = arith.constant 1024 : i32
    %parallel_loop3A_605 = arith.constant 1 : i32
    scf.for %parallel_loop3A_1664 = %parallel_loop3A_603 to %parallel_loop3A_604 step %parallel_loop3A_605  : i32 {
      %parallel_loop3A_1665 = arith.constant 16 : i32
      %parallel_loop3A_1666 = arith.muli %parallel_loop3A_1664, %parallel_loop3A_1665 : i32
      %parallel_loop3A_1667 = arith.constant 1 : i32
      %parallel_loop3A_1668 = arith.index_cast %parallel_loop3A_1667 : i32 to index
      %parallel_loop3A_1669 = arith.index_cast %parallel_loop3A_1666 : i32 to index
      %parallel_loop3A_1670 = tpu.vector_load %arg5[%parallel_loop3A_1668, %parallel_loop3A_1669] {strides = array<i32>} : memref<2x16384xf32, #tpu.memory_space<vmem>>, vector<1x16xf32>,
      %parallel_loop3A_1671 = vector.shape_cast %parallel_loop3A_1670 : vector<1x16xf32> to vector<16xf32>
      %parallel_loop3A_1672 = arith.index_cast %parallel_loop3A_1666 : i32 to index
      %parallel_loop3A_1673 = tpu.vector_load %arg7[%parallel_loop3A_1672] {strides = array<i32>} : memref<16384xf32, #tpu.memory_space<vmem>>, vector<16xf32>,
      %parallel_loop3A_1674 = vector.shape_cast %parallel_loop3A_1673 : vector<16xf32> to vector<16xf32>
      %parallel_loop3A_1675 = arith.addf %parallel_loop3A_1671, %parallel_loop3A_1674 : vector<16xf32>
      %parallel_loop3A_1676 = arith.constant 1 : i32
      %parallel_loop3A_1677 = arith.index_cast %parallel_loop3A_1676 : i32 to index
      %parallel_loop3A_1678 = arith.index_cast %parallel_loop3A_1666 : i32 to index
      %parallel_loop3A_1679 = tpu.vector_load %arg6[%parallel_loop3A_1677, %parallel_loop3A_1678] {strides = array<i32>} : memref<2x16384xf32, #tpu.memory_space<vmem>>, vector<1x16xf32>,
      %parallel_loop3A_1680 = vector.shape_cast %parallel_loop3A_1679 : vector<1x16xf32> to vector<16xf32>
      %parallel_loop3A_1681 = vector.shape_cast %parallel_loop3A_1675 : vector<16xf32> to vector<1x16xf32>
      tpu.vector_store %arg6[%parallel_loop3A_1677, %parallel_loop3A_1678], %parallel_loop3A_1681 {strides = array<i32>} : memref<2x16384xf32, #tpu.memory_space<vmem>>, vector<1x16xf32>,
    } {sc.loop_unroll_factor = 8 : i64, sc.parallel_access}
    %add3A_606 = arith.constant 16 : i32
    %add3A_607 = arith.addi %mul3A_2, %add3A_606 : i32
    %mul3A_608 = arith.constant 2048 : i32
    %mul3A_609 = arith.muli %add3A_607, %mul3A_608 : i32
    %add3A_610 = arith.constant 12582912 : i32
    %add3A_611 = arith.addi %add3A_610, %mul3A_609 : i32
    %dma_start3A_612 = arith.constant 1 : i32
    %dma_start3A_613 = arith.constant 0 : i32
    %dma_start3A_614 = tpu.memref_slice %arg6[%dma_start3A_612, %dma_start3A_613] : memref<2x16384xf32, #tpu.memory_space<vmem>> -> memref<1x16384xf32, #tpu.memory_space<vmem>>
    %dma_start3A_615 = tpu.memref_squeeze %dma_start3A_614 : memref<1x16384xf32, #tpu.memory_space<vmem>> -> memref<16384xf32, #tpu.memory_space<vmem>>
    %dma_start3A_616 = tpu.memref_slice %arg4[%add3A_611] : memref<16777216xf32, #tpu.memory_space<hbm>> -> memref<16384xf32, #tpu.memory_space<hbm>>
    %dma_start3A_617 = tpu.memref_slice %arg4[%add3A_611] : memref<16777216xf32, #tpu.memory_space<hbm>> -> memref<16384xf32, #tpu.memory_space<hbm>>
    %dma_start3A_618 = arith.constant 0 : i32
    %dma_start3A_619 = tpu.memref_slice %arg6[%dma_start3A_612, %dma_start3A_618] : memref<2x16384xf32, #tpu.memory_space<vmem>> -> memref<1x16384xf32, #tpu.memory_space<vmem>>
    %dma_start3A_620 = tpu.memref_squeeze %dma_start3A_619 : memref<1x16384xf32, #tpu.memory_space<vmem>> -> memref<16384xf32, #tpu.memory_space<vmem>>
    tpu.enqueue_dma source(%dma_start3A_620 : memref<16384xf32, #tpu.memory_space<vmem>>) target(%dma_start3A_617 : memref<16384xf32, #tpu.memory_space<hbm>>) target_semaphore(%arg11 : memref<!tpu.dma_semaphore, #tpu.memory_space<semaphore_mem>>)
    %add3A_621 = arith.constant 24 : i32
    %add3A_622 = arith.addi %mul3A_2, %add3A_621 : i32
    %mul3A_623 = arith.constant 2048 : i32
    %mul3A_624 = arith.muli %add3A_622, %mul3A_623 : i32
    "tpu.region"() ({
      %run_scoped3A = tpu.sem_alloc : memref<!tpu.dma_semaphore, #tpu.memory_space<semaphore_mem>>
      %dma_start3A_1664 = tpu.memref_slice %arg3[%mul3A_624] : memref<4194304xf32, #tpu.memory_space<hbm>> -> memref<16384xf32, #tpu.memory_space<hbm>>
      %dma_start3A_1665 = tpu.memref_slice %arg3[%mul3A_624] : memref<4194304xf32, #tpu.memory_space<hbm>> -> memref<16384xf32, #tpu.memory_space<hbm>>
      tpu.enqueue_dma source(%dma_start3A_1665 : memref<16384xf32, #tpu.memory_space<hbm>>) target(%arg7 : memref<16384xf32, #tpu.memory_space<vmem>>) target_semaphore(%run_scoped3A : memref<!tpu.dma_semaphore, #tpu.memory_space<semaphore_mem>>)
      %dma_wait3A_1666 = tpu.memref_slice %arg3[%mul3A_624] : memref<4194304xf32, #tpu.memory_space<hbm>> -> memref<16384xf32, #tpu.memory_space<hbm>>
      %dma_wait3A_1667 = tpu.memref_slice %arg3[%mul3A_624] : memref<4194304xf32, #tpu.memory_space<hbm>> -> memref<16384xf32, #tpu.memory_space<hbm>>
      tpu.wait_dma2 semaphore(%run_scoped3A : memref<!tpu.dma_semaphore, #tpu.memory_space<semaphore_mem>>) src(%dma_wait3A_1667 : memref<16384xf32, #tpu.memory_space<hbm>>) dst(%arg7 : memref<16384xf32, #tpu.memory_space<vmem>>)
      tpu.yield
    }) : () -> ()
    %add3A_625 = arith.constant 24 : i32
    %add3A_626 = arith.addi %mul3A_2, %add3A_625 : i32
    %mul3A_627 = arith.constant 2048 : i32
    %mul3A_628 = arith.muli %add3A_626, %mul3A_627 : i32
    %add3A_629 = arith.constant 4194304 : i32
    %add3A_630 = arith.addi %add3A_629, %mul3A_628 : i32
    %dma_start3A_631 = arith.constant 1 : i32
    %dma_start3A_632 = arith.constant 0 : i32
    %dma_start3A_633 = tpu.memref_slice %arg5[%dma_start3A_631, %dma_start3A_632] : memref<2x16384xf32, #tpu.memory_space<vmem>> -> memref<1x16384xf32, #tpu.memory_space<vmem>>
    %dma_start3A_634 = tpu.memref_squeeze %dma_start3A_633 : memref<1x16384xf32, #tpu.memory_space<vmem>> -> memref<16384xf32, #tpu.memory_space<vmem>>
    %dma_start3A_635 = tpu.memref_slice %arg2[%add3A_630] : memref<16777216xf32, #tpu.memory_space<hbm>> -> memref<16384xf32, #tpu.memory_space<hbm>>
    %dma_start3A_636 = arith.constant 0 : i32
    %dma_start3A_637 = tpu.memref_slice %arg5[%dma_start3A_631, %dma_start3A_636] : memref<2x16384xf32, #tpu.memory_space<vmem>> -> memref<1x16384xf32, #tpu.memory_space<vmem>>
    %dma_start3A_638 = tpu.memref_squeeze %dma_start3A_637 : memref<1x16384xf32, #tpu.memory_space<vmem>> -> memref<16384xf32, #tpu.memory_space<vmem>>
    %dma_start3A_639 = tpu.memref_slice %arg2[%add3A_630] : memref<16777216xf32, #tpu.memory_space<hbm>> -> memref<16384xf32, #tpu.memory_space<hbm>>
    tpu.enqueue_dma source(%dma_start3A_639 : memref<16384xf32, #tpu.memory_space<hbm>>) target(%dma_start3A_638 : memref<16384xf32, #tpu.memory_space<vmem>>) target_semaphore(%arg9 : memref<!tpu.dma_semaphore, #tpu.memory_space<semaphore_mem>>)
    %dma_wait3A_640 = arith.constant 0 : i32
    %dma_wait3A_641 = arith.constant 0 : i32
    %dma_wait3A_642 = tpu.memref_slice %arg5[%dma_wait3A_640, %dma_wait3A_641] : memref<2x16384xf32, #tpu.memory_space<vmem>> -> memref<1x16384xf32, #tpu.memory_space<vmem>>
    %dma_wait3A_643 = tpu.memref_squeeze %dma_wait3A_642 : memref<1x16384xf32, #tpu.memory_space<vmem>> -> memref<16384xf32, #tpu.memory_space<vmem>>
    %dma_wait3A_644 = tpu.memref_slice %arg2[%add3A_575] : memref<16777216xf32, #tpu.memory_space<hbm>> -> memref<16384xf32, #tpu.memory_space<hbm>>
    %dma_wait3A_645 = arith.constant 0 : i32
    %dma_wait3A_646 = tpu.memref_slice %arg5[%dma_wait3A_640, %dma_wait3A_645] : memref<2x16384xf32, #tpu.memory_space<vmem>> -> memref<1x16384xf32, #tpu.memory_space<vmem>>
    %dma_wait3A_647 = tpu.memref_squeeze %dma_wait3A_646 : memref<1x16384xf32, #tpu.memory_space<vmem>> -> memref<16384xf32, #tpu.memory_space<vmem>>
    %dma_wait3A_648 = tpu.memref_slice %arg2[%add3A_575] : memref<16777216xf32, #tpu.memory_space<hbm>> -> memref<16384xf32, #tpu.memory_space<hbm>>
    tpu.wait_dma2 semaphore(%arg8 : memref<!tpu.dma_semaphore, #tpu.memory_space<semaphore_mem>>) src(%dma_wait3A_648 : memref<16384xf32, #tpu.memory_space<hbm>>) dst(%dma_wait3A_647 : memref<16384xf32, #tpu.memory_space<vmem>>)
    %dma_wait3A_649 = arith.constant 0 : i32
    %dma_wait3A_650 = arith.constant 0 : i32
    %dma_wait3A_651 = tpu.memref_slice %arg6[%dma_wait3A_649, %dma_wait3A_650] : memref<2x16384xf32, #tpu.memory_space<vmem>> -> memref<1x16384xf32, #tpu.memory_space<vmem>>
    %dma_wait3A_652 = tpu.memref_squeeze %dma_wait3A_651 : memref<1x16384xf32, #tpu.memory_space<vmem>> -> memref<16384xf32, #tpu.memory_space<vmem>>
    %dma_wait3A_653 = tpu.memref_slice %arg4[%add3A_560] : memref<16777216xf32, #tpu.memory_space<hbm>> -> memref<16384xf32, #tpu.memory_space<hbm>>
    %dma_wait3A_654 = tpu.memref_slice %arg4[%add3A_560] : memref<16777216xf32, #tpu.memory_space<hbm>> -> memref<16384xf32, #tpu.memory_space<hbm>>
    %dma_wait3A_655 = arith.constant 0 : i32
    %dma_wait3A_656 = tpu.memref_slice %arg6[%dma_wait3A_649, %dma_wait3A_655] : memref<2x16384xf32, #tpu.memory_space<vmem>> -> memref<1x16384xf32, #tpu.memory_space<vmem>>
    %dma_wait3A_657 = tpu.memref_squeeze %dma_wait3A_656 : memref<1x16384xf32, #tpu.memory_space<vmem>> -> memref<16384xf32, #tpu.memory_space<vmem>>
    tpu.wait_dma2 semaphore(%arg10 : memref<!tpu.dma_semaphore, #tpu.memory_space<semaphore_mem>>) src(%dma_wait3A_657 : memref<16384xf32, #tpu.memory_space<vmem>>) dst(%dma_wait3A_654 : memref<16384xf32, #tpu.memory_space<hbm>>)
    %parallel_loop3A_658 = arith.constant 0 : i32
    %parallel_loop3A_659 = arith.constant 1024 : i32
    %parallel_loop3A_660 = arith.constant 1 : i32
    scf.for %parallel_loop3A_1664 = %parallel_loop3A_658 to %parallel_loop3A_659 step %parallel_loop3A_660  : i32 {
      %parallel_loop3A_1665 = arith.constant 16 : i32
      %parallel_loop3A_1666 = arith.muli %parallel_loop3A_1664, %parallel_loop3A_1665 : i32
      %parallel_loop3A_1667 = arith.constant 0 : i32
      %parallel_loop3A_1668 = arith.index_cast %parallel_loop3A_1667 : i32 to index
      %parallel_loop3A_1669 = arith.index_cast %parallel_loop3A_1666 : i32 to index
      %parallel_loop3A_1670 = tpu.vector_load %arg5[%parallel_loop3A_1668, %parallel_loop3A_1669] {strides = array<i32>} : memref<2x16384xf32, #tpu.memory_space<vmem>>, vector<1x16xf32>,
      %parallel_loop3A_1671 = vector.shape_cast %parallel_loop3A_1670 : vector<1x16xf32> to vector<16xf32>
      %parallel_loop3A_1672 = arith.index_cast %parallel_loop3A_1666 : i32 to index
      %parallel_loop3A_1673 = tpu.vector_load %arg7[%parallel_loop3A_1672] {strides = array<i32>} : memref<16384xf32, #tpu.memory_space<vmem>>, vector<16xf32>,
      %parallel_loop3A_1674 = vector.shape_cast %parallel_loop3A_1673 : vector<16xf32> to vector<16xf32>
      %parallel_loop3A_1675 = arith.addf %parallel_loop3A_1671, %parallel_loop3A_1674 : vector<16xf32>
      %parallel_loop3A_1676 = arith.constant 0 : i32
      %parallel_loop3A_1677 = arith.index_cast %parallel_loop3A_1676 : i32 to index
      %parallel_loop3A_1678 = arith.index_cast %parallel_loop3A_1666 : i32 to index
      %parallel_loop3A_1679 = tpu.vector_load %arg6[%parallel_loop3A_1677, %parallel_loop3A_1678] {strides = array<i32>} : memref<2x16384xf32, #tpu.memory_space<vmem>>, vector<1x16xf32>,
      %parallel_loop3A_1680 = vector.shape_cast %parallel_loop3A_1679 : vector<1x16xf32> to vector<16xf32>
      %parallel_loop3A_1681 = vector.shape_cast %parallel_loop3A_1675 : vector<16xf32> to vector<1x16xf32>
      tpu.vector_store %arg6[%parallel_loop3A_1677, %parallel_loop3A_1678], %parallel_loop3A_1681 {strides = array<i32>} : memref<2x16384xf32, #tpu.memory_space<vmem>>, vector<1x16xf32>,
    } {sc.loop_unroll_factor = 8 : i64, sc.parallel_access}
    %add3A_661 = arith.constant 24 : i32
    %add3A_662 = arith.addi %mul3A_2, %add3A_661 : i32
    %mul3A_663 = arith.constant 2048 : i32
    %mul3A_664 = arith.muli %add3A_662, %mul3A_663 : i32
    %add3A_665 = arith.constant 0 : i32
    %add3A_666 = arith.addi %add3A_665, %mul3A_664 : i32
    %dma_start3A_667 = arith.constant 0 : i32
    %dma_start3A_668 = arith.constant 0 : i32
    %dma_start3A_669 = tpu.memref_slice %arg6[%dma_start3A_667, %dma_start3A_668] : memref<2x16384xf32, #tpu.memory_space<vmem>> -> memref<1x16384xf32, #tpu.memory_space<vmem>>
    %dma_start3A_670 = tpu.memref_squeeze %dma_start3A_669 : memref<1x16384xf32, #tpu.memory_space<vmem>> -> memref<16384xf32, #tpu.memory_space<vmem>>
    %dma_start3A_671 = tpu.memref_slice %arg4[%add3A_666] : memref<16777216xf32, #tpu.memory_space<hbm>> -> memref<16384xf32, #tpu.memory_space<hbm>>
    %dma_start3A_672 = tpu.memref_slice %arg4[%add3A_666] : memref<16777216xf32, #tpu.memory_space<hbm>> -> memref<16384xf32, #tpu.memory_space<hbm>>
    %dma_start3A_673 = arith.constant 0 : i32
    %dma_start3A_674 = tpu.memref_slice %arg6[%dma_start3A_667, %dma_start3A_673] : memref<2x16384xf32, #tpu.memory_space<vmem>> -> memref<1x16384xf32, #tpu.memory_space<vmem>>
    %dma_start3A_675 = tpu.memref_squeeze %dma_start3A_674 : memref<1x16384xf32, #tpu.memory_space<vmem>> -> memref<16384xf32, #tpu.memory_space<vmem>>
    tpu.enqueue_dma source(%dma_start3A_675 : memref<16384xf32, #tpu.memory_space<vmem>>) target(%dma_start3A_672 : memref<16384xf32, #tpu.memory_space<hbm>>) target_semaphore(%arg10 : memref<!tpu.dma_semaphore, #tpu.memory_space<semaphore_mem>>)
    %add3A_676 = arith.constant 24 : i32
    %add3A_677 = arith.addi %mul3A_2, %add3A_676 : i32
    %mul3A_678 = arith.constant 2048 : i32
    %mul3A_679 = arith.muli %add3A_677, %mul3A_678 : i32
    %add3A_680 = arith.constant 8388608 : i32
    %add3A_681 = arith.addi %add3A_680, %mul3A_679 : i32
    %dma_start3A_682 = arith.constant 0 : i32
    %dma_start3A_683 = arith.constant 0 : i32
    %dma_start3A_684 = tpu.memref_slice %arg5[%dma_start3A_682, %dma_start3A_683] : memref<2x16384xf32, #tpu.memory_space<vmem>> -> memref<1x16384xf32, #tpu.memory_space<vmem>>
    %dma_start3A_685 = tpu.memref_squeeze %dma_start3A_684 : memref<1x16384xf32, #tpu.memory_space<vmem>> -> memref<16384xf32, #tpu.memory_space<vmem>>
    %dma_start3A_686 = tpu.memref_slice %arg2[%add3A_681] : memref<16777216xf32, #tpu.memory_space<hbm>> -> memref<16384xf32, #tpu.memory_space<hbm>>
    %dma_start3A_687 = arith.constant 0 : i32
    %dma_start3A_688 = tpu.memref_slice %arg5[%dma_start3A_682, %dma_start3A_687] : memref<2x16384xf32, #tpu.memory_space<vmem>> -> memref<1x16384xf32, #tpu.memory_space<vmem>>
    %dma_start3A_689 = tpu.memref_squeeze %dma_start3A_688 : memref<1x16384xf32, #tpu.memory_space<vmem>> -> memref<16384xf32, #tpu.memory_space<vmem>>
    %dma_start3A_690 = tpu.memref_slice %arg2[%add3A_681] : memref<16777216xf32, #tpu.memory_space<hbm>> -> memref<16384xf32, #tpu.memory_space<hbm>>
    tpu.enqueue_dma source(%dma_start3A_690 : memref<16384xf32, #tpu.memory_space<hbm>>) target(%dma_start3A_689 : memref<16384xf32, #tpu.memory_space<vmem>>) target_semaphore(%arg8 : memref<!tpu.dma_semaphore, #tpu.memory_space<semaphore_mem>>)
    %dma_wait3A_691 = arith.constant 1 : i32
    %dma_wait3A_692 = arith.constant 0 : i32
    %dma_wait3A_693 = tpu.memref_slice %arg5[%dma_wait3A_691, %dma_wait3A_692] : memref<2x16384xf32, #tpu.memory_space<vmem>> -> memref<1x16384xf32, #tpu.memory_space<vmem>>
    %dma_wait3A_694 = tpu.memref_squeeze %dma_wait3A_693 : memref<1x16384xf32, #tpu.memory_space<vmem>> -> memref<16384xf32, #tpu.memory_space<vmem>>
    %dma_wait3A_695 = tpu.memref_slice %arg2[%add3A_630] : memref<16777216xf32, #tpu.memory_space<hbm>> -> memref<16384xf32, #tpu.memory_space<hbm>>
    %dma_wait3A_696 = arith.constant 0 : i32
    %dma_wait3A_697 = tpu.memref_slice %arg5[%dma_wait3A_691, %dma_wait3A_696] : memref<2x16384xf32, #tpu.memory_space<vmem>> -> memref<1x16384xf32, #tpu.memory_space<vmem>>
    %dma_wait3A_698 = tpu.memref_squeeze %dma_wait3A_697 : memref<1x16384xf32, #tpu.memory_space<vmem>> -> memref<16384xf32, #tpu.memory_space<vmem>>
    %dma_wait3A_699 = tpu.memref_slice %arg2[%add3A_630] : memref<16777216xf32, #tpu.memory_space<hbm>> -> memref<16384xf32, #tpu.memory_space<hbm>>
    tpu.wait_dma2 semaphore(%arg9 : memref<!tpu.dma_semaphore, #tpu.memory_space<semaphore_mem>>) src(%dma_wait3A_699 : memref<16384xf32, #tpu.memory_space<hbm>>) dst(%dma_wait3A_698 : memref<16384xf32, #tpu.memory_space<vmem>>)
    %dma_wait3A_700 = arith.constant 1 : i32
    %dma_wait3A_701 = arith.constant 0 : i32
    %dma_wait3A_702 = tpu.memref_slice %arg6[%dma_wait3A_700, %dma_wait3A_701] : memref<2x16384xf32, #tpu.memory_space<vmem>> -> memref<1x16384xf32, #tpu.memory_space<vmem>>
    %dma_wait3A_703 = tpu.memref_squeeze %dma_wait3A_702 : memref<1x16384xf32, #tpu.memory_space<vmem>> -> memref<16384xf32, #tpu.memory_space<vmem>>
    %dma_wait3A_704 = tpu.memref_slice %arg4[%add3A_611] : memref<16777216xf32, #tpu.memory_space<hbm>> -> memref<16384xf32, #tpu.memory_space<hbm>>
    %dma_wait3A_705 = tpu.memref_slice %arg4[%add3A_611] : memref<16777216xf32, #tpu.memory_space<hbm>> -> memref<16384xf32, #tpu.memory_space<hbm>>
    %dma_wait3A_706 = arith.constant 0 : i32
    %dma_wait3A_707 = tpu.memref_slice %arg6[%dma_wait3A_700, %dma_wait3A_706] : memref<2x16384xf32, #tpu.memory_space<vmem>> -> memref<1x16384xf32, #tpu.memory_space<vmem>>
    %dma_wait3A_708 = tpu.memref_squeeze %dma_wait3A_707 : memref<1x16384xf32, #tpu.memory_space<vmem>> -> memref<16384xf32, #tpu.memory_space<vmem>>
    tpu.wait_dma2 semaphore(%arg11 : memref<!tpu.dma_semaphore, #tpu.memory_space<semaphore_mem>>) src(%dma_wait3A_708 : memref<16384xf32, #tpu.memory_space<vmem>>) dst(%dma_wait3A_705 : memref<16384xf32, #tpu.memory_space<hbm>>)
    %parallel_loop3A_709 = arith.constant 0 : i32
    %parallel_loop3A_710 = arith.constant 1024 : i32
    %parallel_loop3A_711 = arith.constant 1 : i32
    scf.for %parallel_loop3A_1664 = %parallel_loop3A_709 to %parallel_loop3A_710 step %parallel_loop3A_711  : i32 {
      %parallel_loop3A_1665 = arith.constant 16 : i32
      %parallel_loop3A_1666 = arith.muli %parallel_loop3A_1664, %parallel_loop3A_1665 : i32
      %parallel_loop3A_1667 = arith.constant 1 : i32
      %parallel_loop3A_1668 = arith.index_cast %parallel_loop3A_1667 : i32 to index
      %parallel_loop3A_1669 = arith.index_cast %parallel_loop3A_1666 : i32 to index
      %parallel_loop3A_1670 = tpu.vector_load %arg5[%parallel_loop3A_1668, %parallel_loop3A_1669] {strides = array<i32>} : memref<2x16384xf32, #tpu.memory_space<vmem>>, vector<1x16xf32>,
      %parallel_loop3A_1671 = vector.shape_cast %parallel_loop3A_1670 : vector<1x16xf32> to vector<16xf32>
      %parallel_loop3A_1672 = arith.index_cast %parallel_loop3A_1666 : i32 to index
      %parallel_loop3A_1673 = tpu.vector_load %arg7[%parallel_loop3A_1672] {strides = array<i32>} : memref<16384xf32, #tpu.memory_space<vmem>>, vector<16xf32>,
      %parallel_loop3A_1674 = vector.shape_cast %parallel_loop3A_1673 : vector<16xf32> to vector<16xf32>
      %parallel_loop3A_1675 = arith.addf %parallel_loop3A_1671, %parallel_loop3A_1674 : vector<16xf32>
      %parallel_loop3A_1676 = arith.constant 1 : i32
      %parallel_loop3A_1677 = arith.index_cast %parallel_loop3A_1676 : i32 to index
      %parallel_loop3A_1678 = arith.index_cast %parallel_loop3A_1666 : i32 to index
      %parallel_loop3A_1679 = tpu.vector_load %arg6[%parallel_loop3A_1677, %parallel_loop3A_1678] {strides = array<i32>} : memref<2x16384xf32, #tpu.memory_space<vmem>>, vector<1x16xf32>,
      %parallel_loop3A_1680 = vector.shape_cast %parallel_loop3A_1679 : vector<1x16xf32> to vector<16xf32>
      %parallel_loop3A_1681 = vector.shape_cast %parallel_loop3A_1675 : vector<16xf32> to vector<1x16xf32>
      tpu.vector_store %arg6[%parallel_loop3A_1677, %parallel_loop3A_1678], %parallel_loop3A_1681 {strides = array<i32>} : memref<2x16384xf32, #tpu.memory_space<vmem>>, vector<1x16xf32>,
    } {sc.loop_unroll_factor = 8 : i64, sc.parallel_access}
    %add3A_712 = arith.constant 24 : i32
    %add3A_713 = arith.addi %mul3A_2, %add3A_712 : i32
    %mul3A_714 = arith.constant 2048 : i32
    %mul3A_715 = arith.muli %add3A_713, %mul3A_714 : i32
    %add3A_716 = arith.constant 4194304 : i32
    %add3A_717 = arith.addi %add3A_716, %mul3A_715 : i32
    %dma_start3A_718 = arith.constant 1 : i32
    %dma_start3A_719 = arith.constant 0 : i32
    %dma_start3A_720 = tpu.memref_slice %arg6[%dma_start3A_718, %dma_start3A_719] : memref<2x16384xf32, #tpu.memory_space<vmem>> -> memref<1x16384xf32, #tpu.memory_space<vmem>>
    %dma_start3A_721 = tpu.memref_squeeze %dma_start3A_720 : memref<1x16384xf32, #tpu.memory_space<vmem>> -> memref<16384xf32, #tpu.memory_space<vmem>>
    %dma_start3A_722 = tpu.memref_slice %arg4[%add3A_717] : memref<16777216xf32, #tpu.memory_space<hbm>> -> memref<16384xf32, #tpu.memory_space<hbm>>
    %dma_start3A_723 = tpu.memref_slice %arg4[%add3A_717] : memref<16777216xf32, #tpu.memory_space<hbm>> -> memref<16384xf32, #tpu.memory_space<hbm>>
    %dma_start3A_724 = arith.constant 0 : i32
    %dma_start3A_725 = tpu.memref_slice %arg6[%dma_start3A_718, %dma_start3A_724] : memref<2x16384xf32, #tpu.memory_space<vmem>> -> memref<1x16384xf32, #tpu.memory_space<vmem>>
    %dma_start3A_726 = tpu.memref_squeeze %dma_start3A_725 : memref<1x16384xf32, #tpu.memory_space<vmem>> -> memref<16384xf32, #tpu.memory_space<vmem>>
    tpu.enqueue_dma source(%dma_start3A_726 : memref<16384xf32, #tpu.memory_space<vmem>>) target(%dma_start3A_723 : memref<16384xf32, #tpu.memory_space<hbm>>) target_semaphore(%arg11 : memref<!tpu.dma_semaphore, #tpu.memory_space<semaphore_mem>>)
    %add3A_727 = arith.constant 24 : i32
    %add3A_728 = arith.addi %mul3A_2, %add3A_727 : i32
    %mul3A_729 = arith.constant 2048 : i32
    %mul3A_730 = arith.muli %add3A_728, %mul3A_729 : i32
    %add3A_731 = arith.constant 12582912 : i32
    %add3A_732 = arith.addi %add3A_731, %mul3A_730 : i32
    %dma_start3A_733 = arith.constant 1 : i32
    %dma_start3A_734 = arith.constant 0 : i32
    %dma_start3A_735 = tpu.memref_slice %arg5[%dma_start3A_733, %dma_start3A_734] : memref<2x16384xf32, #tpu.memory_space<vmem>> -> memref<1x16384xf32, #tpu.memory_space<vmem>>
    %dma_start3A_736 = tpu.memref_squeeze %dma_start3A_735 : memref<1x16384xf32, #tpu.memory_space<vmem>> -> memref<16384xf32, #tpu.memory_space<vmem>>
    %dma_start3A_737 = tpu.memref_slice %arg2[%add3A_732] : memref<16777216xf32, #tpu.memory_space<hbm>> -> memref<16384xf32, #tpu.memory_space<hbm>>
    %dma_start3A_738 = arith.constant 0 : i32
    %dma_start3A_739 = tpu.memref_slice %arg5[%dma_start3A_733, %dma_start3A_738] : memref<2x16384xf32, #tpu.memory_space<vmem>> -> memref<1x16384xf32, #tpu.memory_space<vmem>>
    %dma_start3A_740 = tpu.memref_squeeze %dma_start3A_739 : memref<1x16384xf32, #tpu.memory_space<vmem>> -> memref<16384xf32, #tpu.memory_space<vmem>>
    %dma_start3A_741 = tpu.memref_slice %arg2[%add3A_732] : memref<16777216xf32, #tpu.memory_space<hbm>> -> memref<16384xf32, #tpu.memory_space<hbm>>
    tpu.enqueue_dma source(%dma_start3A_741 : memref<16384xf32, #tpu.memory_space<hbm>>) target(%dma_start3A_740 : memref<16384xf32, #tpu.memory_space<vmem>>) target_semaphore(%arg9 : memref<!tpu.dma_semaphore, #tpu.memory_space<semaphore_mem>>)
    %dma_wait3A_742 = arith.constant 0 : i32
    %dma_wait3A_743 = arith.constant 0 : i32
    %dma_wait3A_744 = tpu.memref_slice %arg5[%dma_wait3A_742, %dma_wait3A_743] : memref<2x16384xf32, #tpu.memory_space<vmem>> -> memref<1x16384xf32, #tpu.memory_space<vmem>>
    %dma_wait3A_745 = tpu.memref_squeeze %dma_wait3A_744 : memref<1x16384xf32, #tpu.memory_space<vmem>> -> memref<16384xf32, #tpu.memory_space<vmem>>
    %dma_wait3A_746 = tpu.memref_slice %arg2[%add3A_681] : memref<16777216xf32, #tpu.memory_space<hbm>> -> memref<16384xf32, #tpu.memory_space<hbm>>
    %dma_wait3A_747 = arith.constant 0 : i32
    %dma_wait3A_748 = tpu.memref_slice %arg5[%dma_wait3A_742, %dma_wait3A_747] : memref<2x16384xf32, #tpu.memory_space<vmem>> -> memref<1x16384xf32, #tpu.memory_space<vmem>>
    %dma_wait3A_749 = tpu.memref_squeeze %dma_wait3A_748 : memref<1x16384xf32, #tpu.memory_space<vmem>> -> memref<16384xf32, #tpu.memory_space<vmem>>
    %dma_wait3A_750 = tpu.memref_slice %arg2[%add3A_681] : memref<16777216xf32, #tpu.memory_space<hbm>> -> memref<16384xf32, #tpu.memory_space<hbm>>
    tpu.wait_dma2 semaphore(%arg8 : memref<!tpu.dma_semaphore, #tpu.memory_space<semaphore_mem>>) src(%dma_wait3A_750 : memref<16384xf32, #tpu.memory_space<hbm>>) dst(%dma_wait3A_749 : memref<16384xf32, #tpu.memory_space<vmem>>)
    %dma_wait3A_751 = arith.constant 0 : i32
    %dma_wait3A_752 = arith.constant 0 : i32
    %dma_wait3A_753 = tpu.memref_slice %arg6[%dma_wait3A_751, %dma_wait3A_752] : memref<2x16384xf32, #tpu.memory_space<vmem>> -> memref<1x16384xf32, #tpu.memory_space<vmem>>
    %dma_wait3A_754 = tpu.memref_squeeze %dma_wait3A_753 : memref<1x16384xf32, #tpu.memory_space<vmem>> -> memref<16384xf32, #tpu.memory_space<vmem>>
    %dma_wait3A_755 = tpu.memref_slice %arg4[%add3A_666] : memref<16777216xf32, #tpu.memory_space<hbm>> -> memref<16384xf32, #tpu.memory_space<hbm>>
    %dma_wait3A_756 = tpu.memref_slice %arg4[%add3A_666] : memref<16777216xf32, #tpu.memory_space<hbm>> -> memref<16384xf32, #tpu.memory_space<hbm>>
    %dma_wait3A_757 = arith.constant 0 : i32
    %dma_wait3A_758 = tpu.memref_slice %arg6[%dma_wait3A_751, %dma_wait3A_757] : memref<2x16384xf32, #tpu.memory_space<vmem>> -> memref<1x16384xf32, #tpu.memory_space<vmem>>
    %dma_wait3A_759 = tpu.memref_squeeze %dma_wait3A_758 : memref<1x16384xf32, #tpu.memory_space<vmem>> -> memref<16384xf32, #tpu.memory_space<vmem>>
    tpu.wait_dma2 semaphore(%arg10 : memref<!tpu.dma_semaphore, #tpu.memory_space<semaphore_mem>>) src(%dma_wait3A_759 : memref<16384xf32, #tpu.memory_space<vmem>>) dst(%dma_wait3A_756 : memref<16384xf32, #tpu.memory_space<hbm>>)
    %parallel_loop3A_760 = arith.constant 0 : i32
    %parallel_loop3A_761 = arith.constant 1024 : i32
    %parallel_loop3A_762 = arith.constant 1 : i32
    scf.for %parallel_loop3A_1664 = %parallel_loop3A_760 to %parallel_loop3A_761 step %parallel_loop3A_762  : i32 {
      %parallel_loop3A_1665 = arith.constant 16 : i32
      %parallel_loop3A_1666 = arith.muli %parallel_loop3A_1664, %parallel_loop3A_1665 : i32
      %parallel_loop3A_1667 = arith.constant 0 : i32
      %parallel_loop3A_1668 = arith.index_cast %parallel_loop3A_1667 : i32 to index
      %parallel_loop3A_1669 = arith.index_cast %parallel_loop3A_1666 : i32 to index
      %parallel_loop3A_1670 = tpu.vector_load %arg5[%parallel_loop3A_1668, %parallel_loop3A_1669] {strides = array<i32>} : memref<2x16384xf32, #tpu.memory_space<vmem>>, vector<1x16xf32>,
      %parallel_loop3A_1671 = vector.shape_cast %parallel_loop3A_1670 : vector<1x16xf32> to vector<16xf32>
      %parallel_loop3A_1672 = arith.index_cast %parallel_loop3A_1666 : i32 to index
      %parallel_loop3A_1673 = tpu.vector_load %arg7[%parallel_loop3A_1672] {strides = array<i32>} : memref<16384xf32, #tpu.memory_space<vmem>>, vector<16xf32>,
      %parallel_loop3A_1674 = vector.shape_cast %parallel_loop3A_1673 : vector<16xf32> to vector<16xf32>
      %parallel_loop3A_1675 = arith.addf %parallel_loop3A_1671, %parallel_loop3A_1674 : vector<16xf32>
      %parallel_loop3A_1676 = arith.constant 0 : i32
      %parallel_loop3A_1677 = arith.index_cast %parallel_loop3A_1676 : i32 to index
      %parallel_loop3A_1678 = arith.index_cast %parallel_loop3A_1666 : i32 to index
      %parallel_loop3A_1679 = tpu.vector_load %arg6[%parallel_loop3A_1677, %parallel_loop3A_1678] {strides = array<i32>} : memref<2x16384xf32, #tpu.memory_space<vmem>>, vector<1x16xf32>,
      %parallel_loop3A_1680 = vector.shape_cast %parallel_loop3A_1679 : vector<1x16xf32> to vector<16xf32>
      %parallel_loop3A_1681 = vector.shape_cast %parallel_loop3A_1675 : vector<16xf32> to vector<1x16xf32>
      tpu.vector_store %arg6[%parallel_loop3A_1677, %parallel_loop3A_1678], %parallel_loop3A_1681 {strides = array<i32>} : memref<2x16384xf32, #tpu.memory_space<vmem>>, vector<1x16xf32>,
    } {sc.loop_unroll_factor = 8 : i64, sc.parallel_access}
    %add3A_763 = arith.constant 24 : i32
    %add3A_764 = arith.addi %mul3A_2, %add3A_763 : i32
    %mul3A_765 = arith.constant 2048 : i32
    %mul3A_766 = arith.muli %add3A_764, %mul3A_765 : i32
    %add3A_767 = arith.constant 8388608 : i32
    %add3A_768 = arith.addi %add3A_767, %mul3A_766 : i32
    %dma_start3A_769 = arith.constant 0 : i32
    %dma_start3A_770 = arith.constant 0 : i32
    %dma_start3A_771 = tpu.memref_slice %arg6[%dma_start3A_769, %dma_start3A_770] : memref<2x16384xf32, #tpu.memory_space<vmem>> -> memref<1x16384xf32, #tpu.memory_space<vmem>>
    %dma_start3A_772 = tpu.memref_squeeze %dma_start3A_771 : memref<1x16384xf32, #tpu.memory_space<vmem>> -> memref<16384xf32, #tpu.memory_space<vmem>>
    %dma_start3A_773 = tpu.memref_slice %arg4[%add3A_768] : memref<16777216xf32, #tpu.memory_space<hbm>> -> memref<16384xf32, #tpu.memory_space<hbm>>
    %dma_start3A_774 = tpu.memref_slice %arg4[%add3A_768] : memref<16777216xf32, #tpu.memory_space<hbm>> -> memref<16384xf32, #tpu.memory_space<hbm>>
    %dma_start3A_775 = arith.constant 0 : i32
    %dma_start3A_776 = tpu.memref_slice %arg6[%dma_start3A_769, %dma_start3A_775] : memref<2x16384xf32, #tpu.memory_space<vmem>> -> memref<1x16384xf32, #tpu.memory_space<vmem>>
    %dma_start3A_777 = tpu.memref_squeeze %dma_start3A_776 : memref<1x16384xf32, #tpu.memory_space<vmem>> -> memref<16384xf32, #tpu.memory_space<vmem>>
    tpu.enqueue_dma source(%dma_start3A_777 : memref<16384xf32, #tpu.memory_space<vmem>>) target(%dma_start3A_774 : memref<16384xf32, #tpu.memory_space<hbm>>) target_semaphore(%arg10 : memref<!tpu.dma_semaphore, #tpu.memory_space<semaphore_mem>>)
    %add3A_778 = arith.constant 32 : i32
    %add3A_779 = arith.addi %mul3A_2, %add3A_778 : i32
    %mul3A_780 = arith.constant 2048 : i32
    %mul3A_781 = arith.muli %add3A_779, %mul3A_780 : i32
    %add3A_782 = arith.constant 0 : i32
    %add3A_783 = arith.addi %add3A_782, %mul3A_781 : i32
    %dma_start3A_784 = arith.constant 0 : i32
    %dma_start3A_785 = arith.constant 0 : i32
    %dma_start3A_786 = tpu.memref_slice %arg5[%dma_start3A_784, %dma_start3A_785] : memref<2x16384xf32, #tpu.memory_space<vmem>> -> memref<1x16384xf32, #tpu.memory_space<vmem>>
    %dma_start3A_787 = tpu.memref_squeeze %dma_start3A_786 : memref<1x16384xf32, #tpu.memory_space<vmem>> -> memref<16384xf32, #tpu.memory_space<vmem>>
    %dma_start3A_788 = tpu.memref_slice %arg2[%add3A_783] : memref<16777216xf32, #tpu.memory_space<hbm>> -> memref<16384xf32, #tpu.memory_space<hbm>>
    %dma_start3A_789 = arith.constant 0 : i32
    %dma_start3A_790 = tpu.memref_slice %arg5[%dma_start3A_784, %dma_start3A_789] : memref<2x16384xf32, #tpu.memory_space<vmem>> -> memref<1x16384xf32, #tpu.memory_space<vmem>>
    %dma_start3A_791 = tpu.memref_squeeze %dma_start3A_790 : memref<1x16384xf32, #tpu.memory_space<vmem>> -> memref<16384xf32, #tpu.memory_space<vmem>>
    %dma_start3A_792 = tpu.memref_slice %arg2[%add3A_783] : memref<16777216xf32, #tpu.memory_space<hbm>> -> memref<16384xf32, #tpu.memory_space<hbm>>
    tpu.enqueue_dma source(%dma_start3A_792 : memref<16384xf32, #tpu.memory_space<hbm>>) target(%dma_start3A_791 : memref<16384xf32, #tpu.memory_space<vmem>>) target_semaphore(%arg8 : memref<!tpu.dma_semaphore, #tpu.memory_space<semaphore_mem>>)
    %dma_wait3A_793 = arith.constant 1 : i32
    %dma_wait3A_794 = arith.constant 0 : i32
    %dma_wait3A_795 = tpu.memref_slice %arg5[%dma_wait3A_793, %dma_wait3A_794] : memref<2x16384xf32, #tpu.memory_space<vmem>> -> memref<1x16384xf32, #tpu.memory_space<vmem>>
    %dma_wait3A_796 = tpu.memref_squeeze %dma_wait3A_795 : memref<1x16384xf32, #tpu.memory_space<vmem>> -> memref<16384xf32, #tpu.memory_space<vmem>>
    %dma_wait3A_797 = tpu.memref_slice %arg2[%add3A_732] : memref<16777216xf32, #tpu.memory_space<hbm>> -> memref<16384xf32, #tpu.memory_space<hbm>>
    %dma_wait3A_798 = arith.constant 0 : i32
    %dma_wait3A_799 = tpu.memref_slice %arg5[%dma_wait3A_793, %dma_wait3A_798] : memref<2x16384xf32, #tpu.memory_space<vmem>> -> memref<1x16384xf32, #tpu.memory_space<vmem>>
    %dma_wait3A_800 = tpu.memref_squeeze %dma_wait3A_799 : memref<1x16384xf32, #tpu.memory_space<vmem>> -> memref<16384xf32, #tpu.memory_space<vmem>>
    %dma_wait3A_801 = tpu.memref_slice %arg2[%add3A_732] : memref<16777216xf32, #tpu.memory_space<hbm>> -> memref<16384xf32, #tpu.memory_space<hbm>>
    tpu.wait_dma2 semaphore(%arg9 : memref<!tpu.dma_semaphore, #tpu.memory_space<semaphore_mem>>) src(%dma_wait3A_801 : memref<16384xf32, #tpu.memory_space<hbm>>) dst(%dma_wait3A_800 : memref<16384xf32, #tpu.memory_space<vmem>>)
    %dma_wait3A_802 = arith.constant 1 : i32
    %dma_wait3A_803 = arith.constant 0 : i32
    %dma_wait3A_804 = tpu.memref_slice %arg6[%dma_wait3A_802, %dma_wait3A_803] : memref<2x16384xf32, #tpu.memory_space<vmem>> -> memref<1x16384xf32, #tpu.memory_space<vmem>>
    %dma_wait3A_805 = tpu.memref_squeeze %dma_wait3A_804 : memref<1x16384xf32, #tpu.memory_space<vmem>> -> memref<16384xf32, #tpu.memory_space<vmem>>
    %dma_wait3A_806 = tpu.memref_slice %arg4[%add3A_717] : memref<16777216xf32, #tpu.memory_space<hbm>> -> memref<16384xf32, #tpu.memory_space<hbm>>
    %dma_wait3A_807 = tpu.memref_slice %arg4[%add3A_717] : memref<16777216xf32, #tpu.memory_space<hbm>> -> memref<16384xf32, #tpu.memory_space<hbm>>
    %dma_wait3A_808 = arith.constant 0 : i32
    %dma_wait3A_809 = tpu.memref_slice %arg6[%dma_wait3A_802, %dma_wait3A_808] : memref<2x16384xf32, #tpu.memory_space<vmem>> -> memref<1x16384xf32, #tpu.memory_space<vmem>>
    %dma_wait3A_810 = tpu.memref_squeeze %dma_wait3A_809 : memref<1x16384xf32, #tpu.memory_space<vmem>> -> memref<16384xf32, #tpu.memory_space<vmem>>
    tpu.wait_dma2 semaphore(%arg11 : memref<!tpu.dma_semaphore, #tpu.memory_space<semaphore_mem>>) src(%dma_wait3A_810 : memref<16384xf32, #tpu.memory_space<vmem>>) dst(%dma_wait3A_807 : memref<16384xf32, #tpu.memory_space<hbm>>)
    %parallel_loop3A_811 = arith.constant 0 : i32
    %parallel_loop3A_812 = arith.constant 1024 : i32
    %parallel_loop3A_813 = arith.constant 1 : i32
    scf.for %parallel_loop3A_1664 = %parallel_loop3A_811 to %parallel_loop3A_812 step %parallel_loop3A_813  : i32 {
      %parallel_loop3A_1665 = arith.constant 16 : i32
      %parallel_loop3A_1666 = arith.muli %parallel_loop3A_1664, %parallel_loop3A_1665 : i32
      %parallel_loop3A_1667 = arith.constant 1 : i32
      %parallel_loop3A_1668 = arith.index_cast %parallel_loop3A_1667 : i32 to index
      %parallel_loop3A_1669 = arith.index_cast %parallel_loop3A_1666 : i32 to index
      %parallel_loop3A_1670 = tpu.vector_load %arg5[%parallel_loop3A_1668, %parallel_loop3A_1669] {strides = array<i32>} : memref<2x16384xf32, #tpu.memory_space<vmem>>, vector<1x16xf32>,
      %parallel_loop3A_1671 = vector.shape_cast %parallel_loop3A_1670 : vector<1x16xf32> to vector<16xf32>
      %parallel_loop3A_1672 = arith.index_cast %parallel_loop3A_1666 : i32 to index
      %parallel_loop3A_1673 = tpu.vector_load %arg7[%parallel_loop3A_1672] {strides = array<i32>} : memref<16384xf32, #tpu.memory_space<vmem>>, vector<16xf32>,
      %parallel_loop3A_1674 = vector.shape_cast %parallel_loop3A_1673 : vector<16xf32> to vector<16xf32>
      %parallel_loop3A_1675 = arith.addf %parallel_loop3A_1671, %parallel_loop3A_1674 : vector<16xf32>
      %parallel_loop3A_1676 = arith.constant 1 : i32
      %parallel_loop3A_1677 = arith.index_cast %parallel_loop3A_1676 : i32 to index
      %parallel_loop3A_1678 = arith.index_cast %parallel_loop3A_1666 : i32 to index
      %parallel_loop3A_1679 = tpu.vector_load %arg6[%parallel_loop3A_1677, %parallel_loop3A_1678] {strides = array<i32>} : memref<2x16384xf32, #tpu.memory_space<vmem>>, vector<1x16xf32>,
      %parallel_loop3A_1680 = vector.shape_cast %parallel_loop3A_1679 : vector<1x16xf32> to vector<16xf32>
      %parallel_loop3A_1681 = vector.shape_cast %parallel_loop3A_1675 : vector<16xf32> to vector<1x16xf32>
      tpu.vector_store %arg6[%parallel_loop3A_1677, %parallel_loop3A_1678], %parallel_loop3A_1681 {strides = array<i32>} : memref<2x16384xf32, #tpu.memory_space<vmem>>, vector<1x16xf32>,
    } {sc.loop_unroll_factor = 8 : i64, sc.parallel_access}
    %add3A_814 = arith.constant 24 : i32
    %add3A_815 = arith.addi %mul3A_2, %add3A_814 : i32
    %mul3A_816 = arith.constant 2048 : i32
    %mul3A_817 = arith.muli %add3A_815, %mul3A_816 : i32
    %add3A_818 = arith.constant 12582912 : i32
    %add3A_819 = arith.addi %add3A_818, %mul3A_817 : i32
    %dma_start3A_820 = arith.constant 1 : i32
    %dma_start3A_821 = arith.constant 0 : i32
    %dma_start3A_822 = tpu.memref_slice %arg6[%dma_start3A_820, %dma_start3A_821] : memref<2x16384xf32, #tpu.memory_space<vmem>> -> memref<1x16384xf32, #tpu.memory_space<vmem>>
    %dma_start3A_823 = tpu.memref_squeeze %dma_start3A_822 : memref<1x16384xf32, #tpu.memory_space<vmem>> -> memref<16384xf32, #tpu.memory_space<vmem>>
    %dma_start3A_824 = tpu.memref_slice %arg4[%add3A_819] : memref<16777216xf32, #tpu.memory_space<hbm>> -> memref<16384xf32, #tpu.memory_space<hbm>>
    %dma_start3A_825 = tpu.memref_slice %arg4[%add3A_819] : memref<16777216xf32, #tpu.memory_space<hbm>> -> memref<16384xf32, #tpu.memory_space<hbm>>
    %dma_start3A_826 = arith.constant 0 : i32
    %dma_start3A_827 = tpu.memref_slice %arg6[%dma_start3A_820, %dma_start3A_826] : memref<2x16384xf32, #tpu.memory_space<vmem>> -> memref<1x16384xf32, #tpu.memory_space<vmem>>
    %dma_start3A_828 = tpu.memref_squeeze %dma_start3A_827 : memref<1x16384xf32, #tpu.memory_space<vmem>> -> memref<16384xf32, #tpu.memory_space<vmem>>
    tpu.enqueue_dma source(%dma_start3A_828 : memref<16384xf32, #tpu.memory_space<vmem>>) target(%dma_start3A_825 : memref<16384xf32, #tpu.memory_space<hbm>>) target_semaphore(%arg11 : memref<!tpu.dma_semaphore, #tpu.memory_space<semaphore_mem>>)
    %add3A_829 = arith.constant 32 : i32
    %add3A_830 = arith.addi %mul3A_2, %add3A_829 : i32
    %mul3A_831 = arith.constant 2048 : i32
    %mul3A_832 = arith.muli %add3A_830, %mul3A_831 : i32
    "tpu.region"() ({
      %run_scoped3A = tpu.sem_alloc : memref<!tpu.dma_semaphore, #tpu.memory_space<semaphore_mem>>
      %dma_start3A_1664 = tpu.memref_slice %arg3[%mul3A_832] : memref<4194304xf32, #tpu.memory_space<hbm>> -> memref<16384xf32, #tpu.memory_space<hbm>>
      %dma_start3A_1665 = tpu.memref_slice %arg3[%mul3A_832] : memref<4194304xf32, #tpu.memory_space<hbm>> -> memref<16384xf32, #tpu.memory_space<hbm>>
      tpu.enqueue_dma source(%dma_start3A_1665 : memref<16384xf32, #tpu.memory_space<hbm>>) target(%arg7 : memref<16384xf32, #tpu.memory_space<vmem>>) target_semaphore(%run_scoped3A : memref<!tpu.dma_semaphore, #tpu.memory_space<semaphore_mem>>)
      %dma_wait3A_1666 = tpu.memref_slice %arg3[%mul3A_832] : memref<4194304xf32, #tpu.memory_space<hbm>> -> memref<16384xf32, #tpu.memory_space<hbm>>
      %dma_wait3A_1667 = tpu.memref_slice %arg3[%mul3A_832] : memref<4194304xf32, #tpu.memory_space<hbm>> -> memref<16384xf32, #tpu.memory_space<hbm>>
      tpu.wait_dma2 semaphore(%run_scoped3A : memref<!tpu.dma_semaphore, #tpu.memory_space<semaphore_mem>>) src(%dma_wait3A_1667 : memref<16384xf32, #tpu.memory_space<hbm>>) dst(%arg7 : memref<16384xf32, #tpu.memory_space<vmem>>)
      tpu.yield
    }) : () -> ()
    %add3A_833 = arith.constant 32 : i32
    %add3A_834 = arith.addi %mul3A_2, %add3A_833 : i32
    %mul3A_835 = arith.constant 2048 : i32
    %mul3A_836 = arith.muli %add3A_834, %mul3A_835 : i32
    %add3A_837 = arith.constant 4194304 : i32
    %add3A_838 = arith.addi %add3A_837, %mul3A_836 : i32
    %dma_start3A_839 = arith.constant 1 : i32
    %dma_start3A_840 = arith.constant 0 : i32
    %dma_start3A_841 = tpu.memref_slice %arg5[%dma_start3A_839, %dma_start3A_840] : memref<2x16384xf32, #tpu.memory_space<vmem>> -> memref<1x16384xf32, #tpu.memory_space<vmem>>
    %dma_start3A_842 = tpu.memref_squeeze %dma_start3A_841 : memref<1x16384xf32, #tpu.memory_space<vmem>> -> memref<16384xf32, #tpu.memory_space<vmem>>
    %dma_start3A_843 = tpu.memref_slice %arg2[%add3A_838] : memref<16777216xf32, #tpu.memory_space<hbm>> -> memref<16384xf32, #tpu.memory_space<hbm>>
    %dma_start3A_844 = arith.constant 0 : i32
    %dma_start3A_845 = tpu.memref_slice %arg5[%dma_start3A_839, %dma_start3A_844] : memref<2x16384xf32, #tpu.memory_space<vmem>> -> memref<1x16384xf32, #tpu.memory_space<vmem>>
    %dma_start3A_846 = tpu.memref_squeeze %dma_start3A_845 : memref<1x16384xf32, #tpu.memory_space<vmem>> -> memref<16384xf32, #tpu.memory_space<vmem>>
    %dma_start3A_847 = tpu.memref_slice %arg2[%add3A_838] : memref<16777216xf32, #tpu.memory_space<hbm>> -> memref<16384xf32, #tpu.memory_space<hbm>>
    tpu.enqueue_dma source(%dma_start3A_847 : memref<16384xf32, #tpu.memory_space<hbm>>) target(%dma_start3A_846 : memref<16384xf32, #tpu.memory_space<vmem>>) target_semaphore(%arg9 : memref<!tpu.dma_semaphore, #tpu.memory_space<semaphore_mem>>)
    %dma_wait3A_848 = arith.constant 0 : i32
    %dma_wait3A_849 = arith.constant 0 : i32
    %dma_wait3A_850 = tpu.memref_slice %arg5[%dma_wait3A_848, %dma_wait3A_849] : memref<2x16384xf32, #tpu.memory_space<vmem>> -> memref<1x16384xf32, #tpu.memory_space<vmem>>
    %dma_wait3A_851 = tpu.memref_squeeze %dma_wait3A_850 : memref<1x16384xf32, #tpu.memory_space<vmem>> -> memref<16384xf32, #tpu.memory_space<vmem>>
    %dma_wait3A_852 = tpu.memref_slice %arg2[%add3A_783] : memref<16777216xf32, #tpu.memory_space<hbm>> -> memref<16384xf32, #tpu.memory_space<hbm>>
    %dma_wait3A_853 = arith.constant 0 : i32
    %dma_wait3A_854 = tpu.memref_slice %arg5[%dma_wait3A_848, %dma_wait3A_853] : memref<2x16384xf32, #tpu.memory_space<vmem>> -> memref<1x16384xf32, #tpu.memory_space<vmem>>
    %dma_wait3A_855 = tpu.memref_squeeze %dma_wait3A_854 : memref<1x16384xf32, #tpu.memory_space<vmem>> -> memref<16384xf32, #tpu.memory_space<vmem>>
    %dma_wait3A_856 = tpu.memref_slice %arg2[%add3A_783] : memref<16777216xf32, #tpu.memory_space<hbm>> -> memref<16384xf32, #tpu.memory_space<hbm>>
    tpu.wait_dma2 semaphore(%arg8 : memref<!tpu.dma_semaphore, #tpu.memory_space<semaphore_mem>>) src(%dma_wait3A_856 : memref<16384xf32, #tpu.memory_space<hbm>>) dst(%dma_wait3A_855 : memref<16384xf32, #tpu.memory_space<vmem>>)
    %dma_wait3A_857 = arith.constant 0 : i32
    %dma_wait3A_858 = arith.constant 0 : i32
    %dma_wait3A_859 = tpu.memref_slice %arg6[%dma_wait3A_857, %dma_wait3A_858] : memref<2x16384xf32, #tpu.memory_space<vmem>> -> memref<1x16384xf32, #tpu.memory_space<vmem>>
    %dma_wait3A_860 = tpu.memref_squeeze %dma_wait3A_859 : memref<1x16384xf32, #tpu.memory_space<vmem>> -> memref<16384xf32, #tpu.memory_space<vmem>>
    %dma_wait3A_861 = tpu.memref_slice %arg4[%add3A_768] : memref<16777216xf32, #tpu.memory_space<hbm>> -> memref<16384xf32, #tpu.memory_space<hbm>>
    %dma_wait3A_862 = tpu.memref_slice %arg4[%add3A_768] : memref<16777216xf32, #tpu.memory_space<hbm>> -> memref<16384xf32, #tpu.memory_space<hbm>>
    %dma_wait3A_863 = arith.constant 0 : i32
    %dma_wait3A_864 = tpu.memref_slice %arg6[%dma_wait3A_857, %dma_wait3A_863] : memref<2x16384xf32, #tpu.memory_space<vmem>> -> memref<1x16384xf32, #tpu.memory_space<vmem>>
    %dma_wait3A_865 = tpu.memref_squeeze %dma_wait3A_864 : memref<1x16384xf32, #tpu.memory_space<vmem>> -> memref<16384xf32, #tpu.memory_space<vmem>>
    tpu.wait_dma2 semaphore(%arg10 : memref<!tpu.dma_semaphore, #tpu.memory_space<semaphore_mem>>) src(%dma_wait3A_865 : memref<16384xf32, #tpu.memory_space<vmem>>) dst(%dma_wait3A_862 : memref<16384xf32, #tpu.memory_space<hbm>>)
    %parallel_loop3A_866 = arith.constant 0 : i32
    %parallel_loop3A_867 = arith.constant 1024 : i32
    %parallel_loop3A_868 = arith.constant 1 : i32
    scf.for %parallel_loop3A_1664 = %parallel_loop3A_866 to %parallel_loop3A_867 step %parallel_loop3A_868  : i32 {
      %parallel_loop3A_1665 = arith.constant 16 : i32
      %parallel_loop3A_1666 = arith.muli %parallel_loop3A_1664, %parallel_loop3A_1665 : i32
      %parallel_loop3A_1667 = arith.constant 0 : i32
      %parallel_loop3A_1668 = arith.index_cast %parallel_loop3A_1667 : i32 to index
      %parallel_loop3A_1669 = arith.index_cast %parallel_loop3A_1666 : i32 to index
      %parallel_loop3A_1670 = tpu.vector_load %arg5[%parallel_loop3A_1668, %parallel_loop3A_1669] {strides = array<i32>} : memref<2x16384xf32, #tpu.memory_space<vmem>>, vector<1x16xf32>,
      %parallel_loop3A_1671 = vector.shape_cast %parallel_loop3A_1670 : vector<1x16xf32> to vector<16xf32>
      %parallel_loop3A_1672 = arith.index_cast %parallel_loop3A_1666 : i32 to index
      %parallel_loop3A_1673 = tpu.vector_load %arg7[%parallel_loop3A_1672] {strides = array<i32>} : memref<16384xf32, #tpu.memory_space<vmem>>, vector<16xf32>,
      %parallel_loop3A_1674 = vector.shape_cast %parallel_loop3A_1673 : vector<16xf32> to vector<16xf32>
      %parallel_loop3A_1675 = arith.addf %parallel_loop3A_1671, %parallel_loop3A_1674 : vector<16xf32>
      %parallel_loop3A_1676 = arith.constant 0 : i32
      %parallel_loop3A_1677 = arith.index_cast %parallel_loop3A_1676 : i32 to index
      %parallel_loop3A_1678 = arith.index_cast %parallel_loop3A_1666 : i32 to index
      %parallel_loop3A_1679 = tpu.vector_load %arg6[%parallel_loop3A_1677, %parallel_loop3A_1678] {strides = array<i32>} : memref<2x16384xf32, #tpu.memory_space<vmem>>, vector<1x16xf32>,
      %parallel_loop3A_1680 = vector.shape_cast %parallel_loop3A_1679 : vector<1x16xf32> to vector<16xf32>
      %parallel_loop3A_1681 = vector.shape_cast %parallel_loop3A_1675 : vector<16xf32> to vector<1x16xf32>
      tpu.vector_store %arg6[%parallel_loop3A_1677, %parallel_loop3A_1678], %parallel_loop3A_1681 {strides = array<i32>} : memref<2x16384xf32, #tpu.memory_space<vmem>>, vector<1x16xf32>,
    } {sc.loop_unroll_factor = 8 : i64, sc.parallel_access}
    %add3A_869 = arith.constant 32 : i32
    %add3A_870 = arith.addi %mul3A_2, %add3A_869 : i32
    %mul3A_871 = arith.constant 2048 : i32
    %mul3A_872 = arith.muli %add3A_870, %mul3A_871 : i32
    %add3A_873 = arith.constant 0 : i32
    %add3A_874 = arith.addi %add3A_873, %mul3A_872 : i32
    %dma_start3A_875 = arith.constant 0 : i32
    %dma_start3A_876 = arith.constant 0 : i32
    %dma_start3A_877 = tpu.memref_slice %arg6[%dma_start3A_875, %dma_start3A_876] : memref<2x16384xf32, #tpu.memory_space<vmem>> -> memref<1x16384xf32, #tpu.memory_space<vmem>>
    %dma_start3A_878 = tpu.memref_squeeze %dma_start3A_877 : memref<1x16384xf32, #tpu.memory_space<vmem>> -> memref<16384xf32, #tpu.memory_space<vmem>>
    %dma_start3A_879 = tpu.memref_slice %arg4[%add3A_874] : memref<16777216xf32, #tpu.memory_space<hbm>> -> memref<16384xf32, #tpu.memory_space<hbm>>
    %dma_start3A_880 = tpu.memref_slice %arg4[%add3A_874] : memref<16777216xf32, #tpu.memory_space<hbm>> -> memref<16384xf32, #tpu.memory_space<hbm>>
    %dma_start3A_881 = arith.constant 0 : i32
    %dma_start3A_882 = tpu.memref_slice %arg6[%dma_start3A_875, %dma_start3A_881] : memref<2x16384xf32, #tpu.memory_space<vmem>> -> memref<1x16384xf32, #tpu.memory_space<vmem>>
    %dma_start3A_883 = tpu.memref_squeeze %dma_start3A_882 : memref<1x16384xf32, #tpu.memory_space<vmem>> -> memref<16384xf32, #tpu.memory_space<vmem>>
    tpu.enqueue_dma source(%dma_start3A_883 : memref<16384xf32, #tpu.memory_space<vmem>>) target(%dma_start3A_880 : memref<16384xf32, #tpu.memory_space<hbm>>) target_semaphore(%arg10 : memref<!tpu.dma_semaphore, #tpu.memory_space<semaphore_mem>>)
    %add3A_884 = arith.constant 32 : i32
    %add3A_885 = arith.addi %mul3A_2, %add3A_884 : i32
    %mul3A_886 = arith.constant 2048 : i32
    %mul3A_887 = arith.muli %add3A_885, %mul3A_886 : i32
    %add3A_888 = arith.constant 8388608 : i32
    %add3A_889 = arith.addi %add3A_888, %mul3A_887 : i32
    %dma_start3A_890 = arith.constant 0 : i32
    %dma_start3A_891 = arith.constant 0 : i32
    %dma_start3A_892 = tpu.memref_slice %arg5[%dma_start3A_890, %dma_start3A_891] : memref<2x16384xf32, #tpu.memory_space<vmem>> -> memref<1x16384xf32, #tpu.memory_space<vmem>>
    %dma_start3A_893 = tpu.memref_squeeze %dma_start3A_892 : memref<1x16384xf32, #tpu.memory_space<vmem>> -> memref<16384xf32, #tpu.memory_space<vmem>>
    %dma_start3A_894 = tpu.memref_slice %arg2[%add3A_889] : memref<16777216xf32, #tpu.memory_space<hbm>> -> memref<16384xf32, #tpu.memory_space<hbm>>
    %dma_start3A_895 = arith.constant 0 : i32
    %dma_start3A_896 = tpu.memref_slice %arg5[%dma_start3A_890, %dma_start3A_895] : memref<2x16384xf32, #tpu.memory_space<vmem>> -> memref<1x16384xf32, #tpu.memory_space<vmem>>
    %dma_start3A_897 = tpu.memref_squeeze %dma_start3A_896 : memref<1x16384xf32, #tpu.memory_space<vmem>> -> memref<16384xf32, #tpu.memory_space<vmem>>
    %dma_start3A_898 = tpu.memref_slice %arg2[%add3A_889] : memref<16777216xf32, #tpu.memory_space<hbm>> -> memref<16384xf32, #tpu.memory_space<hbm>>
    tpu.enqueue_dma source(%dma_start3A_898 : memref<16384xf32, #tpu.memory_space<hbm>>) target(%dma_start3A_897 : memref<16384xf32, #tpu.memory_space<vmem>>) target_semaphore(%arg8 : memref<!tpu.dma_semaphore, #tpu.memory_space<semaphore_mem>>)
    %dma_wait3A_899 = arith.constant 1 : i32
    %dma_wait3A_900 = arith.constant 0 : i32
    %dma_wait3A_901 = tpu.memref_slice %arg5[%dma_wait3A_899, %dma_wait3A_900] : memref<2x16384xf32, #tpu.memory_space<vmem>> -> memref<1x16384xf32, #tpu.memory_space<vmem>>
    %dma_wait3A_902 = tpu.memref_squeeze %dma_wait3A_901 : memref<1x16384xf32, #tpu.memory_space<vmem>> -> memref<16384xf32, #tpu.memory_space<vmem>>
    %dma_wait3A_903 = tpu.memref_slice %arg2[%add3A_838] : memref<16777216xf32, #tpu.memory_space<hbm>> -> memref<16384xf32, #tpu.memory_space<hbm>>
    %dma_wait3A_904 = arith.constant 0 : i32
    %dma_wait3A_905 = tpu.memref_slice %arg5[%dma_wait3A_899, %dma_wait3A_904] : memref<2x16384xf32, #tpu.memory_space<vmem>> -> memref<1x16384xf32, #tpu.memory_space<vmem>>
    %dma_wait3A_906 = tpu.memref_squeeze %dma_wait3A_905 : memref<1x16384xf32, #tpu.memory_space<vmem>> -> memref<16384xf32, #tpu.memory_space<vmem>>
    %dma_wait3A_907 = tpu.memref_slice %arg2[%add3A_838] : memref<16777216xf32, #tpu.memory_space<hbm>> -> memref<16384xf32, #tpu.memory_space<hbm>>
    tpu.wait_dma2 semaphore(%arg9 : memref<!tpu.dma_semaphore, #tpu.memory_space<semaphore_mem>>) src(%dma_wait3A_907 : memref<16384xf32, #tpu.memory_space<hbm>>) dst(%dma_wait3A_906 : memref<16384xf32, #tpu.memory_space<vmem>>)
    %dma_wait3A_908 = arith.constant 1 : i32
    %dma_wait3A_909 = arith.constant 0 : i32
    %dma_wait3A_910 = tpu.memref_slice %arg6[%dma_wait3A_908, %dma_wait3A_909] : memref<2x16384xf32, #tpu.memory_space<vmem>> -> memref<1x16384xf32, #tpu.memory_space<vmem>>
    %dma_wait3A_911 = tpu.memref_squeeze %dma_wait3A_910 : memref<1x16384xf32, #tpu.memory_space<vmem>> -> memref<16384xf32, #tpu.memory_space<vmem>>
    %dma_wait3A_912 = tpu.memref_slice %arg4[%add3A_819] : memref<16777216xf32, #tpu.memory_space<hbm>> -> memref<16384xf32, #tpu.memory_space<hbm>>
    %dma_wait3A_913 = tpu.memref_slice %arg4[%add3A_819] : memref<16777216xf32, #tpu.memory_space<hbm>> -> memref<16384xf32, #tpu.memory_space<hbm>>
    %dma_wait3A_914 = arith.constant 0 : i32
    %dma_wait3A_915 = tpu.memref_slice %arg6[%dma_wait3A_908, %dma_wait3A_914] : memref<2x16384xf32, #tpu.memory_space<vmem>> -> memref<1x16384xf32, #tpu.memory_space<vmem>>
    %dma_wait3A_916 = tpu.memref_squeeze %dma_wait3A_915 : memref<1x16384xf32, #tpu.memory_space<vmem>> -> memref<16384xf32, #tpu.memory_space<vmem>>
    tpu.wait_dma2 semaphore(%arg11 : memref<!tpu.dma_semaphore, #tpu.memory_space<semaphore_mem>>) src(%dma_wait3A_916 : memref<16384xf32, #tpu.memory_space<vmem>>) dst(%dma_wait3A_913 : memref<16384xf32, #tpu.memory_space<hbm>>)
    %parallel_loop3A_917 = arith.constant 0 : i32
    %parallel_loop3A_918 = arith.constant 1024 : i32
    %parallel_loop3A_919 = arith.constant 1 : i32
    scf.for %parallel_loop3A_1664 = %parallel_loop3A_917 to %parallel_loop3A_918 step %parallel_loop3A_919  : i32 {
      %parallel_loop3A_1665 = arith.constant 16 : i32
      %parallel_loop3A_1666 = arith.muli %parallel_loop3A_1664, %parallel_loop3A_1665 : i32
      %parallel_loop3A_1667 = arith.constant 1 : i32
      %parallel_loop3A_1668 = arith.index_cast %parallel_loop3A_1667 : i32 to index
      %parallel_loop3A_1669 = arith.index_cast %parallel_loop3A_1666 : i32 to index
      %parallel_loop3A_1670 = tpu.vector_load %arg5[%parallel_loop3A_1668, %parallel_loop3A_1669] {strides = array<i32>} : memref<2x16384xf32, #tpu.memory_space<vmem>>, vector<1x16xf32>,
      %parallel_loop3A_1671 = vector.shape_cast %parallel_loop3A_1670 : vector<1x16xf32> to vector<16xf32>
      %parallel_loop3A_1672 = arith.index_cast %parallel_loop3A_1666 : i32 to index
      %parallel_loop3A_1673 = tpu.vector_load %arg7[%parallel_loop3A_1672] {strides = array<i32>} : memref<16384xf32, #tpu.memory_space<vmem>>, vector<16xf32>,
      %parallel_loop3A_1674 = vector.shape_cast %parallel_loop3A_1673 : vector<16xf32> to vector<16xf32>
      %parallel_loop3A_1675 = arith.addf %parallel_loop3A_1671, %parallel_loop3A_1674 : vector<16xf32>
      %parallel_loop3A_1676 = arith.constant 1 : i32
      %parallel_loop3A_1677 = arith.index_cast %parallel_loop3A_1676 : i32 to index
      %parallel_loop3A_1678 = arith.index_cast %parallel_loop3A_1666 : i32 to index
      %parallel_loop3A_1679 = tpu.vector_load %arg6[%parallel_loop3A_1677, %parallel_loop3A_1678] {strides = array<i32>} : memref<2x16384xf32, #tpu.memory_space<vmem>>, vector<1x16xf32>,
      %parallel_loop3A_1680 = vector.shape_cast %parallel_loop3A_1679 : vector<1x16xf32> to vector<16xf32>
      %parallel_loop3A_1681 = vector.shape_cast %parallel_loop3A_1675 : vector<16xf32> to vector<1x16xf32>
      tpu.vector_store %arg6[%parallel_loop3A_1677, %parallel_loop3A_1678], %parallel_loop3A_1681 {strides = array<i32>} : memref<2x16384xf32, #tpu.memory_space<vmem>>, vector<1x16xf32>,
    } {sc.loop_unroll_factor = 8 : i64, sc.parallel_access}
    %add3A_920 = arith.constant 32 : i32
    %add3A_921 = arith.addi %mul3A_2, %add3A_920 : i32
    %mul3A_922 = arith.constant 2048 : i32
    %mul3A_923 = arith.muli %add3A_921, %mul3A_922 : i32
    %add3A_924 = arith.constant 4194304 : i32
    %add3A_925 = arith.addi %add3A_924, %mul3A_923 : i32
    %dma_start3A_926 = arith.constant 1 : i32
    %dma_start3A_927 = arith.constant 0 : i32
    %dma_start3A_928 = tpu.memref_slice %arg6[%dma_start3A_926, %dma_start3A_927] : memref<2x16384xf32, #tpu.memory_space<vmem>> -> memref<1x16384xf32, #tpu.memory_space<vmem>>
    %dma_start3A_929 = tpu.memref_squeeze %dma_start3A_928 : memref<1x16384xf32, #tpu.memory_space<vmem>> -> memref<16384xf32, #tpu.memory_space<vmem>>
    %dma_start3A_930 = tpu.memref_slice %arg4[%add3A_925] : memref<16777216xf32, #tpu.memory_space<hbm>> -> memref<16384xf32, #tpu.memory_space<hbm>>
    %dma_start3A_931 = tpu.memref_slice %arg4[%add3A_925] : memref<16777216xf32, #tpu.memory_space<hbm>> -> memref<16384xf32, #tpu.memory_space<hbm>>
    %dma_start3A_932 = arith.constant 0 : i32
    %dma_start3A_933 = tpu.memref_slice %arg6[%dma_start3A_926, %dma_start3A_932] : memref<2x16384xf32, #tpu.memory_space<vmem>> -> memref<1x16384xf32, #tpu.memory_space<vmem>>
    %dma_start3A_934 = tpu.memref_squeeze %dma_start3A_933 : memref<1x16384xf32, #tpu.memory_space<vmem>> -> memref<16384xf32, #tpu.memory_space<vmem>>
    tpu.enqueue_dma source(%dma_start3A_934 : memref<16384xf32, #tpu.memory_space<vmem>>) target(%dma_start3A_931 : memref<16384xf32, #tpu.memory_space<hbm>>) target_semaphore(%arg11 : memref<!tpu.dma_semaphore, #tpu.memory_space<semaphore_mem>>)
    %add3A_935 = arith.constant 32 : i32
    %add3A_936 = arith.addi %mul3A_2, %add3A_935 : i32
    %mul3A_937 = arith.constant 2048 : i32
    %mul3A_938 = arith.muli %add3A_936, %mul3A_937 : i32
    %add3A_939 = arith.constant 12582912 : i32
    %add3A_940 = arith.addi %add3A_939, %mul3A_938 : i32
    %dma_start3A_941 = arith.constant 1 : i32
    %dma_start3A_942 = arith.constant 0 : i32
    %dma_start3A_943 = tpu.memref_slice %arg5[%dma_start3A_941, %dma_start3A_942] : memref<2x16384xf32, #tpu.memory_space<vmem>> -> memref<1x16384xf32, #tpu.memory_space<vmem>>
    %dma_start3A_944 = tpu.memref_squeeze %dma_start3A_943 : memref<1x16384xf32, #tpu.memory_space<vmem>> -> memref<16384xf32, #tpu.memory_space<vmem>>
    %dma_start3A_945 = tpu.memref_slice %arg2[%add3A_940] : memref<16777216xf32, #tpu.memory_space<hbm>> -> memref<16384xf32, #tpu.memory_space<hbm>>
    %dma_start3A_946 = arith.constant 0 : i32
    %dma_start3A_947 = tpu.memref_slice %arg5[%dma_start3A_941, %dma_start3A_946] : memref<2x16384xf32, #tpu.memory_space<vmem>> -> memref<1x16384xf32, #tpu.memory_space<vmem>>
    %dma_start3A_948 = tpu.memref_squeeze %dma_start3A_947 : memref<1x16384xf32, #tpu.memory_space<vmem>> -> memref<16384xf32, #tpu.memory_space<vmem>>
    %dma_start3A_949 = tpu.memref_slice %arg2[%add3A_940] : memref<16777216xf32, #tpu.memory_space<hbm>> -> memref<16384xf32, #tpu.memory_space<hbm>>
    tpu.enqueue_dma source(%dma_start3A_949 : memref<16384xf32, #tpu.memory_space<hbm>>) target(%dma_start3A_948 : memref<16384xf32, #tpu.memory_space<vmem>>) target_semaphore(%arg9 : memref<!tpu.dma_semaphore, #tpu.memory_space<semaphore_mem>>)
    %dma_wait3A_950 = arith.constant 0 : i32
    %dma_wait3A_951 = arith.constant 0 : i32
    %dma_wait3A_952 = tpu.memref_slice %arg5[%dma_wait3A_950, %dma_wait3A_951] : memref<2x16384xf32, #tpu.memory_space<vmem>> -> memref<1x16384xf32, #tpu.memory_space<vmem>>
    %dma_wait3A_953 = tpu.memref_squeeze %dma_wait3A_952 : memref<1x16384xf32, #tpu.memory_space<vmem>> -> memref<16384xf32, #tpu.memory_space<vmem>>
    %dma_wait3A_954 = tpu.memref_slice %arg2[%add3A_889] : memref<16777216xf32, #tpu.memory_space<hbm>> -> memref<16384xf32, #tpu.memory_space<hbm>>
    %dma_wait3A_955 = arith.constant 0 : i32
    %dma_wait3A_956 = tpu.memref_slice %arg5[%dma_wait3A_950, %dma_wait3A_955] : memref<2x16384xf32, #tpu.memory_space<vmem>> -> memref<1x16384xf32, #tpu.memory_space<vmem>>
    %dma_wait3A_957 = tpu.memref_squeeze %dma_wait3A_956 : memref<1x16384xf32, #tpu.memory_space<vmem>> -> memref<16384xf32, #tpu.memory_space<vmem>>
    %dma_wait3A_958 = tpu.memref_slice %arg2[%add3A_889] : memref<16777216xf32, #tpu.memory_space<hbm>> -> memref<16384xf32, #tpu.memory_space<hbm>>
    tpu.wait_dma2 semaphore(%arg8 : memref<!tpu.dma_semaphore, #tpu.memory_space<semaphore_mem>>) src(%dma_wait3A_958 : memref<16384xf32, #tpu.memory_space<hbm>>) dst(%dma_wait3A_957 : memref<16384xf32, #tpu.memory_space<vmem>>)
    %dma_wait3A_959 = arith.constant 0 : i32
    %dma_wait3A_960 = arith.constant 0 : i32
    %dma_wait3A_961 = tpu.memref_slice %arg6[%dma_wait3A_959, %dma_wait3A_960] : memref<2x16384xf32, #tpu.memory_space<vmem>> -> memref<1x16384xf32, #tpu.memory_space<vmem>>
    %dma_wait3A_962 = tpu.memref_squeeze %dma_wait3A_961 : memref<1x16384xf32, #tpu.memory_space<vmem>> -> memref<16384xf32, #tpu.memory_space<vmem>>
    %dma_wait3A_963 = tpu.memref_slice %arg4[%add3A_874] : memref<16777216xf32, #tpu.memory_space<hbm>> -> memref<16384xf32, #tpu.memory_space<hbm>>
    %dma_wait3A_964 = tpu.memref_slice %arg4[%add3A_874] : memref<16777216xf32, #tpu.memory_space<hbm>> -> memref<16384xf32, #tpu.memory_space<hbm>>
    %dma_wait3A_965 = arith.constant 0 : i32
    %dma_wait3A_966 = tpu.memref_slice %arg6[%dma_wait3A_959, %dma_wait3A_965] : memref<2x16384xf32, #tpu.memory_space<vmem>> -> memref<1x16384xf32, #tpu.memory_space<vmem>>
    %dma_wait3A_967 = tpu.memref_squeeze %dma_wait3A_966 : memref<1x16384xf32, #tpu.memory_space<vmem>> -> memref<16384xf32, #tpu.memory_space<vmem>>
    tpu.wait_dma2 semaphore(%arg10 : memref<!tpu.dma_semaphore, #tpu.memory_space<semaphore_mem>>) src(%dma_wait3A_967 : memref<16384xf32, #tpu.memory_space<vmem>>) dst(%dma_wait3A_964 : memref<16384xf32, #tpu.memory_space<hbm>>)
    %parallel_loop3A_968 = arith.constant 0 : i32
    %parallel_loop3A_969 = arith.constant 1024 : i32
    %parallel_loop3A_970 = arith.constant 1 : i32
    scf.for %parallel_loop3A_1664 = %parallel_loop3A_968 to %parallel_loop3A_969 step %parallel_loop3A_970  : i32 {
      %parallel_loop3A_1665 = arith.constant 16 : i32
      %parallel_loop3A_1666 = arith.muli %parallel_loop3A_1664, %parallel_loop3A_1665 : i32
      %parallel_loop3A_1667 = arith.constant 0 : i32
      %parallel_loop3A_1668 = arith.index_cast %parallel_loop3A_1667 : i32 to index
      %parallel_loop3A_1669 = arith.index_cast %parallel_loop3A_1666 : i32 to index
      %parallel_loop3A_1670 = tpu.vector_load %arg5[%parallel_loop3A_1668, %parallel_loop3A_1669] {strides = array<i32>} : memref<2x16384xf32, #tpu.memory_space<vmem>>, vector<1x16xf32>,
      %parallel_loop3A_1671 = vector.shape_cast %parallel_loop3A_1670 : vector<1x16xf32> to vector<16xf32>
      %parallel_loop3A_1672 = arith.index_cast %parallel_loop3A_1666 : i32 to index
      %parallel_loop3A_1673 = tpu.vector_load %arg7[%parallel_loop3A_1672] {strides = array<i32>} : memref<16384xf32, #tpu.memory_space<vmem>>, vector<16xf32>,
      %parallel_loop3A_1674 = vector.shape_cast %parallel_loop3A_1673 : vector<16xf32> to vector<16xf32>
      %parallel_loop3A_1675 = arith.addf %parallel_loop3A_1671, %parallel_loop3A_1674 : vector<16xf32>
      %parallel_loop3A_1676 = arith.constant 0 : i32
      %parallel_loop3A_1677 = arith.index_cast %parallel_loop3A_1676 : i32 to index
      %parallel_loop3A_1678 = arith.index_cast %parallel_loop3A_1666 : i32 to index
      %parallel_loop3A_1679 = tpu.vector_load %arg6[%parallel_loop3A_1677, %parallel_loop3A_1678] {strides = array<i32>} : memref<2x16384xf32, #tpu.memory_space<vmem>>, vector<1x16xf32>,
      %parallel_loop3A_1680 = vector.shape_cast %parallel_loop3A_1679 : vector<1x16xf32> to vector<16xf32>
      %parallel_loop3A_1681 = vector.shape_cast %parallel_loop3A_1675 : vector<16xf32> to vector<1x16xf32>
      tpu.vector_store %arg6[%parallel_loop3A_1677, %parallel_loop3A_1678], %parallel_loop3A_1681 {strides = array<i32>} : memref<2x16384xf32, #tpu.memory_space<vmem>>, vector<1x16xf32>,
    } {sc.loop_unroll_factor = 8 : i64, sc.parallel_access}
    %add3A_971 = arith.constant 32 : i32
    %add3A_972 = arith.addi %mul3A_2, %add3A_971 : i32
    %mul3A_973 = arith.constant 2048 : i32
    %mul3A_974 = arith.muli %add3A_972, %mul3A_973 : i32
    %add3A_975 = arith.constant 8388608 : i32
    %add3A_976 = arith.addi %add3A_975, %mul3A_974 : i32
    %dma_start3A_977 = arith.constant 0 : i32
    %dma_start3A_978 = arith.constant 0 : i32
    %dma_start3A_979 = tpu.memref_slice %arg6[%dma_start3A_977, %dma_start3A_978] : memref<2x16384xf32, #tpu.memory_space<vmem>> -> memref<1x16384xf32, #tpu.memory_space<vmem>>
    %dma_start3A_980 = tpu.memref_squeeze %dma_start3A_979 : memref<1x16384xf32, #tpu.memory_space<vmem>> -> memref<16384xf32, #tpu.memory_space<vmem>>
    %dma_start3A_981 = tpu.memref_slice %arg4[%add3A_976] : memref<16777216xf32, #tpu.memory_space<hbm>> -> memref<16384xf32, #tpu.memory_space<hbm>>
    %dma_start3A_982 = tpu.memref_slice %arg4[%add3A_976] : memref<16777216xf32, #tpu.memory_space<hbm>> -> memref<16384xf32, #tpu.memory_space<hbm>>
    %dma_start3A_983 = arith.constant 0 : i32
    %dma_start3A_984 = tpu.memref_slice %arg6[%dma_start3A_977, %dma_start3A_983] : memref<2x16384xf32, #tpu.memory_space<vmem>> -> memref<1x16384xf32, #tpu.memory_space<vmem>>
    %dma_start3A_985 = tpu.memref_squeeze %dma_start3A_984 : memref<1x16384xf32, #tpu.memory_space<vmem>> -> memref<16384xf32, #tpu.memory_space<vmem>>
    tpu.enqueue_dma source(%dma_start3A_985 : memref<16384xf32, #tpu.memory_space<vmem>>) target(%dma_start3A_982 : memref<16384xf32, #tpu.memory_space<hbm>>) target_semaphore(%arg10 : memref<!tpu.dma_semaphore, #tpu.memory_space<semaphore_mem>>)
    %add3A_986 = arith.constant 40 : i32
    %add3A_987 = arith.addi %mul3A_2, %add3A_986 : i32
    %mul3A_988 = arith.constant 2048 : i32
    %mul3A_989 = arith.muli %add3A_987, %mul3A_988 : i32
    %add3A_990 = arith.constant 0 : i32
    %add3A_991 = arith.addi %add3A_990, %mul3A_989 : i32
    %dma_start3A_992 = arith.constant 0 : i32
    %dma_start3A_993 = arith.constant 0 : i32
    %dma_start3A_994 = tpu.memref_slice %arg5[%dma_start3A_992, %dma_start3A_993] : memref<2x16384xf32, #tpu.memory_space<vmem>> -> memref<1x16384xf32, #tpu.memory_space<vmem>>
    %dma_start3A_995 = tpu.memref_squeeze %dma_start3A_994 : memref<1x16384xf32, #tpu.memory_space<vmem>> -> memref<16384xf32, #tpu.memory_space<vmem>>
    %dma_start3A_996 = tpu.memref_slice %arg2[%add3A_991] : memref<16777216xf32, #tpu.memory_space<hbm>> -> memref<16384xf32, #tpu.memory_space<hbm>>
    %dma_start3A_997 = arith.constant 0 : i32
    %dma_start3A_998 = tpu.memref_slice %arg5[%dma_start3A_992, %dma_start3A_997] : memref<2x16384xf32, #tpu.memory_space<vmem>> -> memref<1x16384xf32, #tpu.memory_space<vmem>>
    %dma_start3A_999 = tpu.memref_squeeze %dma_start3A_998 : memref<1x16384xf32, #tpu.memory_space<vmem>> -> memref<16384xf32, #tpu.memory_space<vmem>>
    %dma_start3A_1000 = tpu.memref_slice %arg2[%add3A_991] : memref<16777216xf32, #tpu.memory_space<hbm>> -> memref<16384xf32, #tpu.memory_space<hbm>>
    tpu.enqueue_dma source(%dma_start3A_1000 : memref<16384xf32, #tpu.memory_space<hbm>>) target(%dma_start3A_999 : memref<16384xf32, #tpu.memory_space<vmem>>) target_semaphore(%arg8 : memref<!tpu.dma_semaphore, #tpu.memory_space<semaphore_mem>>)
    %dma_wait3A_1001 = arith.constant 1 : i32
    %dma_wait3A_1002 = arith.constant 0 : i32
    %dma_wait3A_1003 = tpu.memref_slice %arg5[%dma_wait3A_1001, %dma_wait3A_1002] : memref<2x16384xf32, #tpu.memory_space<vmem>> -> memref<1x16384xf32, #tpu.memory_space<vmem>>
    %dma_wait3A_1004 = tpu.memref_squeeze %dma_wait3A_1003 : memref<1x16384xf32, #tpu.memory_space<vmem>> -> memref<16384xf32, #tpu.memory_space<vmem>>
    %dma_wait3A_1005 = tpu.memref_slice %arg2[%add3A_940] : memref<16777216xf32, #tpu.memory_space<hbm>> -> memref<16384xf32, #tpu.memory_space<hbm>>
    %dma_wait3A_1006 = arith.constant 0 : i32
    %dma_wait3A_1007 = tpu.memref_slice %arg5[%dma_wait3A_1001, %dma_wait3A_1006] : memref<2x16384xf32, #tpu.memory_space<vmem>> -> memref<1x16384xf32, #tpu.memory_space<vmem>>
    %dma_wait3A_1008 = tpu.memref_squeeze %dma_wait3A_1007 : memref<1x16384xf32, #tpu.memory_space<vmem>> -> memref<16384xf32, #tpu.memory_space<vmem>>
    %dma_wait3A_1009 = tpu.memref_slice %arg2[%add3A_940] : memref<16777216xf32, #tpu.memory_space<hbm>> -> memref<16384xf32, #tpu.memory_space<hbm>>
    tpu.wait_dma2 semaphore(%arg9 : memref<!tpu.dma_semaphore, #tpu.memory_space<semaphore_mem>>) src(%dma_wait3A_1009 : memref<16384xf32, #tpu.memory_space<hbm>>) dst(%dma_wait3A_1008 : memref<16384xf32, #tpu.memory_space<vmem>>)
    %dma_wait3A_1010 = arith.constant 1 : i32
    %dma_wait3A_1011 = arith.constant 0 : i32
    %dma_wait3A_1012 = tpu.memref_slice %arg6[%dma_wait3A_1010, %dma_wait3A_1011] : memref<2x16384xf32, #tpu.memory_space<vmem>> -> memref<1x16384xf32, #tpu.memory_space<vmem>>
    %dma_wait3A_1013 = tpu.memref_squeeze %dma_wait3A_1012 : memref<1x16384xf32, #tpu.memory_space<vmem>> -> memref<16384xf32, #tpu.memory_space<vmem>>
    %dma_wait3A_1014 = tpu.memref_slice %arg4[%add3A_925] : memref<16777216xf32, #tpu.memory_space<hbm>> -> memref<16384xf32, #tpu.memory_space<hbm>>
    %dma_wait3A_1015 = tpu.memref_slice %arg4[%add3A_925] : memref<16777216xf32, #tpu.memory_space<hbm>> -> memref<16384xf32, #tpu.memory_space<hbm>>
    %dma_wait3A_1016 = arith.constant 0 : i32
    %dma_wait3A_1017 = tpu.memref_slice %arg6[%dma_wait3A_1010, %dma_wait3A_1016] : memref<2x16384xf32, #tpu.memory_space<vmem>> -> memref<1x16384xf32, #tpu.memory_space<vmem>>
    %dma_wait3A_1018 = tpu.memref_squeeze %dma_wait3A_1017 : memref<1x16384xf32, #tpu.memory_space<vmem>> -> memref<16384xf32, #tpu.memory_space<vmem>>
    tpu.wait_dma2 semaphore(%arg11 : memref<!tpu.dma_semaphore, #tpu.memory_space<semaphore_mem>>) src(%dma_wait3A_1018 : memref<16384xf32, #tpu.memory_space<vmem>>) dst(%dma_wait3A_1015 : memref<16384xf32, #tpu.memory_space<hbm>>)
    %parallel_loop3A_1019 = arith.constant 0 : i32
    %parallel_loop3A_1020 = arith.constant 1024 : i32
    %parallel_loop3A_1021 = arith.constant 1 : i32
    scf.for %parallel_loop3A_1664 = %parallel_loop3A_1019 to %parallel_loop3A_1020 step %parallel_loop3A_1021  : i32 {
      %parallel_loop3A_1665 = arith.constant 16 : i32
      %parallel_loop3A_1666 = arith.muli %parallel_loop3A_1664, %parallel_loop3A_1665 : i32
      %parallel_loop3A_1667 = arith.constant 1 : i32
      %parallel_loop3A_1668 = arith.index_cast %parallel_loop3A_1667 : i32 to index
      %parallel_loop3A_1669 = arith.index_cast %parallel_loop3A_1666 : i32 to index
      %parallel_loop3A_1670 = tpu.vector_load %arg5[%parallel_loop3A_1668, %parallel_loop3A_1669] {strides = array<i32>} : memref<2x16384xf32, #tpu.memory_space<vmem>>, vector<1x16xf32>,
      %parallel_loop3A_1671 = vector.shape_cast %parallel_loop3A_1670 : vector<1x16xf32> to vector<16xf32>
      %parallel_loop3A_1672 = arith.index_cast %parallel_loop3A_1666 : i32 to index
      %parallel_loop3A_1673 = tpu.vector_load %arg7[%parallel_loop3A_1672] {strides = array<i32>} : memref<16384xf32, #tpu.memory_space<vmem>>, vector<16xf32>,
      %parallel_loop3A_1674 = vector.shape_cast %parallel_loop3A_1673 : vector<16xf32> to vector<16xf32>
      %parallel_loop3A_1675 = arith.addf %parallel_loop3A_1671, %parallel_loop3A_1674 : vector<16xf32>
      %parallel_loop3A_1676 = arith.constant 1 : i32
      %parallel_loop3A_1677 = arith.index_cast %parallel_loop3A_1676 : i32 to index
      %parallel_loop3A_1678 = arith.index_cast %parallel_loop3A_1666 : i32 to index
      %parallel_loop3A_1679 = tpu.vector_load %arg6[%parallel_loop3A_1677, %parallel_loop3A_1678] {strides = array<i32>} : memref<2x16384xf32, #tpu.memory_space<vmem>>, vector<1x16xf32>,
      %parallel_loop3A_1680 = vector.shape_cast %parallel_loop3A_1679 : vector<1x16xf32> to vector<16xf32>
      %parallel_loop3A_1681 = vector.shape_cast %parallel_loop3A_1675 : vector<16xf32> to vector<1x16xf32>
      tpu.vector_store %arg6[%parallel_loop3A_1677, %parallel_loop3A_1678], %parallel_loop3A_1681 {strides = array<i32>} : memref<2x16384xf32, #tpu.memory_space<vmem>>, vector<1x16xf32>,
    } {sc.loop_unroll_factor = 8 : i64, sc.parallel_access}
    %add3A_1022 = arith.constant 32 : i32
    %add3A_1023 = arith.addi %mul3A_2, %add3A_1022 : i32
    %mul3A_1024 = arith.constant 2048 : i32
    %mul3A_1025 = arith.muli %add3A_1023, %mul3A_1024 : i32
    %add3A_1026 = arith.constant 12582912 : i32
    %add3A_1027 = arith.addi %add3A_1026, %mul3A_1025 : i32
    %dma_start3A_1028 = arith.constant 1 : i32
    %dma_start3A_1029 = arith.constant 0 : i32
    %dma_start3A_1030 = tpu.memref_slice %arg6[%dma_start3A_1028, %dma_start3A_1029] : memref<2x16384xf32, #tpu.memory_space<vmem>> -> memref<1x16384xf32, #tpu.memory_space<vmem>>
    %dma_start3A_1031 = tpu.memref_squeeze %dma_start3A_1030 : memref<1x16384xf32, #tpu.memory_space<vmem>> -> memref<16384xf32, #tpu.memory_space<vmem>>
    %dma_start3A_1032 = tpu.memref_slice %arg4[%add3A_1027] : memref<16777216xf32, #tpu.memory_space<hbm>> -> memref<16384xf32, #tpu.memory_space<hbm>>
    %dma_start3A_1033 = tpu.memref_slice %arg4[%add3A_1027] : memref<16777216xf32, #tpu.memory_space<hbm>> -> memref<16384xf32, #tpu.memory_space<hbm>>
    %dma_start3A_1034 = arith.constant 0 : i32
    %dma_start3A_1035 = tpu.memref_slice %arg6[%dma_start3A_1028, %dma_start3A_1034] : memref<2x16384xf32, #tpu.memory_space<vmem>> -> memref<1x16384xf32, #tpu.memory_space<vmem>>
    %dma_start3A_1036 = tpu.memref_squeeze %dma_start3A_1035 : memref<1x16384xf32, #tpu.memory_space<vmem>> -> memref<16384xf32, #tpu.memory_space<vmem>>
    tpu.enqueue_dma source(%dma_start3A_1036 : memref<16384xf32, #tpu.memory_space<vmem>>) target(%dma_start3A_1033 : memref<16384xf32, #tpu.memory_space<hbm>>) target_semaphore(%arg11 : memref<!tpu.dma_semaphore, #tpu.memory_space<semaphore_mem>>)
    %add3A_1037 = arith.constant 40 : i32
    %add3A_1038 = arith.addi %mul3A_2, %add3A_1037 : i32
    %mul3A_1039 = arith.constant 2048 : i32
    %mul3A_1040 = arith.muli %add3A_1038, %mul3A_1039 : i32
    "tpu.region"() ({
      %run_scoped3A = tpu.sem_alloc : memref<!tpu.dma_semaphore, #tpu.memory_space<semaphore_mem>>
      %dma_start3A_1664 = tpu.memref_slice %arg3[%mul3A_1040] : memref<4194304xf32, #tpu.memory_space<hbm>> -> memref<16384xf32, #tpu.memory_space<hbm>>
      %dma_start3A_1665 = tpu.memref_slice %arg3[%mul3A_1040] : memref<4194304xf32, #tpu.memory_space<hbm>> -> memref<16384xf32, #tpu.memory_space<hbm>>
      tpu.enqueue_dma source(%dma_start3A_1665 : memref<16384xf32, #tpu.memory_space<hbm>>) target(%arg7 : memref<16384xf32, #tpu.memory_space<vmem>>) target_semaphore(%run_scoped3A : memref<!tpu.dma_semaphore, #tpu.memory_space<semaphore_mem>>)
      %dma_wait3A_1666 = tpu.memref_slice %arg3[%mul3A_1040] : memref<4194304xf32, #tpu.memory_space<hbm>> -> memref<16384xf32, #tpu.memory_space<hbm>>
      %dma_wait3A_1667 = tpu.memref_slice %arg3[%mul3A_1040] : memref<4194304xf32, #tpu.memory_space<hbm>> -> memref<16384xf32, #tpu.memory_space<hbm>>
      tpu.wait_dma2 semaphore(%run_scoped3A : memref<!tpu.dma_semaphore, #tpu.memory_space<semaphore_mem>>) src(%dma_wait3A_1667 : memref<16384xf32, #tpu.memory_space<hbm>>) dst(%arg7 : memref<16384xf32, #tpu.memory_space<vmem>>)
      tpu.yield
    }) : () -> ()
    %add3A_1041 = arith.constant 40 : i32
    %add3A_1042 = arith.addi %mul3A_2, %add3A_1041 : i32
    %mul3A_1043 = arith.constant 2048 : i32
    %mul3A_1044 = arith.muli %add3A_1042, %mul3A_1043 : i32
    %add3A_1045 = arith.constant 4194304 : i32
    %add3A_1046 = arith.addi %add3A_1045, %mul3A_1044 : i32
    %dma_start3A_1047 = arith.constant 1 : i32
    %dma_start3A_1048 = arith.constant 0 : i32
    %dma_start3A_1049 = tpu.memref_slice %arg5[%dma_start3A_1047, %dma_start3A_1048] : memref<2x16384xf32, #tpu.memory_space<vmem>> -> memref<1x16384xf32, #tpu.memory_space<vmem>>
    %dma_start3A_1050 = tpu.memref_squeeze %dma_start3A_1049 : memref<1x16384xf32, #tpu.memory_space<vmem>> -> memref<16384xf32, #tpu.memory_space<vmem>>
    %dma_start3A_1051 = tpu.memref_slice %arg2[%add3A_1046] : memref<16777216xf32, #tpu.memory_space<hbm>> -> memref<16384xf32, #tpu.memory_space<hbm>>
    %dma_start3A_1052 = arith.constant 0 : i32
    %dma_start3A_1053 = tpu.memref_slice %arg5[%dma_start3A_1047, %dma_start3A_1052] : memref<2x16384xf32, #tpu.memory_space<vmem>> -> memref<1x16384xf32, #tpu.memory_space<vmem>>
    %dma_start3A_1054 = tpu.memref_squeeze %dma_start3A_1053 : memref<1x16384xf32, #tpu.memory_space<vmem>> -> memref<16384xf32, #tpu.memory_space<vmem>>
    %dma_start3A_1055 = tpu.memref_slice %arg2[%add3A_1046] : memref<16777216xf32, #tpu.memory_space<hbm>> -> memref<16384xf32, #tpu.memory_space<hbm>>
    tpu.enqueue_dma source(%dma_start3A_1055 : memref<16384xf32, #tpu.memory_space<hbm>>) target(%dma_start3A_1054 : memref<16384xf32, #tpu.memory_space<vmem>>) target_semaphore(%arg9 : memref<!tpu.dma_semaphore, #tpu.memory_space<semaphore_mem>>)
    %dma_wait3A_1056 = arith.constant 0 : i32
    %dma_wait3A_1057 = arith.constant 0 : i32
    %dma_wait3A_1058 = tpu.memref_slice %arg5[%dma_wait3A_1056, %dma_wait3A_1057] : memref<2x16384xf32, #tpu.memory_space<vmem>> -> memref<1x16384xf32, #tpu.memory_space<vmem>>
    %dma_wait3A_1059 = tpu.memref_squeeze %dma_wait3A_1058 : memref<1x16384xf32, #tpu.memory_space<vmem>> -> memref<16384xf32, #tpu.memory_space<vmem>>
    %dma_wait3A_1060 = tpu.memref_slice %arg2[%add3A_991] : memref<16777216xf32, #tpu.memory_space<hbm>> -> memref<16384xf32, #tpu.memory_space<hbm>>
    %dma_wait3A_1061 = arith.constant 0 : i32
    %dma_wait3A_1062 = tpu.memref_slice %arg5[%dma_wait3A_1056, %dma_wait3A_1061] : memref<2x16384xf32, #tpu.memory_space<vmem>> -> memref<1x16384xf32, #tpu.memory_space<vmem>>
    %dma_wait3A_1063 = tpu.memref_squeeze %dma_wait3A_1062 : memref<1x16384xf32, #tpu.memory_space<vmem>> -> memref<16384xf32, #tpu.memory_space<vmem>>
    %dma_wait3A_1064 = tpu.memref_slice %arg2[%add3A_991] : memref<16777216xf32, #tpu.memory_space<hbm>> -> memref<16384xf32, #tpu.memory_space<hbm>>
    tpu.wait_dma2 semaphore(%arg8 : memref<!tpu.dma_semaphore, #tpu.memory_space<semaphore_mem>>) src(%dma_wait3A_1064 : memref<16384xf32, #tpu.memory_space<hbm>>) dst(%dma_wait3A_1063 : memref<16384xf32, #tpu.memory_space<vmem>>)
    %dma_wait3A_1065 = arith.constant 0 : i32
    %dma_wait3A_1066 = arith.constant 0 : i32
    %dma_wait3A_1067 = tpu.memref_slice %arg6[%dma_wait3A_1065, %dma_wait3A_1066] : memref<2x16384xf32, #tpu.memory_space<vmem>> -> memref<1x16384xf32, #tpu.memory_space<vmem>>
    %dma_wait3A_1068 = tpu.memref_squeeze %dma_wait3A_1067 : memref<1x16384xf32, #tpu.memory_space<vmem>> -> memref<16384xf32, #tpu.memory_space<vmem>>
    %dma_wait3A_1069 = tpu.memref_slice %arg4[%add3A_976] : memref<16777216xf32, #tpu.memory_space<hbm>> -> memref<16384xf32, #tpu.memory_space<hbm>>
    %dma_wait3A_1070 = tpu.memref_slice %arg4[%add3A_976] : memref<16777216xf32, #tpu.memory_space<hbm>> -> memref<16384xf32, #tpu.memory_space<hbm>>
    %dma_wait3A_1071 = arith.constant 0 : i32
    %dma_wait3A_1072 = tpu.memref_slice %arg6[%dma_wait3A_1065, %dma_wait3A_1071] : memref<2x16384xf32, #tpu.memory_space<vmem>> -> memref<1x16384xf32, #tpu.memory_space<vmem>>
    %dma_wait3A_1073 = tpu.memref_squeeze %dma_wait3A_1072 : memref<1x16384xf32, #tpu.memory_space<vmem>> -> memref<16384xf32, #tpu.memory_space<vmem>>
    tpu.wait_dma2 semaphore(%arg10 : memref<!tpu.dma_semaphore, #tpu.memory_space<semaphore_mem>>) src(%dma_wait3A_1073 : memref<16384xf32, #tpu.memory_space<vmem>>) dst(%dma_wait3A_1070 : memref<16384xf32, #tpu.memory_space<hbm>>)
    %parallel_loop3A_1074 = arith.constant 0 : i32
    %parallel_loop3A_1075 = arith.constant 1024 : i32
    %parallel_loop3A_1076 = arith.constant 1 : i32
    scf.for %parallel_loop3A_1664 = %parallel_loop3A_1074 to %parallel_loop3A_1075 step %parallel_loop3A_1076  : i32 {
      %parallel_loop3A_1665 = arith.constant 16 : i32
      %parallel_loop3A_1666 = arith.muli %parallel_loop3A_1664, %parallel_loop3A_1665 : i32
      %parallel_loop3A_1667 = arith.constant 0 : i32
      %parallel_loop3A_1668 = arith.index_cast %parallel_loop3A_1667 : i32 to index
      %parallel_loop3A_1669 = arith.index_cast %parallel_loop3A_1666 : i32 to index
      %parallel_loop3A_1670 = tpu.vector_load %arg5[%parallel_loop3A_1668, %parallel_loop3A_1669] {strides = array<i32>} : memref<2x16384xf32, #tpu.memory_space<vmem>>, vector<1x16xf32>,
      %parallel_loop3A_1671 = vector.shape_cast %parallel_loop3A_1670 : vector<1x16xf32> to vector<16xf32>
      %parallel_loop3A_1672 = arith.index_cast %parallel_loop3A_1666 : i32 to index
      %parallel_loop3A_1673 = tpu.vector_load %arg7[%parallel_loop3A_1672] {strides = array<i32>} : memref<16384xf32, #tpu.memory_space<vmem>>, vector<16xf32>,
      %parallel_loop3A_1674 = vector.shape_cast %parallel_loop3A_1673 : vector<16xf32> to vector<16xf32>
      %parallel_loop3A_1675 = arith.addf %parallel_loop3A_1671, %parallel_loop3A_1674 : vector<16xf32>
      %parallel_loop3A_1676 = arith.constant 0 : i32
      %parallel_loop3A_1677 = arith.index_cast %parallel_loop3A_1676 : i32 to index
      %parallel_loop3A_1678 = arith.index_cast %parallel_loop3A_1666 : i32 to index
      %parallel_loop3A_1679 = tpu.vector_load %arg6[%parallel_loop3A_1677, %parallel_loop3A_1678] {strides = array<i32>} : memref<2x16384xf32, #tpu.memory_space<vmem>>, vector<1x16xf32>,
      %parallel_loop3A_1680 = vector.shape_cast %parallel_loop3A_1679 : vector<1x16xf32> to vector<16xf32>
      %parallel_loop3A_1681 = vector.shape_cast %parallel_loop3A_1675 : vector<16xf32> to vector<1x16xf32>
      tpu.vector_store %arg6[%parallel_loop3A_1677, %parallel_loop3A_1678], %parallel_loop3A_1681 {strides = array<i32>} : memref<2x16384xf32, #tpu.memory_space<vmem>>, vector<1x16xf32>,
    } {sc.loop_unroll_factor = 8 : i64, sc.parallel_access}
    %add3A_1077 = arith.constant 40 : i32
    %add3A_1078 = arith.addi %mul3A_2, %add3A_1077 : i32
    %mul3A_1079 = arith.constant 2048 : i32
    %mul3A_1080 = arith.muli %add3A_1078, %mul3A_1079 : i32
    %add3A_1081 = arith.constant 0 : i32
    %add3A_1082 = arith.addi %add3A_1081, %mul3A_1080 : i32
    %dma_start3A_1083 = arith.constant 0 : i32
    %dma_start3A_1084 = arith.constant 0 : i32
    %dma_start3A_1085 = tpu.memref_slice %arg6[%dma_start3A_1083, %dma_start3A_1084] : memref<2x16384xf32, #tpu.memory_space<vmem>> -> memref<1x16384xf32, #tpu.memory_space<vmem>>
    %dma_start3A_1086 = tpu.memref_squeeze %dma_start3A_1085 : memref<1x16384xf32, #tpu.memory_space<vmem>> -> memref<16384xf32, #tpu.memory_space<vmem>>
    %dma_start3A_1087 = tpu.memref_slice %arg4[%add3A_1082] : memref<16777216xf32, #tpu.memory_space<hbm>> -> memref<16384xf32, #tpu.memory_space<hbm>>
    %dma_start3A_1088 = tpu.memref_slice %arg4[%add3A_1082] : memref<16777216xf32, #tpu.memory_space<hbm>> -> memref<16384xf32, #tpu.memory_space<hbm>>
    %dma_start3A_1089 = arith.constant 0 : i32
    %dma_start3A_1090 = tpu.memref_slice %arg6[%dma_start3A_1083, %dma_start3A_1089] : memref<2x16384xf32, #tpu.memory_space<vmem>> -> memref<1x16384xf32, #tpu.memory_space<vmem>>
    %dma_start3A_1091 = tpu.memref_squeeze %dma_start3A_1090 : memref<1x16384xf32, #tpu.memory_space<vmem>> -> memref<16384xf32, #tpu.memory_space<vmem>>
    tpu.enqueue_dma source(%dma_start3A_1091 : memref<16384xf32, #tpu.memory_space<vmem>>) target(%dma_start3A_1088 : memref<16384xf32, #tpu.memory_space<hbm>>) target_semaphore(%arg10 : memref<!tpu.dma_semaphore, #tpu.memory_space<semaphore_mem>>)
    %add3A_1092 = arith.constant 40 : i32
    %add3A_1093 = arith.addi %mul3A_2, %add3A_1092 : i32
    %mul3A_1094 = arith.constant 2048 : i32
    %mul3A_1095 = arith.muli %add3A_1093, %mul3A_1094 : i32
    %add3A_1096 = arith.constant 8388608 : i32
    %add3A_1097 = arith.addi %add3A_1096, %mul3A_1095 : i32
    %dma_start3A_1098 = arith.constant 0 : i32
    %dma_start3A_1099 = arith.constant 0 : i32
    %dma_start3A_1100 = tpu.memref_slice %arg5[%dma_start3A_1098, %dma_start3A_1099] : memref<2x16384xf32, #tpu.memory_space<vmem>> -> memref<1x16384xf32, #tpu.memory_space<vmem>>
    %dma_start3A_1101 = tpu.memref_squeeze %dma_start3A_1100 : memref<1x16384xf32, #tpu.memory_space<vmem>> -> memref<16384xf32, #tpu.memory_space<vmem>>
    %dma_start3A_1102 = tpu.memref_slice %arg2[%add3A_1097] : memref<16777216xf32, #tpu.memory_space<hbm>> -> memref<16384xf32, #tpu.memory_space<hbm>>
    %dma_start3A_1103 = arith.constant 0 : i32
    %dma_start3A_1104 = tpu.memref_slice %arg5[%dma_start3A_1098, %dma_start3A_1103] : memref<2x16384xf32, #tpu.memory_space<vmem>> -> memref<1x16384xf32, #tpu.memory_space<vmem>>
    %dma_start3A_1105 = tpu.memref_squeeze %dma_start3A_1104 : memref<1x16384xf32, #tpu.memory_space<vmem>> -> memref<16384xf32, #tpu.memory_space<vmem>>
    %dma_start3A_1106 = tpu.memref_slice %arg2[%add3A_1097] : memref<16777216xf32, #tpu.memory_space<hbm>> -> memref<16384xf32, #tpu.memory_space<hbm>>
    tpu.enqueue_dma source(%dma_start3A_1106 : memref<16384xf32, #tpu.memory_space<hbm>>) target(%dma_start3A_1105 : memref<16384xf32, #tpu.memory_space<vmem>>) target_semaphore(%arg8 : memref<!tpu.dma_semaphore, #tpu.memory_space<semaphore_mem>>)
    %dma_wait3A_1107 = arith.constant 1 : i32
    %dma_wait3A_1108 = arith.constant 0 : i32
    %dma_wait3A_1109 = tpu.memref_slice %arg5[%dma_wait3A_1107, %dma_wait3A_1108] : memref<2x16384xf32, #tpu.memory_space<vmem>> -> memref<1x16384xf32, #tpu.memory_space<vmem>>
    %dma_wait3A_1110 = tpu.memref_squeeze %dma_wait3A_1109 : memref<1x16384xf32, #tpu.memory_space<vmem>> -> memref<16384xf32, #tpu.memory_space<vmem>>
    %dma_wait3A_1111 = tpu.memref_slice %arg2[%add3A_1046] : memref<16777216xf32, #tpu.memory_space<hbm>> -> memref<16384xf32, #tpu.memory_space<hbm>>
    %dma_wait3A_1112 = arith.constant 0 : i32
    %dma_wait3A_1113 = tpu.memref_slice %arg5[%dma_wait3A_1107, %dma_wait3A_1112] : memref<2x16384xf32, #tpu.memory_space<vmem>> -> memref<1x16384xf32, #tpu.memory_space<vmem>>
    %dma_wait3A_1114 = tpu.memref_squeeze %dma_wait3A_1113 : memref<1x16384xf32, #tpu.memory_space<vmem>> -> memref<16384xf32, #tpu.memory_space<vmem>>
    %dma_wait3A_1115 = tpu.memref_slice %arg2[%add3A_1046] : memref<16777216xf32, #tpu.memory_space<hbm>> -> memref<16384xf32, #tpu.memory_space<hbm>>
    tpu.wait_dma2 semaphore(%arg9 : memref<!tpu.dma_semaphore, #tpu.memory_space<semaphore_mem>>) src(%dma_wait3A_1115 : memref<16384xf32, #tpu.memory_space<hbm>>) dst(%dma_wait3A_1114 : memref<16384xf32, #tpu.memory_space<vmem>>)
    %dma_wait3A_1116 = arith.constant 1 : i32
    %dma_wait3A_1117 = arith.constant 0 : i32
    %dma_wait3A_1118 = tpu.memref_slice %arg6[%dma_wait3A_1116, %dma_wait3A_1117] : memref<2x16384xf32, #tpu.memory_space<vmem>> -> memref<1x16384xf32, #tpu.memory_space<vmem>>
    %dma_wait3A_1119 = tpu.memref_squeeze %dma_wait3A_1118 : memref<1x16384xf32, #tpu.memory_space<vmem>> -> memref<16384xf32, #tpu.memory_space<vmem>>
    %dma_wait3A_1120 = tpu.memref_slice %arg4[%add3A_1027] : memref<16777216xf32, #tpu.memory_space<hbm>> -> memref<16384xf32, #tpu.memory_space<hbm>>
    %dma_wait3A_1121 = tpu.memref_slice %arg4[%add3A_1027] : memref<16777216xf32, #tpu.memory_space<hbm>> -> memref<16384xf32, #tpu.memory_space<hbm>>
    %dma_wait3A_1122 = arith.constant 0 : i32
    %dma_wait3A_1123 = tpu.memref_slice %arg6[%dma_wait3A_1116, %dma_wait3A_1122] : memref<2x16384xf32, #tpu.memory_space<vmem>> -> memref<1x16384xf32, #tpu.memory_space<vmem>>
    %dma_wait3A_1124 = tpu.memref_squeeze %dma_wait3A_1123 : memref<1x16384xf32, #tpu.memory_space<vmem>> -> memref<16384xf32, #tpu.memory_space<vmem>>
    tpu.wait_dma2 semaphore(%arg11 : memref<!tpu.dma_semaphore, #tpu.memory_space<semaphore_mem>>) src(%dma_wait3A_1124 : memref<16384xf32, #tpu.memory_space<vmem>>) dst(%dma_wait3A_1121 : memref<16384xf32, #tpu.memory_space<hbm>>)
    %parallel_loop3A_1125 = arith.constant 0 : i32
    %parallel_loop3A_1126 = arith.constant 1024 : i32
    %parallel_loop3A_1127 = arith.constant 1 : i32
    scf.for %parallel_loop3A_1664 = %parallel_loop3A_1125 to %parallel_loop3A_1126 step %parallel_loop3A_1127  : i32 {
      %parallel_loop3A_1665 = arith.constant 16 : i32
      %parallel_loop3A_1666 = arith.muli %parallel_loop3A_1664, %parallel_loop3A_1665 : i32
      %parallel_loop3A_1667 = arith.constant 1 : i32
      %parallel_loop3A_1668 = arith.index_cast %parallel_loop3A_1667 : i32 to index
      %parallel_loop3A_1669 = arith.index_cast %parallel_loop3A_1666 : i32 to index
      %parallel_loop3A_1670 = tpu.vector_load %arg5[%parallel_loop3A_1668, %parallel_loop3A_1669] {strides = array<i32>} : memref<2x16384xf32, #tpu.memory_space<vmem>>, vector<1x16xf32>,
      %parallel_loop3A_1671 = vector.shape_cast %parallel_loop3A_1670 : vector<1x16xf32> to vector<16xf32>
      %parallel_loop3A_1672 = arith.index_cast %parallel_loop3A_1666 : i32 to index
      %parallel_loop3A_1673 = tpu.vector_load %arg7[%parallel_loop3A_1672] {strides = array<i32>} : memref<16384xf32, #tpu.memory_space<vmem>>, vector<16xf32>,
      %parallel_loop3A_1674 = vector.shape_cast %parallel_loop3A_1673 : vector<16xf32> to vector<16xf32>
      %parallel_loop3A_1675 = arith.addf %parallel_loop3A_1671, %parallel_loop3A_1674 : vector<16xf32>
      %parallel_loop3A_1676 = arith.constant 1 : i32
      %parallel_loop3A_1677 = arith.index_cast %parallel_loop3A_1676 : i32 to index
      %parallel_loop3A_1678 = arith.index_cast %parallel_loop3A_1666 : i32 to index
      %parallel_loop3A_1679 = tpu.vector_load %arg6[%parallel_loop3A_1677, %parallel_loop3A_1678] {strides = array<i32>} : memref<2x16384xf32, #tpu.memory_space<vmem>>, vector<1x16xf32>,
      %parallel_loop3A_1680 = vector.shape_cast %parallel_loop3A_1679 : vector<1x16xf32> to vector<16xf32>
      %parallel_loop3A_1681 = vector.shape_cast %parallel_loop3A_1675 : vector<16xf32> to vector<1x16xf32>
      tpu.vector_store %arg6[%parallel_loop3A_1677, %parallel_loop3A_1678], %parallel_loop3A_1681 {strides = array<i32>} : memref<2x16384xf32, #tpu.memory_space<vmem>>, vector<1x16xf32>,
    } {sc.loop_unroll_factor = 8 : i64, sc.parallel_access}
    %add3A_1128 = arith.constant 40 : i32
    %add3A_1129 = arith.addi %mul3A_2, %add3A_1128 : i32
    %mul3A_1130 = arith.constant 2048 : i32
    %mul3A_1131 = arith.muli %add3A_1129, %mul3A_1130 : i32
    %add3A_1132 = arith.constant 4194304 : i32
    %add3A_1133 = arith.addi %add3A_1132, %mul3A_1131 : i32
    %dma_start3A_1134 = arith.constant 1 : i32
    %dma_start3A_1135 = arith.constant 0 : i32
    %dma_start3A_1136 = tpu.memref_slice %arg6[%dma_start3A_1134, %dma_start3A_1135] : memref<2x16384xf32, #tpu.memory_space<vmem>> -> memref<1x16384xf32, #tpu.memory_space<vmem>>
    %dma_start3A_1137 = tpu.memref_squeeze %dma_start3A_1136 : memref<1x16384xf32, #tpu.memory_space<vmem>> -> memref<16384xf32, #tpu.memory_space<vmem>>
    %dma_start3A_1138 = tpu.memref_slice %arg4[%add3A_1133] : memref<16777216xf32, #tpu.memory_space<hbm>> -> memref<16384xf32, #tpu.memory_space<hbm>>
    %dma_start3A_1139 = tpu.memref_slice %arg4[%add3A_1133] : memref<16777216xf32, #tpu.memory_space<hbm>> -> memref<16384xf32, #tpu.memory_space<hbm>>
    %dma_start3A_1140 = arith.constant 0 : i32
    %dma_start3A_1141 = tpu.memref_slice %arg6[%dma_start3A_1134, %dma_start3A_1140] : memref<2x16384xf32, #tpu.memory_space<vmem>> -> memref<1x16384xf32, #tpu.memory_space<vmem>>
    %dma_start3A_1142 = tpu.memref_squeeze %dma_start3A_1141 : memref<1x16384xf32, #tpu.memory_space<vmem>> -> memref<16384xf32, #tpu.memory_space<vmem>>
    tpu.enqueue_dma source(%dma_start3A_1142 : memref<16384xf32, #tpu.memory_space<vmem>>) target(%dma_start3A_1139 : memref<16384xf32, #tpu.memory_space<hbm>>) target_semaphore(%arg11 : memref<!tpu.dma_semaphore, #tpu.memory_space<semaphore_mem>>)
    %add3A_1143 = arith.constant 40 : i32
    %add3A_1144 = arith.addi %mul3A_2, %add3A_1143 : i32
    %mul3A_1145 = arith.constant 2048 : i32
    %mul3A_1146 = arith.muli %add3A_1144, %mul3A_1145 : i32
    %add3A_1147 = arith.constant 12582912 : i32
    %add3A_1148 = arith.addi %add3A_1147, %mul3A_1146 : i32
    %dma_start3A_1149 = arith.constant 1 : i32
    %dma_start3A_1150 = arith.constant 0 : i32
    %dma_start3A_1151 = tpu.memref_slice %arg5[%dma_start3A_1149, %dma_start3A_1150] : memref<2x16384xf32, #tpu.memory_space<vmem>> -> memref<1x16384xf32, #tpu.memory_space<vmem>>
    %dma_start3A_1152 = tpu.memref_squeeze %dma_start3A_1151 : memref<1x16384xf32, #tpu.memory_space<vmem>> -> memref<16384xf32, #tpu.memory_space<vmem>>
    %dma_start3A_1153 = tpu.memref_slice %arg2[%add3A_1148] : memref<16777216xf32, #tpu.memory_space<hbm>> -> memref<16384xf32, #tpu.memory_space<hbm>>
    %dma_start3A_1154 = arith.constant 0 : i32
    %dma_start3A_1155 = tpu.memref_slice %arg5[%dma_start3A_1149, %dma_start3A_1154] : memref<2x16384xf32, #tpu.memory_space<vmem>> -> memref<1x16384xf32, #tpu.memory_space<vmem>>
    %dma_start3A_1156 = tpu.memref_squeeze %dma_start3A_1155 : memref<1x16384xf32, #tpu.memory_space<vmem>> -> memref<16384xf32, #tpu.memory_space<vmem>>
    %dma_start3A_1157 = tpu.memref_slice %arg2[%add3A_1148] : memref<16777216xf32, #tpu.memory_space<hbm>> -> memref<16384xf32, #tpu.memory_space<hbm>>
    tpu.enqueue_dma source(%dma_start3A_1157 : memref<16384xf32, #tpu.memory_space<hbm>>) target(%dma_start3A_1156 : memref<16384xf32, #tpu.memory_space<vmem>>) target_semaphore(%arg9 : memref<!tpu.dma_semaphore, #tpu.memory_space<semaphore_mem>>)
    %dma_wait3A_1158 = arith.constant 0 : i32
    %dma_wait3A_1159 = arith.constant 0 : i32
    %dma_wait3A_1160 = tpu.memref_slice %arg5[%dma_wait3A_1158, %dma_wait3A_1159] : memref<2x16384xf32, #tpu.memory_space<vmem>> -> memref<1x16384xf32, #tpu.memory_space<vmem>>
    %dma_wait3A_1161 = tpu.memref_squeeze %dma_wait3A_1160 : memref<1x16384xf32, #tpu.memory_space<vmem>> -> memref<16384xf32, #tpu.memory_space<vmem>>
    %dma_wait3A_1162 = tpu.memref_slice %arg2[%add3A_1097] : memref<16777216xf32, #tpu.memory_space<hbm>> -> memref<16384xf32, #tpu.memory_space<hbm>>
    %dma_wait3A_1163 = arith.constant 0 : i32
    %dma_wait3A_1164 = tpu.memref_slice %arg5[%dma_wait3A_1158, %dma_wait3A_1163] : memref<2x16384xf32, #tpu.memory_space<vmem>> -> memref<1x16384xf32, #tpu.memory_space<vmem>>
    %dma_wait3A_1165 = tpu.memref_squeeze %dma_wait3A_1164 : memref<1x16384xf32, #tpu.memory_space<vmem>> -> memref<16384xf32, #tpu.memory_space<vmem>>
    %dma_wait3A_1166 = tpu.memref_slice %arg2[%add3A_1097] : memref<16777216xf32, #tpu.memory_space<hbm>> -> memref<16384xf32, #tpu.memory_space<hbm>>
    tpu.wait_dma2 semaphore(%arg8 : memref<!tpu.dma_semaphore, #tpu.memory_space<semaphore_mem>>) src(%dma_wait3A_1166 : memref<16384xf32, #tpu.memory_space<hbm>>) dst(%dma_wait3A_1165 : memref<16384xf32, #tpu.memory_space<vmem>>)
    %dma_wait3A_1167 = arith.constant 0 : i32
    %dma_wait3A_1168 = arith.constant 0 : i32
    %dma_wait3A_1169 = tpu.memref_slice %arg6[%dma_wait3A_1167, %dma_wait3A_1168] : memref<2x16384xf32, #tpu.memory_space<vmem>> -> memref<1x16384xf32, #tpu.memory_space<vmem>>
    %dma_wait3A_1170 = tpu.memref_squeeze %dma_wait3A_1169 : memref<1x16384xf32, #tpu.memory_space<vmem>> -> memref<16384xf32, #tpu.memory_space<vmem>>
    %dma_wait3A_1171 = tpu.memref_slice %arg4[%add3A_1082] : memref<16777216xf32, #tpu.memory_space<hbm>> -> memref<16384xf32, #tpu.memory_space<hbm>>
    %dma_wait3A_1172 = tpu.memref_slice %arg4[%add3A_1082] : memref<16777216xf32, #tpu.memory_space<hbm>> -> memref<16384xf32, #tpu.memory_space<hbm>>
    %dma_wait3A_1173 = arith.constant 0 : i32
    %dma_wait3A_1174 = tpu.memref_slice %arg6[%dma_wait3A_1167, %dma_wait3A_1173] : memref<2x16384xf32, #tpu.memory_space<vmem>> -> memref<1x16384xf32, #tpu.memory_space<vmem>>
    %dma_wait3A_1175 = tpu.memref_squeeze %dma_wait3A_1174 : memref<1x16384xf32, #tpu.memory_space<vmem>> -> memref<16384xf32, #tpu.memory_space<vmem>>
    tpu.wait_dma2 semaphore(%arg10 : memref<!tpu.dma_semaphore, #tpu.memory_space<semaphore_mem>>) src(%dma_wait3A_1175 : memref<16384xf32, #tpu.memory_space<vmem>>) dst(%dma_wait3A_1172 : memref<16384xf32, #tpu.memory_space<hbm>>)
    %parallel_loop3A_1176 = arith.constant 0 : i32
    %parallel_loop3A_1177 = arith.constant 1024 : i32
    %parallel_loop3A_1178 = arith.constant 1 : i32
    scf.for %parallel_loop3A_1664 = %parallel_loop3A_1176 to %parallel_loop3A_1177 step %parallel_loop3A_1178  : i32 {
      %parallel_loop3A_1665 = arith.constant 16 : i32
      %parallel_loop3A_1666 = arith.muli %parallel_loop3A_1664, %parallel_loop3A_1665 : i32
      %parallel_loop3A_1667 = arith.constant 0 : i32
      %parallel_loop3A_1668 = arith.index_cast %parallel_loop3A_1667 : i32 to index
      %parallel_loop3A_1669 = arith.index_cast %parallel_loop3A_1666 : i32 to index
      %parallel_loop3A_1670 = tpu.vector_load %arg5[%parallel_loop3A_1668, %parallel_loop3A_1669] {strides = array<i32>} : memref<2x16384xf32, #tpu.memory_space<vmem>>, vector<1x16xf32>,
      %parallel_loop3A_1671 = vector.shape_cast %parallel_loop3A_1670 : vector<1x16xf32> to vector<16xf32>
      %parallel_loop3A_1672 = arith.index_cast %parallel_loop3A_1666 : i32 to index
      %parallel_loop3A_1673 = tpu.vector_load %arg7[%parallel_loop3A_1672] {strides = array<i32>} : memref<16384xf32, #tpu.memory_space<vmem>>, vector<16xf32>,
      %parallel_loop3A_1674 = vector.shape_cast %parallel_loop3A_1673 : vector<16xf32> to vector<16xf32>
      %parallel_loop3A_1675 = arith.addf %parallel_loop3A_1671, %parallel_loop3A_1674 : vector<16xf32>
      %parallel_loop3A_1676 = arith.constant 0 : i32
      %parallel_loop3A_1677 = arith.index_cast %parallel_loop3A_1676 : i32 to index
      %parallel_loop3A_1678 = arith.index_cast %parallel_loop3A_1666 : i32 to index
      %parallel_loop3A_1679 = tpu.vector_load %arg6[%parallel_loop3A_1677, %parallel_loop3A_1678] {strides = array<i32>} : memref<2x16384xf32, #tpu.memory_space<vmem>>, vector<1x16xf32>,
      %parallel_loop3A_1680 = vector.shape_cast %parallel_loop3A_1679 : vector<1x16xf32> to vector<16xf32>
      %parallel_loop3A_1681 = vector.shape_cast %parallel_loop3A_1675 : vector<16xf32> to vector<1x16xf32>
      tpu.vector_store %arg6[%parallel_loop3A_1677, %parallel_loop3A_1678], %parallel_loop3A_1681 {strides = array<i32>} : memref<2x16384xf32, #tpu.memory_space<vmem>>, vector<1x16xf32>,
    } {sc.loop_unroll_factor = 8 : i64, sc.parallel_access}
    %add3A_1179 = arith.constant 40 : i32
    %add3A_1180 = arith.addi %mul3A_2, %add3A_1179 : i32
    %mul3A_1181 = arith.constant 2048 : i32
    %mul3A_1182 = arith.muli %add3A_1180, %mul3A_1181 : i32
    %add3A_1183 = arith.constant 8388608 : i32
    %add3A_1184 = arith.addi %add3A_1183, %mul3A_1182 : i32
    %dma_start3A_1185 = arith.constant 0 : i32
    %dma_start3A_1186 = arith.constant 0 : i32
    %dma_start3A_1187 = tpu.memref_slice %arg6[%dma_start3A_1185, %dma_start3A_1186] : memref<2x16384xf32, #tpu.memory_space<vmem>> -> memref<1x16384xf32, #tpu.memory_space<vmem>>
    %dma_start3A_1188 = tpu.memref_squeeze %dma_start3A_1187 : memref<1x16384xf32, #tpu.memory_space<vmem>> -> memref<16384xf32, #tpu.memory_space<vmem>>
    %dma_start3A_1189 = tpu.memref_slice %arg4[%add3A_1184] : memref<16777216xf32, #tpu.memory_space<hbm>> -> memref<16384xf32, #tpu.memory_space<hbm>>
    %dma_start3A_1190 = tpu.memref_slice %arg4[%add3A_1184] : memref<16777216xf32, #tpu.memory_space<hbm>> -> memref<16384xf32, #tpu.memory_space<hbm>>
    %dma_start3A_1191 = arith.constant 0 : i32
    %dma_start3A_1192 = tpu.memref_slice %arg6[%dma_start3A_1185, %dma_start3A_1191] : memref<2x16384xf32, #tpu.memory_space<vmem>> -> memref<1x16384xf32, #tpu.memory_space<vmem>>
    %dma_start3A_1193 = tpu.memref_squeeze %dma_start3A_1192 : memref<1x16384xf32, #tpu.memory_space<vmem>> -> memref<16384xf32, #tpu.memory_space<vmem>>
    tpu.enqueue_dma source(%dma_start3A_1193 : memref<16384xf32, #tpu.memory_space<vmem>>) target(%dma_start3A_1190 : memref<16384xf32, #tpu.memory_space<hbm>>) target_semaphore(%arg10 : memref<!tpu.dma_semaphore, #tpu.memory_space<semaphore_mem>>)
    %add3A_1194 = arith.constant 48 : i32
    %add3A_1195 = arith.addi %mul3A_2, %add3A_1194 : i32
    %mul3A_1196 = arith.constant 2048 : i32
    %mul3A_1197 = arith.muli %add3A_1195, %mul3A_1196 : i32
    %add3A_1198 = arith.constant 0 : i32
    %add3A_1199 = arith.addi %add3A_1198, %mul3A_1197 : i32
    %dma_start3A_1200 = arith.constant 0 : i32
    %dma_start3A_1201 = arith.constant 0 : i32
    %dma_start3A_1202 = tpu.memref_slice %arg5[%dma_start3A_1200, %dma_start3A_1201] : memref<2x16384xf32, #tpu.memory_space<vmem>> -> memref<1x16384xf32, #tpu.memory_space<vmem>>
    %dma_start3A_1203 = tpu.memref_squeeze %dma_start3A_1202 : memref<1x16384xf32, #tpu.memory_space<vmem>> -> memref<16384xf32, #tpu.memory_space<vmem>>
    %dma_start3A_1204 = tpu.memref_slice %arg2[%add3A_1199] : memref<16777216xf32, #tpu.memory_space<hbm>> -> memref<16384xf32, #tpu.memory_space<hbm>>
    %dma_start3A_1205 = arith.constant 0 : i32
    %dma_start3A_1206 = tpu.memref_slice %arg5[%dma_start3A_1200, %dma_start3A_1205] : memref<2x16384xf32, #tpu.memory_space<vmem>> -> memref<1x16384xf32, #tpu.memory_space<vmem>>
    %dma_start3A_1207 = tpu.memref_squeeze %dma_start3A_1206 : memref<1x16384xf32, #tpu.memory_space<vmem>> -> memref<16384xf32, #tpu.memory_space<vmem>>
    %dma_start3A_1208 = tpu.memref_slice %arg2[%add3A_1199] : memref<16777216xf32, #tpu.memory_space<hbm>> -> memref<16384xf32, #tpu.memory_space<hbm>>
    tpu.enqueue_dma source(%dma_start3A_1208 : memref<16384xf32, #tpu.memory_space<hbm>>) target(%dma_start3A_1207 : memref<16384xf32, #tpu.memory_space<vmem>>) target_semaphore(%arg8 : memref<!tpu.dma_semaphore, #tpu.memory_space<semaphore_mem>>)
    %dma_wait3A_1209 = arith.constant 1 : i32
    %dma_wait3A_1210 = arith.constant 0 : i32
    %dma_wait3A_1211 = tpu.memref_slice %arg5[%dma_wait3A_1209, %dma_wait3A_1210] : memref<2x16384xf32, #tpu.memory_space<vmem>> -> memref<1x16384xf32, #tpu.memory_space<vmem>>
    %dma_wait3A_1212 = tpu.memref_squeeze %dma_wait3A_1211 : memref<1x16384xf32, #tpu.memory_space<vmem>> -> memref<16384xf32, #tpu.memory_space<vmem>>
    %dma_wait3A_1213 = tpu.memref_slice %arg2[%add3A_1148] : memref<16777216xf32, #tpu.memory_space<hbm>> -> memref<16384xf32, #tpu.memory_space<hbm>>
    %dma_wait3A_1214 = arith.constant 0 : i32
    %dma_wait3A_1215 = tpu.memref_slice %arg5[%dma_wait3A_1209, %dma_wait3A_1214] : memref<2x16384xf32, #tpu.memory_space<vmem>> -> memref<1x16384xf32, #tpu.memory_space<vmem>>
    %dma_wait3A_1216 = tpu.memref_squeeze %dma_wait3A_1215 : memref<1x16384xf32, #tpu.memory_space<vmem>> -> memref<16384xf32, #tpu.memory_space<vmem>>
    %dma_wait3A_1217 = tpu.memref_slice %arg2[%add3A_1148] : memref<16777216xf32, #tpu.memory_space<hbm>> -> memref<16384xf32, #tpu.memory_space<hbm>>
    tpu.wait_dma2 semaphore(%arg9 : memref<!tpu.dma_semaphore, #tpu.memory_space<semaphore_mem>>) src(%dma_wait3A_1217 : memref<16384xf32, #tpu.memory_space<hbm>>) dst(%dma_wait3A_1216 : memref<16384xf32, #tpu.memory_space<vmem>>)
    %dma_wait3A_1218 = arith.constant 1 : i32
    %dma_wait3A_1219 = arith.constant 0 : i32
    %dma_wait3A_1220 = tpu.memref_slice %arg6[%dma_wait3A_1218, %dma_wait3A_1219] : memref<2x16384xf32, #tpu.memory_space<vmem>> -> memref<1x16384xf32, #tpu.memory_space<vmem>>
    %dma_wait3A_1221 = tpu.memref_squeeze %dma_wait3A_1220 : memref<1x16384xf32, #tpu.memory_space<vmem>> -> memref<16384xf32, #tpu.memory_space<vmem>>
    %dma_wait3A_1222 = tpu.memref_slice %arg4[%add3A_1133] : memref<16777216xf32, #tpu.memory_space<hbm>> -> memref<16384xf32, #tpu.memory_space<hbm>>
    %dma_wait3A_1223 = tpu.memref_slice %arg4[%add3A_1133] : memref<16777216xf32, #tpu.memory_space<hbm>> -> memref<16384xf32, #tpu.memory_space<hbm>>
    %dma_wait3A_1224 = arith.constant 0 : i32
    %dma_wait3A_1225 = tpu.memref_slice %arg6[%dma_wait3A_1218, %dma_wait3A_1224] : memref<2x16384xf32, #tpu.memory_space<vmem>> -> memref<1x16384xf32, #tpu.memory_space<vmem>>
    %dma_wait3A_1226 = tpu.memref_squeeze %dma_wait3A_1225 : memref<1x16384xf32, #tpu.memory_space<vmem>> -> memref<16384xf32, #tpu.memory_space<vmem>>
    tpu.wait_dma2 semaphore(%arg11 : memref<!tpu.dma_semaphore, #tpu.memory_space<semaphore_mem>>) src(%dma_wait3A_1226 : memref<16384xf32, #tpu.memory_space<vmem>>) dst(%dma_wait3A_1223 : memref<16384xf32, #tpu.memory_space<hbm>>)
    %parallel_loop3A_1227 = arith.constant 0 : i32
    %parallel_loop3A_1228 = arith.constant 1024 : i32
    %parallel_loop3A_1229 = arith.constant 1 : i32
    scf.for %parallel_loop3A_1664 = %parallel_loop3A_1227 to %parallel_loop3A_1228 step %parallel_loop3A_1229  : i32 {
      %parallel_loop3A_1665 = arith.constant 16 : i32
      %parallel_loop3A_1666 = arith.muli %parallel_loop3A_1664, %parallel_loop3A_1665 : i32
      %parallel_loop3A_1667 = arith.constant 1 : i32
      %parallel_loop3A_1668 = arith.index_cast %parallel_loop3A_1667 : i32 to index
      %parallel_loop3A_1669 = arith.index_cast %parallel_loop3A_1666 : i32 to index
      %parallel_loop3A_1670 = tpu.vector_load %arg5[%parallel_loop3A_1668, %parallel_loop3A_1669] {strides = array<i32>} : memref<2x16384xf32, #tpu.memory_space<vmem>>, vector<1x16xf32>,
      %parallel_loop3A_1671 = vector.shape_cast %parallel_loop3A_1670 : vector<1x16xf32> to vector<16xf32>
      %parallel_loop3A_1672 = arith.index_cast %parallel_loop3A_1666 : i32 to index
      %parallel_loop3A_1673 = tpu.vector_load %arg7[%parallel_loop3A_1672] {strides = array<i32>} : memref<16384xf32, #tpu.memory_space<vmem>>, vector<16xf32>,
      %parallel_loop3A_1674 = vector.shape_cast %parallel_loop3A_1673 : vector<16xf32> to vector<16xf32>
      %parallel_loop3A_1675 = arith.addf %parallel_loop3A_1671, %parallel_loop3A_1674 : vector<16xf32>
      %parallel_loop3A_1676 = arith.constant 1 : i32
      %parallel_loop3A_1677 = arith.index_cast %parallel_loop3A_1676 : i32 to index
      %parallel_loop3A_1678 = arith.index_cast %parallel_loop3A_1666 : i32 to index
      %parallel_loop3A_1679 = tpu.vector_load %arg6[%parallel_loop3A_1677, %parallel_loop3A_1678] {strides = array<i32>} : memref<2x16384xf32, #tpu.memory_space<vmem>>, vector<1x16xf32>,
      %parallel_loop3A_1680 = vector.shape_cast %parallel_loop3A_1679 : vector<1x16xf32> to vector<16xf32>
      %parallel_loop3A_1681 = vector.shape_cast %parallel_loop3A_1675 : vector<16xf32> to vector<1x16xf32>
      tpu.vector_store %arg6[%parallel_loop3A_1677, %parallel_loop3A_1678], %parallel_loop3A_1681 {strides = array<i32>} : memref<2x16384xf32, #tpu.memory_space<vmem>>, vector<1x16xf32>,
    } {sc.loop_unroll_factor = 8 : i64, sc.parallel_access}
    %add3A_1230 = arith.constant 40 : i32
    %add3A_1231 = arith.addi %mul3A_2, %add3A_1230 : i32
    %mul3A_1232 = arith.constant 2048 : i32
    %mul3A_1233 = arith.muli %add3A_1231, %mul3A_1232 : i32
    %add3A_1234 = arith.constant 12582912 : i32
    %add3A_1235 = arith.addi %add3A_1234, %mul3A_1233 : i32
    %dma_start3A_1236 = arith.constant 1 : i32
    %dma_start3A_1237 = arith.constant 0 : i32
    %dma_start3A_1238 = tpu.memref_slice %arg6[%dma_start3A_1236, %dma_start3A_1237] : memref<2x16384xf32, #tpu.memory_space<vmem>> -> memref<1x16384xf32, #tpu.memory_space<vmem>>
    %dma_start3A_1239 = tpu.memref_squeeze %dma_start3A_1238 : memref<1x16384xf32, #tpu.memory_space<vmem>> -> memref<16384xf32, #tpu.memory_space<vmem>>
    %dma_start3A_1240 = tpu.memref_slice %arg4[%add3A_1235] : memref<16777216xf32, #tpu.memory_space<hbm>> -> memref<16384xf32, #tpu.memory_space<hbm>>
    %dma_start3A_1241 = tpu.memref_slice %arg4[%add3A_1235] : memref<16777216xf32, #tpu.memory_space<hbm>> -> memref<16384xf32, #tpu.memory_space<hbm>>
    %dma_start3A_1242 = arith.constant 0 : i32
    %dma_start3A_1243 = tpu.memref_slice %arg6[%dma_start3A_1236, %dma_start3A_1242] : memref<2x16384xf32, #tpu.memory_space<vmem>> -> memref<1x16384xf32, #tpu.memory_space<vmem>>
    %dma_start3A_1244 = tpu.memref_squeeze %dma_start3A_1243 : memref<1x16384xf32, #tpu.memory_space<vmem>> -> memref<16384xf32, #tpu.memory_space<vmem>>
    tpu.enqueue_dma source(%dma_start3A_1244 : memref<16384xf32, #tpu.memory_space<vmem>>) target(%dma_start3A_1241 : memref<16384xf32, #tpu.memory_space<hbm>>) target_semaphore(%arg11 : memref<!tpu.dma_semaphore, #tpu.memory_space<semaphore_mem>>)
    %add3A_1245 = arith.constant 48 : i32
    %add3A_1246 = arith.addi %mul3A_2, %add3A_1245 : i32
    %mul3A_1247 = arith.constant 2048 : i32
    %mul3A_1248 = arith.muli %add3A_1246, %mul3A_1247 : i32
    "tpu.region"() ({
      %run_scoped3A = tpu.sem_alloc : memref<!tpu.dma_semaphore, #tpu.memory_space<semaphore_mem>>
      %dma_start3A_1664 = tpu.memref_slice %arg3[%mul3A_1248] : memref<4194304xf32, #tpu.memory_space<hbm>> -> memref<16384xf32, #tpu.memory_space<hbm>>
      %dma_start3A_1665 = tpu.memref_slice %arg3[%mul3A_1248] : memref<4194304xf32, #tpu.memory_space<hbm>> -> memref<16384xf32, #tpu.memory_space<hbm>>
      tpu.enqueue_dma source(%dma_start3A_1665 : memref<16384xf32, #tpu.memory_space<hbm>>) target(%arg7 : memref<16384xf32, #tpu.memory_space<vmem>>) target_semaphore(%run_scoped3A : memref<!tpu.dma_semaphore, #tpu.memory_space<semaphore_mem>>)
      %dma_wait3A_1666 = tpu.memref_slice %arg3[%mul3A_1248] : memref<4194304xf32, #tpu.memory_space<hbm>> -> memref<16384xf32, #tpu.memory_space<hbm>>
      %dma_wait3A_1667 = tpu.memref_slice %arg3[%mul3A_1248] : memref<4194304xf32, #tpu.memory_space<hbm>> -> memref<16384xf32, #tpu.memory_space<hbm>>
      tpu.wait_dma2 semaphore(%run_scoped3A : memref<!tpu.dma_semaphore, #tpu.memory_space<semaphore_mem>>) src(%dma_wait3A_1667 : memref<16384xf32, #tpu.memory_space<hbm>>) dst(%arg7 : memref<16384xf32, #tpu.memory_space<vmem>>)
      tpu.yield
    }) : () -> ()
    %add3A_1249 = arith.constant 48 : i32
    %add3A_1250 = arith.addi %mul3A_2, %add3A_1249 : i32
    %mul3A_1251 = arith.constant 2048 : i32
    %mul3A_1252 = arith.muli %add3A_1250, %mul3A_1251 : i32
    %add3A_1253 = arith.constant 4194304 : i32
    %add3A_1254 = arith.addi %add3A_1253, %mul3A_1252 : i32
    %dma_start3A_1255 = arith.constant 1 : i32
    %dma_start3A_1256 = arith.constant 0 : i32
    %dma_start3A_1257 = tpu.memref_slice %arg5[%dma_start3A_1255, %dma_start3A_1256] : memref<2x16384xf32, #tpu.memory_space<vmem>> -> memref<1x16384xf32, #tpu.memory_space<vmem>>
    %dma_start3A_1258 = tpu.memref_squeeze %dma_start3A_1257 : memref<1x16384xf32, #tpu.memory_space<vmem>> -> memref<16384xf32, #tpu.memory_space<vmem>>
    %dma_start3A_1259 = tpu.memref_slice %arg2[%add3A_1254] : memref<16777216xf32, #tpu.memory_space<hbm>> -> memref<16384xf32, #tpu.memory_space<hbm>>
    %dma_start3A_1260 = arith.constant 0 : i32
    %dma_start3A_1261 = tpu.memref_slice %arg5[%dma_start3A_1255, %dma_start3A_1260] : memref<2x16384xf32, #tpu.memory_space<vmem>> -> memref<1x16384xf32, #tpu.memory_space<vmem>>
    %dma_start3A_1262 = tpu.memref_squeeze %dma_start3A_1261 : memref<1x16384xf32, #tpu.memory_space<vmem>> -> memref<16384xf32, #tpu.memory_space<vmem>>
    %dma_start3A_1263 = tpu.memref_slice %arg2[%add3A_1254] : memref<16777216xf32, #tpu.memory_space<hbm>> -> memref<16384xf32, #tpu.memory_space<hbm>>
    tpu.enqueue_dma source(%dma_start3A_1263 : memref<16384xf32, #tpu.memory_space<hbm>>) target(%dma_start3A_1262 : memref<16384xf32, #tpu.memory_space<vmem>>) target_semaphore(%arg9 : memref<!tpu.dma_semaphore, #tpu.memory_space<semaphore_mem>>)
    %dma_wait3A_1264 = arith.constant 0 : i32
    %dma_wait3A_1265 = arith.constant 0 : i32
    %dma_wait3A_1266 = tpu.memref_slice %arg5[%dma_wait3A_1264, %dma_wait3A_1265] : memref<2x16384xf32, #tpu.memory_space<vmem>> -> memref<1x16384xf32, #tpu.memory_space<vmem>>
    %dma_wait3A_1267 = tpu.memref_squeeze %dma_wait3A_1266 : memref<1x16384xf32, #tpu.memory_space<vmem>> -> memref<16384xf32, #tpu.memory_space<vmem>>
    %dma_wait3A_1268 = tpu.memref_slice %arg2[%add3A_1199] : memref<16777216xf32, #tpu.memory_space<hbm>> -> memref<16384xf32, #tpu.memory_space<hbm>>
    %dma_wait3A_1269 = arith.constant 0 : i32
    %dma_wait3A_1270 = tpu.memref_slice %arg5[%dma_wait3A_1264, %dma_wait3A_1269] : memref<2x16384xf32, #tpu.memory_space<vmem>> -> memref<1x16384xf32, #tpu.memory_space<vmem>>
    %dma_wait3A_1271 = tpu.memref_squeeze %dma_wait3A_1270 : memref<1x16384xf32, #tpu.memory_space<vmem>> -> memref<16384xf32, #tpu.memory_space<vmem>>
    %dma_wait3A_1272 = tpu.memref_slice %arg2[%add3A_1199] : memref<16777216xf32, #tpu.memory_space<hbm>> -> memref<16384xf32, #tpu.memory_space<hbm>>
    tpu.wait_dma2 semaphore(%arg8 : memref<!tpu.dma_semaphore, #tpu.memory_space<semaphore_mem>>) src(%dma_wait3A_1272 : memref<16384xf32, #tpu.memory_space<hbm>>) dst(%dma_wait3A_1271 : memref<16384xf32, #tpu.memory_space<vmem>>)
    %dma_wait3A_1273 = arith.constant 0 : i32
    %dma_wait3A_1274 = arith.constant 0 : i32
    %dma_wait3A_1275 = tpu.memref_slice %arg6[%dma_wait3A_1273, %dma_wait3A_1274] : memref<2x16384xf32, #tpu.memory_space<vmem>> -> memref<1x16384xf32, #tpu.memory_space<vmem>>
    %dma_wait3A_1276 = tpu.memref_squeeze %dma_wait3A_1275 : memref<1x16384xf32, #tpu.memory_space<vmem>> -> memref<16384xf32, #tpu.memory_space<vmem>>
    %dma_wait3A_1277 = tpu.memref_slice %arg4[%add3A_1184] : memref<16777216xf32, #tpu.memory_space<hbm>> -> memref<16384xf32, #tpu.memory_space<hbm>>
    %dma_wait3A_1278 = tpu.memref_slice %arg4[%add3A_1184] : memref<16777216xf32, #tpu.memory_space<hbm>> -> memref<16384xf32, #tpu.memory_space<hbm>>
    %dma_wait3A_1279 = arith.constant 0 : i32
    %dma_wait3A_1280 = tpu.memref_slice %arg6[%dma_wait3A_1273, %dma_wait3A_1279] : memref<2x16384xf32, #tpu.memory_space<vmem>> -> memref<1x16384xf32, #tpu.memory_space<vmem>>
    %dma_wait3A_1281 = tpu.memref_squeeze %dma_wait3A_1280 : memref<1x16384xf32, #tpu.memory_space<vmem>> -> memref<16384xf32, #tpu.memory_space<vmem>>
    tpu.wait_dma2 semaphore(%arg10 : memref<!tpu.dma_semaphore, #tpu.memory_space<semaphore_mem>>) src(%dma_wait3A_1281 : memref<16384xf32, #tpu.memory_space<vmem>>) dst(%dma_wait3A_1278 : memref<16384xf32, #tpu.memory_space<hbm>>)
    %parallel_loop3A_1282 = arith.constant 0 : i32
    %parallel_loop3A_1283 = arith.constant 1024 : i32
    %parallel_loop3A_1284 = arith.constant 1 : i32
    scf.for %parallel_loop3A_1664 = %parallel_loop3A_1282 to %parallel_loop3A_1283 step %parallel_loop3A_1284  : i32 {
      %parallel_loop3A_1665 = arith.constant 16 : i32
      %parallel_loop3A_1666 = arith.muli %parallel_loop3A_1664, %parallel_loop3A_1665 : i32
      %parallel_loop3A_1667 = arith.constant 0 : i32
      %parallel_loop3A_1668 = arith.index_cast %parallel_loop3A_1667 : i32 to index
      %parallel_loop3A_1669 = arith.index_cast %parallel_loop3A_1666 : i32 to index
      %parallel_loop3A_1670 = tpu.vector_load %arg5[%parallel_loop3A_1668, %parallel_loop3A_1669] {strides = array<i32>} : memref<2x16384xf32, #tpu.memory_space<vmem>>, vector<1x16xf32>,
      %parallel_loop3A_1671 = vector.shape_cast %parallel_loop3A_1670 : vector<1x16xf32> to vector<16xf32>
      %parallel_loop3A_1672 = arith.index_cast %parallel_loop3A_1666 : i32 to index
      %parallel_loop3A_1673 = tpu.vector_load %arg7[%parallel_loop3A_1672] {strides = array<i32>} : memref<16384xf32, #tpu.memory_space<vmem>>, vector<16xf32>,
      %parallel_loop3A_1674 = vector.shape_cast %parallel_loop3A_1673 : vector<16xf32> to vector<16xf32>
      %parallel_loop3A_1675 = arith.addf %parallel_loop3A_1671, %parallel_loop3A_1674 : vector<16xf32>
      %parallel_loop3A_1676 = arith.constant 0 : i32
      %parallel_loop3A_1677 = arith.index_cast %parallel_loop3A_1676 : i32 to index
      %parallel_loop3A_1678 = arith.index_cast %parallel_loop3A_1666 : i32 to index
      %parallel_loop3A_1679 = tpu.vector_load %arg6[%parallel_loop3A_1677, %parallel_loop3A_1678] {strides = array<i32>} : memref<2x16384xf32, #tpu.memory_space<vmem>>, vector<1x16xf32>,
      %parallel_loop3A_1680 = vector.shape_cast %parallel_loop3A_1679 : vector<1x16xf32> to vector<16xf32>
      %parallel_loop3A_1681 = vector.shape_cast %parallel_loop3A_1675 : vector<16xf32> to vector<1x16xf32>
      tpu.vector_store %arg6[%parallel_loop3A_1677, %parallel_loop3A_1678], %parallel_loop3A_1681 {strides = array<i32>} : memref<2x16384xf32, #tpu.memory_space<vmem>>, vector<1x16xf32>,
    } {sc.loop_unroll_factor = 8 : i64, sc.parallel_access}
    %add3A_1285 = arith.constant 48 : i32
    %add3A_1286 = arith.addi %mul3A_2, %add3A_1285 : i32
    %mul3A_1287 = arith.constant 2048 : i32
    %mul3A_1288 = arith.muli %add3A_1286, %mul3A_1287 : i32
    %add3A_1289 = arith.constant 0 : i32
    %add3A_1290 = arith.addi %add3A_1289, %mul3A_1288 : i32
    %dma_start3A_1291 = arith.constant 0 : i32
    %dma_start3A_1292 = arith.constant 0 : i32
    %dma_start3A_1293 = tpu.memref_slice %arg6[%dma_start3A_1291, %dma_start3A_1292] : memref<2x16384xf32, #tpu.memory_space<vmem>> -> memref<1x16384xf32, #tpu.memory_space<vmem>>
    %dma_start3A_1294 = tpu.memref_squeeze %dma_start3A_1293 : memref<1x16384xf32, #tpu.memory_space<vmem>> -> memref<16384xf32, #tpu.memory_space<vmem>>
    %dma_start3A_1295 = tpu.memref_slice %arg4[%add3A_1290] : memref<16777216xf32, #tpu.memory_space<hbm>> -> memref<16384xf32, #tpu.memory_space<hbm>>
    %dma_start3A_1296 = tpu.memref_slice %arg4[%add3A_1290] : memref<16777216xf32, #tpu.memory_space<hbm>> -> memref<16384xf32, #tpu.memory_space<hbm>>
    %dma_start3A_1297 = arith.constant 0 : i32
    %dma_start3A_1298 = tpu.memref_slice %arg6[%dma_start3A_1291, %dma_start3A_1297] : memref<2x16384xf32, #tpu.memory_space<vmem>> -> memref<1x16384xf32, #tpu.memory_space<vmem>>
    %dma_start3A_1299 = tpu.memref_squeeze %dma_start3A_1298 : memref<1x16384xf32, #tpu.memory_space<vmem>> -> memref<16384xf32, #tpu.memory_space<vmem>>
    tpu.enqueue_dma source(%dma_start3A_1299 : memref<16384xf32, #tpu.memory_space<vmem>>) target(%dma_start3A_1296 : memref<16384xf32, #tpu.memory_space<hbm>>) target_semaphore(%arg10 : memref<!tpu.dma_semaphore, #tpu.memory_space<semaphore_mem>>)
    %add3A_1300 = arith.constant 48 : i32
    %add3A_1301 = arith.addi %mul3A_2, %add3A_1300 : i32
    %mul3A_1302 = arith.constant 2048 : i32
    %mul3A_1303 = arith.muli %add3A_1301, %mul3A_1302 : i32
    %add3A_1304 = arith.constant 8388608 : i32
    %add3A_1305 = arith.addi %add3A_1304, %mul3A_1303 : i32
    %dma_start3A_1306 = arith.constant 0 : i32
    %dma_start3A_1307 = arith.constant 0 : i32
    %dma_start3A_1308 = tpu.memref_slice %arg5[%dma_start3A_1306, %dma_start3A_1307] : memref<2x16384xf32, #tpu.memory_space<vmem>> -> memref<1x16384xf32, #tpu.memory_space<vmem>>
    %dma_start3A_1309 = tpu.memref_squeeze %dma_start3A_1308 : memref<1x16384xf32, #tpu.memory_space<vmem>> -> memref<16384xf32, #tpu.memory_space<vmem>>
    %dma_start3A_1310 = tpu.memref_slice %arg2[%add3A_1305] : memref<16777216xf32, #tpu.memory_space<hbm>> -> memref<16384xf32, #tpu.memory_space<hbm>>
    %dma_start3A_1311 = arith.constant 0 : i32
    %dma_start3A_1312 = tpu.memref_slice %arg5[%dma_start3A_1306, %dma_start3A_1311] : memref<2x16384xf32, #tpu.memory_space<vmem>> -> memref<1x16384xf32, #tpu.memory_space<vmem>>
    %dma_start3A_1313 = tpu.memref_squeeze %dma_start3A_1312 : memref<1x16384xf32, #tpu.memory_space<vmem>> -> memref<16384xf32, #tpu.memory_space<vmem>>
    %dma_start3A_1314 = tpu.memref_slice %arg2[%add3A_1305] : memref<16777216xf32, #tpu.memory_space<hbm>> -> memref<16384xf32, #tpu.memory_space<hbm>>
    tpu.enqueue_dma source(%dma_start3A_1314 : memref<16384xf32, #tpu.memory_space<hbm>>) target(%dma_start3A_1313 : memref<16384xf32, #tpu.memory_space<vmem>>) target_semaphore(%arg8 : memref<!tpu.dma_semaphore, #tpu.memory_space<semaphore_mem>>)
    %dma_wait3A_1315 = arith.constant 1 : i32
    %dma_wait3A_1316 = arith.constant 0 : i32
    %dma_wait3A_1317 = tpu.memref_slice %arg5[%dma_wait3A_1315, %dma_wait3A_1316] : memref<2x16384xf32, #tpu.memory_space<vmem>> -> memref<1x16384xf32, #tpu.memory_space<vmem>>
    %dma_wait3A_1318 = tpu.memref_squeeze %dma_wait3A_1317 : memref<1x16384xf32, #tpu.memory_space<vmem>> -> memref<16384xf32, #tpu.memory_space<vmem>>
    %dma_wait3A_1319 = tpu.memref_slice %arg2[%add3A_1254] : memref<16777216xf32, #tpu.memory_space<hbm>> -> memref<16384xf32, #tpu.memory_space<hbm>>
    %dma_wait3A_1320 = arith.constant 0 : i32
    %dma_wait3A_1321 = tpu.memref_slice %arg5[%dma_wait3A_1315, %dma_wait3A_1320] : memref<2x16384xf32, #tpu.memory_space<vmem>> -> memref<1x16384xf32, #tpu.memory_space<vmem>>
    %dma_wait3A_1322 = tpu.memref_squeeze %dma_wait3A_1321 : memref<1x16384xf32, #tpu.memory_space<vmem>> -> memref<16384xf32, #tpu.memory_space<vmem>>
    %dma_wait3A_1323 = tpu.memref_slice %arg2[%add3A_1254] : memref<16777216xf32, #tpu.memory_space<hbm>> -> memref<16384xf32, #tpu.memory_space<hbm>>
    tpu.wait_dma2 semaphore(%arg9 : memref<!tpu.dma_semaphore, #tpu.memory_space<semaphore_mem>>) src(%dma_wait3A_1323 : memref<16384xf32, #tpu.memory_space<hbm>>) dst(%dma_wait3A_1322 : memref<16384xf32, #tpu.memory_space<vmem>>)
    %dma_wait3A_1324 = arith.constant 1 : i32
    %dma_wait3A_1325 = arith.constant 0 : i32
    %dma_wait3A_1326 = tpu.memref_slice %arg6[%dma_wait3A_1324, %dma_wait3A_1325] : memref<2x16384xf32, #tpu.memory_space<vmem>> -> memref<1x16384xf32, #tpu.memory_space<vmem>>
    %dma_wait3A_1327 = tpu.memref_squeeze %dma_wait3A_1326 : memref<1x16384xf32, #tpu.memory_space<vmem>> -> memref<16384xf32, #tpu.memory_space<vmem>>
    %dma_wait3A_1328 = tpu.memref_slice %arg4[%add3A_1235] : memref<16777216xf32, #tpu.memory_space<hbm>> -> memref<16384xf32, #tpu.memory_space<hbm>>
    %dma_wait3A_1329 = tpu.memref_slice %arg4[%add3A_1235] : memref<16777216xf32, #tpu.memory_space<hbm>> -> memref<16384xf32, #tpu.memory_space<hbm>>
    %dma_wait3A_1330 = arith.constant 0 : i32
    %dma_wait3A_1331 = tpu.memref_slice %arg6[%dma_wait3A_1324, %dma_wait3A_1330] : memref<2x16384xf32, #tpu.memory_space<vmem>> -> memref<1x16384xf32, #tpu.memory_space<vmem>>
    %dma_wait3A_1332 = tpu.memref_squeeze %dma_wait3A_1331 : memref<1x16384xf32, #tpu.memory_space<vmem>> -> memref<16384xf32, #tpu.memory_space<vmem>>
    tpu.wait_dma2 semaphore(%arg11 : memref<!tpu.dma_semaphore, #tpu.memory_space<semaphore_mem>>) src(%dma_wait3A_1332 : memref<16384xf32, #tpu.memory_space<vmem>>) dst(%dma_wait3A_1329 : memref<16384xf32, #tpu.memory_space<hbm>>)
    %parallel_loop3A_1333 = arith.constant 0 : i32
    %parallel_loop3A_1334 = arith.constant 1024 : i32
    %parallel_loop3A_1335 = arith.constant 1 : i32
    scf.for %parallel_loop3A_1664 = %parallel_loop3A_1333 to %parallel_loop3A_1334 step %parallel_loop3A_1335  : i32 {
      %parallel_loop3A_1665 = arith.constant 16 : i32
      %parallel_loop3A_1666 = arith.muli %parallel_loop3A_1664, %parallel_loop3A_1665 : i32
      %parallel_loop3A_1667 = arith.constant 1 : i32
      %parallel_loop3A_1668 = arith.index_cast %parallel_loop3A_1667 : i32 to index
      %parallel_loop3A_1669 = arith.index_cast %parallel_loop3A_1666 : i32 to index
      %parallel_loop3A_1670 = tpu.vector_load %arg5[%parallel_loop3A_1668, %parallel_loop3A_1669] {strides = array<i32>} : memref<2x16384xf32, #tpu.memory_space<vmem>>, vector<1x16xf32>,
      %parallel_loop3A_1671 = vector.shape_cast %parallel_loop3A_1670 : vector<1x16xf32> to vector<16xf32>
      %parallel_loop3A_1672 = arith.index_cast %parallel_loop3A_1666 : i32 to index
      %parallel_loop3A_1673 = tpu.vector_load %arg7[%parallel_loop3A_1672] {strides = array<i32>} : memref<16384xf32, #tpu.memory_space<vmem>>, vector<16xf32>,
      %parallel_loop3A_1674 = vector.shape_cast %parallel_loop3A_1673 : vector<16xf32> to vector<16xf32>
      %parallel_loop3A_1675 = arith.addf %parallel_loop3A_1671, %parallel_loop3A_1674 : vector<16xf32>
      %parallel_loop3A_1676 = arith.constant 1 : i32
      %parallel_loop3A_1677 = arith.index_cast %parallel_loop3A_1676 : i32 to index
      %parallel_loop3A_1678 = arith.index_cast %parallel_loop3A_1666 : i32 to index
      %parallel_loop3A_1679 = tpu.vector_load %arg6[%parallel_loop3A_1677, %parallel_loop3A_1678] {strides = array<i32>} : memref<2x16384xf32, #tpu.memory_space<vmem>>, vector<1x16xf32>,
      %parallel_loop3A_1680 = vector.shape_cast %parallel_loop3A_1679 : vector<1x16xf32> to vector<16xf32>
      %parallel_loop3A_1681 = vector.shape_cast %parallel_loop3A_1675 : vector<16xf32> to vector<1x16xf32>
      tpu.vector_store %arg6[%parallel_loop3A_1677, %parallel_loop3A_1678], %parallel_loop3A_1681 {strides = array<i32>} : memref<2x16384xf32, #tpu.memory_space<vmem>>, vector<1x16xf32>,
    } {sc.loop_unroll_factor = 8 : i64, sc.parallel_access}
    %add3A_1336 = arith.constant 48 : i32
    %add3A_1337 = arith.addi %mul3A_2, %add3A_1336 : i32
    %mul3A_1338 = arith.constant 2048 : i32
    %mul3A_1339 = arith.muli %add3A_1337, %mul3A_1338 : i32
    %add3A_1340 = arith.constant 4194304 : i32
    %add3A_1341 = arith.addi %add3A_1340, %mul3A_1339 : i32
    %dma_start3A_1342 = arith.constant 1 : i32
    %dma_start3A_1343 = arith.constant 0 : i32
    %dma_start3A_1344 = tpu.memref_slice %arg6[%dma_start3A_1342, %dma_start3A_1343] : memref<2x16384xf32, #tpu.memory_space<vmem>> -> memref<1x16384xf32, #tpu.memory_space<vmem>>
    %dma_start3A_1345 = tpu.memref_squeeze %dma_start3A_1344 : memref<1x16384xf32, #tpu.memory_space<vmem>> -> memref<16384xf32, #tpu.memory_space<vmem>>
    %dma_start3A_1346 = tpu.memref_slice %arg4[%add3A_1341] : memref<16777216xf32, #tpu.memory_space<hbm>> -> memref<16384xf32, #tpu.memory_space<hbm>>
    %dma_start3A_1347 = tpu.memref_slice %arg4[%add3A_1341] : memref<16777216xf32, #tpu.memory_space<hbm>> -> memref<16384xf32, #tpu.memory_space<hbm>>
    %dma_start3A_1348 = arith.constant 0 : i32
    %dma_start3A_1349 = tpu.memref_slice %arg6[%dma_start3A_1342, %dma_start3A_1348] : memref<2x16384xf32, #tpu.memory_space<vmem>> -> memref<1x16384xf32, #tpu.memory_space<vmem>>
    %dma_start3A_1350 = tpu.memref_squeeze %dma_start3A_1349 : memref<1x16384xf32, #tpu.memory_space<vmem>> -> memref<16384xf32, #tpu.memory_space<vmem>>
    tpu.enqueue_dma source(%dma_start3A_1350 : memref<16384xf32, #tpu.memory_space<vmem>>) target(%dma_start3A_1347 : memref<16384xf32, #tpu.memory_space<hbm>>) target_semaphore(%arg11 : memref<!tpu.dma_semaphore, #tpu.memory_space<semaphore_mem>>)
    %add3A_1351 = arith.constant 48 : i32
    %add3A_1352 = arith.addi %mul3A_2, %add3A_1351 : i32
    %mul3A_1353 = arith.constant 2048 : i32
    %mul3A_1354 = arith.muli %add3A_1352, %mul3A_1353 : i32
    %add3A_1355 = arith.constant 12582912 : i32
    %add3A_1356 = arith.addi %add3A_1355, %mul3A_1354 : i32
    %dma_start3A_1357 = arith.constant 1 : i32
    %dma_start3A_1358 = arith.constant 0 : i32
    %dma_start3A_1359 = tpu.memref_slice %arg5[%dma_start3A_1357, %dma_start3A_1358] : memref<2x16384xf32, #tpu.memory_space<vmem>> -> memref<1x16384xf32, #tpu.memory_space<vmem>>
    %dma_start3A_1360 = tpu.memref_squeeze %dma_start3A_1359 : memref<1x16384xf32, #tpu.memory_space<vmem>> -> memref<16384xf32, #tpu.memory_space<vmem>>
    %dma_start3A_1361 = tpu.memref_slice %arg2[%add3A_1356] : memref<16777216xf32, #tpu.memory_space<hbm>> -> memref<16384xf32, #tpu.memory_space<hbm>>
    %dma_start3A_1362 = arith.constant 0 : i32
    %dma_start3A_1363 = tpu.memref_slice %arg5[%dma_start3A_1357, %dma_start3A_1362] : memref<2x16384xf32, #tpu.memory_space<vmem>> -> memref<1x16384xf32, #tpu.memory_space<vmem>>
    %dma_start3A_1364 = tpu.memref_squeeze %dma_start3A_1363 : memref<1x16384xf32, #tpu.memory_space<vmem>> -> memref<16384xf32, #tpu.memory_space<vmem>>
    %dma_start3A_1365 = tpu.memref_slice %arg2[%add3A_1356] : memref<16777216xf32, #tpu.memory_space<hbm>> -> memref<16384xf32, #tpu.memory_space<hbm>>
    tpu.enqueue_dma source(%dma_start3A_1365 : memref<16384xf32, #tpu.memory_space<hbm>>) target(%dma_start3A_1364 : memref<16384xf32, #tpu.memory_space<vmem>>) target_semaphore(%arg9 : memref<!tpu.dma_semaphore, #tpu.memory_space<semaphore_mem>>)
    %dma_wait3A_1366 = arith.constant 0 : i32
    %dma_wait3A_1367 = arith.constant 0 : i32
    %dma_wait3A_1368 = tpu.memref_slice %arg5[%dma_wait3A_1366, %dma_wait3A_1367] : memref<2x16384xf32, #tpu.memory_space<vmem>> -> memref<1x16384xf32, #tpu.memory_space<vmem>>
    %dma_wait3A_1369 = tpu.memref_squeeze %dma_wait3A_1368 : memref<1x16384xf32, #tpu.memory_space<vmem>> -> memref<16384xf32, #tpu.memory_space<vmem>>
    %dma_wait3A_1370 = tpu.memref_slice %arg2[%add3A_1305] : memref<16777216xf32, #tpu.memory_space<hbm>> -> memref<16384xf32, #tpu.memory_space<hbm>>
    %dma_wait3A_1371 = arith.constant 0 : i32
    %dma_wait3A_1372 = tpu.memref_slice %arg5[%dma_wait3A_1366, %dma_wait3A_1371] : memref<2x16384xf32, #tpu.memory_space<vmem>> -> memref<1x16384xf32, #tpu.memory_space<vmem>>
    %dma_wait3A_1373 = tpu.memref_squeeze %dma_wait3A_1372 : memref<1x16384xf32, #tpu.memory_space<vmem>> -> memref<16384xf32, #tpu.memory_space<vmem>>
    %dma_wait3A_1374 = tpu.memref_slice %arg2[%add3A_1305] : memref<16777216xf32, #tpu.memory_space<hbm>> -> memref<16384xf32, #tpu.memory_space<hbm>>
    tpu.wait_dma2 semaphore(%arg8 : memref<!tpu.dma_semaphore, #tpu.memory_space<semaphore_mem>>) src(%dma_wait3A_1374 : memref<16384xf32, #tpu.memory_space<hbm>>) dst(%dma_wait3A_1373 : memref<16384xf32, #tpu.memory_space<vmem>>)
    %dma_wait3A_1375 = arith.constant 0 : i32
    %dma_wait3A_1376 = arith.constant 0 : i32
    %dma_wait3A_1377 = tpu.memref_slice %arg6[%dma_wait3A_1375, %dma_wait3A_1376] : memref<2x16384xf32, #tpu.memory_space<vmem>> -> memref<1x16384xf32, #tpu.memory_space<vmem>>
    %dma_wait3A_1378 = tpu.memref_squeeze %dma_wait3A_1377 : memref<1x16384xf32, #tpu.memory_space<vmem>> -> memref<16384xf32, #tpu.memory_space<vmem>>
    %dma_wait3A_1379 = tpu.memref_slice %arg4[%add3A_1290] : memref<16777216xf32, #tpu.memory_space<hbm>> -> memref<16384xf32, #tpu.memory_space<hbm>>
    %dma_wait3A_1380 = tpu.memref_slice %arg4[%add3A_1290] : memref<16777216xf32, #tpu.memory_space<hbm>> -> memref<16384xf32, #tpu.memory_space<hbm>>
    %dma_wait3A_1381 = arith.constant 0 : i32
    %dma_wait3A_1382 = tpu.memref_slice %arg6[%dma_wait3A_1375, %dma_wait3A_1381] : memref<2x16384xf32, #tpu.memory_space<vmem>> -> memref<1x16384xf32, #tpu.memory_space<vmem>>
    %dma_wait3A_1383 = tpu.memref_squeeze %dma_wait3A_1382 : memref<1x16384xf32, #tpu.memory_space<vmem>> -> memref<16384xf32, #tpu.memory_space<vmem>>
    tpu.wait_dma2 semaphore(%arg10 : memref<!tpu.dma_semaphore, #tpu.memory_space<semaphore_mem>>) src(%dma_wait3A_1383 : memref<16384xf32, #tpu.memory_space<vmem>>) dst(%dma_wait3A_1380 : memref<16384xf32, #tpu.memory_space<hbm>>)
    %parallel_loop3A_1384 = arith.constant 0 : i32
    %parallel_loop3A_1385 = arith.constant 1024 : i32
    %parallel_loop3A_1386 = arith.constant 1 : i32
    scf.for %parallel_loop3A_1664 = %parallel_loop3A_1384 to %parallel_loop3A_1385 step %parallel_loop3A_1386  : i32 {
      %parallel_loop3A_1665 = arith.constant 16 : i32
      %parallel_loop3A_1666 = arith.muli %parallel_loop3A_1664, %parallel_loop3A_1665 : i32
      %parallel_loop3A_1667 = arith.constant 0 : i32
      %parallel_loop3A_1668 = arith.index_cast %parallel_loop3A_1667 : i32 to index
      %parallel_loop3A_1669 = arith.index_cast %parallel_loop3A_1666 : i32 to index
      %parallel_loop3A_1670 = tpu.vector_load %arg5[%parallel_loop3A_1668, %parallel_loop3A_1669] {strides = array<i32>} : memref<2x16384xf32, #tpu.memory_space<vmem>>, vector<1x16xf32>,
      %parallel_loop3A_1671 = vector.shape_cast %parallel_loop3A_1670 : vector<1x16xf32> to vector<16xf32>
      %parallel_loop3A_1672 = arith.index_cast %parallel_loop3A_1666 : i32 to index
      %parallel_loop3A_1673 = tpu.vector_load %arg7[%parallel_loop3A_1672] {strides = array<i32>} : memref<16384xf32, #tpu.memory_space<vmem>>, vector<16xf32>,
      %parallel_loop3A_1674 = vector.shape_cast %parallel_loop3A_1673 : vector<16xf32> to vector<16xf32>
      %parallel_loop3A_1675 = arith.addf %parallel_loop3A_1671, %parallel_loop3A_1674 : vector<16xf32>
      %parallel_loop3A_1676 = arith.constant 0 : i32
      %parallel_loop3A_1677 = arith.index_cast %parallel_loop3A_1676 : i32 to index
      %parallel_loop3A_1678 = arith.index_cast %parallel_loop3A_1666 : i32 to index
      %parallel_loop3A_1679 = tpu.vector_load %arg6[%parallel_loop3A_1677, %parallel_loop3A_1678] {strides = array<i32>} : memref<2x16384xf32, #tpu.memory_space<vmem>>, vector<1x16xf32>,
      %parallel_loop3A_1680 = vector.shape_cast %parallel_loop3A_1679 : vector<1x16xf32> to vector<16xf32>
      %parallel_loop3A_1681 = vector.shape_cast %parallel_loop3A_1675 : vector<16xf32> to vector<1x16xf32>
      tpu.vector_store %arg6[%parallel_loop3A_1677, %parallel_loop3A_1678], %parallel_loop3A_1681 {strides = array<i32>} : memref<2x16384xf32, #tpu.memory_space<vmem>>, vector<1x16xf32>,
    } {sc.loop_unroll_factor = 8 : i64, sc.parallel_access}
    %add3A_1387 = arith.constant 48 : i32
    %add3A_1388 = arith.addi %mul3A_2, %add3A_1387 : i32
    %mul3A_1389 = arith.constant 2048 : i32
    %mul3A_1390 = arith.muli %add3A_1388, %mul3A_1389 : i32
    %add3A_1391 = arith.constant 8388608 : i32
    %add3A_1392 = arith.addi %add3A_1391, %mul3A_1390 : i32
    %dma_start3A_1393 = arith.constant 0 : i32
    %dma_start3A_1394 = arith.constant 0 : i32
    %dma_start3A_1395 = tpu.memref_slice %arg6[%dma_start3A_1393, %dma_start3A_1394] : memref<2x16384xf32, #tpu.memory_space<vmem>> -> memref<1x16384xf32, #tpu.memory_space<vmem>>
    %dma_start3A_1396 = tpu.memref_squeeze %dma_start3A_1395 : memref<1x16384xf32, #tpu.memory_space<vmem>> -> memref<16384xf32, #tpu.memory_space<vmem>>
    %dma_start3A_1397 = tpu.memref_slice %arg4[%add3A_1392] : memref<16777216xf32, #tpu.memory_space<hbm>> -> memref<16384xf32, #tpu.memory_space<hbm>>
    %dma_start3A_1398 = tpu.memref_slice %arg4[%add3A_1392] : memref<16777216xf32, #tpu.memory_space<hbm>> -> memref<16384xf32, #tpu.memory_space<hbm>>
    %dma_start3A_1399 = arith.constant 0 : i32
    %dma_start3A_1400 = tpu.memref_slice %arg6[%dma_start3A_1393, %dma_start3A_1399] : memref<2x16384xf32, #tpu.memory_space<vmem>> -> memref<1x16384xf32, #tpu.memory_space<vmem>>
    %dma_start3A_1401 = tpu.memref_squeeze %dma_start3A_1400 : memref<1x16384xf32, #tpu.memory_space<vmem>> -> memref<16384xf32, #tpu.memory_space<vmem>>
    tpu.enqueue_dma source(%dma_start3A_1401 : memref<16384xf32, #tpu.memory_space<vmem>>) target(%dma_start3A_1398 : memref<16384xf32, #tpu.memory_space<hbm>>) target_semaphore(%arg10 : memref<!tpu.dma_semaphore, #tpu.memory_space<semaphore_mem>>)
    %add3A_1402 = arith.constant 56 : i32
    %add3A_1403 = arith.addi %mul3A_2, %add3A_1402 : i32
    %mul3A_1404 = arith.constant 2048 : i32
    %mul3A_1405 = arith.muli %add3A_1403, %mul3A_1404 : i32
    %add3A_1406 = arith.constant 0 : i32
    %add3A_1407 = arith.addi %add3A_1406, %mul3A_1405 : i32
    %dma_start3A_1408 = arith.constant 0 : i32
    %dma_start3A_1409 = arith.constant 0 : i32
    %dma_start3A_1410 = tpu.memref_slice %arg5[%dma_start3A_1408, %dma_start3A_1409] : memref<2x16384xf32, #tpu.memory_space<vmem>> -> memref<1x16384xf32, #tpu.memory_space<vmem>>
    %dma_start3A_1411 = tpu.memref_squeeze %dma_start3A_1410 : memref<1x16384xf32, #tpu.memory_space<vmem>> -> memref<16384xf32, #tpu.memory_space<vmem>>
    %dma_start3A_1412 = tpu.memref_slice %arg2[%add3A_1407] : memref<16777216xf32, #tpu.memory_space<hbm>> -> memref<16384xf32, #tpu.memory_space<hbm>>
    %dma_start3A_1413 = arith.constant 0 : i32
    %dma_start3A_1414 = tpu.memref_slice %arg5[%dma_start3A_1408, %dma_start3A_1413] : memref<2x16384xf32, #tpu.memory_space<vmem>> -> memref<1x16384xf32, #tpu.memory_space<vmem>>
    %dma_start3A_1415 = tpu.memref_squeeze %dma_start3A_1414 : memref<1x16384xf32, #tpu.memory_space<vmem>> -> memref<16384xf32, #tpu.memory_space<vmem>>
    %dma_start3A_1416 = tpu.memref_slice %arg2[%add3A_1407] : memref<16777216xf32, #tpu.memory_space<hbm>> -> memref<16384xf32, #tpu.memory_space<hbm>>
    tpu.enqueue_dma source(%dma_start3A_1416 : memref<16384xf32, #tpu.memory_space<hbm>>) target(%dma_start3A_1415 : memref<16384xf32, #tpu.memory_space<vmem>>) target_semaphore(%arg8 : memref<!tpu.dma_semaphore, #tpu.memory_space<semaphore_mem>>)
    %dma_wait3A_1417 = arith.constant 1 : i32
    %dma_wait3A_1418 = arith.constant 0 : i32
    %dma_wait3A_1419 = tpu.memref_slice %arg5[%dma_wait3A_1417, %dma_wait3A_1418] : memref<2x16384xf32, #tpu.memory_space<vmem>> -> memref<1x16384xf32, #tpu.memory_space<vmem>>
    %dma_wait3A_1420 = tpu.memref_squeeze %dma_wait3A_1419 : memref<1x16384xf32, #tpu.memory_space<vmem>> -> memref<16384xf32, #tpu.memory_space<vmem>>
    %dma_wait3A_1421 = tpu.memref_slice %arg2[%add3A_1356] : memref<16777216xf32, #tpu.memory_space<hbm>> -> memref<16384xf32, #tpu.memory_space<hbm>>
    %dma_wait3A_1422 = arith.constant 0 : i32
    %dma_wait3A_1423 = tpu.memref_slice %arg5[%dma_wait3A_1417, %dma_wait3A_1422] : memref<2x16384xf32, #tpu.memory_space<vmem>> -> memref<1x16384xf32, #tpu.memory_space<vmem>>
    %dma_wait3A_1424 = tpu.memref_squeeze %dma_wait3A_1423 : memref<1x16384xf32, #tpu.memory_space<vmem>> -> memref<16384xf32, #tpu.memory_space<vmem>>
    %dma_wait3A_1425 = tpu.memref_slice %arg2[%add3A_1356] : memref<16777216xf32, #tpu.memory_space<hbm>> -> memref<16384xf32, #tpu.memory_space<hbm>>
    tpu.wait_dma2 semaphore(%arg9 : memref<!tpu.dma_semaphore, #tpu.memory_space<semaphore_mem>>) src(%dma_wait3A_1425 : memref<16384xf32, #tpu.memory_space<hbm>>) dst(%dma_wait3A_1424 : memref<16384xf32, #tpu.memory_space<vmem>>)
    %dma_wait3A_1426 = arith.constant 1 : i32
    %dma_wait3A_1427 = arith.constant 0 : i32
    %dma_wait3A_1428 = tpu.memref_slice %arg6[%dma_wait3A_1426, %dma_wait3A_1427] : memref<2x16384xf32, #tpu.memory_space<vmem>> -> memref<1x16384xf32, #tpu.memory_space<vmem>>
    %dma_wait3A_1429 = tpu.memref_squeeze %dma_wait3A_1428 : memref<1x16384xf32, #tpu.memory_space<vmem>> -> memref<16384xf32, #tpu.memory_space<vmem>>
    %dma_wait3A_1430 = tpu.memref_slice %arg4[%add3A_1341] : memref<16777216xf32, #tpu.memory_space<hbm>> -> memref<16384xf32, #tpu.memory_space<hbm>>
    %dma_wait3A_1431 = tpu.memref_slice %arg4[%add3A_1341] : memref<16777216xf32, #tpu.memory_space<hbm>> -> memref<16384xf32, #tpu.memory_space<hbm>>
    %dma_wait3A_1432 = arith.constant 0 : i32
    %dma_wait3A_1433 = tpu.memref_slice %arg6[%dma_wait3A_1426, %dma_wait3A_1432] : memref<2x16384xf32, #tpu.memory_space<vmem>> -> memref<1x16384xf32, #tpu.memory_space<vmem>>
    %dma_wait3A_1434 = tpu.memref_squeeze %dma_wait3A_1433 : memref<1x16384xf32, #tpu.memory_space<vmem>> -> memref<16384xf32, #tpu.memory_space<vmem>>
    tpu.wait_dma2 semaphore(%arg11 : memref<!tpu.dma_semaphore, #tpu.memory_space<semaphore_mem>>) src(%dma_wait3A_1434 : memref<16384xf32, #tpu.memory_space<vmem>>) dst(%dma_wait3A_1431 : memref<16384xf32, #tpu.memory_space<hbm>>)
    %parallel_loop3A_1435 = arith.constant 0 : i32
    %parallel_loop3A_1436 = arith.constant 1024 : i32
    %parallel_loop3A_1437 = arith.constant 1 : i32
    scf.for %parallel_loop3A_1664 = %parallel_loop3A_1435 to %parallel_loop3A_1436 step %parallel_loop3A_1437  : i32 {
      %parallel_loop3A_1665 = arith.constant 16 : i32
      %parallel_loop3A_1666 = arith.muli %parallel_loop3A_1664, %parallel_loop3A_1665 : i32
      %parallel_loop3A_1667 = arith.constant 1 : i32
      %parallel_loop3A_1668 = arith.index_cast %parallel_loop3A_1667 : i32 to index
      %parallel_loop3A_1669 = arith.index_cast %parallel_loop3A_1666 : i32 to index
      %parallel_loop3A_1670 = tpu.vector_load %arg5[%parallel_loop3A_1668, %parallel_loop3A_1669] {strides = array<i32>} : memref<2x16384xf32, #tpu.memory_space<vmem>>, vector<1x16xf32>,
      %parallel_loop3A_1671 = vector.shape_cast %parallel_loop3A_1670 : vector<1x16xf32> to vector<16xf32>
      %parallel_loop3A_1672 = arith.index_cast %parallel_loop3A_1666 : i32 to index
      %parallel_loop3A_1673 = tpu.vector_load %arg7[%parallel_loop3A_1672] {strides = array<i32>} : memref<16384xf32, #tpu.memory_space<vmem>>, vector<16xf32>,
      %parallel_loop3A_1674 = vector.shape_cast %parallel_loop3A_1673 : vector<16xf32> to vector<16xf32>
      %parallel_loop3A_1675 = arith.addf %parallel_loop3A_1671, %parallel_loop3A_1674 : vector<16xf32>
      %parallel_loop3A_1676 = arith.constant 1 : i32
      %parallel_loop3A_1677 = arith.index_cast %parallel_loop3A_1676 : i32 to index
      %parallel_loop3A_1678 = arith.index_cast %parallel_loop3A_1666 : i32 to index
      %parallel_loop3A_1679 = tpu.vector_load %arg6[%parallel_loop3A_1677, %parallel_loop3A_1678] {strides = array<i32>} : memref<2x16384xf32, #tpu.memory_space<vmem>>, vector<1x16xf32>,
      %parallel_loop3A_1680 = vector.shape_cast %parallel_loop3A_1679 : vector<1x16xf32> to vector<16xf32>
      %parallel_loop3A_1681 = vector.shape_cast %parallel_loop3A_1675 : vector<16xf32> to vector<1x16xf32>
      tpu.vector_store %arg6[%parallel_loop3A_1677, %parallel_loop3A_1678], %parallel_loop3A_1681 {strides = array<i32>} : memref<2x16384xf32, #tpu.memory_space<vmem>>, vector<1x16xf32>,
    } {sc.loop_unroll_factor = 8 : i64, sc.parallel_access}
    %add3A_1438 = arith.constant 48 : i32
    %add3A_1439 = arith.addi %mul3A_2, %add3A_1438 : i32
    %mul3A_1440 = arith.constant 2048 : i32
    %mul3A_1441 = arith.muli %add3A_1439, %mul3A_1440 : i32
    %add3A_1442 = arith.constant 12582912 : i32
    %add3A_1443 = arith.addi %add3A_1442, %mul3A_1441 : i32
    %dma_start3A_1444 = arith.constant 1 : i32
    %dma_start3A_1445 = arith.constant 0 : i32
    %dma_start3A_1446 = tpu.memref_slice %arg6[%dma_start3A_1444, %dma_start3A_1445] : memref<2x16384xf32, #tpu.memory_space<vmem>> -> memref<1x16384xf32, #tpu.memory_space<vmem>>
    %dma_start3A_1447 = tpu.memref_squeeze %dma_start3A_1446 : memref<1x16384xf32, #tpu.memory_space<vmem>> -> memref<16384xf32, #tpu.memory_space<vmem>>
    %dma_start3A_1448 = tpu.memref_slice %arg4[%add3A_1443] : memref<16777216xf32, #tpu.memory_space<hbm>> -> memref<16384xf32, #tpu.memory_space<hbm>>
    %dma_start3A_1449 = tpu.memref_slice %arg4[%add3A_1443] : memref<16777216xf32, #tpu.memory_space<hbm>> -> memref<16384xf32, #tpu.memory_space<hbm>>
    %dma_start3A_1450 = arith.constant 0 : i32
    %dma_start3A_1451 = tpu.memref_slice %arg6[%dma_start3A_1444, %dma_start3A_1450] : memref<2x16384xf32, #tpu.memory_space<vmem>> -> memref<1x16384xf32, #tpu.memory_space<vmem>>
    %dma_start3A_1452 = tpu.memref_squeeze %dma_start3A_1451 : memref<1x16384xf32, #tpu.memory_space<vmem>> -> memref<16384xf32, #tpu.memory_space<vmem>>
    tpu.enqueue_dma source(%dma_start3A_1452 : memref<16384xf32, #tpu.memory_space<vmem>>) target(%dma_start3A_1449 : memref<16384xf32, #tpu.memory_space<hbm>>) target_semaphore(%arg11 : memref<!tpu.dma_semaphore, #tpu.memory_space<semaphore_mem>>)
    %add3A_1453 = arith.constant 56 : i32
    %add3A_1454 = arith.addi %mul3A_2, %add3A_1453 : i32
    %mul3A_1455 = arith.constant 2048 : i32
    %mul3A_1456 = arith.muli %add3A_1454, %mul3A_1455 : i32
    "tpu.region"() ({
      %run_scoped3A = tpu.sem_alloc : memref<!tpu.dma_semaphore, #tpu.memory_space<semaphore_mem>>
      %dma_start3A_1664 = tpu.memref_slice %arg3[%mul3A_1456] : memref<4194304xf32, #tpu.memory_space<hbm>> -> memref<16384xf32, #tpu.memory_space<hbm>>
      %dma_start3A_1665 = tpu.memref_slice %arg3[%mul3A_1456] : memref<4194304xf32, #tpu.memory_space<hbm>> -> memref<16384xf32, #tpu.memory_space<hbm>>
      tpu.enqueue_dma source(%dma_start3A_1665 : memref<16384xf32, #tpu.memory_space<hbm>>) target(%arg7 : memref<16384xf32, #tpu.memory_space<vmem>>) target_semaphore(%run_scoped3A : memref<!tpu.dma_semaphore, #tpu.memory_space<semaphore_mem>>)
      %dma_wait3A_1666 = tpu.memref_slice %arg3[%mul3A_1456] : memref<4194304xf32, #tpu.memory_space<hbm>> -> memref<16384xf32, #tpu.memory_space<hbm>>
      %dma_wait3A_1667 = tpu.memref_slice %arg3[%mul3A_1456] : memref<4194304xf32, #tpu.memory_space<hbm>> -> memref<16384xf32, #tpu.memory_space<hbm>>
      tpu.wait_dma2 semaphore(%run_scoped3A : memref<!tpu.dma_semaphore, #tpu.memory_space<semaphore_mem>>) src(%dma_wait3A_1667 : memref<16384xf32, #tpu.memory_space<hbm>>) dst(%arg7 : memref<16384xf32, #tpu.memory_space<vmem>>)
      tpu.yield
    }) : () -> ()
    %add3A_1457 = arith.constant 56 : i32
    %add3A_1458 = arith.addi %mul3A_2, %add3A_1457 : i32
    %mul3A_1459 = arith.constant 2048 : i32
    %mul3A_1460 = arith.muli %add3A_1458, %mul3A_1459 : i32
    %add3A_1461 = arith.constant 4194304 : i32
    %add3A_1462 = arith.addi %add3A_1461, %mul3A_1460 : i32
    %dma_start3A_1463 = arith.constant 1 : i32
    %dma_start3A_1464 = arith.constant 0 : i32
    %dma_start3A_1465 = tpu.memref_slice %arg5[%dma_start3A_1463, %dma_start3A_1464] : memref<2x16384xf32, #tpu.memory_space<vmem>> -> memref<1x16384xf32, #tpu.memory_space<vmem>>
    %dma_start3A_1466 = tpu.memref_squeeze %dma_start3A_1465 : memref<1x16384xf32, #tpu.memory_space<vmem>> -> memref<16384xf32, #tpu.memory_space<vmem>>
    %dma_start3A_1467 = tpu.memref_slice %arg2[%add3A_1462] : memref<16777216xf32, #tpu.memory_space<hbm>> -> memref<16384xf32, #tpu.memory_space<hbm>>
    %dma_start3A_1468 = arith.constant 0 : i32
    %dma_start3A_1469 = tpu.memref_slice %arg5[%dma_start3A_1463, %dma_start3A_1468] : memref<2x16384xf32, #tpu.memory_space<vmem>> -> memref<1x16384xf32, #tpu.memory_space<vmem>>
    %dma_start3A_1470 = tpu.memref_squeeze %dma_start3A_1469 : memref<1x16384xf32, #tpu.memory_space<vmem>> -> memref<16384xf32, #tpu.memory_space<vmem>>
    %dma_start3A_1471 = tpu.memref_slice %arg2[%add3A_1462] : memref<16777216xf32, #tpu.memory_space<hbm>> -> memref<16384xf32, #tpu.memory_space<hbm>>
    tpu.enqueue_dma source(%dma_start3A_1471 : memref<16384xf32, #tpu.memory_space<hbm>>) target(%dma_start3A_1470 : memref<16384xf32, #tpu.memory_space<vmem>>) target_semaphore(%arg9 : memref<!tpu.dma_semaphore, #tpu.memory_space<semaphore_mem>>)
    %dma_wait3A_1472 = arith.constant 0 : i32
    %dma_wait3A_1473 = arith.constant 0 : i32
    %dma_wait3A_1474 = tpu.memref_slice %arg5[%dma_wait3A_1472, %dma_wait3A_1473] : memref<2x16384xf32, #tpu.memory_space<vmem>> -> memref<1x16384xf32, #tpu.memory_space<vmem>>
    %dma_wait3A_1475 = tpu.memref_squeeze %dma_wait3A_1474 : memref<1x16384xf32, #tpu.memory_space<vmem>> -> memref<16384xf32, #tpu.memory_space<vmem>>
    %dma_wait3A_1476 = tpu.memref_slice %arg2[%add3A_1407] : memref<16777216xf32, #tpu.memory_space<hbm>> -> memref<16384xf32, #tpu.memory_space<hbm>>
    %dma_wait3A_1477 = arith.constant 0 : i32
    %dma_wait3A_1478 = tpu.memref_slice %arg5[%dma_wait3A_1472, %dma_wait3A_1477] : memref<2x16384xf32, #tpu.memory_space<vmem>> -> memref<1x16384xf32, #tpu.memory_space<vmem>>
    %dma_wait3A_1479 = tpu.memref_squeeze %dma_wait3A_1478 : memref<1x16384xf32, #tpu.memory_space<vmem>> -> memref<16384xf32, #tpu.memory_space<vmem>>
    %dma_wait3A_1480 = tpu.memref_slice %arg2[%add3A_1407] : memref<16777216xf32, #tpu.memory_space<hbm>> -> memref<16384xf32, #tpu.memory_space<hbm>>
    tpu.wait_dma2 semaphore(%arg8 : memref<!tpu.dma_semaphore, #tpu.memory_space<semaphore_mem>>) src(%dma_wait3A_1480 : memref<16384xf32, #tpu.memory_space<hbm>>) dst(%dma_wait3A_1479 : memref<16384xf32, #tpu.memory_space<vmem>>)
    %dma_wait3A_1481 = arith.constant 0 : i32
    %dma_wait3A_1482 = arith.constant 0 : i32
    %dma_wait3A_1483 = tpu.memref_slice %arg6[%dma_wait3A_1481, %dma_wait3A_1482] : memref<2x16384xf32, #tpu.memory_space<vmem>> -> memref<1x16384xf32, #tpu.memory_space<vmem>>
    %dma_wait3A_1484 = tpu.memref_squeeze %dma_wait3A_1483 : memref<1x16384xf32, #tpu.memory_space<vmem>> -> memref<16384xf32, #tpu.memory_space<vmem>>
    %dma_wait3A_1485 = tpu.memref_slice %arg4[%add3A_1392] : memref<16777216xf32, #tpu.memory_space<hbm>> -> memref<16384xf32, #tpu.memory_space<hbm>>
    %dma_wait3A_1486 = tpu.memref_slice %arg4[%add3A_1392] : memref<16777216xf32, #tpu.memory_space<hbm>> -> memref<16384xf32, #tpu.memory_space<hbm>>
    %dma_wait3A_1487 = arith.constant 0 : i32
    %dma_wait3A_1488 = tpu.memref_slice %arg6[%dma_wait3A_1481, %dma_wait3A_1487] : memref<2x16384xf32, #tpu.memory_space<vmem>> -> memref<1x16384xf32, #tpu.memory_space<vmem>>
    %dma_wait3A_1489 = tpu.memref_squeeze %dma_wait3A_1488 : memref<1x16384xf32, #tpu.memory_space<vmem>> -> memref<16384xf32, #tpu.memory_space<vmem>>
    tpu.wait_dma2 semaphore(%arg10 : memref<!tpu.dma_semaphore, #tpu.memory_space<semaphore_mem>>) src(%dma_wait3A_1489 : memref<16384xf32, #tpu.memory_space<vmem>>) dst(%dma_wait3A_1486 : memref<16384xf32, #tpu.memory_space<hbm>>)
    %parallel_loop3A_1490 = arith.constant 0 : i32
    %parallel_loop3A_1491 = arith.constant 1024 : i32
    %parallel_loop3A_1492 = arith.constant 1 : i32
    scf.for %parallel_loop3A_1664 = %parallel_loop3A_1490 to %parallel_loop3A_1491 step %parallel_loop3A_1492  : i32 {
      %parallel_loop3A_1665 = arith.constant 16 : i32
      %parallel_loop3A_1666 = arith.muli %parallel_loop3A_1664, %parallel_loop3A_1665 : i32
      %parallel_loop3A_1667 = arith.constant 0 : i32
      %parallel_loop3A_1668 = arith.index_cast %parallel_loop3A_1667 : i32 to index
      %parallel_loop3A_1669 = arith.index_cast %parallel_loop3A_1666 : i32 to index
      %parallel_loop3A_1670 = tpu.vector_load %arg5[%parallel_loop3A_1668, %parallel_loop3A_1669] {strides = array<i32>} : memref<2x16384xf32, #tpu.memory_space<vmem>>, vector<1x16xf32>,
      %parallel_loop3A_1671 = vector.shape_cast %parallel_loop3A_1670 : vector<1x16xf32> to vector<16xf32>
      %parallel_loop3A_1672 = arith.index_cast %parallel_loop3A_1666 : i32 to index
      %parallel_loop3A_1673 = tpu.vector_load %arg7[%parallel_loop3A_1672] {strides = array<i32>} : memref<16384xf32, #tpu.memory_space<vmem>>, vector<16xf32>,
      %parallel_loop3A_1674 = vector.shape_cast %parallel_loop3A_1673 : vector<16xf32> to vector<16xf32>
      %parallel_loop3A_1675 = arith.addf %parallel_loop3A_1671, %parallel_loop3A_1674 : vector<16xf32>
      %parallel_loop3A_1676 = arith.constant 0 : i32
      %parallel_loop3A_1677 = arith.index_cast %parallel_loop3A_1676 : i32 to index
      %parallel_loop3A_1678 = arith.index_cast %parallel_loop3A_1666 : i32 to index
      %parallel_loop3A_1679 = tpu.vector_load %arg6[%parallel_loop3A_1677, %parallel_loop3A_1678] {strides = array<i32>} : memref<2x16384xf32, #tpu.memory_space<vmem>>, vector<1x16xf32>,
      %parallel_loop3A_1680 = vector.shape_cast %parallel_loop3A_1679 : vector<1x16xf32> to vector<16xf32>
      %parallel_loop3A_1681 = vector.shape_cast %parallel_loop3A_1675 : vector<16xf32> to vector<1x16xf32>
      tpu.vector_store %arg6[%parallel_loop3A_1677, %parallel_loop3A_1678], %parallel_loop3A_1681 {strides = array<i32>} : memref<2x16384xf32, #tpu.memory_space<vmem>>, vector<1x16xf32>,
    } {sc.loop_unroll_factor = 8 : i64, sc.parallel_access}
    %add3A_1493 = arith.constant 56 : i32
    %add3A_1494 = arith.addi %mul3A_2, %add3A_1493 : i32
    %mul3A_1495 = arith.constant 2048 : i32
    %mul3A_1496 = arith.muli %add3A_1494, %mul3A_1495 : i32
    %add3A_1497 = arith.constant 0 : i32
    %add3A_1498 = arith.addi %add3A_1497, %mul3A_1496 : i32
    %dma_start3A_1499 = arith.constant 0 : i32
    %dma_start3A_1500 = arith.constant 0 : i32
    %dma_start3A_1501 = tpu.memref_slice %arg6[%dma_start3A_1499, %dma_start3A_1500] : memref<2x16384xf32, #tpu.memory_space<vmem>> -> memref<1x16384xf32, #tpu.memory_space<vmem>>
    %dma_start3A_1502 = tpu.memref_squeeze %dma_start3A_1501 : memref<1x16384xf32, #tpu.memory_space<vmem>> -> memref<16384xf32, #tpu.memory_space<vmem>>
    %dma_start3A_1503 = tpu.memref_slice %arg4[%add3A_1498] : memref<16777216xf32, #tpu.memory_space<hbm>> -> memref<16384xf32, #tpu.memory_space<hbm>>
    %dma_start3A_1504 = tpu.memref_slice %arg4[%add3A_1498] : memref<16777216xf32, #tpu.memory_space<hbm>> -> memref<16384xf32, #tpu.memory_space<hbm>>
    %dma_start3A_1505 = arith.constant 0 : i32
    %dma_start3A_1506 = tpu.memref_slice %arg6[%dma_start3A_1499, %dma_start3A_1505] : memref<2x16384xf32, #tpu.memory_space<vmem>> -> memref<1x16384xf32, #tpu.memory_space<vmem>>
    %dma_start3A_1507 = tpu.memref_squeeze %dma_start3A_1506 : memref<1x16384xf32, #tpu.memory_space<vmem>> -> memref<16384xf32, #tpu.memory_space<vmem>>
    tpu.enqueue_dma source(%dma_start3A_1507 : memref<16384xf32, #tpu.memory_space<vmem>>) target(%dma_start3A_1504 : memref<16384xf32, #tpu.memory_space<hbm>>) target_semaphore(%arg10 : memref<!tpu.dma_semaphore, #tpu.memory_space<semaphore_mem>>)
    %add3A_1508 = arith.constant 56 : i32
    %add3A_1509 = arith.addi %mul3A_2, %add3A_1508 : i32
    %mul3A_1510 = arith.constant 2048 : i32
    %mul3A_1511 = arith.muli %add3A_1509, %mul3A_1510 : i32
    %add3A_1512 = arith.constant 8388608 : i32
    %add3A_1513 = arith.addi %add3A_1512, %mul3A_1511 : i32
    %dma_start3A_1514 = arith.constant 0 : i32
    %dma_start3A_1515 = arith.constant 0 : i32
    %dma_start3A_1516 = tpu.memref_slice %arg5[%dma_start3A_1514, %dma_start3A_1515] : memref<2x16384xf32, #tpu.memory_space<vmem>> -> memref<1x16384xf32, #tpu.memory_space<vmem>>
    %dma_start3A_1517 = tpu.memref_squeeze %dma_start3A_1516 : memref<1x16384xf32, #tpu.memory_space<vmem>> -> memref<16384xf32, #tpu.memory_space<vmem>>
    %dma_start3A_1518 = tpu.memref_slice %arg2[%add3A_1513] : memref<16777216xf32, #tpu.memory_space<hbm>> -> memref<16384xf32, #tpu.memory_space<hbm>>
    %dma_start3A_1519 = arith.constant 0 : i32
    %dma_start3A_1520 = tpu.memref_slice %arg5[%dma_start3A_1514, %dma_start3A_1519] : memref<2x16384xf32, #tpu.memory_space<vmem>> -> memref<1x16384xf32, #tpu.memory_space<vmem>>
    %dma_start3A_1521 = tpu.memref_squeeze %dma_start3A_1520 : memref<1x16384xf32, #tpu.memory_space<vmem>> -> memref<16384xf32, #tpu.memory_space<vmem>>
    %dma_start3A_1522 = tpu.memref_slice %arg2[%add3A_1513] : memref<16777216xf32, #tpu.memory_space<hbm>> -> memref<16384xf32, #tpu.memory_space<hbm>>
    tpu.enqueue_dma source(%dma_start3A_1522 : memref<16384xf32, #tpu.memory_space<hbm>>) target(%dma_start3A_1521 : memref<16384xf32, #tpu.memory_space<vmem>>) target_semaphore(%arg8 : memref<!tpu.dma_semaphore, #tpu.memory_space<semaphore_mem>>)
    %dma_wait3A_1523 = arith.constant 1 : i32
    %dma_wait3A_1524 = arith.constant 0 : i32
    %dma_wait3A_1525 = tpu.memref_slice %arg5[%dma_wait3A_1523, %dma_wait3A_1524] : memref<2x16384xf32, #tpu.memory_space<vmem>> -> memref<1x16384xf32, #tpu.memory_space<vmem>>
    %dma_wait3A_1526 = tpu.memref_squeeze %dma_wait3A_1525 : memref<1x16384xf32, #tpu.memory_space<vmem>> -> memref<16384xf32, #tpu.memory_space<vmem>>
    %dma_wait3A_1527 = tpu.memref_slice %arg2[%add3A_1462] : memref<16777216xf32, #tpu.memory_space<hbm>> -> memref<16384xf32, #tpu.memory_space<hbm>>
    %dma_wait3A_1528 = arith.constant 0 : i32
    %dma_wait3A_1529 = tpu.memref_slice %arg5[%dma_wait3A_1523, %dma_wait3A_1528] : memref<2x16384xf32, #tpu.memory_space<vmem>> -> memref<1x16384xf32, #tpu.memory_space<vmem>>
    %dma_wait3A_1530 = tpu.memref_squeeze %dma_wait3A_1529 : memref<1x16384xf32, #tpu.memory_space<vmem>> -> memref<16384xf32, #tpu.memory_space<vmem>>
    %dma_wait3A_1531 = tpu.memref_slice %arg2[%add3A_1462] : memref<16777216xf32, #tpu.memory_space<hbm>> -> memref<16384xf32, #tpu.memory_space<hbm>>
    tpu.wait_dma2 semaphore(%arg9 : memref<!tpu.dma_semaphore, #tpu.memory_space<semaphore_mem>>) src(%dma_wait3A_1531 : memref<16384xf32, #tpu.memory_space<hbm>>) dst(%dma_wait3A_1530 : memref<16384xf32, #tpu.memory_space<vmem>>)
    %dma_wait3A_1532 = arith.constant 1 : i32
    %dma_wait3A_1533 = arith.constant 0 : i32
    %dma_wait3A_1534 = tpu.memref_slice %arg6[%dma_wait3A_1532, %dma_wait3A_1533] : memref<2x16384xf32, #tpu.memory_space<vmem>> -> memref<1x16384xf32, #tpu.memory_space<vmem>>
    %dma_wait3A_1535 = tpu.memref_squeeze %dma_wait3A_1534 : memref<1x16384xf32, #tpu.memory_space<vmem>> -> memref<16384xf32, #tpu.memory_space<vmem>>
    %dma_wait3A_1536 = tpu.memref_slice %arg4[%add3A_1443] : memref<16777216xf32, #tpu.memory_space<hbm>> -> memref<16384xf32, #tpu.memory_space<hbm>>
    %dma_wait3A_1537 = tpu.memref_slice %arg4[%add3A_1443] : memref<16777216xf32, #tpu.memory_space<hbm>> -> memref<16384xf32, #tpu.memory_space<hbm>>
    %dma_wait3A_1538 = arith.constant 0 : i32
    %dma_wait3A_1539 = tpu.memref_slice %arg6[%dma_wait3A_1532, %dma_wait3A_1538] : memref<2x16384xf32, #tpu.memory_space<vmem>> -> memref<1x16384xf32, #tpu.memory_space<vmem>>
    %dma_wait3A_1540 = tpu.memref_squeeze %dma_wait3A_1539 : memref<1x16384xf32, #tpu.memory_space<vmem>> -> memref<16384xf32, #tpu.memory_space<vmem>>
    tpu.wait_dma2 semaphore(%arg11 : memref<!tpu.dma_semaphore, #tpu.memory_space<semaphore_mem>>) src(%dma_wait3A_1540 : memref<16384xf32, #tpu.memory_space<vmem>>) dst(%dma_wait3A_1537 : memref<16384xf32, #tpu.memory_space<hbm>>)
    %parallel_loop3A_1541 = arith.constant 0 : i32
    %parallel_loop3A_1542 = arith.constant 1024 : i32
    %parallel_loop3A_1543 = arith.constant 1 : i32
    scf.for %parallel_loop3A_1664 = %parallel_loop3A_1541 to %parallel_loop3A_1542 step %parallel_loop3A_1543  : i32 {
      %parallel_loop3A_1665 = arith.constant 16 : i32
      %parallel_loop3A_1666 = arith.muli %parallel_loop3A_1664, %parallel_loop3A_1665 : i32
      %parallel_loop3A_1667 = arith.constant 1 : i32
      %parallel_loop3A_1668 = arith.index_cast %parallel_loop3A_1667 : i32 to index
      %parallel_loop3A_1669 = arith.index_cast %parallel_loop3A_1666 : i32 to index
      %parallel_loop3A_1670 = tpu.vector_load %arg5[%parallel_loop3A_1668, %parallel_loop3A_1669] {strides = array<i32>} : memref<2x16384xf32, #tpu.memory_space<vmem>>, vector<1x16xf32>,
      %parallel_loop3A_1671 = vector.shape_cast %parallel_loop3A_1670 : vector<1x16xf32> to vector<16xf32>
      %parallel_loop3A_1672 = arith.index_cast %parallel_loop3A_1666 : i32 to index
      %parallel_loop3A_1673 = tpu.vector_load %arg7[%parallel_loop3A_1672] {strides = array<i32>} : memref<16384xf32, #tpu.memory_space<vmem>>, vector<16xf32>,
      %parallel_loop3A_1674 = vector.shape_cast %parallel_loop3A_1673 : vector<16xf32> to vector<16xf32>
      %parallel_loop3A_1675 = arith.addf %parallel_loop3A_1671, %parallel_loop3A_1674 : vector<16xf32>
      %parallel_loop3A_1676 = arith.constant 1 : i32
      %parallel_loop3A_1677 = arith.index_cast %parallel_loop3A_1676 : i32 to index
      %parallel_loop3A_1678 = arith.index_cast %parallel_loop3A_1666 : i32 to index
      %parallel_loop3A_1679 = tpu.vector_load %arg6[%parallel_loop3A_1677, %parallel_loop3A_1678] {strides = array<i32>} : memref<2x16384xf32, #tpu.memory_space<vmem>>, vector<1x16xf32>,
      %parallel_loop3A_1680 = vector.shape_cast %parallel_loop3A_1679 : vector<1x16xf32> to vector<16xf32>
      %parallel_loop3A_1681 = vector.shape_cast %parallel_loop3A_1675 : vector<16xf32> to vector<1x16xf32>
      tpu.vector_store %arg6[%parallel_loop3A_1677, %parallel_loop3A_1678], %parallel_loop3A_1681 {strides = array<i32>} : memref<2x16384xf32, #tpu.memory_space<vmem>>, vector<1x16xf32>,
    } {sc.loop_unroll_factor = 8 : i64, sc.parallel_access}
    %add3A_1544 = arith.constant 56 : i32
    %add3A_1545 = arith.addi %mul3A_2, %add3A_1544 : i32
    %mul3A_1546 = arith.constant 2048 : i32
    %mul3A_1547 = arith.muli %add3A_1545, %mul3A_1546 : i32
    %add3A_1548 = arith.constant 4194304 : i32
    %add3A_1549 = arith.addi %add3A_1548, %mul3A_1547 : i32
    %dma_start3A_1550 = arith.constant 1 : i32
    %dma_start3A_1551 = arith.constant 0 : i32
    %dma_start3A_1552 = tpu.memref_slice %arg6[%dma_start3A_1550, %dma_start3A_1551] : memref<2x16384xf32, #tpu.memory_space<vmem>> -> memref<1x16384xf32, #tpu.memory_space<vmem>>
    %dma_start3A_1553 = tpu.memref_squeeze %dma_start3A_1552 : memref<1x16384xf32, #tpu.memory_space<vmem>> -> memref<16384xf32, #tpu.memory_space<vmem>>
    %dma_start3A_1554 = tpu.memref_slice %arg4[%add3A_1549] : memref<16777216xf32, #tpu.memory_space<hbm>> -> memref<16384xf32, #tpu.memory_space<hbm>>
    %dma_start3A_1555 = tpu.memref_slice %arg4[%add3A_1549] : memref<16777216xf32, #tpu.memory_space<hbm>> -> memref<16384xf32, #tpu.memory_space<hbm>>
    %dma_start3A_1556 = arith.constant 0 : i32
    %dma_start3A_1557 = tpu.memref_slice %arg6[%dma_start3A_1550, %dma_start3A_1556] : memref<2x16384xf32, #tpu.memory_space<vmem>> -> memref<1x16384xf32, #tpu.memory_space<vmem>>
    %dma_start3A_1558 = tpu.memref_squeeze %dma_start3A_1557 : memref<1x16384xf32, #tpu.memory_space<vmem>> -> memref<16384xf32, #tpu.memory_space<vmem>>
    tpu.enqueue_dma source(%dma_start3A_1558 : memref<16384xf32, #tpu.memory_space<vmem>>) target(%dma_start3A_1555 : memref<16384xf32, #tpu.memory_space<hbm>>) target_semaphore(%arg11 : memref<!tpu.dma_semaphore, #tpu.memory_space<semaphore_mem>>)
    %add3A_1559 = arith.constant 56 : i32
    %add3A_1560 = arith.addi %mul3A_2, %add3A_1559 : i32
    %mul3A_1561 = arith.constant 2048 : i32
    %mul3A_1562 = arith.muli %add3A_1560, %mul3A_1561 : i32
    %add3A_1563 = arith.constant 12582912 : i32
    %add3A_1564 = arith.addi %add3A_1563, %mul3A_1562 : i32
    %dma_start3A_1565 = arith.constant 1 : i32
    %dma_start3A_1566 = arith.constant 0 : i32
    %dma_start3A_1567 = tpu.memref_slice %arg5[%dma_start3A_1565, %dma_start3A_1566] : memref<2x16384xf32, #tpu.memory_space<vmem>> -> memref<1x16384xf32, #tpu.memory_space<vmem>>
    %dma_start3A_1568 = tpu.memref_squeeze %dma_start3A_1567 : memref<1x16384xf32, #tpu.memory_space<vmem>> -> memref<16384xf32, #tpu.memory_space<vmem>>
    %dma_start3A_1569 = tpu.memref_slice %arg2[%add3A_1564] : memref<16777216xf32, #tpu.memory_space<hbm>> -> memref<16384xf32, #tpu.memory_space<hbm>>
    %dma_start3A_1570 = arith.constant 0 : i32
    %dma_start3A_1571 = tpu.memref_slice %arg5[%dma_start3A_1565, %dma_start3A_1570] : memref<2x16384xf32, #tpu.memory_space<vmem>> -> memref<1x16384xf32, #tpu.memory_space<vmem>>
    %dma_start3A_1572 = tpu.memref_squeeze %dma_start3A_1571 : memref<1x16384xf32, #tpu.memory_space<vmem>> -> memref<16384xf32, #tpu.memory_space<vmem>>
    %dma_start3A_1573 = tpu.memref_slice %arg2[%add3A_1564] : memref<16777216xf32, #tpu.memory_space<hbm>> -> memref<16384xf32, #tpu.memory_space<hbm>>
    tpu.enqueue_dma source(%dma_start3A_1573 : memref<16384xf32, #tpu.memory_space<hbm>>) target(%dma_start3A_1572 : memref<16384xf32, #tpu.memory_space<vmem>>) target_semaphore(%arg9 : memref<!tpu.dma_semaphore, #tpu.memory_space<semaphore_mem>>)
    %dma_wait3A_1574 = arith.constant 0 : i32
    %dma_wait3A_1575 = arith.constant 0 : i32
    %dma_wait3A_1576 = tpu.memref_slice %arg5[%dma_wait3A_1574, %dma_wait3A_1575] : memref<2x16384xf32, #tpu.memory_space<vmem>> -> memref<1x16384xf32, #tpu.memory_space<vmem>>
    %dma_wait3A_1577 = tpu.memref_squeeze %dma_wait3A_1576 : memref<1x16384xf32, #tpu.memory_space<vmem>> -> memref<16384xf32, #tpu.memory_space<vmem>>
    %dma_wait3A_1578 = tpu.memref_slice %arg2[%add3A_1513] : memref<16777216xf32, #tpu.memory_space<hbm>> -> memref<16384xf32, #tpu.memory_space<hbm>>
    %dma_wait3A_1579 = arith.constant 0 : i32
    %dma_wait3A_1580 = tpu.memref_slice %arg5[%dma_wait3A_1574, %dma_wait3A_1579] : memref<2x16384xf32, #tpu.memory_space<vmem>> -> memref<1x16384xf32, #tpu.memory_space<vmem>>
    %dma_wait3A_1581 = tpu.memref_squeeze %dma_wait3A_1580 : memref<1x16384xf32, #tpu.memory_space<vmem>> -> memref<16384xf32, #tpu.memory_space<vmem>>
    %dma_wait3A_1582 = tpu.memref_slice %arg2[%add3A_1513] : memref<16777216xf32, #tpu.memory_space<hbm>> -> memref<16384xf32, #tpu.memory_space<hbm>>
    tpu.wait_dma2 semaphore(%arg8 : memref<!tpu.dma_semaphore, #tpu.memory_space<semaphore_mem>>) src(%dma_wait3A_1582 : memref<16384xf32, #tpu.memory_space<hbm>>) dst(%dma_wait3A_1581 : memref<16384xf32, #tpu.memory_space<vmem>>)
    %dma_wait3A_1583 = arith.constant 0 : i32
    %dma_wait3A_1584 = arith.constant 0 : i32
    %dma_wait3A_1585 = tpu.memref_slice %arg6[%dma_wait3A_1583, %dma_wait3A_1584] : memref<2x16384xf32, #tpu.memory_space<vmem>> -> memref<1x16384xf32, #tpu.memory_space<vmem>>
    %dma_wait3A_1586 = tpu.memref_squeeze %dma_wait3A_1585 : memref<1x16384xf32, #tpu.memory_space<vmem>> -> memref<16384xf32, #tpu.memory_space<vmem>>
    %dma_wait3A_1587 = tpu.memref_slice %arg4[%add3A_1498] : memref<16777216xf32, #tpu.memory_space<hbm>> -> memref<16384xf32, #tpu.memory_space<hbm>>
    %dma_wait3A_1588 = tpu.memref_slice %arg4[%add3A_1498] : memref<16777216xf32, #tpu.memory_space<hbm>> -> memref<16384xf32, #tpu.memory_space<hbm>>
    %dma_wait3A_1589 = arith.constant 0 : i32
    %dma_wait3A_1590 = tpu.memref_slice %arg6[%dma_wait3A_1583, %dma_wait3A_1589] : memref<2x16384xf32, #tpu.memory_space<vmem>> -> memref<1x16384xf32, #tpu.memory_space<vmem>>
    %dma_wait3A_1591 = tpu.memref_squeeze %dma_wait3A_1590 : memref<1x16384xf32, #tpu.memory_space<vmem>> -> memref<16384xf32, #tpu.memory_space<vmem>>
    tpu.wait_dma2 semaphore(%arg10 : memref<!tpu.dma_semaphore, #tpu.memory_space<semaphore_mem>>) src(%dma_wait3A_1591 : memref<16384xf32, #tpu.memory_space<vmem>>) dst(%dma_wait3A_1588 : memref<16384xf32, #tpu.memory_space<hbm>>)
    %parallel_loop3A_1592 = arith.constant 0 : i32
    %parallel_loop3A_1593 = arith.constant 1024 : i32
    %parallel_loop3A_1594 = arith.constant 1 : i32
    scf.for %parallel_loop3A_1664 = %parallel_loop3A_1592 to %parallel_loop3A_1593 step %parallel_loop3A_1594  : i32 {
      %parallel_loop3A_1665 = arith.constant 16 : i32
      %parallel_loop3A_1666 = arith.muli %parallel_loop3A_1664, %parallel_loop3A_1665 : i32
      %parallel_loop3A_1667 = arith.constant 0 : i32
      %parallel_loop3A_1668 = arith.index_cast %parallel_loop3A_1667 : i32 to index
      %parallel_loop3A_1669 = arith.index_cast %parallel_loop3A_1666 : i32 to index
      %parallel_loop3A_1670 = tpu.vector_load %arg5[%parallel_loop3A_1668, %parallel_loop3A_1669] {strides = array<i32>} : memref<2x16384xf32, #tpu.memory_space<vmem>>, vector<1x16xf32>,
      %parallel_loop3A_1671 = vector.shape_cast %parallel_loop3A_1670 : vector<1x16xf32> to vector<16xf32>
      %parallel_loop3A_1672 = arith.index_cast %parallel_loop3A_1666 : i32 to index
      %parallel_loop3A_1673 = tpu.vector_load %arg7[%parallel_loop3A_1672] {strides = array<i32>} : memref<16384xf32, #tpu.memory_space<vmem>>, vector<16xf32>,
      %parallel_loop3A_1674 = vector.shape_cast %parallel_loop3A_1673 : vector<16xf32> to vector<16xf32>
      %parallel_loop3A_1675 = arith.addf %parallel_loop3A_1671, %parallel_loop3A_1674 : vector<16xf32>
      %parallel_loop3A_1676 = arith.constant 0 : i32
      %parallel_loop3A_1677 = arith.index_cast %parallel_loop3A_1676 : i32 to index
      %parallel_loop3A_1678 = arith.index_cast %parallel_loop3A_1666 : i32 to index
      %parallel_loop3A_1679 = tpu.vector_load %arg6[%parallel_loop3A_1677, %parallel_loop3A_1678] {strides = array<i32>} : memref<2x16384xf32, #tpu.memory_space<vmem>>, vector<1x16xf32>,
      %parallel_loop3A_1680 = vector.shape_cast %parallel_loop3A_1679 : vector<1x16xf32> to vector<16xf32>
      %parallel_loop3A_1681 = vector.shape_cast %parallel_loop3A_1675 : vector<16xf32> to vector<1x16xf32>
      tpu.vector_store %arg6[%parallel_loop3A_1677, %parallel_loop3A_1678], %parallel_loop3A_1681 {strides = array<i32>} : memref<2x16384xf32, #tpu.memory_space<vmem>>, vector<1x16xf32>,
    } {sc.loop_unroll_factor = 8 : i64, sc.parallel_access}
    %add3A_1595 = arith.constant 56 : i32
    %add3A_1596 = arith.addi %mul3A_2, %add3A_1595 : i32
    %mul3A_1597 = arith.constant 2048 : i32
    %mul3A_1598 = arith.muli %add3A_1596, %mul3A_1597 : i32
    %add3A_1599 = arith.constant 8388608 : i32
    %add3A_1600 = arith.addi %add3A_1599, %mul3A_1598 : i32
    %dma_start3A_1601 = arith.constant 0 : i32
    %dma_start3A_1602 = arith.constant 0 : i32
    %dma_start3A_1603 = tpu.memref_slice %arg6[%dma_start3A_1601, %dma_start3A_1602] : memref<2x16384xf32, #tpu.memory_space<vmem>> -> memref<1x16384xf32, #tpu.memory_space<vmem>>
    %dma_start3A_1604 = tpu.memref_squeeze %dma_start3A_1603 : memref<1x16384xf32, #tpu.memory_space<vmem>> -> memref<16384xf32, #tpu.memory_space<vmem>>
    %dma_start3A_1605 = tpu.memref_slice %arg4[%add3A_1600] : memref<16777216xf32, #tpu.memory_space<hbm>> -> memref<16384xf32, #tpu.memory_space<hbm>>
    %dma_start3A_1606 = tpu.memref_slice %arg4[%add3A_1600] : memref<16777216xf32, #tpu.memory_space<hbm>> -> memref<16384xf32, #tpu.memory_space<hbm>>
    %dma_start3A_1607 = arith.constant 0 : i32
    %dma_start3A_1608 = tpu.memref_slice %arg6[%dma_start3A_1601, %dma_start3A_1607] : memref<2x16384xf32, #tpu.memory_space<vmem>> -> memref<1x16384xf32, #tpu.memory_space<vmem>>
    %dma_start3A_1609 = tpu.memref_squeeze %dma_start3A_1608 : memref<1x16384xf32, #tpu.memory_space<vmem>> -> memref<16384xf32, #tpu.memory_space<vmem>>
    tpu.enqueue_dma source(%dma_start3A_1609 : memref<16384xf32, #tpu.memory_space<vmem>>) target(%dma_start3A_1606 : memref<16384xf32, #tpu.memory_space<hbm>>) target_semaphore(%arg10 : memref<!tpu.dma_semaphore, #tpu.memory_space<semaphore_mem>>)
    %dma_wait3A_1610 = arith.constant 1 : i32
    %dma_wait3A_1611 = arith.constant 0 : i32
    %dma_wait3A_1612 = tpu.memref_slice %arg5[%dma_wait3A_1610, %dma_wait3A_1611] : memref<2x16384xf32, #tpu.memory_space<vmem>> -> memref<1x16384xf32, #tpu.memory_space<vmem>>
    %dma_wait3A_1613 = tpu.memref_squeeze %dma_wait3A_1612 : memref<1x16384xf32, #tpu.memory_space<vmem>> -> memref<16384xf32, #tpu.memory_space<vmem>>
    %dma_wait3A_1614 = tpu.memref_slice %arg2[%add3A_1564] : memref<16777216xf32, #tpu.memory_space<hbm>> -> memref<16384xf32, #tpu.memory_space<hbm>>
    %dma_wait3A_1615 = arith.constant 0 : i32
    %dma_wait3A_1616 = tpu.memref_slice %arg5[%dma_wait3A_1610, %dma_wait3A_1615] : memref<2x16384xf32, #tpu.memory_space<vmem>> -> memref<1x16384xf32, #tpu.memory_space<vmem>>
    %dma_wait3A_1617 = tpu.memref_squeeze %dma_wait3A_1616 : memref<1x16384xf32, #tpu.memory_space<vmem>> -> memref<16384xf32, #tpu.memory_space<vmem>>
    %dma_wait3A_1618 = tpu.memref_slice %arg2[%add3A_1564] : memref<16777216xf32, #tpu.memory_space<hbm>> -> memref<16384xf32, #tpu.memory_space<hbm>>
    tpu.wait_dma2 semaphore(%arg9 : memref<!tpu.dma_semaphore, #tpu.memory_space<semaphore_mem>>) src(%dma_wait3A_1618 : memref<16384xf32, #tpu.memory_space<hbm>>) dst(%dma_wait3A_1617 : memref<16384xf32, #tpu.memory_space<vmem>>)
    %dma_wait3A_1619 = arith.constant 1 : i32
    %dma_wait3A_1620 = arith.constant 0 : i32
    %dma_wait3A_1621 = tpu.memref_slice %arg6[%dma_wait3A_1619, %dma_wait3A_1620] : memref<2x16384xf32, #tpu.memory_space<vmem>> -> memref<1x16384xf32, #tpu.memory_space<vmem>>
    %dma_wait3A_1622 = tpu.memref_squeeze %dma_wait3A_1621 : memref<1x16384xf32, #tpu.memory_space<vmem>> -> memref<16384xf32, #tpu.memory_space<vmem>>
    %dma_wait3A_1623 = tpu.memref_slice %arg4[%add3A_1549] : memref<16777216xf32, #tpu.memory_space<hbm>> -> memref<16384xf32, #tpu.memory_space<hbm>>
    %dma_wait3A_1624 = tpu.memref_slice %arg4[%add3A_1549] : memref<16777216xf32, #tpu.memory_space<hbm>> -> memref<16384xf32, #tpu.memory_space<hbm>>
    %dma_wait3A_1625 = arith.constant 0 : i32
    %dma_wait3A_1626 = tpu.memref_slice %arg6[%dma_wait3A_1619, %dma_wait3A_1625] : memref<2x16384xf32, #tpu.memory_space<vmem>> -> memref<1x16384xf32, #tpu.memory_space<vmem>>
    %dma_wait3A_1627 = tpu.memref_squeeze %dma_wait3A_1626 : memref<1x16384xf32, #tpu.memory_space<vmem>> -> memref<16384xf32, #tpu.memory_space<vmem>>
    tpu.wait_dma2 semaphore(%arg11 : memref<!tpu.dma_semaphore, #tpu.memory_space<semaphore_mem>>) src(%dma_wait3A_1627 : memref<16384xf32, #tpu.memory_space<vmem>>) dst(%dma_wait3A_1624 : memref<16384xf32, #tpu.memory_space<hbm>>)
    %parallel_loop3A_1628 = arith.constant 0 : i32
    %parallel_loop3A_1629 = arith.constant 1024 : i32
    %parallel_loop3A_1630 = arith.constant 1 : i32
    scf.for %parallel_loop3A_1664 = %parallel_loop3A_1628 to %parallel_loop3A_1629 step %parallel_loop3A_1630  : i32 {
      %parallel_loop3A_1665 = arith.constant 16 : i32
      %parallel_loop3A_1666 = arith.muli %parallel_loop3A_1664, %parallel_loop3A_1665 : i32
      %parallel_loop3A_1667 = arith.constant 1 : i32
      %parallel_loop3A_1668 = arith.index_cast %parallel_loop3A_1667 : i32 to index
      %parallel_loop3A_1669 = arith.index_cast %parallel_loop3A_1666 : i32 to index
      %parallel_loop3A_1670 = tpu.vector_load %arg5[%parallel_loop3A_1668, %parallel_loop3A_1669] {strides = array<i32>} : memref<2x16384xf32, #tpu.memory_space<vmem>>, vector<1x16xf32>,
      %parallel_loop3A_1671 = vector.shape_cast %parallel_loop3A_1670 : vector<1x16xf32> to vector<16xf32>
      %parallel_loop3A_1672 = arith.index_cast %parallel_loop3A_1666 : i32 to index
      %parallel_loop3A_1673 = tpu.vector_load %arg7[%parallel_loop3A_1672] {strides = array<i32>} : memref<16384xf32, #tpu.memory_space<vmem>>, vector<16xf32>,
      %parallel_loop3A_1674 = vector.shape_cast %parallel_loop3A_1673 : vector<16xf32> to vector<16xf32>
      %parallel_loop3A_1675 = arith.addf %parallel_loop3A_1671, %parallel_loop3A_1674 : vector<16xf32>
      %parallel_loop3A_1676 = arith.constant 1 : i32
      %parallel_loop3A_1677 = arith.index_cast %parallel_loop3A_1676 : i32 to index
      %parallel_loop3A_1678 = arith.index_cast %parallel_loop3A_1666 : i32 to index
      %parallel_loop3A_1679 = tpu.vector_load %arg6[%parallel_loop3A_1677, %parallel_loop3A_1678] {strides = array<i32>} : memref<2x16384xf32, #tpu.memory_space<vmem>>, vector<1x16xf32>,
      %parallel_loop3A_1680 = vector.shape_cast %parallel_loop3A_1679 : vector<1x16xf32> to vector<16xf32>
      %parallel_loop3A_1681 = vector.shape_cast %parallel_loop3A_1675 : vector<16xf32> to vector<1x16xf32>
      tpu.vector_store %arg6[%parallel_loop3A_1677, %parallel_loop3A_1678], %parallel_loop3A_1681 {strides = array<i32>} : memref<2x16384xf32, #tpu.memory_space<vmem>>, vector<1x16xf32>,
    } {sc.loop_unroll_factor = 8 : i64, sc.parallel_access}
    %add3A_1631 = arith.constant 56 : i32
    %add3A_1632 = arith.addi %mul3A_2, %add3A_1631 : i32
    %mul3A_1633 = arith.constant 2048 : i32
    %mul3A_1634 = arith.muli %add3A_1632, %mul3A_1633 : i32
    %add3A_1635 = arith.constant 12582912 : i32
    %add3A_1636 = arith.addi %add3A_1635, %mul3A_1634 : i32
    %dma_start3A_1637 = arith.constant 1 : i32
    %dma_start3A_1638 = arith.constant 0 : i32
    %dma_start3A_1639 = tpu.memref_slice %arg6[%dma_start3A_1637, %dma_start3A_1638] : memref<2x16384xf32, #tpu.memory_space<vmem>> -> memref<1x16384xf32, #tpu.memory_space<vmem>>
    %dma_start3A_1640 = tpu.memref_squeeze %dma_start3A_1639 : memref<1x16384xf32, #tpu.memory_space<vmem>> -> memref<16384xf32, #tpu.memory_space<vmem>>
    %dma_start3A_1641 = tpu.memref_slice %arg4[%add3A_1636] : memref<16777216xf32, #tpu.memory_space<hbm>> -> memref<16384xf32, #tpu.memory_space<hbm>>
    %dma_start3A_1642 = tpu.memref_slice %arg4[%add3A_1636] : memref<16777216xf32, #tpu.memory_space<hbm>> -> memref<16384xf32, #tpu.memory_space<hbm>>
    %dma_start3A_1643 = arith.constant 0 : i32
    %dma_start3A_1644 = tpu.memref_slice %arg6[%dma_start3A_1637, %dma_start3A_1643] : memref<2x16384xf32, #tpu.memory_space<vmem>> -> memref<1x16384xf32, #tpu.memory_space<vmem>>
    %dma_start3A_1645 = tpu.memref_squeeze %dma_start3A_1644 : memref<1x16384xf32, #tpu.memory_space<vmem>> -> memref<16384xf32, #tpu.memory_space<vmem>>
    tpu.enqueue_dma source(%dma_start3A_1645 : memref<16384xf32, #tpu.memory_space<vmem>>) target(%dma_start3A_1642 : memref<16384xf32, #tpu.memory_space<hbm>>) target_semaphore(%arg11 : memref<!tpu.dma_semaphore, #tpu.memory_space<semaphore_mem>>)
    %dma_wait3A_1646 = arith.constant 0 : i32
    %dma_wait3A_1647 = arith.constant 0 : i32
    %dma_wait3A_1648 = tpu.memref_slice %arg6[%dma_wait3A_1646, %dma_wait3A_1647] : memref<2x16384xf32, #tpu.memory_space<vmem>> -> memref<1x16384xf32, #tpu.memory_space<vmem>>
    %dma_wait3A_1649 = tpu.memref_squeeze %dma_wait3A_1648 : memref<1x16384xf32, #tpu.memory_space<vmem>> -> memref<16384xf32, #tpu.memory_space<vmem>>
    %dma_wait3A_1650 = tpu.memref_slice %arg4[%add3A_1600] : memref<16777216xf32, #tpu.memory_space<hbm>> -> memref<16384xf32, #tpu.memory_space<hbm>>
    %dma_wait3A_1651 = tpu.memref_slice %arg4[%add3A_1600] : memref<16777216xf32, #tpu.memory_space<hbm>> -> memref<16384xf32, #tpu.memory_space<hbm>>
    %dma_wait3A_1652 = arith.constant 0 : i32
    %dma_wait3A_1653 = tpu.memref_slice %arg6[%dma_wait3A_1646, %dma_wait3A_1652] : memref<2x16384xf32, #tpu.memory_space<vmem>> -> memref<1x16384xf32, #tpu.memory_space<vmem>>
    %dma_wait3A_1654 = tpu.memref_squeeze %dma_wait3A_1653 : memref<1x16384xf32, #tpu.memory_space<vmem>> -> memref<16384xf32, #tpu.memory_space<vmem>>
    tpu.wait_dma2 semaphore(%arg10 : memref<!tpu.dma_semaphore, #tpu.memory_space<semaphore_mem>>) src(%dma_wait3A_1654 : memref<16384xf32, #tpu.memory_space<vmem>>) dst(%dma_wait3A_1651 : memref<16384xf32, #tpu.memory_space<hbm>>)
    %dma_wait3A_1655 = arith.constant 1 : i32
    %dma_wait3A_1656 = arith.constant 0 : i32
    %dma_wait3A_1657 = tpu.memref_slice %arg6[%dma_wait3A_1655, %dma_wait3A_1656] : memref<2x16384xf32, #tpu.memory_space<vmem>> -> memref<1x16384xf32, #tpu.memory_space<vmem>>
    %dma_wait3A_1658 = tpu.memref_squeeze %dma_wait3A_1657 : memref<1x16384xf32, #tpu.memory_space<vmem>> -> memref<16384xf32, #tpu.memory_space<vmem>>
    %dma_wait3A_1659 = tpu.memref_slice %arg4[%add3A_1636] : memref<16777216xf32, #tpu.memory_space<hbm>> -> memref<16384xf32, #tpu.memory_space<hbm>>
    %dma_wait3A_1660 = tpu.memref_slice %arg4[%add3A_1636] : memref<16777216xf32, #tpu.memory_space<hbm>> -> memref<16384xf32, #tpu.memory_space<hbm>>
    %dma_wait3A_1661 = arith.constant 0 : i32
    %dma_wait3A_1662 = tpu.memref_slice %arg6[%dma_wait3A_1655, %dma_wait3A_1661] : memref<2x16384xf32, #tpu.memory_space<vmem>> -> memref<1x16384xf32, #tpu.memory_space<vmem>>
    %dma_wait3A_1663 = tpu.memref_squeeze %dma_wait3A_1662 : memref<1x16384xf32, #tpu.memory_space<vmem>> -> memref<16384xf32, #tpu.memory_space<vmem>>
    tpu.wait_dma2 semaphore(%arg11 : memref<!tpu.dma_semaphore, #tpu.memory_space<semaphore_mem>>) src(%dma_wait3A_1663 : memref<16384xf32, #tpu.memory_space<vmem>>) dst(%dma_wait3A_1660 : memref<16384xf32, #tpu.memory_space<hbm>>)
    return
  }
}

</mosaic_0001>

<sc_bundles>
// kernel: kernel.3.cloned.1.call-start
scs
__scs_entry_jumppad:
0x0: {  	(pc) =	sbr.rel $0x88, $3  }
0x1: {  	(tag) =	ssettag $0x0;
	lr =	simm.s32 $0x1  }
0x2: {  	[smem:$0x3F9F] =	sst lr;
	_ =	strace $0xD0000000  }
0x3: {  	_ = 	snop  }
0x4: {  	_ = 	snop  }
0x5: {  	_ = 	snop  }
0x6: {  	_ = 	snop  }
0x7: {  	_ = 	snop  }
__scs_overlays_trampoline_lowered:
0x8: {  	[smem:$0x3FAE] =	sst s0  }
0x9: {  	[smem:$0x3FAF] =	sst s1  }
0xa: {  	[smem:$0x3FB0] =	sst s2  }
0xb: {  	[smem:$0x3FB1] =	sst s3  }
0xc: {  	[smem:$0x3FB2] =	sst s4  }
0xd: {  	[smem:$0x3FB3] =	sst s5  }
0xe: {  	[smem:$0x3FB4] =	sst s6  }
0xf: {  	[smem:$0x3FB5] =	sst s7  }
0x10: {  	[smem:$0x3FB6] =	sst s8  }
0x11: {  	[smem:$0x3FB7] =	sst s9;
	s0 =	simm.s32 @!p0 $0x0  }
0x12: {  	s1 =	sld [smem:$0x3F9D];
	s0 =	simm.s32 @p0 $0x1  }
0x13: {  	[smem:$0x3FB8] =	sst s0;
	s0 =	simm.s32 @!p1 $0x0  }
0x14: {  	s2 =	sld [smem:$0x3F9C];
	s0 =	simm.s32 @p1 $0x1  }
0x15: {  	[smem:$0x3FB9] =	sst s0;
	s0 =	simm.s32 @!p2 $0x0  }
0x16: {  	s3 =	sld [smem:$0x3FDB];
	s0 =	simm.s32 @p2 $0x1  }
0x17: {  	s4 =	simm.s32 $0x1BF5;
	[smem:$0x3FBB] =	sst s0  }
0x18: {  	s0 =	sld [smem:$0x3F9E];
	_ =	swait.ge [sflag:s4], $0x0  }
0x19: {  	s7 =	sld [smem:$0x3F9F]  }
0x1a: {  	s8 =	sadd.s32 $0xFFFFE003, lr  }
0x1b: {  	s9 =	sadd.s32 $0xFFFFFEF7, lr;
	s5 =	simm.s32 $0xFFFFFFFF;
	p2 =	slt.u32 s8, $0xFFFFF086  }
0x1c: {  	p1 =	slt.u32 s9, $0xF7A;
	s5 =	simm.s32 @!p2 $0x0  }
0x1d: {  	s5 =	simm.s32 @p1 $0x1;
	p0 =	seq.s32 s7, s2  }
0x1e: {  	s7 =	smul.u32 @!p0 $0xF7A, s2;
	p2 =	seq.s32 @!p0 s5, $0x0  }
0x1f: {  	s9 =	smul.u32 $0xF7A, s1;
	s8 =	simm.s32 @!p0 $0x1BF5;
	p2 =	por !p2, p0  }
0x20: {  	[sflag:s8] =	ssyncset.s32 @!p0 $0xFFFFF086;
	s6 =	sadd.s32 @!p0 s3, s7;
	s7 =	simm.s32 @!p0 $0x108  }
0x21: {  	s3 =	sadd.s32 s3, s9;
	s6 =	sadd.s32 @!p0 $0x88, s6;
	s7 =	simm.s32 @p2 $0x1082  }
0x22: {  	[simem:s7], [sflag:s8] =	dma.local @!p0 [hbm:s6], $0xF7A  }
0x23: {  	s9 =	sor.u32 $0xD0000000, s2;
	s6 =	simm.s32 $0x108;
	_ =	swait.ge @!p0 [sflag:s8], $0x0  }
0x24: {  	s3 =	sadd.s32 $0x88, s3;
	s6 =	simm.s32 @!p1 $0x1082;
	[sflag:s4] =	ssyncset.s32 $0xFFFFF086  }
0x25: {  	[simem:s6], [sflag:s4] =	dma.local [hbm:s3], $0xF7A  }
0x26: {  	[smem:$0x3F9F] =	sst s1;
	(tag) =	ssettag s2;
	_ =	strace s9  }
0x27: {  	s1 =	sld [smem:$0x3FAF]  }
0x28: {  	s2 =	sld [smem:$0x3FB0]  }
0x29: {  	s4 =	sld [smem:$0x3FB2]  }
0x2a: {  	p0 =	seq.s32 s5, $0x0;
	s5 =	sld [smem:$0x3FB3]  }
0x2b: {  	s6 =	sld [smem:$0x3FB4]  }
0x2c: {  	s7 =	sld [smem:$0x3FB5]  }
0x2d: {  	s3 =	simm.s32 $0x108;
	s8 =	sld [smem:$0x3FB6]  }
0x2e: {  	s3 =	simm.s32 @!p0 $0x1082;
	s9 =	sld [smem:$0x3FB7]  }
0x2f: {  	lr =	sadd.s32 s0, s3;
	s0 =	sld [smem:$0x3FAE]  }
0x30: {  	s3 =	sld [smem:$0x3FB1]  }
0x31: {  	[smem:$0x3FBA] =	sst s10  }
0x32: {  	s10 =	sld [smem:$0x3FB8];
	_ =	sdelay $0x3  }
0x33: {  	p0 =	seq.s32 s10, $0x1;
	s10 =	sld [smem:$0x3FBA];
	_ =	sdelay $0x3  }
0x34: {  	[smem:$0x3FBA] =	sst s10  }
0x35: {  	s10 =	sld [smem:$0x3FB9];
	_ =	sdelay $0x3  }
0x36: {  	p1 =	seq.s32 s10, $0x1;
	s10 =	sld [smem:$0x3FBA];
	_ =	sdelay $0x3  }
0x37: {  	[smem:$0x3FBA] =	sst s10  }
0x38: {  	s10 =	sld [smem:$0x3FBB]  }
0x39: {  	_ = 	snop;
	(pc) =	sbr.ind lr, $3  }
0x3a: {  	_ = 	snop  }
0x3b: {  	_ = 	snop  }
0x3c: {  	p2 =	seq.s32 s10, $0x1;
	s10 =	sld [smem:$0x3FBA]  }
0x3d: {  	_ =	shalt  }
0x3e: {  	_ =	shalt  }
0x3f: {  	_ =	shalt  }
0x40: {  	_ =	shalt  }
0x41: {  	_ =	shalt  }
0x42: {  	_ =	shalt  }
0x43: {  	_ =	shalt  }
0x44: {  	_ =	shalt  }
0x45: {  	_ =	shalt  }
0x46: {  	_ =	shalt  }
0x47: {  	_ =	shalt  }
0x48: {  	_ =	shalt  }
0x49: {  	_ =	shalt  }
0x4a: {  	_ =	shalt  }
0x4b: {  	_ =	shalt  }
0x4c: {  	_ =	shalt  }
0x4d: {  	_ =	shalt  }
0x4e: {  	_ =	shalt  }
0x4f: {  	_ =	shalt  }
0x50: {  	_ =	shalt  }
0x51: {  	_ =	shalt  }
0x52: {  	_ =	shalt  }
0x53: {  	_ =	shalt  }
0x54: {  	_ =	shalt  }
0x55: {  	_ =	shalt  }
0x56: {  	_ =	shalt  }
0x57: {  	_ =	shalt  }
0x58: {  	_ =	shalt  }
0x59: {  	_ =	shalt  }
0x5a: {  	_ =	shalt  }
0x5b: {  	_ =	shalt  }
0x5c: {  	_ =	shalt  }
0x5d: {  	_ =	shalt  }
0x5e: {  	_ =	shalt  }
0x5f: {  	_ =	shalt  }
0x60: {  	_ =	shalt  }
0x61: {  	_ =	shalt  }
0x62: {  	_ =	shalt  }
0x63: {  	_ =	shalt  }
0x64: {  	_ =	shalt  }
0x65: {  	_ =	shalt  }
0x66: {  	_ =	shalt  }
0x67: {  	_ =	shalt  }
0x68: {  	_ =	shalt  }
0x69: {  	_ =	shalt  }
0x6a: {  	_ =	shalt  }
0x6b: {  	_ =	shalt  }
0x6c: {  	_ =	shalt  }
0x6d: {  	_ =	shalt  }
0x6e: {  	_ =	shalt  }
0x6f: {  	_ =	shalt  }
0x70: {  	_ =	shalt  }
0x71: {  	_ =	shalt  }
0x72: {  	_ =	shalt  }
0x73: {  	_ =	shalt  }
0x74: {  	_ =	shalt  }
0x75: {  	_ =	shalt  }
0x76: {  	_ =	shalt  }
0x77: {  	_ =	shalt  }
0x78: {  	_ =	shalt  }
0x79: {  	_ =	shalt  }
0x7a: {  	_ =	shalt  }
0x7b: {  	_ =	shalt  }
0x7c: {  	_ =	shalt  }
0x7d: {  	_ =	shalt  }
0x7e: {  	_ =	shalt  }
0x7f: {  	_ =	shalt  }
0x80: {  	_ =	shalt  }
0x81: {  	_ =	shalt  }
0x82: {  	_ =	shalt  }
0x83: {  	_ =	shalt  }
0x84: {  	_ =	shalt  }
0x85: {  	_ =	shalt  }
0x86: {  	_ =	shalt  }
0x87: {  	_ =	shalt  }
.Lfunc_end0:
.L_simem_size_0:
called_computation.1_lowered:
.L_overlay_start_0:
0x88: {  	s2 =	sld [smem:$0x3FD9]  }
0x89: {  	s3 =	sld [smem:$0x3FFE];
	_ =	sdelay $0x1  }
0x8a: {  	s1 =	srdreg.scid  }
0x8b: {  	s0 =	sand.u32 $0x1, s1  }
0x8c: {  	s17 =	sshll.u32 s0, $0xA;
	s2 =	sadd.s32 s3, s2  }
0x8d: {  	s2 =	sadd.s32 s2, s17  }
0x8e: {  	[smem:$0x3FC6] =	sst s2  }
0x8f: {  	_ = 	snop  }
0x90: {  	s2 =	sld [smem:$0x3FD0];
	(tm) =	ssettm $0x1  }
0x91: {  	s18 =	sld [smem:$0x3FFB];
	_ =	sdelay $0x3  }
0x92: {  	_ =	strace s18  }
0x93: {  	s3 =	sld [smem:$0x3FFC];
	_ =	sdelay $0x3  }
0x94: {  	_ =	strace s3  }
0x95: {  	s3 =	sld [smem:$0x3FFD];
	_ =	sdelay $0x3  }
0x96: {  	_ =	strace s3  }
0x97: {  	_ =	strace $0x8FFFFFFF  }
0x98: {  	s19 =	sld [smem:$0x3FDB];
	_ =	sdelay $0x1  }
0x99: {  	s4 =	simm.s32 $_scs_section_size  }
0x9a: {  	s5 =	simm.s32 $_size__tile_overlayer_lowered;
	s6 =	simm.s32 $_tile_overlayer_lowered  }
0x9b: {  	s22 =	simm.s32 $0x1BFF;
	s21 =	sshll.u32 s6, $0x1;
	s3 =	sadd.s32 s4, s19  }
0x9c: {  	s7 =	simm.s32 $0x0;
	s20 =	sshll.u32 s5, $0x1;
	s5 =	sadd.s32 s21, s3  }
0x9d: {  	[timem:s7], [sflag:s22] =	dma.local [hbm:s5], s20  }
0x9e: {  	_ =	swait.ge [sflag:s22], s20  }
0x9f: {  	s4 =	ssub.s32 $0x0, s20;
	[sflag:s22] =	ssyncset.done $0x0  }
0xa0: {  	[sflag:s22] =	ssyncadd.s32 s4;
	_ =	sdelay $0x1  }
0xa1: {  	s23 =	simm.s32 $0x1B8B  }
0xa2: {  	_ =	swait.ge [sflag:s23], $0x1  }
0xa3: {  	[sflag:s23] =	ssyncset.done $0x0  }
0xa4: {  	s25 =	simm.s32 $0x1B8E;
	s24 =	sld [smem:$0x3FFE];
	[sflag:s23] =	ssyncadd.s32 $0xFFFFFFFF  }
0xa5: {  	s26 =	simm.s32 $execute0_lowered;
	[smem:$0x3FD2] =	sst s25  }
0xa6: {  	s5 =	sshll.u32 s26, $0x1;
	_ =	strace $0x80000049;
	[dreg:$0x1] =	wrdreg $0xFFFFFFFF  }
0xa7: {  	s28 =	simm.s32 $_size_execute0_lowered;
	s3 =	sadd.s32 s3, s5;
	[dreg:$0x0] =	wrdreg $0x0  }
0xa8: {  	s5 =	sshll.u32 s28, $0x1;
	[dreg:$0x2] =	wrdreg s3  }
0xa9: {  	[dreg:$0x3] =	wrdreg s5  }
0xaa: {  	[dreg:$0x4] =	wrdreg $0xC0  }
0xab: {  	_ =	task [dreg:s7], $0x5FFFF  }
0xac: {  	[dreg:$0x1] =	wrdreg $0xFFFFFFFF  }
0xad: {  	[dreg:$0x0] =	wrdreg $0x60  }
0xae: {  	[dreg:$0x2] =	wrdreg s2  }
0xaf: {  	[dreg:$0x3] =	wrdreg s24  }
0xb0: {  	[dreg:$0x4] =	wrdreg $0x9  }
0xb1: {  	_ =	task.clear_ibuf [dreg:s7], $0x5FFFF;
	_ =	strace $0x90000049  }
0xb2: {  	s29 =	simm.s32 $0x9;
	_ =	strace $0x8000004B  }
0xb3: {  	_ =	swait.ge [sflag:s29], $0x1  }
0xb4: {  	[sflag:s29] =	ssyncadd.s32 $0xFFFFFFFF  }
0xb5: {  	_ =	strace $0x9000004B  }
0xb6: {  	_ =	sfence  }
0xb7: {  	s30 =	sld [smem:$0x0];
	_ =	sdelay $0x2  }
0xb8: {  	s31 =	sshll.u32 s1, $0xD;
	s1 =	sshrl.u32 s1, $0x2  }
0xb9: {  	s3 =	sand.u32 $0x4000, s31;
	s1 =	sadd.s32 s1, s30  }
0xba: {  	s0 =	sor.u32 s3, s0;
	s1 =	sshll.u32 s1, $0x11  }
0xbb: {  	s0 =	sor.u32 s1, s0  }
0xbc: {  	s0 =	sadd.s32 $0x8F2B, s0  }
0xbd: {  	[sflag:s0] =	ssyncadd.remote.s32 $0x1  }
0xbe: {  	_ =	sfence.sel $0xFFFF  }
0xbf: {  	[dreg:$0x0] =	wrdreg $0xFFFFFFFF;
	(pc) =	sbr.abs _section_cstart, $3  }
0xc0: {  	[dreg:$0x1] =	wrdreg $0xFFFFFFFF  }
0xc1: {  	_ =	task.clear_ibuf [dreg:s7], $0x2FFFF;
	_ =	strace $0x9FFFFFFF  }
0xc2: {  	(tm) =	ssettm $0x7FFFFFFF  }
0xc3: {  	_ =	shalt  }
tec
execute0_lowered:
.L_overlay_start_1:
0x0: {  	(tag) =	ssettag $0x1  }
0x1: {  	s3 =	rddreg [dreg:$0x0]  }
0x2: {  	s2 =	rddreg [dreg:$0x1];
	s4 =	srdreg.scid  }
0x3: {  	s1 =	simm.s32 $0x0;
	s5 =	stileid.u32;
	s4 =	sand.u32 $0x1, s4  }
0x4: {  	[smem:$0x7FF] =	sst s1;
	s0 =	sadd.s32 $0xA00, s2;
	s6 =	ssub.s32 $0x2, s4  }
0x5: {  	s7 =	sshll.u32 s5, $0xF;
	s4 =	sshll.u32 s4, $0xE;
	s8 =	sshrl.u32 s6, $0x1  }
0x6: {  	s5 =	sadd.s32 $0x80A00, s2;
	s2 =	sor.u32 s4, s7;
	s19 =	ssub.s32 s6, s8  }
0x7: {  	s20 =	sor.u32 $0x80000, s2;
	s21 =	sor.u32 $0x100000, s2;
	s23 =	sor.u32 $0x180000, s2  }
0x8: {  	s24 =	sor.u32 $0x800, s2;
	s7 =	sor.u32 $0x80800, s2;
	s8 =	sor.u32 $0x100800, s2  }
0x9: {  	s10 =	sor.u32 $0x180800, s2;
	s18 =	sor.u32 $0x1000, s2;
	[smem:$0x7EE] =	sst s19  }
0xa: {  	s22 =	sadd.s32 s3, s20;
	s11 =	sadd.s32 s3, s21;
	s4 =	sadd.s32 s5, s20  }
0xb: {  	s12 =	sadd.s32 s3, s23;
	s6 =	sadd.s32 s5, s21;
	[dreg:$0x3] =	wrdreg s22  }
0xc: {  	s13 =	sadd.s32 s3, s24;
	s25 =	sadd.s32 s5, s23;
	[dreg:$0x5] =	wrdreg s4  }
0xd: {  	s26 =	sadd.s32 s0, s24;
	s14 =	sadd.s32 s3, s7;
	[dreg:$0x7] =	wrdreg s6  }
0xe: {  	s15 =	sadd.s32 s3, s8;
	s9 =	sadd.s32 s5, s7;
	[dreg:$0x9] =	wrdreg s25  }
0xf: {  	s16 =	sadd.s32 s3, s10;
	s7 =	sadd.s32 s5, s8;
	[dreg:$0xa] =	wrdreg s26  }
0x10: {  	s17 =	sadd.s32 s3, s18;
	s19 =	sadd.s32 s0, s18;
	[dreg:$0xe] =	wrdreg s9  }
0x11: {  	s20 =	sor.u32 $0x81000, s2;
	s23 =	sor.u32 $0x181000, s2;
	[dreg:$0x10] =	wrdreg s7  }
0x12: {  	s4 =	sadd.s32 s5, s24;
	[dreg:$0x13] =	wrdreg s19;
	s19 =	sadd.s32 s5, s18  }
0x13: {  	s21 =	sadd.s32 s3, s20;
	s22 =	sor.u32 $0x101000, s2;
	s24 =	sor.u32 $0x1800, s2  }
0x14: {  	s7 =	sor.u32 $0x101800, s2;
	s9 =	sor.u32 $0x181800, s2;
	[dreg:$0xc] =	wrdreg s4  }
0x15: {  	s4 =	sadd.s32 s5, s10;
	[dreg:$0x15] =	wrdreg s21;
	s6 =	sadd.s32 s5, s22  }
0x16: {  	s21 =	sadd.s32 s3, s23;
	s25 =	sadd.s32 s0, s24;
	[dreg:$0x12] =	wrdreg s4  }
0x17: {  	s26 =	sadd.s32 s5, s24;
	s8 =	sadd.s32 s5, s7;
	[dreg:$0x18] =	wrdreg s6  }
0x18: {  	s10 =	sor.u32 $0x2000, s2;
	s4 =	sadd.s32 s5, s20;
	[dreg:$0x1c] =	wrdreg s25  }
0x19: {  	s20 =	sadd.s32 s3, s22;
	s22 =	sadd.s32 s3, s24;
	[dreg:$0x1d] =	wrdreg s26  }
0x1a: {  	s6 =	sor.u32 $0x81800, s2;
	s24 =	sadd.s32 s3, s7;
	[smem:$0x7D1] =	sst s8  }
0x1b: {  	s25 =	sadd.s32 s3, s9;
	s26 =	sadd.s32 s3, s10;
	s18 =	sadd.s32 s0, s10  }
0x1c: {  	s7 =	sadd.s32 s5, s10;
	s8 =	sor.u32 $0x82000, s2;
	[dreg:$0x16] =	wrdreg s4  }
0x1d: {  	s10 =	sor.u32 $0x182000, s2;
	s4 =	sadd.s32 s5, s23;
	[smem:$0x7D3] =	sst s18  }
0x1e: {  	s23 =	sadd.s32 s3, s6;
	[smem:$0x7D4] =	sst s7;
	s29 =	sadd.s32 s3, s8  }
0x1f: {  	s18 =	sor.u32 $0x2800, s2;
	[dreg:$0x1a] =	wrdreg s4;
	s4 =	sadd.s32 s5, s6  }
0x20: {  	s31 =	sadd.s32 s3, s10;
	s7 =	sadd.s32 s3, s18;
	[dreg:$0x1f] =	wrdreg s4  }
0x21: {  	s4 =	sadd.s32 s5, s9;
	s9 =	sor.u32 $0x102000, s2;
	[smem:$0x7D8] =	sst s7  }
0x22: {  	s7 =	sadd.s32 s5, s18;
	[smem:$0x7D2] =	sst s4;
	s4 =	sadd.s32 s5, s8  }
0x23: {  	s30 =	sadd.s32 s3, s9;
	s8 =	sadd.s32 s0, s18;
	[smem:$0x7D5] =	sst s4  }
0x24: {  	s18 =	sor.u32 $0x102800, s2;
	s4 =	sadd.s32 s5, s9;
	[smem:$0x7D9] =	sst s8  }
0x25: {  	s9 =	sor.u32 $0x82800, s2;
	[smem:$0x7D6] =	sst s4;
	s4 =	sadd.s32 s5, s10  }
0x26: {  	s8 =	sor.u32 $0x182800, s2;
	s10 =	sadd.s32 s3, s9;
	[smem:$0x7D7] =	sst s4  }
0x27: {  	s6 =	sadd.s32 s5, s9;
	s9 =	sadd.s32 s3, s18;
	[smem:$0x7DA] =	sst s10  }
0x28: {  	[smem:$0x7DB] =	sst s6;
	s4 =	sadd.s32 s5, s18;
	s18 =	sadd.s32 s3, s8  }
0x29: {  	s6 =	sadd.s32 s5, s8;
	[smem:$0x7DC] =	sst s4;
	s4 =	sor.u32 $0x3000, s2  }
0x2a: {  	[smem:$0x7DD] =	sst s6;
	s6 =	sor.u32 $0x83000, s2;
	s10 =	sadd.s32 s0, s4  }
0x2b: {  	s28 =	sadd.s32 s3, s4;
	s4 =	sadd.s32 s5, s4;
	[smem:$0x7DE] =	sst s10  }
0x2c: {  	s8 =	sadd.s32 s3, s6;
	[smem:$0x7DF] =	sst s4;
	s4 =	sor.u32 $0x103000, s2  }
0x2d: {  	[smem:$0x7E0] =	sst s8;
	s8 =	sadd.s32 s5, s6;
	s10 =	sadd.s32 s3, s4  }
0x2e: {  	s6 =	sor.u32 $0x183000, s2;
	s4 =	sadd.s32 s5, s4;
	[smem:$0x7E1] =	sst s10  }
0x2f: {  	[smem:$0x7E2] =	sst s4;
	s10 =	sadd.s32 s3, s6;
	s4 =	sor.u32 $0x3800, s2  }
0x30: {  	[smem:$0x7E3] =	sst s10;
	s10 =	sadd.s32 s5, s6;
	s6 =	sadd.s32 s0, s2  }
0x31: {  	s0 =	sadd.s32 s0, s4;
	[smem:$0x7E4] =	sst s6  }
0x32: {  	[smem:$0x7E5] =	sst s0;
	s0 =	smov.u32 s7;
	s7 =	sadd.s32 s3, s4  }
0x33: {  	s4 =	sadd.s32 s5, s4;
	[smem:$0x7E6] =	sst s7  }
0x34: {  	s6 =	sadd.s32 s5, s2;
	[smem:$0x7E7] =	sst s4  }
0x35: {  	s7 =	sadd.s32 s3, s2;
	[smem:$0x7E9] =	sst s6  }
0x36: {  	s4 =	sor.u32 $0x83800, s2;
	s6 =	sor.u32 $0x103800, s2;
	[smem:$0x7E8] =	sst s7  }
0x37: {  	s7 =	sor.u32 $0x183800, s2;
	s2 =	smov.u32 s8;
	s8 =	sadd.s32 s3, s4  }
0x38: {  	[smem:$0x7EA] =	sst s8;
	s8 =	sadd.s32 s3, s6  }
0x39: {  	s4 =	sadd.s32 s5, s4;
	s3 =	sadd.s32 s3, s7;
	[smem:$0x7EB] =	sst s8  }
0x3a: {  	s6 =	sadd.s32 s5, s6;
	s5 =	sadd.s32 s5, s7;
	[smem:$0x7EC] =	sst s3  }
0x3b: {  	[smem:$0x7ED] =	sst s5  }
0x3c: {  	_ =	strace $0x8000004A;
	[dreg:$0x4] =	wrdreg s11  }
0x3d: {  	[dreg:$0x6] =	wrdreg s12  }
0x3e: {  	[dreg:$0x8] =	wrdreg s13  }
0x3f: {  	[dreg:$0xb] =	wrdreg s14  }
0x40: {  	[dreg:$0xd] =	wrdreg s15  }
0x41: {  	[dreg:$0xf] =	wrdreg s16  }
0x42: {  	[dreg:$0x11] =	wrdreg s17  }
0x43: {  	[dreg:$0x14] =	wrdreg s19  }
0x44: {  	[dreg:$0x17] =	wrdreg s20  }
0x45: {  	[dreg:$0x19] =	wrdreg s21  }
0x46: {  	[dreg:$0x1b] =	wrdreg s22  }
0x47: {  	[dreg:$0x1e] =	wrdreg s23  }
0x48: {  	[smem:$0x7F0] =	sst s24  }
0x49: {  	[smem:$0x7F1] =	sst s25  }
0x4a: {  	[smem:$0x7F2] =	sst s26  }
0x4b: {  	[smem:$0x7F3] =	sst s29  }
0x4c: {  	[smem:$0x7F4] =	sst s30  }
0x4d: {  	[smem:$0x7F5] =	sst s31  }
0x4e: {  	[smem:$0x7F6] =	sst s0  }
0x4f: {  	[smem:$0x7F7] =	sst s9  }
0x50: {  	[smem:$0x7F8] =	sst s18  }
0x51: {  	[smem:$0x7F9] =	sst s28  }
0x52: {  	[smem:$0x7FA] =	sst s2  }
0x53: {  	s8 =	sld [smem:$0x7EE]  }
0x54: {  	[smem:$0x7FB] =	sst s10  }
0x55: {  	s7 =	smov.u32 s6;
	[smem:$0x7FC] =	sst s4  }
0x56: {  	[smem:$0x7FD] =	sst s7;
	s6 =	smax.u32 s8, $0x1  }
0x57: {  	s8 =	simm.s32 $0x0;
	[smem:$0x7EF] =	sst s6  }
.LBB2_1:
0x58: {  	s0 =	sld [smem:$0x7E8];
	_ =	sdelay $0x1  }
0x59: {  	[smem:$0x7D0] =	sst s8;
	s6 =	simm.s32 $0x10  }
0x5a: {  	s7 =	simm.s32 $0x100;
	s8 =	simm.s32 $0x0;
	s10 =	sadd.s32 $0x0, s0  }
.LBB2_2:
0x5b: {  	[tilespmem:s8], [sflag:$0x1] =	stream.linear.gather [hbm4b:s10+s1], $0x80, $0x38;
	[tilespmem:$0x14000] =	vst v63  }
0x5c: {  	s10 =	smov.u32 s6;
	s8 =	smov.u32 s7;
	p0 =	sne.s32 s6, $0x7F0  }
.Ltmp0:
0x5d: {  	s6 =	sadd.s32 $0x10, s6;
	(pc) =	sbr.rel @p0 .LBB2_2-.Ltmp0, $2  }
0x5e: {  	_ =	sdelay $0x2  }
0x5f: {  	s7 =	sadd.s32 $0x100, s7;
	s10 =	sadd.s32 s10, s0  }
0x60: {  	s0 =	sld [smem:$0x7E4]  }
0x61: {  	[tilespmem:s8], [sflag:$0x1] =	stream.linear.gather [hbm4b:s10+s1], $0x80, $0x38;
	[tilespmem:$0x14000] =	vst v63  }
0x62: {  	s6 =	simm.s32 $0x0;
	s2 =	simm.s32 $0x10000;
	s19 =	simm.s32 $0x5  }
0x63: {  	[tilespmem:s2], [sflag:$0x5] =	stream.linear.gather [hbm4b:s0+s6], $0x4000, $0x38;
	[tilespmem:$0x14000] =	vst v63  }
0x64: {  	_ =	swait.ge [sflag:s19], $0x4000  }
0x65: {  	s11 =	rddreg [dreg:$0x3]  }
0x66: {  	s0 =	sld [smem:$0x7D8]  }
0x67: {  	s7 =	simm.s32 $0x10;
	s8 =	simm.s32 $0x180;
	s2 =	sld [smem:$0x7E0]  }
0x68: {  	s6 =	simm.s32 $0x80;
	[sflag:s19] =	ssyncset.done $0x0;
	s3 =	sld [smem:$0x7E3]  }
0x69: {  	s4 =	sld [smem:$0x7E9];
	[sflag:s19] =	ssyncadd.s32 $0xFFFFC000;
	s10 =	sadd.s32 $0x0, s11  }
.LBB2_4:
0x6a: {  	[tilespmem:s6], [sflag:$0x2] =	stream.linear.gather [hbm4b:s10+s1], $0x80, $0x38;
	[tilespmem:$0x14000] =	vst v63  }
0x6b: {  	s10 =	smov.u32 s7;
	s6 =	smov.u32 s8;
	p0 =	sne.s32 s7, $0x7F0  }
.Ltmp1:
0x6c: {  	s7 =	sadd.s32 $0x10, s7;
	(pc) =	sbr.rel @p0 .LBB2_4-.Ltmp1, $2  }
0x6d: {  	_ =	sdelay $0x2  }
0x6e: {  	s8 =	sadd.s32 $0x100, s8;
	s10 =	sadd.s32 s10, s11  }
0x6f: {  	[tilespmem:s6], [sflag:$0x2] =	stream.linear.gather [hbm4b:s10+s1], $0x80, $0x38;
	[tilespmem:$0x14000] =	vst v63  }
0x70: {  	s17 =	simm.s32 $0x1  }
0x71: {  	_ =	swait.ge [sflag:s17], $0x4000  }
0x72: {  	[sflag:s17] =	ssyncset.done $0x0  }
0x73: {  	s19 =	simm.s32 $0x40;
	[sflag:s17] =	ssyncadd.s32 $0xFFFFC000  }
0x74: {  	s6 =	simm.s32 $0x10040;
	v1 =	vld [tilespmem:s19+$0x30]  }
0x75: {  	v2 =	vld [tilespmem:s6+$0x30]  }
0x76: {  	v3 =	vld [tilespmem:s19+$0xFFFFFFD0]  }
0x77: {  	v4 =	vld [tilespmem:s6+$0xFFFFFFD0]  }
0x78: {  	v5 =	vld [tilespmem:s19+$0xFFFFFFE0]  }
0x79: {  	v6 =	vld [tilespmem:s6+$0xFFFFFFE0]  }
0x7a: {  	v7 =	vld [tilespmem:s19+$0xFFFFFFF0]  }
0x7b: {  	v8 =	vld [tilespmem:s6+$0xFFFFFFF0]  }
0x7c: {  	v0 =	vld [tilespmem:s6+$0xFFFFFFC0]  }
0x7d: {  	v9 =	vld [tilespmem:s19+$0x0];
	v2 =	vadd.f32 v2, v1  }
0x7e: {  	s7 =	simm.s32 $0x8040;
	v10 =	vld [tilespmem:s6+$0x0];
	v4 =	vadd.f32 v4, v3  }
0x7f: {  	v1 =	vld [tilespmem:s19+$0x10];
	v5 =	vadd.f32 v6, v5;
	[tilespmem:s7+$0x30] =	vst v2  }
0x80: {  	v3 =	vld [tilespmem:s6+$0x10];
	v6 =	vadd.f32 v8, v7;
	[tilespmem:s7+$0xFFFFFFD0] =	vst v4  }
0x81: {  	v2 =	vld [tilespmem:s19+$0x20];
	[tilespmem:s7+$0xFFFFFFE0] =	vst v5  }
0x82: {  	v5 =	vld [tilespmem:s6+$0x20];
	[tilespmem:s7+$0xFFFFFFF0] =	vst v6  }
0x83: {  	s8 =	simm.s32 $0x0;
	s10 =	simm.s32 $0x140;
	v4 =	vld [tilespmem:s19+$0xFFFFFFC0];
	v6 =	vadd.f32 v10, v9;
	s11 =	rddreg [dreg:$0x4]  }
.LBB2_6:
0x84: {  	v7 =	vld [tilespmem:s10+$0x30];
	s6 =	sadd.s32 $0x80, s6  }
0x85: {  	s8 =	sadd.s32 $0x8, s8;
	v8 =	vld [tilespmem:s6+$0x30];
	[tilespmem:s7+$0x0] =	vst v6;
	v1 =	vadd.f32 v3, v1  }
0x86: {  	p0 =	slt.u32 s8, $0x3F8;
	v3 =	vld [tilespmem:s6+$0xFFFFFFC0]  }
0x87: {  	v6 =	vld [tilespmem:s10+$0xFFFFFFD0];
	[tilespmem:s7+$0x10] =	vst v1;
	v1 =	vadd.f32 v5, v2  }
0x88: {  	v2 =	vld [tilespmem:s6+$0xFFFFFFD0];
	v9 =	vadd.f32 v0, v4  }
0x89: {  	v4 =	vld [tilespmem:s10+$0xFFFFFFE0];
	[tilespmem:s7+$0x20] =	vst v1  }
0x8a: {  	v1 =	vld [tilespmem:s6+$0xFFFFFFE0];
	v5 =	vadd.f32 v8, v7;
	[tilespmem:s7+$0xFFFFFFC0] =	vst v9  }
0x8b: {  	s7 =	sadd.s32 $0x100, s7;
	v7 =	vld [tilespmem:s10+$0xFFFFFFF0];
	v0 =	vmov v3  }
0x8c: {  	v8 =	vld [tilespmem:s6+$0xFFFFFFF0];
	[tilespmem:s7+$0x30] =	vst v5  }
0x8d: {  	v2 =	vadd.f32 v2, v6;
	v6 =	vld [tilespmem:s10+$0x0]  }
0x8e: {  	v9 =	vld [tilespmem:s6+$0x0]  }
.Ltmp2:
0x8f: {  	[tilespmem:s7+$0xFFFFFFD0] =	vst v2;
	v2 =	vadd.f32 v1, v4;
	v1 =	vld [tilespmem:s10+$0x10];
	(pc) =	sbr.rel @p0 .LBB2_6-.Ltmp2, $4  }
0x90: {  	v3 =	vld [tilespmem:s6+$0x10]  }
0x91: {  	[tilespmem:s7+$0xFFFFFFE0] =	vst v2;
	v7 =	vadd.f32 v8, v7;
	v2 =	vld [tilespmem:s10+$0x20]  }
0x92: {  	v5 =	vld [tilespmem:s6+$0x20]  }
0x93: {  	v4 =	vld [tilespmem:s10+$0xFFFFFFC0];
	[tilespmem:s7+$0xFFFFFFF0] =	vst v7;
	v6 =	vadd.f32 v9, v6;
	s10 =	sadd.s32 $0x100, s10  }
0x94: {  	_ =	sdelay $0x1  }
0x95: {  	v1 =	vadd.f32 v3, v1  }
0x96: {  	[tilespmem:s7+$0x0] =	vst v6;
	v2 =	vadd.f32 v5, v2  }
0x97: {  	[tilespmem:s7+$0x10] =	vst v1;
	v0 =	vadd.f32 v0, v4  }
0x98: {  	s6 =	simm.s32 $0x8000;
	[tilespmem:s7+$0x20] =	vst v2  }
0x99: {  	s10 =	sadd.s32 $0x0, s4;
	s8 =	simm.s32 $0x8100;
	[tilespmem:s7+$0xFFFFFFC0] =	vst v0;
	s7 =	simm.s32 $0x10  }
.LBB2_8:
0x9a: {  	[hbm4b:s10+s1] =	stream.linear.scatter [tilespmem:s6], [sflag:$0x3], $0x80, $0x38;
	[tilespmem:$0x14000] =	vst v63  }
0x9b: {  	s10 =	smov.u32 s7;
	s6 =	smov.u32 s8;
	p0 =	sne.s32 s7, $0x7F0  }
.Ltmp3:
0x9c: {  	s7 =	sadd.s32 $0x10, s7;
	(pc) =	sbr.rel @p0 .LBB2_8-.Ltmp3, $2  }
0x9d: {  	_ =	sdelay $0x2  }
0x9e: {  	s8 =	sadd.s32 $0x100, s8;
	s10 =	sadd.s32 s10, s4  }
0x9f: {  	[hbm4b:s10+s1] =	stream.linear.scatter [tilespmem:s6], [sflag:$0x3], $0x80, $0x38;
	[tilespmem:$0x14000] =	vst v63  }
0xa0: {  	s6 =	simm.s32 $0x0  }
0xa1: {  	s7 =	simm.s32 $0x10;
	s10 =	sadd.s32 $0x0, s11;
	s8 =	simm.s32 $0x100  }
.LBB2_10:
0xa2: {  	[tilespmem:s6], [sflag:$0x1] =	stream.linear.gather [hbm4b:s10+s1], $0x80, $0x38;
	[tilespmem:$0x14000] =	vst v63  }
0xa3: {  	s10 =	smov.u32 s7;
	s6 =	smov.u32 s8;
	p0 =	sne.s32 s7, $0x7F0  }
.Ltmp4:
0xa4: {  	s7 =	sadd.s32 $0x10, s7;
	(pc) =	sbr.rel @p0 .LBB2_10-.Ltmp4, $2  }
0xa5: {  	_ =	sdelay $0x2  }
0xa6: {  	s8 =	sadd.s32 $0x100, s8;
	s10 =	sadd.s32 s10, s11  }
0xa7: {  	[tilespmem:s6], [sflag:$0x1] =	stream.linear.gather [hbm4b:s10+s1], $0x80, $0x38;
	[tilespmem:$0x14000] =	vst v63  }
0xa8: {  	s4 =	simm.s32 $0x2  }
0xa9: {  	_ =	swait.ge [sflag:s4], $0x4000  }
0xaa: {  	[sflag:s4] =	ssyncset.done $0x0  }
0xab: {  	s19 =	simm.s32 $0xF0;
	[sflag:s4] =	ssyncadd.s32 $0xFFFFC000  }
0xac: {  	s6 =	simm.s32 $0x10040;
	v1 =	vld [tilespmem:s19+$0x0]  }
0xad: {  	v2 =	vld [tilespmem:s6+$0x30]  }
0xae: {  	v3 =	vld [tilespmem:s19+$0xFFFFFFA0]  }
0xaf: {  	v4 =	vld [tilespmem:s6+$0xFFFFFFD0]  }
0xb0: {  	v5 =	vld [tilespmem:s19+$0xFFFFFFB0]  }
0xb1: {  	v6 =	vld [tilespmem:s6+$0xFFFFFFE0]  }
0xb2: {  	v7 =	vld [tilespmem:s19+$0xFFFFFFC0]  }
0xb3: {  	v8 =	vld [tilespmem:s6+$0xFFFFFFF0]  }
0xb4: {  	v0 =	vld [tilespmem:s6+$0xFFFFFFC0]  }
0xb5: {  	v9 =	vld [tilespmem:s19+$0xFFFFFFD0];
	v2 =	vadd.f32 v2, v1  }
0xb6: {  	s7 =	simm.s32 $0x80F0;
	v10 =	vld [tilespmem:s6+$0x0];
	v4 =	vadd.f32 v4, v3  }
0xb7: {  	v1 =	vld [tilespmem:s19+$0xFFFFFFE0];
	v5 =	vadd.f32 v6, v5;
	[tilespmem:s7+$0x0] =	vst v2  }
0xb8: {  	v3 =	vld [tilespmem:s6+$0x10];
	v6 =	vadd.f32 v8, v7;
	[tilespmem:s7+$0xFFFFFFA0] =	vst v4  }
0xb9: {  	v2 =	vld [tilespmem:s19+$0xFFFFFFF0];
	[tilespmem:s7+$0xFFFFFFB0] =	vst v5  }
0xba: {  	v5 =	vld [tilespmem:s6+$0x20];
	[tilespmem:s7+$0xFFFFFFC0] =	vst v6  }
0xbb: {  	s8 =	simm.s32 $0x0;
	s10 =	simm.s32 $0x1F0;
	v4 =	vld [tilespmem:s19+$0xFFFFFF90];
	v6 =	vadd.f32 v10, v9;
	s4 =	sld [smem:$0x7EA]  }
.LBB2_12:
0xbc: {  	v7 =	vld [tilespmem:s10+$0x0];
	s6 =	sadd.s32 $0x80, s6  }
0xbd: {  	s8 =	sadd.s32 $0x8, s8;
	v8 =	vld [tilespmem:s6+$0x30];
	[tilespmem:s7+$0xFFFFFFD0] =	vst v6;
	v1 =	vadd.f32 v3, v1  }
0xbe: {  	p0 =	slt.u32 s8, $0x3F8;
	v3 =	vld [tilespmem:s6+$0xFFFFFFC0]  }
0xbf: {  	v6 =	vld [tilespmem:s10+$0xFFFFFFA0];
	[tilespmem:s7+$0xFFFFFFE0] =	vst v1;
	v1 =	vadd.f32 v5, v2  }
0xc0: {  	v2 =	vld [tilespmem:s6+$0xFFFFFFD0];
	v9 =	vadd.f32 v0, v4  }
0xc1: {  	v4 =	vld [tilespmem:s10+$0xFFFFFFB0];
	[tilespmem:s7+$0xFFFFFFF0] =	vst v1  }
0xc2: {  	v1 =	vld [tilespmem:s6+$0xFFFFFFE0];
	v5 =	vadd.f32 v8, v7;
	[tilespmem:s7+$0xFFFFFF90] =	vst v9  }
0xc3: {  	s7 =	sadd.s32 $0x100, s7;
	v7 =	vld [tilespmem:s10+$0xFFFFFFC0];
	v0 =	vmov v3  }
0xc4: {  	v8 =	vld [tilespmem:s6+$0xFFFFFFF0];
	[tilespmem:s7+$0x0] =	vst v5  }
0xc5: {  	v2 =	vadd.f32 v2, v6;
	v6 =	vld [tilespmem:s10+$0xFFFFFFD0]  }
0xc6: {  	v9 =	vld [tilespmem:s6+$0x0]  }
.Ltmp5:
0xc7: {  	[tilespmem:s7+$0xFFFFFFA0] =	vst v2;
	v2 =	vadd.f32 v1, v4;
	v1 =	vld [tilespmem:s10+$0xFFFFFFE0];
	(pc) =	sbr.rel @p0 .LBB2_12-.Ltmp5, $4  }
0xc8: {  	v3 =	vld [tilespmem:s6+$0x10]  }
0xc9: {  	[tilespmem:s7+$0xFFFFFFB0] =	vst v2;
	v7 =	vadd.f32 v8, v7;
	v2 =	vld [tilespmem:s10+$0xFFFFFFF0]  }
0xca: {  	v5 =	vld [tilespmem:s6+$0x20]  }
0xcb: {  	v4 =	vld [tilespmem:s10+$0xFFFFFF90];
	[tilespmem:s7+$0xFFFFFFC0] =	vst v7;
	v6 =	vadd.f32 v9, v6;
	s10 =	sadd.s32 $0x100, s10  }
0xcc: {  	_ =	sdelay $0x1  }
0xcd: {  	v1 =	vadd.f32 v3, v1  }
0xce: {  	[tilespmem:s7+$0xFFFFFFD0] =	vst v6;
	v2 =	vadd.f32 v5, v2  }
0xcf: {  	[tilespmem:s7+$0xFFFFFFE0] =	vst v1;
	v0 =	vadd.f32 v0, v4  }
0xd0: {  	[tilespmem:s7+$0xFFFFFFF0] =	vst v2  }
0xd1: {  	[tilespmem:s7+$0xFFFFFF90] =	vst v0  }
0xd2: {  	s6 =	simm.s32 $0x8080;
	s12 =	rddreg [dreg:$0x5]  }
0xd3: {  	s8 =	simm.s32 $0x8180;
	s7 =	simm.s32 $0x10;
	s10 =	sadd.s32 $0x0, s12  }
.LBB2_14:
0xd4: {  	[hbm4b:s10+s1] =	stream.linear.scatter [tilespmem:s6], [sflag:$0x4], $0x80, $0x38;
	[tilespmem:$0x14000] =	vst v63  }
0xd5: {  	s10 =	smov.u32 s7;
	s6 =	smov.u32 s8;
	p0 =	sne.s32 s7, $0x7F0  }
.Ltmp6:
0xd6: {  	s7 =	sadd.s32 $0x10, s7;
	(pc) =	sbr.rel @p0 .LBB2_14-.Ltmp6, $2  }
0xd7: {  	_ =	sdelay $0x2  }
0xd8: {  	s8 =	sadd.s32 $0x100, s8;
	s10 =	sadd.s32 s10, s12  }
0xd9: {  	[hbm4b:s10+s1] =	stream.linear.scatter [tilespmem:s6], [sflag:$0x4], $0x80, $0x38;
	[tilespmem:$0x14000] =	vst v63  }
0xda: {  	s6 =	simm.s32 $0x80;
	s12 =	rddreg [dreg:$0x6]  }
0xdb: {  	s7 =	simm.s32 $0x10;
	s8 =	simm.s32 $0x180;
	s10 =	sadd.s32 $0x0, s12  }
.LBB2_16:
0xdc: {  	[tilespmem:s6], [sflag:$0x2] =	stream.linear.gather [hbm4b:s10+s1], $0x80, $0x38;
	[tilespmem:$0x14000] =	vst v63  }
0xdd: {  	s10 =	smov.u32 s7;
	s6 =	smov.u32 s8;
	p0 =	sne.s32 s7, $0x7F0  }
.Ltmp7:
0xde: {  	s7 =	sadd.s32 $0x10, s7;
	(pc) =	sbr.rel @p0 .LBB2_16-.Ltmp7, $2  }
0xdf: {  	_ =	sdelay $0x2  }
0xe0: {  	s8 =	sadd.s32 $0x100, s8;
	s10 =	sadd.s32 s10, s12  }
0xe1: {  	[tilespmem:s6], [sflag:$0x2] =	stream.linear.gather [hbm4b:s10+s1], $0x80, $0x38;
	[tilespmem:$0x14000] =	vst v63  }
0xe2: {  	s16 =	simm.s32 $0x1  }
0xe3: {  	_ =	swait.ge [sflag:s16], $0x4000  }
0xe4: {  	[sflag:s16] =	ssyncset.done $0x0  }
0xe5: {  	s17 =	simm.s32 $0x3;
	[sflag:s16] =	ssyncadd.s32 $0xFFFFC000  }
0xe6: {  	_ =	swait.ge [sflag:s17], $0x4000  }
0xe7: {  	[sflag:s17] =	ssyncset.done $0x0  }
0xe8: {  	s19 =	simm.s32 $0x40;
	[sflag:s17] =	ssyncadd.s32 $0xFFFFC000  }
0xe9: {  	s6 =	simm.s32 $0x10040;
	v1 =	vld [tilespmem:s19+$0x30]  }
0xea: {  	v2 =	vld [tilespmem:s6+$0x30]  }
0xeb: {  	v0 =	vld [tilespmem:s6+$0xFFFFFFC0]  }
0xec: {  	v3 =	vld [tilespmem:s19+$0xFFFFFFD0]  }
0xed: {  	v4 =	vld [tilespmem:s6+$0xFFFFFFD0]  }
0xee: {  	v5 =	vld [tilespmem:s19+$0xFFFFFFE0]  }
0xef: {  	v6 =	vld [tilespmem:s6+$0xFFFFFFE0]  }
0xf0: {  	v7 =	vld [tilespmem:s19+$0xFFFFFFF0]  }
0xf1: {  	v8 =	vld [tilespmem:s6+$0xFFFFFFF0]  }
0xf2: {  	v9 =	vld [tilespmem:s19+$0x0]  }
0xf3: {  	v10 =	vld [tilespmem:s6+$0x0];
	v2 =	vadd.f32 v2, v1  }
0xf4: {  	s7 =	simm.s32 $0x8040;
	v4 =	vadd.f32 v4, v3;
	v1 =	vld [tilespmem:s19+$0x10]  }
0xf5: {  	v5 =	vadd.f32 v6, v5;
	v3 =	vld [tilespmem:s6+$0x10];
	[tilespmem:s7+$0x30] =	vst v2  }
0xf6: {  	v6 =	vadd.f32 v8, v7;
	[tilespmem:s7+$0xFFFFFFD0] =	vst v4;
	v2 =	vld [tilespmem:s19+$0x20]  }
0xf7: {  	[tilespmem:s7+$0xFFFFFFE0] =	vst v5;
	v5 =	vld [tilespmem:s6+$0x20]  }
0xf8: {  	s8 =	simm.s32 $0x0;
	s10 =	simm.s32 $0x140;
	v4 =	vld [tilespmem:s19+$0xFFFFFFC0];
	[tilespmem:s7+$0xFFFFFFF0] =	vst v6;
	v6 =	vadd.f32 v10, v9  }
.LBB2_18:
0xf9: {  	v7 =	vld [tilespmem:s10+$0x30];
	s6 =	sadd.s32 $0x80, s6  }
0xfa: {  	s8 =	sadd.s32 $0x8, s8;
	v8 =	vld [tilespmem:s6+$0x30];
	[tilespmem:s7+$0x0] =	vst v6;
	v1 =	vadd.f32 v3, v1  }
0xfb: {  	p0 =	slt.u32 s8, $0x3F8;
	v3 =	vld [tilespmem:s6+$0xFFFFFFC0]  }
0xfc: {  	v6 =	vld [tilespmem:s10+$0xFFFFFFD0];
	[tilespmem:s7+$0x10] =	vst v1;
	v1 =	vadd.f32 v5, v2  }
0xfd: {  	v2 =	vld [tilespmem:s6+$0xFFFFFFD0];
	v9 =	vadd.f32 v0, v4  }
0xfe: {  	v4 =	vld [tilespmem:s10+$0xFFFFFFE0];
	[tilespmem:s7+$0x20] =	vst v1  }
0xff: {  	v1 =	vld [tilespmem:s6+$0xFFFFFFE0];
	v5 =	vadd.f32 v8, v7;
	[tilespmem:s7+$0xFFFFFFC0] =	vst v9  }
0x100: {  	s7 =	sadd.s32 $0x100, s7;
	v7 =	vld [tilespmem:s10+$0xFFFFFFF0];
	v0 =	vmov v3  }
0x101: {  	v8 =	vld [tilespmem:s6+$0xFFFFFFF0];
	[tilespmem:s7+$0x30] =	vst v5  }
0x102: {  	v2 =	vadd.f32 v2, v6;
	v6 =	vld [tilespmem:s10+$0x0]  }
0x103: {  	v9 =	vld [tilespmem:s6+$0x0]  }
.Ltmp8:
0x104: {  	[tilespmem:s7+$0xFFFFFFD0] =	vst v2;
	v2 =	vadd.f32 v1, v4;
	v1 =	vld [tilespmem:s10+$0x10];
	(pc) =	sbr.rel @p0 .LBB2_18-.Ltmp8, $4  }
0x105: {  	v3 =	vld [tilespmem:s6+$0x10]  }
0x106: {  	[tilespmem:s7+$0xFFFFFFE0] =	vst v2;
	v7 =	vadd.f32 v8, v7;
	v2 =	vld [tilespmem:s10+$0x20]  }
0x107: {  	v5 =	vld [tilespmem:s6+$0x20]  }
0x108: {  	v4 =	vld [tilespmem:s10+$0xFFFFFFC0];
	[tilespmem:s7+$0xFFFFFFF0] =	vst v7;
	v6 =	vadd.f32 v9, v6;
	s10 =	sadd.s32 $0x100, s10  }
0x109: {  	_ =	sdelay $0x1  }
0x10a: {  	v1 =	vadd.f32 v3, v1  }
0x10b: {  	[tilespmem:s7+$0x0] =	vst v6;
	v2 =	vadd.f32 v5, v2  }
0x10c: {  	[tilespmem:s7+$0x10] =	vst v1;
	v0 =	vadd.f32 v0, v4  }
0x10d: {  	[tilespmem:s7+$0x20] =	vst v2  }
0x10e: {  	[tilespmem:s7+$0xFFFFFFC0] =	vst v0  }
0x10f: {  	s6 =	simm.s32 $0x8000;
	s13 =	rddreg [dreg:$0x7]  }
0x110: {  	s8 =	simm.s32 $0x8100;
	s7 =	simm.s32 $0x10;
	s10 =	sadd.s32 $0x0, s13  }
.LBB2_20:
0x111: {  	[hbm4b:s10+s1] =	stream.linear.scatter [tilespmem:s6], [sflag:$0x3], $0x80, $0x38;
	[tilespmem:$0x14000] =	vst v63  }
0x112: {  	s10 =	smov.u32 s7;
	s6 =	smov.u32 s8;
	p0 =	sne.s32 s7, $0x7F0  }
.Ltmp9:
0x113: {  	s7 =	sadd.s32 $0x10, s7;
	(pc) =	sbr.rel @p0 .LBB2_20-.Ltmp9, $2  }
0x114: {  	_ =	sdelay $0x2  }
0x115: {  	s8 =	sadd.s32 $0x100, s8;
	s10 =	sadd.s32 s10, s13  }
0x116: {  	[hbm4b:s10+s1] =	stream.linear.scatter [tilespmem:s6], [sflag:$0x3], $0x80, $0x38;
	[tilespmem:$0x14000] =	vst v63  }
0x117: {  	s6 =	simm.s32 $0x0;
	s13 =	rddreg [dreg:$0x8]  }
0x118: {  	s7 =	simm.s32 $0x10;
	s8 =	simm.s32 $0x100;
	s10 =	sadd.s32 $0x0, s13  }
.LBB2_22:
0x119: {  	[tilespmem:s6], [sflag:$0x1] =	stream.linear.gather [hbm4b:s10+s1], $0x80, $0x38;
	[tilespmem:$0x14000] =	vst v63  }
0x11a: {  	s10 =	smov.u32 s7;
	s6 =	smov.u32 s8;
	p0 =	sne.s32 s7, $0x7F0  }
.Ltmp10:
0x11b: {  	s7 =	sadd.s32 $0x10, s7;
	(pc) =	sbr.rel @p0 .LBB2_22-.Ltmp10, $2  }
0x11c: {  	_ =	sdelay $0x2  }
0x11d: {  	s8 =	sadd.s32 $0x100, s8;
	s10 =	sadd.s32 s10, s13  }
0x11e: {  	[tilespmem:s6], [sflag:$0x1] =	stream.linear.gather [hbm4b:s10+s1], $0x80, $0x38;
	[tilespmem:$0x14000] =	vst v63  }
0x11f: {  	s16 =	simm.s32 $0x2  }
0x120: {  	_ =	swait.ge [sflag:s16], $0x4000  }
0x121: {  	[sflag:s16] =	ssyncset.done $0x0  }
0x122: {  	s17 =	simm.s32 $0x4;
	[sflag:s16] =	ssyncadd.s32 $0xFFFFC000  }
0x123: {  	_ =	swait.ge [sflag:s17], $0x4000  }
0x124: {  	[sflag:s17] =	ssyncset.done $0x0  }
0x125: {  	s19 =	simm.s32 $0xF0;
	[sflag:s17] =	ssyncadd.s32 $0xFFFFC000  }
0x126: {  	s6 =	simm.s32 $0x10040;
	v1 =	vld [tilespmem:s19+$0x0]  }
0x127: {  	v2 =	vld [tilespmem:s6+$0x30]  }
0x128: {  	v0 =	vld [tilespmem:s6+$0xFFFFFFC0]  }
0x129: {  	v3 =	vld [tilespmem:s19+$0xFFFFFFA0]  }
0x12a: {  	v4 =	vld [tilespmem:s6+$0xFFFFFFD0]  }
0x12b: {  	v5 =	vld [tilespmem:s19+$0xFFFFFFB0]  }
0x12c: {  	v6 =	vld [tilespmem:s6+$0xFFFFFFE0]  }
0x12d: {  	v7 =	vld [tilespmem:s19+$0xFFFFFFC0]  }
0x12e: {  	v8 =	vld [tilespmem:s6+$0xFFFFFFF0]  }
0x12f: {  	v9 =	vld [tilespmem:s19+$0xFFFFFFD0]  }
0x130: {  	v10 =	vld [tilespmem:s6+$0x0];
	v2 =	vadd.f32 v2, v1  }
0x131: {  	s7 =	simm.s32 $0x80F0;
	v4 =	vadd.f32 v4, v3;
	v1 =	vld [tilespmem:s19+$0xFFFFFFE0]  }
0x132: {  	v5 =	vadd.f32 v6, v5;
	v3 =	vld [tilespmem:s6+$0x10];
	[tilespmem:s7+$0x0] =	vst v2  }
0x133: {  	v6 =	vadd.f32 v8, v7;
	[tilespmem:s7+$0xFFFFFFA0] =	vst v4;
	v2 =	vld [tilespmem:s19+$0xFFFFFFF0]  }
0x134: {  	[tilespmem:s7+$0xFFFFFFB0] =	vst v5;
	v5 =	vld [tilespmem:s6+$0x20]  }
0x135: {  	s8 =	simm.s32 $0x0;
	s10 =	simm.s32 $0x1F0;
	v4 =	vld [tilespmem:s19+$0xFFFFFF90];
	[tilespmem:s7+$0xFFFFFFC0] =	vst v6;
	v6 =	vadd.f32 v10, v9  }
.LBB2_24:
0x136: {  	v7 =	vld [tilespmem:s10+$0x0];
	s6 =	sadd.s32 $0x80, s6  }
0x137: {  	s8 =	sadd.s32 $0x8, s8;
	v8 =	vld [tilespmem:s6+$0x30];
	[tilespmem:s7+$0xFFFFFFD0] =	vst v6;
	v1 =	vadd.f32 v3, v1  }
0x138: {  	p0 =	slt.u32 s8, $0x3F8;
	v3 =	vld [tilespmem:s6+$0xFFFFFFC0]  }
0x139: {  	v6 =	vld [tilespmem:s10+$0xFFFFFFA0];
	[tilespmem:s7+$0xFFFFFFE0] =	vst v1;
	v1 =	vadd.f32 v5, v2  }
0x13a: {  	v2 =	vld [tilespmem:s6+$0xFFFFFFD0];
	v9 =	vadd.f32 v0, v4  }
0x13b: {  	v4 =	vld [tilespmem:s10+$0xFFFFFFB0];
	[tilespmem:s7+$0xFFFFFFF0] =	vst v1  }
0x13c: {  	v1 =	vld [tilespmem:s6+$0xFFFFFFE0];
	v5 =	vadd.f32 v8, v7;
	[tilespmem:s7+$0xFFFFFF90] =	vst v9  }
0x13d: {  	s7 =	sadd.s32 $0x100, s7;
	v7 =	vld [tilespmem:s10+$0xFFFFFFC0];
	v0 =	vmov v3  }
0x13e: {  	v8 =	vld [tilespmem:s6+$0xFFFFFFF0];
	[tilespmem:s7+$0x0] =	vst v5  }
0x13f: {  	v2 =	vadd.f32 v2, v6;
	v6 =	vld [tilespmem:s10+$0xFFFFFFD0]  }
0x140: {  	v9 =	vld [tilespmem:s6+$0x0]  }
.Ltmp11:
0x141: {  	[tilespmem:s7+$0xFFFFFFA0] =	vst v2;
	v2 =	vadd.f32 v1, v4;
	v1 =	vld [tilespmem:s10+$0xFFFFFFE0];
	(pc) =	sbr.rel @p0 .LBB2_24-.Ltmp11, $4  }
0x142: {  	v3 =	vld [tilespmem:s6+$0x10]  }
0x143: {  	[tilespmem:s7+$0xFFFFFFB0] =	vst v2;
	v7 =	vadd.f32 v8, v7;
	v2 =	vld [tilespmem:s10+$0xFFFFFFF0]  }
0x144: {  	v5 =	vld [tilespmem:s6+$0x20]  }
0x145: {  	v4 =	vld [tilespmem:s10+$0xFFFFFF90];
	[tilespmem:s7+$0xFFFFFFC0] =	vst v7;
	v6 =	vadd.f32 v9, v6;
	s10 =	sadd.s32 $0x100, s10  }
0x146: {  	_ =	sdelay $0x1  }
0x147: {  	v1 =	vadd.f32 v3, v1  }
0x148: {  	[tilespmem:s7+$0xFFFFFFD0] =	vst v6;
	v2 =	vadd.f32 v5, v2  }
0x149: {  	[tilespmem:s7+$0xFFFFFFE0] =	vst v1;
	v0 =	vadd.f32 v0, v4  }
0x14a: {  	[tilespmem:s7+$0xFFFFFFF0] =	vst v2  }
0x14b: {  	[tilespmem:s7+$0xFFFFFF90] =	vst v0  }
0x14c: {  	s6 =	simm.s32 $0x8080;
	s14 =	rddreg [dreg:$0x9]  }
0x14d: {  	s8 =	simm.s32 $0x8180;
	s7 =	simm.s32 $0x10;
	s10 =	sadd.s32 $0x0, s14  }
.LBB2_26:
0x14e: {  	[hbm4b:s10+s1] =	stream.linear.scatter [tilespmem:s6], [sflag:$0x4], $0x80, $0x38;
	[tilespmem:$0x14000] =	vst v63  }
0x14f: {  	s10 =	smov.u32 s7;
	s6 =	smov.u32 s8;
	p0 =	sne.s32 s7, $0x7F0  }
.Ltmp12:
0x150: {  	s7 =	sadd.s32 $0x10, s7;
	(pc) =	sbr.rel @p0 .LBB2_26-.Ltmp12, $2  }
0x151: {  	_ =	sdelay $0x2  }
0x152: {  	s8 =	sadd.s32 $0x100, s8;
	s10 =	sadd.s32 s10, s14  }
0x153: {  	[hbm4b:s10+s1] =	stream.linear.scatter [tilespmem:s6], [sflag:$0x4], $0x80, $0x38;
	[tilespmem:$0x14000] =	vst v63  }
0x154: {  	s17 =	simm.s32 $0x0  }
0x155: {  	s7 =	rddreg [dreg:$0xa];
	s8 =	simm.s32 $0x10000;
	s19 =	simm.s32 $0x5  }
0x156: {  	[tilespmem:s8], [sflag:$0x5] =	stream.linear.gather [hbm4b:s7+s17], $0x4000, $0x38;
	[tilespmem:$0x14000] =	vst v63  }
0x157: {  	s6 =	simm.s32 $0x80;
	_ =	swait.ge [sflag:s19], $0x4000  }
0x158: {  	s7 =	simm.s32 $0x10;
	[sflag:s19] =	ssyncset.done $0x0;
	s14 =	rddreg [dreg:$0xb]  }
0x159: {  	s8 =	simm.s32 $0x180;
	[sflag:s19] =	ssyncadd.s32 $0xFFFFC000;
	s10 =	sadd.s32 $0x0, s14  }
.LBB2_28:
0x15a: {  	[tilespmem:s6], [sflag:$0x2] =	stream.linear.gather [hbm4b:s10+s1], $0x80, $0x38;
	[tilespmem:$0x14000] =	vst v63  }
0x15b: {  	s10 =	smov.u32 s7;
	s6 =	smov.u32 s8;
	p0 =	sne.s32 s7, $0x7F0  }
.Ltmp13:
0x15c: {  	s7 =	sadd.s32 $0x10, s7;
	(pc) =	sbr.rel @p0 .LBB2_28-.Ltmp13, $2  }
0x15d: {  	_ =	sdelay $0x2  }
0x15e: {  	s8 =	sadd.s32 $0x100, s8;
	s10 =	sadd.s32 s10, s14  }
0x15f: {  	[tilespmem:s6], [sflag:$0x2] =	stream.linear.gather [hbm4b:s10+s1], $0x80, $0x38;
	[tilespmem:$0x14000] =	vst v63  }
0x160: {  	s16 =	simm.s32 $0x1  }
0x161: {  	_ =	swait.ge [sflag:s16], $0x4000  }
0x162: {  	[sflag:s16] =	ssyncset.done $0x0  }
0x163: {  	s17 =	simm.s32 $0x3;
	[sflag:s16] =	ssyncadd.s32 $0xFFFFC000  }
0x164: {  	_ =	swait.ge [sflag:s17], $0x4000  }
0x165: {  	[sflag:s17] =	ssyncset.done $0x0  }
0x166: {  	s19 =	simm.s32 $0x40;
	[sflag:s17] =	ssyncadd.s32 $0xFFFFC000  }
0x167: {  	s6 =	simm.s32 $0x10040;
	v1 =	vld [tilespmem:s19+$0x30]  }
0x168: {  	v2 =	vld [tilespmem:s6+$0x30]  }
0x169: {  	v0 =	vld [tilespmem:s6+$0xFFFFFFC0]  }
0x16a: {  	v3 =	vld [tilespmem:s19+$0xFFFFFFD0]  }
0x16b: {  	v4 =	vld [tilespmem:s6+$0xFFFFFFD0]  }
0x16c: {  	v5 =	vld [tilespmem:s19+$0xFFFFFFE0]  }
0x16d: {  	v6 =	vld [tilespmem:s6+$0xFFFFFFE0]  }
0x16e: {  	v7 =	vld [tilespmem:s19+$0xFFFFFFF0]  }
0x16f: {  	v8 =	vld [tilespmem:s6+$0xFFFFFFF0]  }
0x170: {  	v9 =	vld [tilespmem:s19+$0x0]  }
0x171: {  	v10 =	vld [tilespmem:s6+$0x0];
	v2 =	vadd.f32 v2, v1  }
0x172: {  	s7 =	simm.s32 $0x8040;
	v4 =	vadd.f32 v4, v3;
	v1 =	vld [tilespmem:s19+$0x10]  }
0x173: {  	v5 =	vadd.f32 v6, v5;
	v3 =	vld [tilespmem:s6+$0x10];
	[tilespmem:s7+$0x30] =	vst v2  }
0x174: {  	v6 =	vadd.f32 v8, v7;
	[tilespmem:s7+$0xFFFFFFD0] =	vst v4;
	v2 =	vld [tilespmem:s19+$0x20]  }
0x175: {  	[tilespmem:s7+$0xFFFFFFE0] =	vst v5;
	v5 =	vld [tilespmem:s6+$0x20]  }
0x176: {  	s8 =	simm.s32 $0x0;
	s10 =	simm.s32 $0x140;
	v4 =	vld [tilespmem:s19+$0xFFFFFFC0];
	[tilespmem:s7+$0xFFFFFFF0] =	vst v6;
	v6 =	vadd.f32 v10, v9  }
.LBB2_30:
0x177: {  	v7 =	vld [tilespmem:s10+$0x30];
	s6 =	sadd.s32 $0x80, s6  }
0x178: {  	s8 =	sadd.s32 $0x8, s8;
	v8 =	vld [tilespmem:s6+$0x30];
	[tilespmem:s7+$0x0] =	vst v6;
	v1 =	vadd.f32 v3, v1  }
0x179: {  	p0 =	slt.u32 s8, $0x3F8;
	v3 =	vld [tilespmem:s6+$0xFFFFFFC0]  }
0x17a: {  	v6 =	vld [tilespmem:s10+$0xFFFFFFD0];
	[tilespmem:s7+$0x10] =	vst v1;
	v1 =	vadd.f32 v5, v2  }
0x17b: {  	v2 =	vld [tilespmem:s6+$0xFFFFFFD0];
	v9 =	vadd.f32 v0, v4  }
0x17c: {  	v4 =	vld [tilespmem:s10+$0xFFFFFFE0];
	[tilespmem:s7+$0x20] =	vst v1  }
0x17d: {  	v1 =	vld [tilespmem:s6+$0xFFFFFFE0];
	v5 =	vadd.f32 v8, v7;
	[tilespmem:s7+$0xFFFFFFC0] =	vst v9  }
0x17e: {  	s7 =	sadd.s32 $0x100, s7;
	v7 =	vld [tilespmem:s10+$0xFFFFFFF0];
	v0 =	vmov v3  }
0x17f: {  	v8 =	vld [tilespmem:s6+$0xFFFFFFF0];
	[tilespmem:s7+$0x30] =	vst v5  }
0x180: {  	v2 =	vadd.f32 v2, v6;
	v6 =	vld [tilespmem:s10+$0x0]  }
0x181: {  	v9 =	vld [tilespmem:s6+$0x0]  }
.Ltmp14:
0x182: {  	[tilespmem:s7+$0xFFFFFFD0] =	vst v2;
	v2 =	vadd.f32 v1, v4;
	v1 =	vld [tilespmem:s10+$0x10];
	(pc) =	sbr.rel @p0 .LBB2_30-.Ltmp14, $4  }
0x183: {  	v3 =	vld [tilespmem:s6+$0x10]  }
0x184: {  	[tilespmem:s7+$0xFFFFFFE0] =	vst v2;
	v7 =	vadd.f32 v8, v7;
	v2 =	vld [tilespmem:s10+$0x20]  }
0x185: {  	v5 =	vld [tilespmem:s6+$0x20]  }
0x186: {  	v4 =	vld [tilespmem:s10+$0xFFFFFFC0];
	[tilespmem:s7+$0xFFFFFFF0] =	vst v7;
	v6 =	vadd.f32 v9, v6;
	s10 =	sadd.s32 $0x100, s10  }
0x187: {  	_ =	sdelay $0x1  }
0x188: {  	v1 =	vadd.f32 v3, v1  }
0x189: {  	[tilespmem:s7+$0x0] =	vst v6;
	v2 =	vadd.f32 v5, v2  }
0x18a: {  	[tilespmem:s7+$0x10] =	vst v1;
	v0 =	vadd.f32 v0, v4  }
0x18b: {  	[tilespmem:s7+$0x20] =	vst v2  }
0x18c: {  	[tilespmem:s7+$0xFFFFFFC0] =	vst v0  }
0x18d: {  	s6 =	simm.s32 $0x8000;
	s15 =	rddreg [dreg:$0xc]  }
0x18e: {  	s8 =	simm.s32 $0x8100;
	s7 =	simm.s32 $0x10;
	s10 =	sadd.s32 $0x0, s15  }
.LBB2_32:
0x18f: {  	[hbm4b:s10+s1] =	stream.linear.scatter [tilespmem:s6], [sflag:$0x3], $0x80, $0x38;
	[tilespmem:$0x14000] =	vst v63  }
0x190: {  	s10 =	smov.u32 s7;
	s6 =	smov.u32 s8;
	p0 =	sne.s32 s7, $0x7F0  }
.Ltmp15:
0x191: {  	s7 =	sadd.s32 $0x10, s7;
	(pc) =	sbr.rel @p0 .LBB2_32-.Ltmp15, $2  }
0x192: {  	_ =	sdelay $0x2  }
0x193: {  	s8 =	sadd.s32 $0x100, s8;
	s10 =	sadd.s32 s10, s15  }
0x194: {  	[hbm4b:s10+s1] =	stream.linear.scatter [tilespmem:s6], [sflag:$0x3], $0x80, $0x38;
	[tilespmem:$0x14000] =	vst v63  }
0x195: {  	s6 =	simm.s32 $0x0;
	s15 =	rddreg [dreg:$0xd]  }
0x196: {  	s7 =	simm.s32 $0x10;
	s8 =	simm.s32 $0x100;
	s10 =	sadd.s32 $0x0, s15  }
.LBB2_34:
0x197: {  	[tilespmem:s6], [sflag:$0x1] =	stream.linear.gather [hbm4b:s10+s1], $0x80, $0x38;
	[tilespmem:$0x14000] =	vst v63  }
0x198: {  	s10 =	smov.u32 s7;
	s6 =	smov.u32 s8;
	p0 =	sne.s32 s7, $0x7F0  }
.Ltmp16:
0x199: {  	s7 =	sadd.s32 $0x10, s7;
	(pc) =	sbr.rel @p0 .LBB2_34-.Ltmp16, $2  }
0x19a: {  	_ =	sdelay $0x2  }
0x19b: {  	s8 =	sadd.s32 $0x100, s8;
	s10 =	sadd.s32 s10, s15  }
0x19c: {  	[tilespmem:s6], [sflag:$0x1] =	stream.linear.gather [hbm4b:s10+s1], $0x80, $0x38;
	[tilespmem:$0x14000] =	vst v63  }
0x19d: {  	s16 =	simm.s32 $0x2  }
0x19e: {  	_ =	swait.ge [sflag:s16], $0x4000  }
0x19f: {  	[sflag:s16] =	ssyncset.done $0x0  }
0x1a0: {  	s17 =	simm.s32 $0x4;
	[sflag:s16] =	ssyncadd.s32 $0xFFFFC000  }
0x1a1: {  	_ =	swait.ge [sflag:s17], $0x4000  }
0x1a2: {  	[sflag:s17] =	ssyncset.done $0x0  }
0x1a3: {  	s19 =	simm.s32 $0xF0;
	[sflag:s17] =	ssyncadd.s32 $0xFFFFC000  }
0x1a4: {  	s6 =	simm.s32 $0x10040;
	v1 =	vld [tilespmem:s19+$0x0]  }
0x1a5: {  	v2 =	vld [tilespmem:s6+$0x30]  }
0x1a6: {  	v0 =	vld [tilespmem:s6+$0xFFFFFFC0]  }
0x1a7: {  	v3 =	vld [tilespmem:s19+$0xFFFFFFA0]  }
0x1a8: {  	v4 =	vld [tilespmem:s6+$0xFFFFFFD0]  }
0x1a9: {  	v5 =	vld [tilespmem:s19+$0xFFFFFFB0]  }
0x1aa: {  	v6 =	vld [tilespmem:s6+$0xFFFFFFE0]  }
0x1ab: {  	v7 =	vld [tilespmem:s19+$0xFFFFFFC0]  }
0x1ac: {  	v8 =	vld [tilespmem:s6+$0xFFFFFFF0]  }
0x1ad: {  	v9 =	vld [tilespmem:s19+$0xFFFFFFD0]  }
0x1ae: {  	v10 =	vld [tilespmem:s6+$0x0];
	v2 =	vadd.f32 v2, v1  }
0x1af: {  	s7 =	simm.s32 $0x80F0;
	v4 =	vadd.f32 v4, v3;
	v1 =	vld [tilespmem:s19+$0xFFFFFFE0]  }
0x1b0: {  	v5 =	vadd.f32 v6, v5;
	v3 =	vld [tilespmem:s6+$0x10];
	[tilespmem:s7+$0x0] =	vst v2  }
0x1b1: {  	v6 =	vadd.f32 v8, v7;
	[tilespmem:s7+$0xFFFFFFA0] =	vst v4;
	v2 =	vld [tilespmem:s19+$0xFFFFFFF0]  }
0x1b2: {  	[tilespmem:s7+$0xFFFFFFB0] =	vst v5;
	v5 =	vld [tilespmem:s6+$0x20]  }
0x1b3: {  	s8 =	simm.s32 $0x0;
	s10 =	simm.s32 $0x1F0;
	v4 =	vld [tilespmem:s19+$0xFFFFFF90];
	[tilespmem:s7+$0xFFFFFFC0] =	vst v6;
	v6 =	vadd.f32 v10, v9  }
.LBB2_36:
0x1b4: {  	v7 =	vld [tilespmem:s10+$0x0];
	s6 =	sadd.s32 $0x80, s6  }
0x1b5: {  	s8 =	sadd.s32 $0x8, s8;
	v8 =	vld [tilespmem:s6+$0x30];
	[tilespmem:s7+$0xFFFFFFD0] =	vst v6;
	v1 =	vadd.f32 v3, v1  }
0x1b6: {  	p0 =	slt.u32 s8, $0x3F8;
	v3 =	vld [tilespmem:s6+$0xFFFFFFC0]  }
0x1b7: {  	v6 =	vld [tilespmem:s10+$0xFFFFFFA0];
	[tilespmem:s7+$0xFFFFFFE0] =	vst v1;
	v1 =	vadd.f32 v5, v2  }
0x1b8: {  	v2 =	vld [tilespmem:s6+$0xFFFFFFD0];
	v9 =	vadd.f32 v0, v4  }
0x1b9: {  	v4 =	vld [tilespmem:s10+$0xFFFFFFB0];
	[tilespmem:s7+$0xFFFFFFF0] =	vst v1  }
0x1ba: {  	v1 =	vld [tilespmem:s6+$0xFFFFFFE0];
	v5 =	vadd.f32 v8, v7;
	[tilespmem:s7+$0xFFFFFF90] =	vst v9  }
0x1bb: {  	s7 =	sadd.s32 $0x100, s7;
	v7 =	vld [tilespmem:s10+$0xFFFFFFC0];
	v0 =	vmov v3  }
0x1bc: {  	v8 =	vld [tilespmem:s6+$0xFFFFFFF0];
	[tilespmem:s7+$0x0] =	vst v5  }
0x1bd: {  	v2 =	vadd.f32 v2, v6;
	v6 =	vld [tilespmem:s10+$0xFFFFFFD0]  }
0x1be: {  	v9 =	vld [tilespmem:s6+$0x0]  }
.Ltmp17:
0x1bf: {  	[tilespmem:s7+$0xFFFFFFA0] =	vst v2;
	v2 =	vadd.f32 v1, v4;
	v1 =	vld [tilespmem:s10+$0xFFFFFFE0];
	(pc) =	sbr.rel @p0 .LBB2_36-.Ltmp17, $4  }
0x1c0: {  	v3 =	vld [tilespmem:s6+$0x10]  }
0x1c1: {  	[tilespmem:s7+$0xFFFFFFB0] =	vst v2;
	v7 =	vadd.f32 v8, v7;
	v2 =	vld [tilespmem:s10+$0xFFFFFFF0]  }
0x1c2: {  	v5 =	vld [tilespmem:s6+$0x20]  }
0x1c3: {  	v4 =	vld [tilespmem:s10+$0xFFFFFF90];
	[tilespmem:s7+$0xFFFFFFC0] =	vst v7;
	v6 =	vadd.f32 v9, v6;
	s10 =	sadd.s32 $0x100, s10  }
0x1c4: {  	_ =	sdelay $0x1  }
0x1c5: {  	v1 =	vadd.f32 v3, v1  }
0x1c6: {  	[tilespmem:s7+$0xFFFFFFD0] =	vst v6;
	v2 =	vadd.f32 v5, v2  }
0x1c7: {  	[tilespmem:s7+$0xFFFFFFE0] =	vst v1;
	v0 =	vadd.f32 v0, v4  }
0x1c8: {  	[tilespmem:s7+$0xFFFFFFF0] =	vst v2  }
0x1c9: {  	[tilespmem:s7+$0xFFFFFF90] =	vst v0  }
0x1ca: {  	s6 =	simm.s32 $0x8080;
	s16 =	rddreg [dreg:$0xe]  }
0x1cb: {  	s8 =	simm.s32 $0x8180;
	s7 =	simm.s32 $0x10;
	s10 =	sadd.s32 $0x0, s16  }
.LBB2_38:
0x1cc: {  	[hbm4b:s10+s1] =	stream.linear.scatter [tilespmem:s6], [sflag:$0x4], $0x80, $0x38;
	[tilespmem:$0x14000] =	vst v63  }
0x1cd: {  	s10 =	smov.u32 s7;
	s6 =	smov.u32 s8;
	p0 =	sne.s32 s7, $0x7F0  }
.Ltmp18:
0x1ce: {  	s7 =	sadd.s32 $0x10, s7;
	(pc) =	sbr.rel @p0 .LBB2_38-.Ltmp18, $2  }
0x1cf: {  	_ =	sdelay $0x2  }
0x1d0: {  	s8 =	sadd.s32 $0x100, s8;
	s10 =	sadd.s32 s10, s16  }
0x1d1: {  	[hbm4b:s10+s1] =	stream.linear.scatter [tilespmem:s6], [sflag:$0x4], $0x80, $0x38;
	[tilespmem:$0x14000] =	vst v63  }
0x1d2: {  	s6 =	simm.s32 $0x80;
	s16 =	rddreg [dreg:$0xf]  }
0x1d3: {  	s7 =	simm.s32 $0x10;
	s8 =	simm.s32 $0x180;
	s10 =	sadd.s32 $0x0, s16  }
.LBB2_40:
0x1d4: {  	[tilespmem:s6], [sflag:$0x2] =	stream.linear.gather [hbm4b:s10+s1], $0x80, $0x38;
	[tilespmem:$0x14000] =	vst v63  }
0x1d5: {  	s10 =	smov.u32 s7;
	s6 =	smov.u32 s8;
	p0 =	sne.s32 s7, $0x7F0  }
.Ltmp19:
0x1d6: {  	s7 =	sadd.s32 $0x10, s7;
	(pc) =	sbr.rel @p0 .LBB2_40-.Ltmp19, $2  }
0x1d7: {  	_ =	sdelay $0x2  }
0x1d8: {  	s8 =	sadd.s32 $0x100, s8;
	s10 =	sadd.s32 s10, s16  }
0x1d9: {  	[tilespmem:s6], [sflag:$0x2] =	stream.linear.gather [hbm4b:s10+s1], $0x80, $0x38;
	[tilespmem:$0x14000] =	vst v63  }
0x1da: {  	s16 =	simm.s32 $0x1  }
0x1db: {  	_ =	swait.ge [sflag:s16], $0x4000  }
0x1dc: {  	[sflag:s16] =	ssyncset.done $0x0  }
0x1dd: {  	s17 =	simm.s32 $0x3;
	[sflag:s16] =	ssyncadd.s32 $0xFFFFC000  }
0x1de: {  	_ =	swait.ge [sflag:s17], $0x4000  }
0x1df: {  	[sflag:s17] =	ssyncset.done $0x0  }
0x1e0: {  	s19 =	simm.s32 $0x40;
	[sflag:s17] =	ssyncadd.s32 $0xFFFFC000  }
0x1e1: {  	s6 =	simm.s32 $0x10040;
	v1 =	vld [tilespmem:s19+$0x30]  }
0x1e2: {  	v2 =	vld [tilespmem:s6+$0x30]  }
0x1e3: {  	v0 =	vld [tilespmem:s6+$0xFFFFFFC0]  }
0x1e4: {  	v3 =	vld [tilespmem:s19+$0xFFFFFFD0]  }
0x1e5: {  	v4 =	vld [tilespmem:s6+$0xFFFFFFD0]  }
0x1e6: {  	v5 =	vld [tilespmem:s19+$0xFFFFFFE0]  }
0x1e7: {  	v6 =	vld [tilespmem:s6+$0xFFFFFFE0]  }
0x1e8: {  	v7 =	vld [tilespmem:s19+$0xFFFFFFF0]  }
0x1e9: {  	v8 =	vld [tilespmem:s6+$0xFFFFFFF0]  }
0x1ea: {  	v9 =	vld [tilespmem:s19+$0x0]  }
0x1eb: {  	v10 =	vld [tilespmem:s6+$0x0];
	v2 =	vadd.f32 v2, v1  }
0x1ec: {  	s7 =	simm.s32 $0x8040;
	v4 =	vadd.f32 v4, v3;
	v1 =	vld [tilespmem:s19+$0x10]  }
0x1ed: {  	v5 =	vadd.f32 v6, v5;
	v3 =	vld [tilespmem:s6+$0x10];
	[tilespmem:s7+$0x30] =	vst v2  }
0x1ee: {  	v6 =	vadd.f32 v8, v7;
	[tilespmem:s7+$0xFFFFFFD0] =	vst v4;
	v2 =	vld [tilespmem:s19+$0x20]  }
0x1ef: {  	[tilespmem:s7+$0xFFFFFFE0] =	vst v5;
	v5 =	vld [tilespmem:s6+$0x20]  }
0x1f0: {  	s8 =	simm.s32 $0x0;
	s10 =	simm.s32 $0x140;
	v4 =	vld [tilespmem:s19+$0xFFFFFFC0];
	[tilespmem:s7+$0xFFFFFFF0] =	vst v6;
	v6 =	vadd.f32 v10, v9  }
.LBB2_42:
0x1f1: {  	v7 =	vld [tilespmem:s10+$0x30];
	s6 =	sadd.s32 $0x80, s6  }
0x1f2: {  	s8 =	sadd.s32 $0x8, s8;
	v8 =	vld [tilespmem:s6+$0x30];
	[tilespmem:s7+$0x0] =	vst v6;
	v1 =	vadd.f32 v3, v1  }
0x1f3: {  	p0 =	slt.u32 s8, $0x3F8;
	v3 =	vld [tilespmem:s6+$0xFFFFFFC0]  }
0x1f4: {  	v6 =	vld [tilespmem:s10+$0xFFFFFFD0];
	[tilespmem:s7+$0x10] =	vst v1;
	v1 =	vadd.f32 v5, v2  }
0x1f5: {  	v2 =	vld [tilespmem:s6+$0xFFFFFFD0];
	v9 =	vadd.f32 v0, v4  }
0x1f6: {  	v4 =	vld [tilespmem:s10+$0xFFFFFFE0];
	[tilespmem:s7+$0x20] =	vst v1  }
0x1f7: {  	v1 =	vld [tilespmem:s6+$0xFFFFFFE0];
	v5 =	vadd.f32 v8, v7;
	[tilespmem:s7+$0xFFFFFFC0] =	vst v9  }
0x1f8: {  	s7 =	sadd.s32 $0x100, s7;
	v7 =	vld [tilespmem:s10+$0xFFFFFFF0];
	v0 =	vmov v3  }
0x1f9: {  	v8 =	vld [tilespmem:s6+$0xFFFFFFF0];
	[tilespmem:s7+$0x30] =	vst v5  }
0x1fa: {  	v2 =	vadd.f32 v2, v6;
	v6 =	vld [tilespmem:s10+$0x0]  }
0x1fb: {  	v9 =	vld [tilespmem:s6+$0x0]  }
.Ltmp20:
0x1fc: {  	[tilespmem:s7+$0xFFFFFFD0] =	vst v2;
	v2 =	vadd.f32 v1, v4;
	v1 =	vld [tilespmem:s10+$0x10];
	(pc) =	sbr.rel @p0 .LBB2_42-.Ltmp20, $4  }
0x1fd: {  	v3 =	vld [tilespmem:s6+$0x10]  }
0x1fe: {  	[tilespmem:s7+$0xFFFFFFE0] =	vst v2;
	v7 =	vadd.f32 v8, v7;
	v2 =	vld [tilespmem:s10+$0x20]  }
0x1ff: {  	v5 =	vld [tilespmem:s6+$0x20]  }
0x200: {  	v4 =	vld [tilespmem:s10+$0xFFFFFFC0];
	[tilespmem:s7+$0xFFFFFFF0] =	vst v7;
	v6 =	vadd.f32 v9, v6;
	s10 =	sadd.s32 $0x100, s10  }
0x201: {  	_ =	sdelay $0x1  }
0x202: {  	v1 =	vadd.f32 v3, v1  }
0x203: {  	[tilespmem:s7+$0x0] =	vst v6;
	v2 =	vadd.f32 v5, v2  }
0x204: {  	[tilespmem:s7+$0x10] =	vst v1;
	v0 =	vadd.f32 v0, v4  }
0x205: {  	[tilespmem:s7+$0x20] =	vst v2  }
0x206: {  	[tilespmem:s7+$0xFFFFFFC0] =	vst v0  }
0x207: {  	s6 =	simm.s32 $0x8000;
	s17 =	rddreg [dreg:$0x10]  }
0x208: {  	s8 =	simm.s32 $0x8100;
	s7 =	simm.s32 $0x10;
	s10 =	sadd.s32 $0x0, s17  }
.LBB2_44:
0x209: {  	[hbm4b:s10+s1] =	stream.linear.scatter [tilespmem:s6], [sflag:$0x3], $0x80, $0x38;
	[tilespmem:$0x14000] =	vst v63  }
0x20a: {  	s10 =	smov.u32 s7;
	s6 =	smov.u32 s8;
	p0 =	sne.s32 s7, $0x7F0  }
.Ltmp21:
0x20b: {  	s7 =	sadd.s32 $0x10, s7;
	(pc) =	sbr.rel @p0 .LBB2_44-.Ltmp21, $2  }
0x20c: {  	_ =	sdelay $0x2  }
0x20d: {  	s8 =	sadd.s32 $0x100, s8;
	s10 =	sadd.s32 s10, s17  }
0x20e: {  	[hbm4b:s10+s1] =	stream.linear.scatter [tilespmem:s6], [sflag:$0x3], $0x80, $0x38;
	[tilespmem:$0x14000] =	vst v63  }
0x20f: {  	s6 =	simm.s32 $0x0;
	s17 =	rddreg [dreg:$0x11]  }
0x210: {  	s7 =	simm.s32 $0x10;
	s8 =	simm.s32 $0x100;
	s10 =	sadd.s32 $0x0, s17  }
.LBB2_46:
0x211: {  	[tilespmem:s6], [sflag:$0x1] =	stream.linear.gather [hbm4b:s10+s1], $0x80, $0x38;
	[tilespmem:$0x14000] =	vst v63  }
0x212: {  	s10 =	smov.u32 s7;
	s6 =	smov.u32 s8;
	p0 =	sne.s32 s7, $0x7F0  }
.Ltmp22:
0x213: {  	s7 =	sadd.s32 $0x10, s7;
	(pc) =	sbr.rel @p0 .LBB2_46-.Ltmp22, $2  }
0x214: {  	_ =	sdelay $0x2  }
0x215: {  	s8 =	sadd.s32 $0x100, s8;
	s10 =	sadd.s32 s10, s17  }
0x216: {  	[tilespmem:s6], [sflag:$0x1] =	stream.linear.gather [hbm4b:s10+s1], $0x80, $0x38;
	[tilespmem:$0x14000] =	vst v63  }
0x217: {  	s16 =	simm.s32 $0x2  }
0x218: {  	_ =	swait.ge [sflag:s16], $0x4000  }
0x219: {  	[sflag:s16] =	ssyncset.done $0x0  }
0x21a: {  	s17 =	simm.s32 $0x4;
	[sflag:s16] =	ssyncadd.s32 $0xFFFFC000  }
0x21b: {  	_ =	swait.ge [sflag:s17], $0x4000  }
0x21c: {  	[sflag:s17] =	ssyncset.done $0x0  }
0x21d: {  	s19 =	simm.s32 $0xF0;
	[sflag:s17] =	ssyncadd.s32 $0xFFFFC000  }
0x21e: {  	s6 =	simm.s32 $0x10040;
	v1 =	vld [tilespmem:s19+$0x0]  }
0x21f: {  	v2 =	vld [tilespmem:s6+$0x30]  }
0x220: {  	v0 =	vld [tilespmem:s6+$0xFFFFFFC0]  }
0x221: {  	v3 =	vld [tilespmem:s19+$0xFFFFFFA0]  }
0x222: {  	v4 =	vld [tilespmem:s6+$0xFFFFFFD0]  }
0x223: {  	v5 =	vld [tilespmem:s19+$0xFFFFFFB0]  }
0x224: {  	v6 =	vld [tilespmem:s6+$0xFFFFFFE0]  }
0x225: {  	v7 =	vld [tilespmem:s19+$0xFFFFFFC0]  }
0x226: {  	v8 =	vld [tilespmem:s6+$0xFFFFFFF0]  }
0x227: {  	v9 =	vld [tilespmem:s19+$0xFFFFFFD0]  }
0x228: {  	v10 =	vld [tilespmem:s6+$0x0];
	v2 =	vadd.f32 v2, v1  }
0x229: {  	s7 =	simm.s32 $0x80F0;
	v4 =	vadd.f32 v4, v3;
	v1 =	vld [tilespmem:s19+$0xFFFFFFE0]  }
0x22a: {  	v5 =	vadd.f32 v6, v5;
	v3 =	vld [tilespmem:s6+$0x10];
	[tilespmem:s7+$0x0] =	vst v2  }
0x22b: {  	v6 =	vadd.f32 v8, v7;
	[tilespmem:s7+$0xFFFFFFA0] =	vst v4;
	v2 =	vld [tilespmem:s19+$0xFFFFFFF0]  }
0x22c: {  	[tilespmem:s7+$0xFFFFFFB0] =	vst v5;
	v5 =	vld [tilespmem:s6+$0x20]  }
0x22d: {  	s8 =	simm.s32 $0x0;
	s10 =	simm.s32 $0x1F0;
	v4 =	vld [tilespmem:s19+$0xFFFFFF90];
	[tilespmem:s7+$0xFFFFFFC0] =	vst v6;
	v6 =	vadd.f32 v10, v9  }
.LBB2_48:
0x22e: {  	v7 =	vld [tilespmem:s10+$0x0];
	s6 =	sadd.s32 $0x80, s6  }
0x22f: {  	s8 =	sadd.s32 $0x8, s8;
	v8 =	vld [tilespmem:s6+$0x30];
	[tilespmem:s7+$0xFFFFFFD0] =	vst v6;
	v1 =	vadd.f32 v3, v1  }
0x230: {  	p0 =	slt.u32 s8, $0x3F8;
	v3 =	vld [tilespmem:s6+$0xFFFFFFC0]  }
0x231: {  	v6 =	vld [tilespmem:s10+$0xFFFFFFA0];
	[tilespmem:s7+$0xFFFFFFE0] =	vst v1;
	v1 =	vadd.f32 v5, v2  }
0x232: {  	v2 =	vld [tilespmem:s6+$0xFFFFFFD0];
	v9 =	vadd.f32 v0, v4  }
0x233: {  	v4 =	vld [tilespmem:s10+$0xFFFFFFB0];
	[tilespmem:s7+$0xFFFFFFF0] =	vst v1  }
0x234: {  	v1 =	vld [tilespmem:s6+$0xFFFFFFE0];
	v5 =	vadd.f32 v8, v7;
	[tilespmem:s7+$0xFFFFFF90] =	vst v9  }
0x235: {  	s7 =	sadd.s32 $0x100, s7;
	v7 =	vld [tilespmem:s10+$0xFFFFFFC0];
	v0 =	vmov v3  }
0x236: {  	v8 =	vld [tilespmem:s6+$0xFFFFFFF0];
	[tilespmem:s7+$0x0] =	vst v5  }
0x237: {  	v2 =	vadd.f32 v2, v6;
	v6 =	vld [tilespmem:s10+$0xFFFFFFD0]  }
0x238: {  	v9 =	vld [tilespmem:s6+$0x0]  }
.Ltmp23:
0x239: {  	[tilespmem:s7+$0xFFFFFFA0] =	vst v2;
	v2 =	vadd.f32 v1, v4;
	v1 =	vld [tilespmem:s10+$0xFFFFFFE0];
	(pc) =	sbr.rel @p0 .LBB2_48-.Ltmp23, $4  }
0x23a: {  	v3 =	vld [tilespmem:s6+$0x10]  }
0x23b: {  	[tilespmem:s7+$0xFFFFFFB0] =	vst v2;
	v7 =	vadd.f32 v8, v7;
	v2 =	vld [tilespmem:s10+$0xFFFFFFF0]  }
0x23c: {  	v5 =	vld [tilespmem:s6+$0x20]  }
0x23d: {  	v4 =	vld [tilespmem:s10+$0xFFFFFF90];
	[tilespmem:s7+$0xFFFFFFC0] =	vst v7;
	v6 =	vadd.f32 v9, v6;
	s10 =	sadd.s32 $0x100, s10  }
0x23e: {  	_ =	sdelay $0x1  }
0x23f: {  	v1 =	vadd.f32 v3, v1  }
0x240: {  	[tilespmem:s7+$0xFFFFFFD0] =	vst v6;
	v2 =	vadd.f32 v5, v2  }
0x241: {  	[tilespmem:s7+$0xFFFFFFE0] =	vst v1;
	v0 =	vadd.f32 v0, v4  }
0x242: {  	[tilespmem:s7+$0xFFFFFFF0] =	vst v2  }
0x243: {  	[tilespmem:s7+$0xFFFFFF90] =	vst v0  }
0x244: {  	s6 =	simm.s32 $0x8080;
	s19 =	rddreg [dreg:$0x12]  }
0x245: {  	s8 =	simm.s32 $0x8180;
	s7 =	simm.s32 $0x10;
	s10 =	sadd.s32 $0x0, s19  }
.LBB2_50:
0x246: {  	[hbm4b:s10+s1] =	stream.linear.scatter [tilespmem:s6], [sflag:$0x4], $0x80, $0x38;
	[tilespmem:$0x14000] =	vst v63  }
0x247: {  	s10 =	smov.u32 s7;
	s6 =	smov.u32 s8;
	p0 =	sne.s32 s7, $0x7F0  }
.Ltmp24:
0x248: {  	s7 =	sadd.s32 $0x10, s7;
	(pc) =	sbr.rel @p0 .LBB2_50-.Ltmp24, $2  }
0x249: {  	_ =	sdelay $0x2  }
0x24a: {  	s8 =	sadd.s32 $0x100, s8;
	s10 =	sadd.s32 s10, s19  }
0x24b: {  	[hbm4b:s10+s1] =	stream.linear.scatter [tilespmem:s6], [sflag:$0x4], $0x80, $0x38;
	[tilespmem:$0x14000] =	vst v63  }
0x24c: {  	s17 =	simm.s32 $0x0  }
0x24d: {  	s7 =	rddreg [dreg:$0x13];
	s8 =	simm.s32 $0x10000;
	s19 =	simm.s32 $0x5  }
0x24e: {  	[tilespmem:s8], [sflag:$0x5] =	stream.linear.gather [hbm4b:s7+s17], $0x4000, $0x38;
	[tilespmem:$0x14000] =	vst v63  }
0x24f: {  	_ =	swait.ge [sflag:s19], $0x4000  }
0x250: {  	[sflag:s19] =	ssyncset.done $0x0  }
0x251: {  	s6 =	simm.s32 $0x80;
	[sflag:s19] =	ssyncadd.s32 $0xFFFFC000;
	s19 =	rddreg [dreg:$0x15]  }
0x252: {  	s7 =	simm.s32 $0x10;
	s8 =	simm.s32 $0x180;
	s10 =	sadd.s32 $0x0, s19  }
.LBB2_52:
0x253: {  	[tilespmem:s6], [sflag:$0x2] =	stream.linear.gather [hbm4b:s10+s1], $0x80, $0x38;
	[tilespmem:$0x14000] =	vst v63  }
0x254: {  	s10 =	smov.u32 s7;
	s6 =	smov.u32 s8;
	p0 =	sne.s32 s7, $0x7F0  }
.Ltmp25:
0x255: {  	s7 =	sadd.s32 $0x10, s7;
	(pc) =	sbr.rel @p0 .LBB2_52-.Ltmp25, $2  }
0x256: {  	_ =	sdelay $0x2  }
0x257: {  	s8 =	sadd.s32 $0x100, s8;
	s10 =	sadd.s32 s10, s19  }
0x258: {  	[tilespmem:s6], [sflag:$0x2] =	stream.linear.gather [hbm4b:s10+s1], $0x80, $0x38;
	[tilespmem:$0x14000] =	vst v63  }
0x259: {  	s16 =	simm.s32 $0x1  }
0x25a: {  	_ =	swait.ge [sflag:s16], $0x4000  }
0x25b: {  	[sflag:s16] =	ssyncset.done $0x0  }
0x25c: {  	s17 =	simm.s32 $0x3;
	[sflag:s16] =	ssyncadd.s32 $0xFFFFC000  }
0x25d: {  	_ =	swait.ge [sflag:s17], $0x4000  }
0x25e: {  	[sflag:s17] =	ssyncset.done $0x0  }
0x25f: {  	s19 =	simm.s32 $0x40;
	[sflag:s17] =	ssyncadd.s32 $0xFFFFC000  }
0x260: {  	s6 =	simm.s32 $0x10040;
	v1 =	vld [tilespmem:s19+$0x30]  }
0x261: {  	v2 =	vld [tilespmem:s6+$0x30]  }
0x262: {  	v3 =	vld [tilespmem:s19+$0xFFFFFFD0]  }
0x263: {  	v4 =	vld [tilespmem:s6+$0xFFFFFFD0]  }
0x264: {  	v5 =	vld [tilespmem:s19+$0xFFFFFFE0]  }
0x265: {  	v6 =	vld [tilespmem:s6+$0xFFFFFFE0]  }
0x266: {  	v7 =	vld [tilespmem:s19+$0xFFFFFFF0]  }
0x267: {  	v8 =	vld [tilespmem:s6+$0xFFFFFFF0]  }
0x268: {  	v0 =	vld [tilespmem:s6+$0xFFFFFFC0]  }
0x269: {  	v9 =	vld [tilespmem:s19+$0x0];
	v2 =	vadd.f32 v2, v1  }
0x26a: {  	s7 =	simm.s32 $0x8040;
	v10 =	vld [tilespmem:s6+$0x0];
	v4 =	vadd.f32 v4, v3  }
0x26b: {  	v1 =	vld [tilespmem:s19+$0x10];
	v5 =	vadd.f32 v6, v5;
	[tilespmem:s7+$0x30] =	vst v2  }
0x26c: {  	v3 =	vld [tilespmem:s6+$0x10];
	v6 =	vadd.f32 v8, v7;
	[tilespmem:s7+$0xFFFFFFD0] =	vst v4  }
0x26d: {  	v2 =	vld [tilespmem:s19+$0x20];
	[tilespmem:s7+$0xFFFFFFE0] =	vst v5  }
0x26e: {  	v5 =	vld [tilespmem:s6+$0x20];
	[tilespmem:s7+$0xFFFFFFF0] =	vst v6  }
0x26f: {  	s8 =	simm.s32 $0x0;
	s10 =	simm.s32 $0x140;
	v4 =	vld [tilespmem:s19+$0xFFFFFFC0];
	v6 =	vadd.f32 v10, v9;
	s19 =	rddreg [dreg:$0x14]  }
.LBB2_54:
0x270: {  	v7 =	vld [tilespmem:s10+$0x30];
	s6 =	sadd.s32 $0x80, s6  }
0x271: {  	s8 =	sadd.s32 $0x8, s8;
	v8 =	vld [tilespmem:s6+$0x30];
	[tilespmem:s7+$0x0] =	vst v6;
	v1 =	vadd.f32 v3, v1  }
0x272: {  	p0 =	slt.u32 s8, $0x3F8;
	v3 =	vld [tilespmem:s6+$0xFFFFFFC0]  }
0x273: {  	v6 =	vld [tilespmem:s10+$0xFFFFFFD0];
	[tilespmem:s7+$0x10] =	vst v1;
	v1 =	vadd.f32 v5, v2  }
0x274: {  	v2 =	vld [tilespmem:s6+$0xFFFFFFD0];
	v9 =	vadd.f32 v0, v4  }
0x275: {  	v4 =	vld [tilespmem:s10+$0xFFFFFFE0];
	[tilespmem:s7+$0x20] =	vst v1  }
0x276: {  	v1 =	vld [tilespmem:s6+$0xFFFFFFE0];
	v5 =	vadd.f32 v8, v7;
	[tilespmem:s7+$0xFFFFFFC0] =	vst v9  }
0x277: {  	s7 =	sadd.s32 $0x100, s7;
	v7 =	vld [tilespmem:s10+$0xFFFFFFF0];
	v0 =	vmov v3  }
0x278: {  	v8 =	vld [tilespmem:s6+$0xFFFFFFF0];
	[tilespmem:s7+$0x30] =	vst v5  }
0x279: {  	v2 =	vadd.f32 v2, v6;
	v6 =	vld [tilespmem:s10+$0x0]  }
0x27a: {  	v9 =	vld [tilespmem:s6+$0x0]  }
.Ltmp26:
0x27b: {  	[tilespmem:s7+$0xFFFFFFD0] =	vst v2;
	v2 =	vadd.f32 v1, v4;
	v1 =	vld [tilespmem:s10+$0x10];
	(pc) =	sbr.rel @p0 .LBB2_54-.Ltmp26, $4  }
0x27c: {  	v3 =	vld [tilespmem:s6+$0x10]  }
0x27d: {  	[tilespmem:s7+$0xFFFFFFE0] =	vst v2;
	v7 =	vadd.f32 v8, v7;
	v2 =	vld [tilespmem:s10+$0x20]  }
0x27e: {  	v5 =	vld [tilespmem:s6+$0x20]  }
0x27f: {  	v4 =	vld [tilespmem:s10+$0xFFFFFFC0];
	[tilespmem:s7+$0xFFFFFFF0] =	vst v7;
	v6 =	vadd.f32 v9, v6;
	s10 =	sadd.s32 $0x100, s10  }
0x280: {  	_ =	sdelay $0x1  }
0x281: {  	v1 =	vadd.f32 v3, v1  }
0x282: {  	[tilespmem:s7+$0x0] =	vst v6;
	v2 =	vadd.f32 v5, v2  }
0x283: {  	[tilespmem:s7+$0x10] =	vst v1;
	v0 =	vadd.f32 v0, v4  }
0x284: {  	s6 =	simm.s32 $0x8000;
	[tilespmem:s7+$0x20] =	vst v2  }
0x285: {  	s10 =	sadd.s32 $0x0, s19;
	s8 =	simm.s32 $0x8100;
	[tilespmem:s7+$0xFFFFFFC0] =	vst v0;
	s7 =	simm.s32 $0x10  }
.LBB2_56:
0x286: {  	[hbm4b:s10+s1] =	stream.linear.scatter [tilespmem:s6], [sflag:$0x3], $0x80, $0x38;
	[tilespmem:$0x14000] =	vst v63  }
0x287: {  	s10 =	smov.u32 s7;
	s6 =	smov.u32 s8;
	p0 =	sne.s32 s7, $0x7F0  }
.Ltmp27:
0x288: {  	s7 =	sadd.s32 $0x10, s7;
	(pc) =	sbr.rel @p0 .LBB2_56-.Ltmp27, $2  }
0x289: {  	_ =	sdelay $0x2  }
0x28a: {  	s8 =	sadd.s32 $0x100, s8;
	s10 =	sadd.s32 s10, s19  }
0x28b: {  	[hbm4b:s10+s1] =	stream.linear.scatter [tilespmem:s6], [sflag:$0x3], $0x80, $0x38;
	[tilespmem:$0x14000] =	vst v63  }
0x28c: {  	s6 =	simm.s32 $0x0  }
0x28d: {  	s7 =	simm.s32 $0x10;
	s10 =	sadd.s32 $0x0, s20;
	s8 =	simm.s32 $0x100  }
.LBB2_58:
0x28e: {  	[tilespmem:s6], [sflag:$0x1] =	stream.linear.gather [hbm4b:s10+s1], $0x80, $0x38;
	[tilespmem:$0x14000] =	vst v63  }
0x28f: {  	s10 =	smov.u32 s7;
	s6 =	smov.u32 s8;
	p0 =	sne.s32 s7, $0x7F0  }
.Ltmp28:
0x290: {  	s7 =	sadd.s32 $0x10, s7;
	(pc) =	sbr.rel @p0 .LBB2_58-.Ltmp28, $2  }
0x291: {  	_ =	sdelay $0x2  }
0x292: {  	s8 =	sadd.s32 $0x100, s8;
	s10 =	sadd.s32 s10, s20  }
0x293: {  	[tilespmem:s6], [sflag:$0x1] =	stream.linear.gather [hbm4b:s10+s1], $0x80, $0x38;
	[tilespmem:$0x14000] =	vst v63  }
0x294: {  	s17 =	simm.s32 $0x2  }
0x295: {  	_ =	swait.ge [sflag:s17], $0x4000  }
0x296: {  	[sflag:s17] =	ssyncset.done $0x0  }
0x297: {  	s19 =	simm.s32 $0x4;
	[sflag:s17] =	ssyncadd.s32 $0xFFFFC000  }
0x298: {  	_ =	swait.ge [sflag:s19], $0x4000  }
0x299: {  	[sflag:s19] =	ssyncset.done $0x0  }
0x29a: {  	s20 =	simm.s32 $0xF0;
	[sflag:s19] =	ssyncadd.s32 $0xFFFFC000  }
0x29b: {  	s6 =	simm.s32 $0x10040;
	v1 =	vld [tilespmem:s20+$0x0]  }
0x29c: {  	v2 =	vld [tilespmem:s6+$0x30]  }
0x29d: {  	v0 =	vld [tilespmem:s6+$0xFFFFFFC0]  }
0x29e: {  	v3 =	vld [tilespmem:s20+$0xFFFFFFA0]  }
0x29f: {  	v4 =	vld [tilespmem:s6+$0xFFFFFFD0]  }
0x2a0: {  	v5 =	vld [tilespmem:s20+$0xFFFFFFB0]  }
0x2a1: {  	v6 =	vld [tilespmem:s6+$0xFFFFFFE0]  }
0x2a2: {  	v7 =	vld [tilespmem:s20+$0xFFFFFFC0]  }
0x2a3: {  	v8 =	vld [tilespmem:s6+$0xFFFFFFF0]  }
0x2a4: {  	v9 =	vld [tilespmem:s20+$0xFFFFFFD0]  }
0x2a5: {  	v10 =	vld [tilespmem:s6+$0x0];
	v2 =	vadd.f32 v2, v1  }
0x2a6: {  	s7 =	simm.s32 $0x80F0;
	v4 =	vadd.f32 v4, v3;
	v1 =	vld [tilespmem:s20+$0xFFFFFFE0]  }
0x2a7: {  	v5 =	vadd.f32 v6, v5;
	v3 =	vld [tilespmem:s6+$0x10];
	[tilespmem:s7+$0x0] =	vst v2  }
0x2a8: {  	v6 =	vadd.f32 v8, v7;
	[tilespmem:s7+$0xFFFFFFA0] =	vst v4;
	v2 =	vld [tilespmem:s20+$0xFFFFFFF0]  }
0x2a9: {  	[tilespmem:s7+$0xFFFFFFB0] =	vst v5;
	v5 =	vld [tilespmem:s6+$0x20]  }
0x2aa: {  	s8 =	simm.s32 $0x0;
	s10 =	simm.s32 $0x1F0;
	v4 =	vld [tilespmem:s20+$0xFFFFFF90];
	[tilespmem:s7+$0xFFFFFFC0] =	vst v6;
	v6 =	vadd.f32 v10, v9  }
.LBB2_60:
0x2ab: {  	v7 =	vld [tilespmem:s10+$0x0];
	s6 =	sadd.s32 $0x80, s6  }
0x2ac: {  	s8 =	sadd.s32 $0x8, s8;
	v8 =	vld [tilespmem:s6+$0x30];
	[tilespmem:s7+$0xFFFFFFD0] =	vst v6;
	v1 =	vadd.f32 v3, v1  }
0x2ad: {  	p0 =	slt.u32 s8, $0x3F8;
	v3 =	vld [tilespmem:s6+$0xFFFFFFC0]  }
0x2ae: {  	v6 =	vld [tilespmem:s10+$0xFFFFFFA0];
	[tilespmem:s7+$0xFFFFFFE0] =	vst v1;
	v1 =	vadd.f32 v5, v2  }
0x2af: {  	v2 =	vld [tilespmem:s6+$0xFFFFFFD0];
	v9 =	vadd.f32 v0, v4  }
0x2b0: {  	v4 =	vld [tilespmem:s10+$0xFFFFFFB0];
	[tilespmem:s7+$0xFFFFFFF0] =	vst v1  }
0x2b1: {  	v1 =	vld [tilespmem:s6+$0xFFFFFFE0];
	v5 =	vadd.f32 v8, v7;
	[tilespmem:s7+$0xFFFFFF90] =	vst v9  }
0x2b2: {  	s7 =	sadd.s32 $0x100, s7;
	v7 =	vld [tilespmem:s10+$0xFFFFFFC0];
	v0 =	vmov v3  }
0x2b3: {  	v8 =	vld [tilespmem:s6+$0xFFFFFFF0];
	[tilespmem:s7+$0x0] =	vst v5  }
0x2b4: {  	v2 =	vadd.f32 v2, v6;
	v6 =	vld [tilespmem:s10+$0xFFFFFFD0]  }
0x2b5: {  	v9 =	vld [tilespmem:s6+$0x0]  }
.Ltmp29:
0x2b6: {  	[tilespmem:s7+$0xFFFFFFA0] =	vst v2;
	v2 =	vadd.f32 v1, v4;
	v1 =	vld [tilespmem:s10+$0xFFFFFFE0];
	(pc) =	sbr.rel @p0 .LBB2_60-.Ltmp29, $4  }
0x2b7: {  	v3 =	vld [tilespmem:s6+$0x10]  }
0x2b8: {  	[tilespmem:s7+$0xFFFFFFB0] =	vst v2;
	v7 =	vadd.f32 v8, v7;
	v2 =	vld [tilespmem:s10+$0xFFFFFFF0]  }
0x2b9: {  	v5 =	vld [tilespmem:s6+$0x20]  }
0x2ba: {  	v4 =	vld [tilespmem:s10+$0xFFFFFF90];
	[tilespmem:s7+$0xFFFFFFC0] =	vst v7;
	v6 =	vadd.f32 v9, v6;
	s10 =	sadd.s32 $0x100, s10  }
0x2bb: {  	_ =	sdelay $0x1  }
0x2bc: {  	v1 =	vadd.f32 v3, v1  }
0x2bd: {  	[tilespmem:s7+$0xFFFFFFD0] =	vst v6;
	v2 =	vadd.f32 v5, v2  }
0x2be: {  	[tilespmem:s7+$0xFFFFFFE0] =	vst v1;
	v0 =	vadd.f32 v0, v4  }
0x2bf: {  	[tilespmem:s7+$0xFFFFFFF0] =	vst v2  }
0x2c0: {  	[tilespmem:s7+$0xFFFFFF90] =	vst v0  }
0x2c1: {  	s6 =	simm.s32 $0x8080;
	s20 =	rddreg [dreg:$0x16]  }
0x2c2: {  	s8 =	simm.s32 $0x8180;
	s7 =	simm.s32 $0x10;
	s10 =	sadd.s32 $0x0, s20  }
.LBB2_62:
0x2c3: {  	[hbm4b:s10+s1] =	stream.linear.scatter [tilespmem:s6], [sflag:$0x4], $0x80, $0x38;
	[tilespmem:$0x14000] =	vst v63  }
0x2c4: {  	s10 =	smov.u32 s7;
	s6 =	smov.u32 s8;
	p0 =	sne.s32 s7, $0x7F0  }
.Ltmp30:
0x2c5: {  	s7 =	sadd.s32 $0x10, s7;
	(pc) =	sbr.rel @p0 .LBB2_62-.Ltmp30, $2  }
0x2c6: {  	_ =	sdelay $0x2  }
0x2c7: {  	s8 =	sadd.s32 $0x100, s8;
	s10 =	sadd.s32 s10, s20  }
0x2c8: {  	[hbm4b:s10+s1] =	stream.linear.scatter [tilespmem:s6], [sflag:$0x4], $0x80, $0x38;
	[tilespmem:$0x14000] =	vst v63  }
0x2c9: {  	s6 =	simm.s32 $0x80  }
0x2ca: {  	s7 =	simm.s32 $0x10;
	s10 =	sadd.s32 $0x0, s21;
	s8 =	simm.s32 $0x180  }
.LBB2_64:
0x2cb: {  	[tilespmem:s6], [sflag:$0x2] =	stream.linear.gather [hbm4b:s10+s1], $0x80, $0x38;
	[tilespmem:$0x14000] =	vst v63  }
0x2cc: {  	s10 =	smov.u32 s7;
	s6 =	smov.u32 s8;
	p0 =	sne.s32 s7, $0x7F0  }
.Ltmp31:
0x2cd: {  	s7 =	sadd.s32 $0x10, s7;
	(pc) =	sbr.rel @p0 .LBB2_64-.Ltmp31, $2  }
0x2ce: {  	_ =	sdelay $0x2  }
0x2cf: {  	s8 =	sadd.s32 $0x100, s8;
	s10 =	sadd.s32 s10, s21  }
0x2d0: {  	[tilespmem:s6], [sflag:$0x2] =	stream.linear.gather [hbm4b:s10+s1], $0x80, $0x38;
	[tilespmem:$0x14000] =	vst v63  }
0x2d1: {  	s19 =	simm.s32 $0x1  }
0x2d2: {  	_ =	swait.ge [sflag:s19], $0x4000  }
0x2d3: {  	[sflag:s19] =	ssyncset.done $0x0  }
0x2d4: {  	s20 =	simm.s32 $0x3;
	[sflag:s19] =	ssyncadd.s32 $0xFFFFC000  }
0x2d5: {  	_ =	swait.ge [sflag:s20], $0x4000  }
0x2d6: {  	[sflag:s20] =	ssyncset.done $0x0  }
0x2d7: {  	s21 =	simm.s32 $0x40;
	[sflag:s20] =	ssyncadd.s32 $0xFFFFC000  }
0x2d8: {  	s6 =	simm.s32 $0x10040;
	v1 =	vld [tilespmem:s21+$0x30]  }
0x2d9: {  	v2 =	vld [tilespmem:s6+$0x30]  }
0x2da: {  	v3 =	vld [tilespmem:s21+$0xFFFFFFD0]  }
0x2db: {  	v4 =	vld [tilespmem:s6+$0xFFFFFFD0]  }
0x2dc: {  	v5 =	vld [tilespmem:s21+$0xFFFFFFE0]  }
0x2dd: {  	v6 =	vld [tilespmem:s6+$0xFFFFFFE0]  }
0x2de: {  	v7 =	vld [tilespmem:s21+$0xFFFFFFF0]  }
0x2df: {  	v8 =	vld [tilespmem:s6+$0xFFFFFFF0]  }
0x2e0: {  	v0 =	vld [tilespmem:s6+$0xFFFFFFC0]  }
0x2e1: {  	v9 =	vld [tilespmem:s21+$0x0];
	v2 =	vadd.f32 v2, v1  }
0x2e2: {  	s7 =	simm.s32 $0x8040;
	v10 =	vld [tilespmem:s6+$0x0];
	v4 =	vadd.f32 v4, v3  }
0x2e3: {  	v1 =	vld [tilespmem:s21+$0x10];
	v5 =	vadd.f32 v6, v5;
	[tilespmem:s7+$0x30] =	vst v2  }
0x2e4: {  	v3 =	vld [tilespmem:s6+$0x10];
	v6 =	vadd.f32 v8, v7;
	[tilespmem:s7+$0xFFFFFFD0] =	vst v4  }
0x2e5: {  	v2 =	vld [tilespmem:s21+$0x20];
	[tilespmem:s7+$0xFFFFFFE0] =	vst v5  }
0x2e6: {  	v5 =	vld [tilespmem:s6+$0x20];
	[tilespmem:s7+$0xFFFFFFF0] =	vst v6  }
0x2e7: {  	s8 =	simm.s32 $0x0;
	s10 =	simm.s32 $0x140;
	v4 =	vld [tilespmem:s21+$0xFFFFFFC0];
	v6 =	vadd.f32 v10, v9;
	s20 =	rddreg [dreg:$0x17]  }
.LBB2_66:
0x2e8: {  	v7 =	vld [tilespmem:s10+$0x30];
	s6 =	sadd.s32 $0x80, s6  }
0x2e9: {  	s8 =	sadd.s32 $0x8, s8;
	v8 =	vld [tilespmem:s6+$0x30];
	[tilespmem:s7+$0x0] =	vst v6;
	v1 =	vadd.f32 v3, v1  }
0x2ea: {  	p0 =	slt.u32 s8, $0x3F8;
	v3 =	vld [tilespmem:s6+$0xFFFFFFC0]  }
0x2eb: {  	v6 =	vld [tilespmem:s10+$0xFFFFFFD0];
	[tilespmem:s7+$0x10] =	vst v1;
	v1 =	vadd.f32 v5, v2  }
0x2ec: {  	v2 =	vld [tilespmem:s6+$0xFFFFFFD0];
	v9 =	vadd.f32 v0, v4  }
0x2ed: {  	v4 =	vld [tilespmem:s10+$0xFFFFFFE0];
	[tilespmem:s7+$0x20] =	vst v1  }
0x2ee: {  	v1 =	vld [tilespmem:s6+$0xFFFFFFE0];
	v5 =	vadd.f32 v8, v7;
	[tilespmem:s7+$0xFFFFFFC0] =	vst v9  }
0x2ef: {  	s7 =	sadd.s32 $0x100, s7;
	v7 =	vld [tilespmem:s10+$0xFFFFFFF0];
	v0 =	vmov v3  }
0x2f0: {  	v8 =	vld [tilespmem:s6+$0xFFFFFFF0];
	[tilespmem:s7+$0x30] =	vst v5  }
0x2f1: {  	v2 =	vadd.f32 v2, v6;
	v6 =	vld [tilespmem:s10+$0x0]  }
0x2f2: {  	v9 =	vld [tilespmem:s6+$0x0]  }
.Ltmp32:
0x2f3: {  	[tilespmem:s7+$0xFFFFFFD0] =	vst v2;
	v2 =	vadd.f32 v1, v4;
	v1 =	vld [tilespmem:s10+$0x10];
	(pc) =	sbr.rel @p0 .LBB2_66-.Ltmp32, $4  }
0x2f4: {  	v3 =	vld [tilespmem:s6+$0x10]  }
0x2f5: {  	[tilespmem:s7+$0xFFFFFFE0] =	vst v2;
	v7 =	vadd.f32 v8, v7;
	v2 =	vld [tilespmem:s10+$0x20]  }
0x2f6: {  	v5 =	vld [tilespmem:s6+$0x20]  }
0x2f7: {  	v4 =	vld [tilespmem:s10+$0xFFFFFFC0];
	[tilespmem:s7+$0xFFFFFFF0] =	vst v7;
	v6 =	vadd.f32 v9, v6;
	s10 =	sadd.s32 $0x100, s10  }
0x2f8: {  	_ =	sdelay $0x1  }
0x2f9: {  	v1 =	vadd.f32 v3, v1  }
0x2fa: {  	[tilespmem:s7+$0x0] =	vst v6;
	v2 =	vadd.f32 v5, v2  }
0x2fb: {  	[tilespmem:s7+$0x10] =	vst v1;
	v0 =	vadd.f32 v0, v4  }
0x2fc: {  	[tilespmem:s7+$0x20] =	vst v2  }
0x2fd: {  	[tilespmem:s7+$0xFFFFFFC0] =	vst v0  }
0x2fe: {  	s6 =	simm.s32 $0x8000;
	s21 =	rddreg [dreg:$0x18]  }
0x2ff: {  	s8 =	simm.s32 $0x8100;
	s7 =	simm.s32 $0x10;
	s10 =	sadd.s32 $0x0, s21  }
.LBB2_68:
0x300: {  	[hbm4b:s10+s1] =	stream.linear.scatter [tilespmem:s6], [sflag:$0x3], $0x80, $0x38;
	[tilespmem:$0x14000] =	vst v63  }
0x301: {  	s10 =	smov.u32 s7;
	s6 =	smov.u32 s8;
	p0 =	sne.s32 s7, $0x7F0  }
.Ltmp33:
0x302: {  	s7 =	sadd.s32 $0x10, s7;
	(pc) =	sbr.rel @p0 .LBB2_68-.Ltmp33, $2  }
0x303: {  	_ =	sdelay $0x2  }
0x304: {  	s8 =	sadd.s32 $0x100, s8;
	s10 =	sadd.s32 s10, s21  }
0x305: {  	[hbm4b:s10+s1] =	stream.linear.scatter [tilespmem:s6], [sflag:$0x3], $0x80, $0x38;
	[tilespmem:$0x14000] =	vst v63  }
0x306: {  	s6 =	simm.s32 $0x0  }
0x307: {  	s7 =	simm.s32 $0x10;
	s10 =	sadd.s32 $0x0, s22;
	s8 =	simm.s32 $0x100  }
.LBB2_70:
0x308: {  	[tilespmem:s6], [sflag:$0x1] =	stream.linear.gather [hbm4b:s10+s1], $0x80, $0x38;
	[tilespmem:$0x14000] =	vst v63  }
0x309: {  	s10 =	smov.u32 s7;
	s6 =	smov.u32 s8;
	p0 =	sne.s32 s7, $0x7F0  }
.Ltmp34:
0x30a: {  	s7 =	sadd.s32 $0x10, s7;
	(pc) =	sbr.rel @p0 .LBB2_70-.Ltmp34, $2  }
0x30b: {  	_ =	sdelay $0x2  }
0x30c: {  	s8 =	sadd.s32 $0x100, s8;
	s10 =	sadd.s32 s10, s22  }
0x30d: {  	[tilespmem:s6], [sflag:$0x1] =	stream.linear.gather [hbm4b:s10+s1], $0x80, $0x38;
	[tilespmem:$0x14000] =	vst v63  }
0x30e: {  	s19 =	simm.s32 $0x2  }
0x30f: {  	_ =	swait.ge [sflag:s19], $0x4000  }
0x310: {  	[sflag:s19] =	ssyncset.done $0x0  }
0x311: {  	s21 =	simm.s32 $0x4;
	[sflag:s19] =	ssyncadd.s32 $0xFFFFC000  }
0x312: {  	_ =	swait.ge [sflag:s21], $0x4000  }
0x313: {  	[sflag:s21] =	ssyncset.done $0x0  }
0x314: {  	s22 =	simm.s32 $0xF0;
	[sflag:s21] =	ssyncadd.s32 $0xFFFFC000  }
0x315: {  	s6 =	simm.s32 $0x10040;
	v1 =	vld [tilespmem:s22+$0x0]  }
0x316: {  	v2 =	vld [tilespmem:s6+$0x30]  }
0x317: {  	v3 =	vld [tilespmem:s22+$0xFFFFFFA0]  }
0x318: {  	v4 =	vld [tilespmem:s6+$0xFFFFFFD0]  }
0x319: {  	v5 =	vld [tilespmem:s22+$0xFFFFFFB0]  }
0x31a: {  	v6 =	vld [tilespmem:s6+$0xFFFFFFE0]  }
0x31b: {  	v7 =	vld [tilespmem:s22+$0xFFFFFFC0]  }
0x31c: {  	v8 =	vld [tilespmem:s6+$0xFFFFFFF0]  }
0x31d: {  	v0 =	vld [tilespmem:s6+$0xFFFFFFC0]  }
0x31e: {  	v9 =	vld [tilespmem:s22+$0xFFFFFFD0];
	v2 =	vadd.f32 v2, v1  }
0x31f: {  	s7 =	simm.s32 $0x80F0;
	v10 =	vld [tilespmem:s6+$0x0];
	v4 =	vadd.f32 v4, v3  }
0x320: {  	v1 =	vld [tilespmem:s22+$0xFFFFFFE0];
	v5 =	vadd.f32 v6, v5;
	[tilespmem:s7+$0x0] =	vst v2  }
0x321: {  	v3 =	vld [tilespmem:s6+$0x10];
	v6 =	vadd.f32 v8, v7;
	[tilespmem:s7+$0xFFFFFFA0] =	vst v4  }
0x322: {  	v2 =	vld [tilespmem:s22+$0xFFFFFFF0];
	[tilespmem:s7+$0xFFFFFFB0] =	vst v5  }
0x323: {  	v5 =	vld [tilespmem:s6+$0x20];
	[tilespmem:s7+$0xFFFFFFC0] =	vst v6  }
0x324: {  	s8 =	simm.s32 $0x0;
	s10 =	simm.s32 $0x1F0;
	v4 =	vld [tilespmem:s22+$0xFFFFFF90];
	v6 =	vadd.f32 v10, v9;
	s21 =	rddreg [dreg:$0x19]  }
.LBB2_72:
0x325: {  	v7 =	vld [tilespmem:s10+$0x0];
	s6 =	sadd.s32 $0x80, s6  }
0x326: {  	s8 =	sadd.s32 $0x8, s8;
	v8 =	vld [tilespmem:s6+$0x30];
	[tilespmem:s7+$0xFFFFFFD0] =	vst v6;
	v1 =	vadd.f32 v3, v1  }
0x327: {  	p0 =	slt.u32 s8, $0x3F8;
	v3 =	vld [tilespmem:s6+$0xFFFFFFC0]  }
0x328: {  	v6 =	vld [tilespmem:s10+$0xFFFFFFA0];
	[tilespmem:s7+$0xFFFFFFE0] =	vst v1;
	v1 =	vadd.f32 v5, v2  }
0x329: {  	v2 =	vld [tilespmem:s6+$0xFFFFFFD0];
	v9 =	vadd.f32 v0, v4  }
0x32a: {  	v4 =	vld [tilespmem:s10+$0xFFFFFFB0];
	[tilespmem:s7+$0xFFFFFFF0] =	vst v1  }
0x32b: {  	v1 =	vld [tilespmem:s6+$0xFFFFFFE0];
	v5 =	vadd.f32 v8, v7;
	[tilespmem:s7+$0xFFFFFF90] =	vst v9  }
0x32c: {  	s7 =	sadd.s32 $0x100, s7;
	v7 =	vld [tilespmem:s10+$0xFFFFFFC0];
	v0 =	vmov v3  }
0x32d: {  	v8 =	vld [tilespmem:s6+$0xFFFFFFF0];
	[tilespmem:s7+$0x0] =	vst v5  }
0x32e: {  	v2 =	vadd.f32 v2, v6;
	v6 =	vld [tilespmem:s10+$0xFFFFFFD0]  }
0x32f: {  	v9 =	vld [tilespmem:s6+$0x0]  }
.Ltmp35:
0x330: {  	[tilespmem:s7+$0xFFFFFFA0] =	vst v2;
	v2 =	vadd.f32 v1, v4;
	v1 =	vld [tilespmem:s10+$0xFFFFFFE0];
	(pc) =	sbr.rel @p0 .LBB2_72-.Ltmp35, $4  }
0x331: {  	v3 =	vld [tilespmem:s6+$0x10]  }
0x332: {  	[tilespmem:s7+$0xFFFFFFB0] =	vst v2;
	v7 =	vadd.f32 v8, v7;
	v2 =	vld [tilespmem:s10+$0xFFFFFFF0]  }
0x333: {  	v5 =	vld [tilespmem:s6+$0x20]  }
0x334: {  	v4 =	vld [tilespmem:s10+$0xFFFFFF90];
	[tilespmem:s7+$0xFFFFFFC0] =	vst v7;
	v6 =	vadd.f32 v9, v6;
	s10 =	sadd.s32 $0x100, s10  }
0x335: {  	_ =	sdelay $0x1  }
0x336: {  	v1 =	vadd.f32 v3, v1  }
0x337: {  	[tilespmem:s7+$0xFFFFFFD0] =	vst v6;
	v2 =	vadd.f32 v5, v2  }
0x338: {  	[tilespmem:s7+$0xFFFFFFE0] =	vst v1;
	v0 =	vadd.f32 v0, v4  }
0x339: {  	[tilespmem:s7+$0xFFFFFFF0] =	vst v2  }
0x33a: {  	[tilespmem:s7+$0xFFFFFF90] =	vst v0  }
0x33b: {  	s6 =	simm.s32 $0x8080;
	s22 =	rddreg [dreg:$0x1a]  }
0x33c: {  	s8 =	simm.s32 $0x8180;
	s7 =	simm.s32 $0x10;
	s10 =	sadd.s32 $0x0, s22  }
.LBB2_74:
0x33d: {  	[hbm4b:s10+s1] =	stream.linear.scatter [tilespmem:s6], [sflag:$0x4], $0x80, $0x38;
	[tilespmem:$0x14000] =	vst v63  }
0x33e: {  	s10 =	smov.u32 s7;
	s6 =	smov.u32 s8;
	p0 =	sne.s32 s7, $0x7F0  }
.Ltmp36:
0x33f: {  	s7 =	sadd.s32 $0x10, s7;
	(pc) =	sbr.rel @p0 .LBB2_74-.Ltmp36, $2  }
0x340: {  	_ =	sdelay $0x2  }
0x341: {  	s8 =	sadd.s32 $0x100, s8;
	s10 =	sadd.s32 s10, s22  }
0x342: {  	[hbm4b:s10+s1] =	stream.linear.scatter [tilespmem:s6], [sflag:$0x4], $0x80, $0x38;
	[tilespmem:$0x14000] =	vst v63  }
0x343: {  	s19 =	simm.s32 $0x0  }
0x344: {  	s7 =	rddreg [dreg:$0x1c];
	s8 =	simm.s32 $0x10000;
	s22 =	simm.s32 $0x5  }
0x345: {  	[tilespmem:s8], [sflag:$0x5] =	stream.linear.gather [hbm4b:s7+s19], $0x4000, $0x38;
	[tilespmem:$0x14000] =	vst v63  }
0x346: {  	_ =	swait.ge [sflag:s22], $0x4000  }
0x347: {  	s6 =	simm.s32 $0x80;
	s10 =	sadd.s32 $0x0, s23;
	[sflag:s22] =	ssyncset.done $0x0  }
0x348: {  	s7 =	simm.s32 $0x10;
	s8 =	simm.s32 $0x180;
	[sflag:s22] =	ssyncadd.s32 $0xFFFFC000  }
.LBB2_76:
0x349: {  	[tilespmem:s6], [sflag:$0x2] =	stream.linear.gather [hbm4b:s10+s1], $0x80, $0x38;
	[tilespmem:$0x14000] =	vst v63  }
0x34a: {  	s10 =	smov.u32 s7;
	s6 =	smov.u32 s8;
	p0 =	sne.s32 s7, $0x7F0  }
.Ltmp37:
0x34b: {  	s7 =	sadd.s32 $0x10, s7;
	(pc) =	sbr.rel @p0 .LBB2_76-.Ltmp37, $2  }
0x34c: {  	_ =	sdelay $0x2  }
0x34d: {  	s8 =	sadd.s32 $0x100, s8;
	s10 =	sadd.s32 s10, s23  }
0x34e: {  	[tilespmem:s6], [sflag:$0x2] =	stream.linear.gather [hbm4b:s10+s1], $0x80, $0x38;
	[tilespmem:$0x14000] =	vst v63  }
0x34f: {  	s19 =	simm.s32 $0x1  }
0x350: {  	_ =	swait.ge [sflag:s19], $0x4000  }
0x351: {  	[sflag:s19] =	ssyncset.done $0x0  }
0x352: {  	s22 =	simm.s32 $0x3;
	[sflag:s19] =	ssyncadd.s32 $0xFFFFC000  }
0x353: {  	_ =	swait.ge [sflag:s22], $0x4000  }
0x354: {  	[sflag:s22] =	ssyncset.done $0x0  }
0x355: {  	s23 =	simm.s32 $0x40;
	[sflag:s22] =	ssyncadd.s32 $0xFFFFC000  }
0x356: {  	s6 =	simm.s32 $0x10040;
	v1 =	vld [tilespmem:s23+$0x30]  }
0x357: {  	v2 =	vld [tilespmem:s6+$0x30]  }
0x358: {  	v3 =	vld [tilespmem:s23+$0xFFFFFFD0]  }
0x359: {  	v4 =	vld [tilespmem:s6+$0xFFFFFFD0]  }
0x35a: {  	v5 =	vld [tilespmem:s23+$0xFFFFFFE0]  }
0x35b: {  	v6 =	vld [tilespmem:s6+$0xFFFFFFE0]  }
0x35c: {  	v7 =	vld [tilespmem:s23+$0xFFFFFFF0]  }
0x35d: {  	v8 =	vld [tilespmem:s6+$0xFFFFFFF0]  }
0x35e: {  	v0 =	vld [tilespmem:s6+$0xFFFFFFC0]  }
0x35f: {  	v9 =	vld [tilespmem:s23+$0x0];
	v2 =	vadd.f32 v2, v1  }
0x360: {  	s7 =	simm.s32 $0x8040;
	v10 =	vld [tilespmem:s6+$0x0];
	v4 =	vadd.f32 v4, v3  }
0x361: {  	v1 =	vld [tilespmem:s23+$0x10];
	v5 =	vadd.f32 v6, v5;
	[tilespmem:s7+$0x30] =	vst v2  }
0x362: {  	v3 =	vld [tilespmem:s6+$0x10];
	v6 =	vadd.f32 v8, v7;
	[tilespmem:s7+$0xFFFFFFD0] =	vst v4  }
0x363: {  	v2 =	vld [tilespmem:s23+$0x20];
	[tilespmem:s7+$0xFFFFFFE0] =	vst v5  }
0x364: {  	v5 =	vld [tilespmem:s6+$0x20];
	[tilespmem:s7+$0xFFFFFFF0] =	vst v6  }
0x365: {  	s8 =	simm.s32 $0x0;
	s10 =	simm.s32 $0x140;
	v4 =	vld [tilespmem:s23+$0xFFFFFFC0];
	v6 =	vadd.f32 v10, v9;
	s22 =	rddreg [dreg:$0x1b]  }
.LBB2_78:
0x366: {  	v7 =	vld [tilespmem:s10+$0x30];
	s6 =	sadd.s32 $0x80, s6  }
0x367: {  	s8 =	sadd.s32 $0x8, s8;
	v8 =	vld [tilespmem:s6+$0x30];
	[tilespmem:s7+$0x0] =	vst v6;
	v1 =	vadd.f32 v3, v1  }
0x368: {  	p0 =	slt.u32 s8, $0x3F8;
	v3 =	vld [tilespmem:s6+$0xFFFFFFC0]  }
0x369: {  	v6 =	vld [tilespmem:s10+$0xFFFFFFD0];
	[tilespmem:s7+$0x10] =	vst v1;
	v1 =	vadd.f32 v5, v2  }
0x36a: {  	v2 =	vld [tilespmem:s6+$0xFFFFFFD0];
	v9 =	vadd.f32 v0, v4  }
0x36b: {  	v4 =	vld [tilespmem:s10+$0xFFFFFFE0];
	[tilespmem:s7+$0x20] =	vst v1  }
0x36c: {  	v1 =	vld [tilespmem:s6+$0xFFFFFFE0];
	v5 =	vadd.f32 v8, v7;
	[tilespmem:s7+$0xFFFFFFC0] =	vst v9  }
0x36d: {  	s7 =	sadd.s32 $0x100, s7;
	v7 =	vld [tilespmem:s10+$0xFFFFFFF0];
	v0 =	vmov v3  }
0x36e: {  	v8 =	vld [tilespmem:s6+$0xFFFFFFF0];
	[tilespmem:s7+$0x30] =	vst v5  }
0x36f: {  	v2 =	vadd.f32 v2, v6;
	v6 =	vld [tilespmem:s10+$0x0]  }
0x370: {  	v9 =	vld [tilespmem:s6+$0x0]  }
.Ltmp38:
0x371: {  	[tilespmem:s7+$0xFFFFFFD0] =	vst v2;
	v2 =	vadd.f32 v1, v4;
	v1 =	vld [tilespmem:s10+$0x10];
	(pc) =	sbr.rel @p0 .LBB2_78-.Ltmp38, $4  }
0x372: {  	v3 =	vld [tilespmem:s6+$0x10]  }
0x373: {  	[tilespmem:s7+$0xFFFFFFE0] =	vst v2;
	v7 =	vadd.f32 v8, v7;
	v2 =	vld [tilespmem:s10+$0x20]  }
0x374: {  	v5 =	vld [tilespmem:s6+$0x20]  }
0x375: {  	v4 =	vld [tilespmem:s10+$0xFFFFFFC0];
	[tilespmem:s7+$0xFFFFFFF0] =	vst v7;
	v6 =	vadd.f32 v9, v6;
	s10 =	sadd.s32 $0x100, s10  }
0x376: {  	_ =	sdelay $0x1  }
0x377: {  	v1 =	vadd.f32 v3, v1  }
0x378: {  	[tilespmem:s7+$0x0] =	vst v6;
	v2 =	vadd.f32 v5, v2  }
0x379: {  	[tilespmem:s7+$0x10] =	vst v1;
	v0 =	vadd.f32 v0, v4  }
0x37a: {  	[tilespmem:s7+$0x20] =	vst v2  }
0x37b: {  	[tilespmem:s7+$0xFFFFFFC0] =	vst v0  }
0x37c: {  	s6 =	simm.s32 $0x8000;
	s23 =	rddreg [dreg:$0x1d]  }
0x37d: {  	s8 =	simm.s32 $0x8100;
	s7 =	simm.s32 $0x10;
	s10 =	sadd.s32 $0x0, s23  }
.LBB2_80:
0x37e: {  	[hbm4b:s10+s1] =	stream.linear.scatter [tilespmem:s6], [sflag:$0x3], $0x80, $0x38;
	[tilespmem:$0x14000] =	vst v63  }
0x37f: {  	s10 =	smov.u32 s7;
	s6 =	smov.u32 s8;
	p0 =	sne.s32 s7, $0x7F0  }
.Ltmp39:
0x380: {  	s7 =	sadd.s32 $0x10, s7;
	(pc) =	sbr.rel @p0 .LBB2_80-.Ltmp39, $2  }
0x381: {  	_ =	sdelay $0x2  }
0x382: {  	s8 =	sadd.s32 $0x100, s8;
	s10 =	sadd.s32 s10, s23  }
0x383: {  	[hbm4b:s10+s1] =	stream.linear.scatter [tilespmem:s6], [sflag:$0x3], $0x80, $0x38;
	[tilespmem:$0x14000] =	vst v63  }
0x384: {  	s6 =	simm.s32 $0x0  }
0x385: {  	s7 =	simm.s32 $0x10;
	s10 =	sadd.s32 $0x0, s24;
	s8 =	simm.s32 $0x100  }
.LBB2_82:
0x386: {  	[tilespmem:s6], [sflag:$0x1] =	stream.linear.gather [hbm4b:s10+s1], $0x80, $0x38;
	[tilespmem:$0x14000] =	vst v63  }
0x387: {  	s10 =	smov.u32 s7;
	s6 =	smov.u32 s8;
	p0 =	sne.s32 s7, $0x7F0  }
.Ltmp40:
0x388: {  	s7 =	sadd.s32 $0x10, s7;
	(pc) =	sbr.rel @p0 .LBB2_82-.Ltmp40, $2  }
0x389: {  	_ =	sdelay $0x2  }
0x38a: {  	s8 =	sadd.s32 $0x100, s8;
	s10 =	sadd.s32 s10, s24  }
0x38b: {  	[tilespmem:s6], [sflag:$0x1] =	stream.linear.gather [hbm4b:s10+s1], $0x80, $0x38;
	[tilespmem:$0x14000] =	vst v63  }
0x38c: {  	s19 =	simm.s32 $0x2  }
0x38d: {  	_ =	swait.ge [sflag:s19], $0x4000  }
0x38e: {  	[sflag:s19] =	ssyncset.done $0x0  }
0x38f: {  	s23 =	simm.s32 $0x4;
	[sflag:s19] =	ssyncadd.s32 $0xFFFFC000  }
0x390: {  	_ =	swait.ge [sflag:s23], $0x4000  }
0x391: {  	[sflag:s23] =	ssyncset.done $0x0  }
0x392: {  	s24 =	simm.s32 $0xF0;
	[sflag:s23] =	ssyncadd.s32 $0xFFFFC000  }
0x393: {  	s6 =	simm.s32 $0x10040;
	v1 =	vld [tilespmem:s24+$0x0]  }
0x394: {  	v2 =	vld [tilespmem:s6+$0x30]  }
0x395: {  	v3 =	vld [tilespmem:s24+$0xFFFFFFA0]  }
0x396: {  	v4 =	vld [tilespmem:s6+$0xFFFFFFD0]  }
0x397: {  	v5 =	vld [tilespmem:s24+$0xFFFFFFB0]  }
0x398: {  	v6 =	vld [tilespmem:s6+$0xFFFFFFE0]  }
0x399: {  	v7 =	vld [tilespmem:s24+$0xFFFFFFC0]  }
0x39a: {  	v8 =	vld [tilespmem:s6+$0xFFFFFFF0]  }
0x39b: {  	v0 =	vld [tilespmem:s6+$0xFFFFFFC0]  }
0x39c: {  	v9 =	vld [tilespmem:s24+$0xFFFFFFD0];
	v2 =	vadd.f32 v2, v1  }
0x39d: {  	s7 =	simm.s32 $0x80F0;
	v10 =	vld [tilespmem:s6+$0x0];
	v4 =	vadd.f32 v4, v3  }
0x39e: {  	v1 =	vld [tilespmem:s24+$0xFFFFFFE0];
	v5 =	vadd.f32 v6, v5;
	[tilespmem:s7+$0x0] =	vst v2  }
0x39f: {  	v3 =	vld [tilespmem:s6+$0x10];
	v6 =	vadd.f32 v8, v7;
	[tilespmem:s7+$0xFFFFFFA0] =	vst v4  }
0x3a0: {  	v2 =	vld [tilespmem:s24+$0xFFFFFFF0];
	[tilespmem:s7+$0xFFFFFFB0] =	vst v5  }
0x3a1: {  	v5 =	vld [tilespmem:s6+$0x20];
	[tilespmem:s7+$0xFFFFFFC0] =	vst v6  }
0x3a2: {  	s8 =	simm.s32 $0x0;
	s10 =	simm.s32 $0x1F0;
	v4 =	vld [tilespmem:s24+$0xFFFFFF90];
	v6 =	vadd.f32 v10, v9;
	s23 =	rddreg [dreg:$0x1e]  }
.LBB2_84:
0x3a3: {  	v7 =	vld [tilespmem:s10+$0x0];
	s6 =	sadd.s32 $0x80, s6  }
0x3a4: {  	s8 =	sadd.s32 $0x8, s8;
	v8 =	vld [tilespmem:s6+$0x30];
	[tilespmem:s7+$0xFFFFFFD0] =	vst v6;
	v1 =	vadd.f32 v3, v1  }
0x3a5: {  	p0 =	slt.u32 s8, $0x3F8;
	v3 =	vld [tilespmem:s6+$0xFFFFFFC0]  }
0x3a6: {  	v6 =	vld [tilespmem:s10+$0xFFFFFFA0];
	[tilespmem:s7+$0xFFFFFFE0] =	vst v1;
	v1 =	vadd.f32 v5, v2  }
0x3a7: {  	v2 =	vld [tilespmem:s6+$0xFFFFFFD0];
	v9 =	vadd.f32 v0, v4  }
0x3a8: {  	v4 =	vld [tilespmem:s10+$0xFFFFFFB0];
	[tilespmem:s7+$0xFFFFFFF0] =	vst v1  }
0x3a9: {  	v1 =	vld [tilespmem:s6+$0xFFFFFFE0];
	v5 =	vadd.f32 v8, v7;
	[tilespmem:s7+$0xFFFFFF90] =	vst v9  }
0x3aa: {  	s7 =	sadd.s32 $0x100, s7;
	v7 =	vld [tilespmem:s10+$0xFFFFFFC0];
	v0 =	vmov v3  }
0x3ab: {  	v8 =	vld [tilespmem:s6+$0xFFFFFFF0];
	[tilespmem:s7+$0x0] =	vst v5  }
0x3ac: {  	v2 =	vadd.f32 v2, v6;
	v6 =	vld [tilespmem:s10+$0xFFFFFFD0]  }
0x3ad: {  	v9 =	vld [tilespmem:s6+$0x0]  }
.Ltmp41:
0x3ae: {  	[tilespmem:s7+$0xFFFFFFA0] =	vst v2;
	v2 =	vadd.f32 v1, v4;
	v1 =	vld [tilespmem:s10+$0xFFFFFFE0];
	(pc) =	sbr.rel @p0 .LBB2_84-.Ltmp41, $4  }
0x3af: {  	v3 =	vld [tilespmem:s6+$0x10]  }
0x3b0: {  	[tilespmem:s7+$0xFFFFFFB0] =	vst v2;
	v7 =	vadd.f32 v8, v7;
	v2 =	vld [tilespmem:s10+$0xFFFFFFF0]  }
0x3b1: {  	v5 =	vld [tilespmem:s6+$0x20]  }
0x3b2: {  	v4 =	vld [tilespmem:s10+$0xFFFFFF90];
	[tilespmem:s7+$0xFFFFFFC0] =	vst v7;
	v6 =	vadd.f32 v9, v6;
	s10 =	sadd.s32 $0x100, s10  }
0x3b3: {  	_ =	sdelay $0x1  }
0x3b4: {  	v1 =	vadd.f32 v3, v1  }
0x3b5: {  	[tilespmem:s7+$0xFFFFFFD0] =	vst v6;
	v2 =	vadd.f32 v5, v2  }
0x3b6: {  	[tilespmem:s7+$0xFFFFFFE0] =	vst v1;
	v0 =	vadd.f32 v0, v4  }
0x3b7: {  	[tilespmem:s7+$0xFFFFFFF0] =	vst v2  }
0x3b8: {  	[tilespmem:s7+$0xFFFFFF90] =	vst v0  }
0x3b9: {  	s6 =	simm.s32 $0x8080;
	s24 =	rddreg [dreg:$0x1f]  }
0x3ba: {  	s8 =	simm.s32 $0x8180;
	s7 =	simm.s32 $0x10;
	s10 =	sadd.s32 $0x0, s24  }
.LBB2_86:
0x3bb: {  	[hbm4b:s10+s1] =	stream.linear.scatter [tilespmem:s6], [sflag:$0x4], $0x80, $0x38;
	[tilespmem:$0x14000] =	vst v63  }
0x3bc: {  	s10 =	smov.u32 s7;
	s6 =	smov.u32 s8;
	p0 =	sne.s32 s7, $0x7F0  }
.Ltmp42:
0x3bd: {  	s7 =	sadd.s32 $0x10, s7;
	(pc) =	sbr.rel @p0 .LBB2_86-.Ltmp42, $2  }
0x3be: {  	_ =	sdelay $0x2  }
0x3bf: {  	s8 =	sadd.s32 $0x100, s8;
	s10 =	sadd.s32 s10, s24  }
0x3c0: {  	[hbm4b:s10+s1] =	stream.linear.scatter [tilespmem:s6], [sflag:$0x4], $0x80, $0x38;
	[tilespmem:$0x14000] =	vst v63  }
0x3c1: {  	s6 =	simm.s32 $0x80  }
0x3c2: {  	s7 =	simm.s32 $0x10;
	s10 =	sadd.s32 $0x0, s25;
	s8 =	simm.s32 $0x180  }
.LBB2_88:
0x3c3: {  	[tilespmem:s6], [sflag:$0x2] =	stream.linear.gather [hbm4b:s10+s1], $0x80, $0x38;
	[tilespmem:$0x14000] =	vst v63  }
0x3c4: {  	s10 =	smov.u32 s7;
	s6 =	smov.u32 s8;
	p0 =	sne.s32 s7, $0x7F0  }
.Ltmp43:
0x3c5: {  	s7 =	sadd.s32 $0x10, s7;
	(pc) =	sbr.rel @p0 .LBB2_88-.Ltmp43, $2  }
0x3c6: {  	_ =	sdelay $0x2  }
0x3c7: {  	s8 =	sadd.s32 $0x100, s8;
	s10 =	sadd.s32 s10, s25  }
0x3c8: {  	[tilespmem:s6], [sflag:$0x2] =	stream.linear.gather [hbm4b:s10+s1], $0x80, $0x38;
	[tilespmem:$0x14000] =	vst v63  }
0x3c9: {  	s19 =	simm.s32 $0x1  }
0x3ca: {  	_ =	swait.ge [sflag:s19], $0x4000  }
0x3cb: {  	[sflag:s19] =	ssyncset.done $0x0  }
0x3cc: {  	s24 =	simm.s32 $0x3;
	[sflag:s19] =	ssyncadd.s32 $0xFFFFC000  }
0x3cd: {  	_ =	swait.ge [sflag:s24], $0x4000  }
0x3ce: {  	[sflag:s24] =	ssyncset.done $0x0  }
0x3cf: {  	s25 =	simm.s32 $0x40;
	[sflag:s24] =	ssyncadd.s32 $0xFFFFC000  }
0x3d0: {  	s6 =	simm.s32 $0x10040;
	v1 =	vld [tilespmem:s25+$0x30]  }
0x3d1: {  	v2 =	vld [tilespmem:s6+$0x30]  }
0x3d2: {  	v3 =	vld [tilespmem:s25+$0xFFFFFFD0]  }
0x3d3: {  	v4 =	vld [tilespmem:s6+$0xFFFFFFD0]  }
0x3d4: {  	v5 =	vld [tilespmem:s25+$0xFFFFFFE0]  }
0x3d5: {  	v6 =	vld [tilespmem:s6+$0xFFFFFFE0]  }
0x3d6: {  	v7 =	vld [tilespmem:s25+$0xFFFFFFF0]  }
0x3d7: {  	v8 =	vld [tilespmem:s6+$0xFFFFFFF0]  }
0x3d8: {  	v0 =	vld [tilespmem:s6+$0xFFFFFFC0]  }
0x3d9: {  	v9 =	vld [tilespmem:s25+$0x0];
	v2 =	vadd.f32 v2, v1  }
0x3da: {  	s7 =	simm.s32 $0x8040;
	v10 =	vld [tilespmem:s6+$0x0];
	v4 =	vadd.f32 v4, v3  }
0x3db: {  	v1 =	vld [tilespmem:s25+$0x10];
	v5 =	vadd.f32 v6, v5;
	[tilespmem:s7+$0x30] =	vst v2  }
0x3dc: {  	v3 =	vld [tilespmem:s6+$0x10];
	v6 =	vadd.f32 v8, v7;
	[tilespmem:s7+$0xFFFFFFD0] =	vst v4  }
0x3dd: {  	v2 =	vld [tilespmem:s25+$0x20];
	[tilespmem:s7+$0xFFFFFFE0] =	vst v5  }
0x3de: {  	v5 =	vld [tilespmem:s6+$0x20];
	[tilespmem:s7+$0xFFFFFFF0] =	vst v6  }
0x3df: {  	s8 =	simm.s32 $0x0;
	s10 =	simm.s32 $0x140;
	v4 =	vld [tilespmem:s25+$0xFFFFFFC0];
	v6 =	vadd.f32 v10, v9;
	s24 =	sld [smem:$0x7F0]  }
.LBB2_90:
0x3e0: {  	v7 =	vld [tilespmem:s10+$0x30];
	s6 =	sadd.s32 $0x80, s6  }
0x3e1: {  	s8 =	sadd.s32 $0x8, s8;
	v8 =	vld [tilespmem:s6+$0x30];
	[tilespmem:s7+$0x0] =	vst v6;
	v1 =	vadd.f32 v3, v1  }
0x3e2: {  	p0 =	slt.u32 s8, $0x3F8;
	v3 =	vld [tilespmem:s6+$0xFFFFFFC0]  }
0x3e3: {  	v6 =	vld [tilespmem:s10+$0xFFFFFFD0];
	[tilespmem:s7+$0x10] =	vst v1;
	v1 =	vadd.f32 v5, v2  }
0x3e4: {  	v2 =	vld [tilespmem:s6+$0xFFFFFFD0];
	v9 =	vadd.f32 v0, v4  }
0x3e5: {  	v4 =	vld [tilespmem:s10+$0xFFFFFFE0];
	[tilespmem:s7+$0x20] =	vst v1  }
0x3e6: {  	v1 =	vld [tilespmem:s6+$0xFFFFFFE0];
	v5 =	vadd.f32 v8, v7;
	[tilespmem:s7+$0xFFFFFFC0] =	vst v9  }
0x3e7: {  	s7 =	sadd.s32 $0x100, s7;
	v7 =	vld [tilespmem:s10+$0xFFFFFFF0];
	v0 =	vmov v3  }
0x3e8: {  	v8 =	vld [tilespmem:s6+$0xFFFFFFF0];
	[tilespmem:s7+$0x30] =	vst v5  }
0x3e9: {  	v2 =	vadd.f32 v2, v6;
	v6 =	vld [tilespmem:s10+$0x0]  }
0x3ea: {  	v9 =	vld [tilespmem:s6+$0x0]  }
.Ltmp44:
0x3eb: {  	[tilespmem:s7+$0xFFFFFFD0] =	vst v2;
	v2 =	vadd.f32 v1, v4;
	v1 =	vld [tilespmem:s10+$0x10];
	(pc) =	sbr.rel @p0 .LBB2_90-.Ltmp44, $4  }
0x3ec: {  	v3 =	vld [tilespmem:s6+$0x10]  }
0x3ed: {  	[tilespmem:s7+$0xFFFFFFE0] =	vst v2;
	v7 =	vadd.f32 v8, v7;
	v2 =	vld [tilespmem:s10+$0x20]  }
0x3ee: {  	v5 =	vld [tilespmem:s6+$0x20]  }
0x3ef: {  	v4 =	vld [tilespmem:s10+$0xFFFFFFC0];
	[tilespmem:s7+$0xFFFFFFF0] =	vst v7;
	v6 =	vadd.f32 v9, v6;
	s10 =	sadd.s32 $0x100, s10  }
0x3f0: {  	_ =	sdelay $0x1  }
0x3f1: {  	v1 =	vadd.f32 v3, v1  }
0x3f2: {  	[tilespmem:s7+$0x0] =	vst v6;
	v2 =	vadd.f32 v5, v2  }
0x3f3: {  	[tilespmem:s7+$0x10] =	vst v1;
	v0 =	vadd.f32 v0, v4  }
0x3f4: {  	[tilespmem:s7+$0x20] =	vst v2  }
0x3f5: {  	[tilespmem:s7+$0xFFFFFFC0] =	vst v0  }
0x3f6: {  	s25 =	sld [smem:$0x7D1];
	_ =	sdelay $0x1  }
0x3f7: {  	s6 =	simm.s32 $0x8000  }
0x3f8: {  	s8 =	simm.s32 $0x8100;
	s7 =	simm.s32 $0x10;
	s10 =	sadd.s32 $0x0, s25  }
.LBB2_92:
0x3f9: {  	[hbm4b:s10+s1] =	stream.linear.scatter [tilespmem:s6], [sflag:$0x3], $0x80, $0x38;
	[tilespmem:$0x14000] =	vst v63  }
0x3fa: {  	s10 =	smov.u32 s7;
	s6 =	smov.u32 s8;
	p0 =	sne.s32 s7, $0x7F0  }
.Ltmp45:
0x3fb: {  	s7 =	sadd.s32 $0x10, s7;
	(pc) =	sbr.rel @p0 .LBB2_92-.Ltmp45, $2  }
0x3fc: {  	_ =	sdelay $0x2  }
0x3fd: {  	s8 =	sadd.s32 $0x100, s8;
	s10 =	sadd.s32 s10, s25  }
0x3fe: {  	[hbm4b:s10+s1] =	stream.linear.scatter [tilespmem:s6], [sflag:$0x3], $0x80, $0x38;
	[tilespmem:$0x14000] =	vst v63  }
0x3ff: {  	s6 =	simm.s32 $0x0  }
0x400: {  	s7 =	simm.s32 $0x10;
	s10 =	sadd.s32 $0x0, s26;
	s8 =	simm.s32 $0x100  }
.LBB2_94:
0x401: {  	[tilespmem:s6], [sflag:$0x1] =	stream.linear.gather [hbm4b:s10+s1], $0x80, $0x38;
	[tilespmem:$0x14000] =	vst v63  }
0x402: {  	s10 =	smov.u32 s7;
	s6 =	smov.u32 s8;
	p0 =	sne.s32 s7, $0x7F0  }
.Ltmp46:
0x403: {  	s7 =	sadd.s32 $0x10, s7;
	(pc) =	sbr.rel @p0 .LBB2_94-.Ltmp46, $2  }
0x404: {  	_ =	sdelay $0x2  }
0x405: {  	s8 =	sadd.s32 $0x100, s8;
	s10 =	sadd.s32 s10, s26  }
0x406: {  	[tilespmem:s6], [sflag:$0x1] =	stream.linear.gather [hbm4b:s10+s1], $0x80, $0x38;
	[tilespmem:$0x14000] =	vst v63  }
0x407: {  	s19 =	simm.s32 $0x2  }
0x408: {  	_ =	swait.ge [sflag:s19], $0x4000  }
0x409: {  	[sflag:s19] =	ssyncset.done $0x0  }
0x40a: {  	s25 =	simm.s32 $0x4;
	[sflag:s19] =	ssyncadd.s32 $0xFFFFC000  }
0x40b: {  	_ =	swait.ge [sflag:s25], $0x4000  }
0x40c: {  	[sflag:s25] =	ssyncset.done $0x0  }
0x40d: {  	s26 =	simm.s32 $0xF0;
	[sflag:s25] =	ssyncadd.s32 $0xFFFFC000  }
0x40e: {  	s6 =	simm.s32 $0x10040;
	v1 =	vld [tilespmem:s26+$0x0]  }
0x40f: {  	v2 =	vld [tilespmem:s6+$0x30]  }
0x410: {  	v3 =	vld [tilespmem:s26+$0xFFFFFFA0]  }
0x411: {  	v4 =	vld [tilespmem:s6+$0xFFFFFFD0]  }
0x412: {  	v5 =	vld [tilespmem:s26+$0xFFFFFFB0]  }
0x413: {  	v6 =	vld [tilespmem:s6+$0xFFFFFFE0]  }
0x414: {  	v7 =	vld [tilespmem:s26+$0xFFFFFFC0]  }
0x415: {  	v8 =	vld [tilespmem:s6+$0xFFFFFFF0]  }
0x416: {  	v0 =	vld [tilespmem:s6+$0xFFFFFFC0]  }
0x417: {  	v9 =	vld [tilespmem:s26+$0xFFFFFFD0];
	v2 =	vadd.f32 v2, v1  }
0x418: {  	s7 =	simm.s32 $0x80F0;
	v10 =	vld [tilespmem:s6+$0x0];
	v4 =	vadd.f32 v4, v3  }
0x419: {  	v1 =	vld [tilespmem:s26+$0xFFFFFFE0];
	v5 =	vadd.f32 v6, v5;
	[tilespmem:s7+$0x0] =	vst v2  }
0x41a: {  	v3 =	vld [tilespmem:s6+$0x10];
	v6 =	vadd.f32 v8, v7;
	[tilespmem:s7+$0xFFFFFFA0] =	vst v4  }
0x41b: {  	v2 =	vld [tilespmem:s26+$0xFFFFFFF0];
	[tilespmem:s7+$0xFFFFFFB0] =	vst v5  }
0x41c: {  	v5 =	vld [tilespmem:s6+$0x20];
	[tilespmem:s7+$0xFFFFFFC0] =	vst v6  }
0x41d: {  	s8 =	simm.s32 $0x0;
	s10 =	simm.s32 $0x1F0;
	v4 =	vld [tilespmem:s26+$0xFFFFFF90];
	v6 =	vadd.f32 v10, v9;
	s25 =	sld [smem:$0x7F1]  }
.LBB2_96:
0x41e: {  	v7 =	vld [tilespmem:s10+$0x0];
	s6 =	sadd.s32 $0x80, s6  }
0x41f: {  	s8 =	sadd.s32 $0x8, s8;
	v8 =	vld [tilespmem:s6+$0x30];
	[tilespmem:s7+$0xFFFFFFD0] =	vst v6;
	v1 =	vadd.f32 v3, v1  }
0x420: {  	p0 =	slt.u32 s8, $0x3F8;
	v3 =	vld [tilespmem:s6+$0xFFFFFFC0]  }
0x421: {  	v6 =	vld [tilespmem:s10+$0xFFFFFFA0];
	[tilespmem:s7+$0xFFFFFFE0] =	vst v1;
	v1 =	vadd.f32 v5, v2  }
0x422: {  	v2 =	vld [tilespmem:s6+$0xFFFFFFD0];
	v9 =	vadd.f32 v0, v4  }
0x423: {  	v4 =	vld [tilespmem:s10+$0xFFFFFFB0];
	[tilespmem:s7+$0xFFFFFFF0] =	vst v1  }
0x424: {  	v1 =	vld [tilespmem:s6+$0xFFFFFFE0];
	v5 =	vadd.f32 v8, v7;
	[tilespmem:s7+$0xFFFFFF90] =	vst v9  }
0x425: {  	s7 =	sadd.s32 $0x100, s7;
	v7 =	vld [tilespmem:s10+$0xFFFFFFC0];
	v0 =	vmov v3  }
0x426: {  	v8 =	vld [tilespmem:s6+$0xFFFFFFF0];
	[tilespmem:s7+$0x0] =	vst v5  }
0x427: {  	v2 =	vadd.f32 v2, v6;
	v6 =	vld [tilespmem:s10+$0xFFFFFFD0]  }
0x428: {  	v9 =	vld [tilespmem:s6+$0x0]  }
.Ltmp47:
0x429: {  	[tilespmem:s7+$0xFFFFFFA0] =	vst v2;
	v2 =	vadd.f32 v1, v4;
	v1 =	vld [tilespmem:s10+$0xFFFFFFE0];
	(pc) =	sbr.rel @p0 .LBB2_96-.Ltmp47, $4  }
0x42a: {  	v3 =	vld [tilespmem:s6+$0x10]  }
0x42b: {  	[tilespmem:s7+$0xFFFFFFB0] =	vst v2;
	v7 =	vadd.f32 v8, v7;
	v2 =	vld [tilespmem:s10+$0xFFFFFFF0]  }
0x42c: {  	v5 =	vld [tilespmem:s6+$0x20]  }
0x42d: {  	v4 =	vld [tilespmem:s10+$0xFFFFFF90];
	[tilespmem:s7+$0xFFFFFFC0] =	vst v7;
	v6 =	vadd.f32 v9, v6;
	s10 =	sadd.s32 $0x100, s10  }
0x42e: {  	_ =	sdelay $0x1  }
0x42f: {  	v1 =	vadd.f32 v3, v1  }
0x430: {  	[tilespmem:s7+$0xFFFFFFD0] =	vst v6;
	v2 =	vadd.f32 v5, v2  }
0x431: {  	[tilespmem:s7+$0xFFFFFFE0] =	vst v1;
	v0 =	vadd.f32 v0, v4  }
0x432: {  	[tilespmem:s7+$0xFFFFFFF0] =	vst v2  }
0x433: {  	[tilespmem:s7+$0xFFFFFF90] =	vst v0  }
0x434: {  	s26 =	sld [smem:$0x7D2];
	_ =	sdelay $0x1  }
0x435: {  	s6 =	simm.s32 $0x8080  }
0x436: {  	s8 =	simm.s32 $0x8180;
	s7 =	simm.s32 $0x10;
	s10 =	sadd.s32 $0x0, s26  }
.LBB2_98:
0x437: {  	[hbm4b:s10+s1] =	stream.linear.scatter [tilespmem:s6], [sflag:$0x4], $0x80, $0x38;
	[tilespmem:$0x14000] =	vst v63  }
0x438: {  	s10 =	smov.u32 s7;
	s6 =	smov.u32 s8;
	p0 =	sne.s32 s7, $0x7F0  }
.Ltmp48:
0x439: {  	s7 =	sadd.s32 $0x10, s7;
	(pc) =	sbr.rel @p0 .LBB2_98-.Ltmp48, $2  }
0x43a: {  	_ =	sdelay $0x2  }
0x43b: {  	s8 =	sadd.s32 $0x100, s8;
	s10 =	sadd.s32 s10, s26  }
0x43c: {  	s7 =	sld [smem:$0x7D3]  }
0x43d: {  	[hbm4b:s10+s1] =	stream.linear.scatter [tilespmem:s6], [sflag:$0x4], $0x80, $0x38;
	[tilespmem:$0x14000] =	vst v63  }
0x43e: {  	s19 =	simm.s32 $0x0;
	s8 =	simm.s32 $0x10000;
	s26 =	simm.s32 $0x5  }
0x43f: {  	[tilespmem:s8], [sflag:$0x5] =	stream.linear.gather [hbm4b:s7+s19], $0x4000, $0x38;
	[tilespmem:$0x14000] =	vst v63  }
0x440: {  	_ =	swait.ge [sflag:s26], $0x4000  }
0x441: {  	s6 =	simm.s32 $0x80;
	s10 =	sadd.s32 $0x0, s29;
	[sflag:s26] =	ssyncset.done $0x0  }
0x442: {  	s7 =	simm.s32 $0x10;
	s8 =	simm.s32 $0x180;
	[sflag:s26] =	ssyncadd.s32 $0xFFFFC000  }
.LBB2_100:
0x443: {  	[tilespmem:s6], [sflag:$0x2] =	stream.linear.gather [hbm4b:s10+s1], $0x80, $0x38;
	[tilespmem:$0x14000] =	vst v63  }
0x444: {  	s10 =	smov.u32 s7;
	s6 =	smov.u32 s8;
	p0 =	sne.s32 s7, $0x7F0  }
.Ltmp49:
0x445: {  	s7 =	sadd.s32 $0x10, s7;
	(pc) =	sbr.rel @p0 .LBB2_100-.Ltmp49, $2  }
0x446: {  	_ =	sdelay $0x2  }
0x447: {  	s8 =	sadd.s32 $0x100, s8;
	s10 =	sadd.s32 s10, s29  }
0x448: {  	[tilespmem:s6], [sflag:$0x2] =	stream.linear.gather [hbm4b:s10+s1], $0x80, $0x38;
	[tilespmem:$0x14000] =	vst v63  }
0x449: {  	s19 =	simm.s32 $0x1  }
0x44a: {  	_ =	swait.ge [sflag:s19], $0x4000  }
0x44b: {  	[sflag:s19] =	ssyncset.done $0x0  }
0x44c: {  	s26 =	simm.s32 $0x3;
	[sflag:s19] =	ssyncadd.s32 $0xFFFFC000  }
0x44d: {  	_ =	swait.ge [sflag:s26], $0x4000  }
0x44e: {  	[sflag:s26] =	ssyncset.done $0x0  }
0x44f: {  	s29 =	simm.s32 $0x40;
	[sflag:s26] =	ssyncadd.s32 $0xFFFFC000  }
0x450: {  	s6 =	simm.s32 $0x10040;
	v1 =	vld [tilespmem:s29+$0x30]  }
0x451: {  	v2 =	vld [tilespmem:s6+$0x30]  }
0x452: {  	v3 =	vld [tilespmem:s29+$0xFFFFFFD0]  }
0x453: {  	v4 =	vld [tilespmem:s6+$0xFFFFFFD0]  }
0x454: {  	v5 =	vld [tilespmem:s29+$0xFFFFFFE0]  }
0x455: {  	v6 =	vld [tilespmem:s6+$0xFFFFFFE0]  }
0x456: {  	v7 =	vld [tilespmem:s29+$0xFFFFFFF0]  }
0x457: {  	v8 =	vld [tilespmem:s6+$0xFFFFFFF0]  }
0x458: {  	v0 =	vld [tilespmem:s6+$0xFFFFFFC0]  }
0x459: {  	v9 =	vld [tilespmem:s29+$0x0];
	v2 =	vadd.f32 v2, v1  }
0x45a: {  	s7 =	simm.s32 $0x8040;
	v10 =	vld [tilespmem:s6+$0x0];
	v4 =	vadd.f32 v4, v3  }
0x45b: {  	v1 =	vld [tilespmem:s29+$0x10];
	v5 =	vadd.f32 v6, v5;
	[tilespmem:s7+$0x30] =	vst v2  }
0x45c: {  	v3 =	vld [tilespmem:s6+$0x10];
	v6 =	vadd.f32 v8, v7;
	[tilespmem:s7+$0xFFFFFFD0] =	vst v4  }
0x45d: {  	v2 =	vld [tilespmem:s29+$0x20];
	[tilespmem:s7+$0xFFFFFFE0] =	vst v5  }
0x45e: {  	v5 =	vld [tilespmem:s6+$0x20];
	[tilespmem:s7+$0xFFFFFFF0] =	vst v6  }
0x45f: {  	s8 =	simm.s32 $0x0;
	s10 =	simm.s32 $0x140;
	v4 =	vld [tilespmem:s29+$0xFFFFFFC0];
	v6 =	vadd.f32 v10, v9;
	s26 =	sld [smem:$0x7F2]  }
.LBB2_102:
0x460: {  	v7 =	vld [tilespmem:s10+$0x30];
	s6 =	sadd.s32 $0x80, s6  }
0x461: {  	s8 =	sadd.s32 $0x8, s8;
	v8 =	vld [tilespmem:s6+$0x30];
	[tilespmem:s7+$0x0] =	vst v6;
	v1 =	vadd.f32 v3, v1  }
0x462: {  	p0 =	slt.u32 s8, $0x3F8;
	v3 =	vld [tilespmem:s6+$0xFFFFFFC0]  }
0x463: {  	v6 =	vld [tilespmem:s10+$0xFFFFFFD0];
	[tilespmem:s7+$0x10] =	vst v1;
	v1 =	vadd.f32 v5, v2  }
0x464: {  	v2 =	vld [tilespmem:s6+$0xFFFFFFD0];
	v9 =	vadd.f32 v0, v4  }
0x465: {  	v4 =	vld [tilespmem:s10+$0xFFFFFFE0];
	[tilespmem:s7+$0x20] =	vst v1  }
0x466: {  	v1 =	vld [tilespmem:s6+$0xFFFFFFE0];
	v5 =	vadd.f32 v8, v7;
	[tilespmem:s7+$0xFFFFFFC0] =	vst v9  }
0x467: {  	s7 =	sadd.s32 $0x100, s7;
	v7 =	vld [tilespmem:s10+$0xFFFFFFF0];
	v0 =	vmov v3  }
0x468: {  	v8 =	vld [tilespmem:s6+$0xFFFFFFF0];
	[tilespmem:s7+$0x30] =	vst v5  }
0x469: {  	v2 =	vadd.f32 v2, v6;
	v6 =	vld [tilespmem:s10+$0x0]  }
0x46a: {  	v9 =	vld [tilespmem:s6+$0x0]  }
.Ltmp50:
0x46b: {  	[tilespmem:s7+$0xFFFFFFD0] =	vst v2;
	v2 =	vadd.f32 v1, v4;
	v1 =	vld [tilespmem:s10+$0x10];
	(pc) =	sbr.rel @p0 .LBB2_102-.Ltmp50, $4  }
0x46c: {  	v3 =	vld [tilespmem:s6+$0x10]  }
0x46d: {  	[tilespmem:s7+$0xFFFFFFE0] =	vst v2;
	v7 =	vadd.f32 v8, v7;
	v2 =	vld [tilespmem:s10+$0x20]  }
0x46e: {  	v5 =	vld [tilespmem:s6+$0x20]  }
0x46f: {  	v4 =	vld [tilespmem:s10+$0xFFFFFFC0];
	[tilespmem:s7+$0xFFFFFFF0] =	vst v7;
	v6 =	vadd.f32 v9, v6;
	s10 =	sadd.s32 $0x100, s10  }
0x470: {  	_ =	sdelay $0x1  }
0x471: {  	v1 =	vadd.f32 v3, v1  }
0x472: {  	[tilespmem:s7+$0x0] =	vst v6;
	v2 =	vadd.f32 v5, v2  }
0x473: {  	[tilespmem:s7+$0x10] =	vst v1;
	v0 =	vadd.f32 v0, v4  }
0x474: {  	[tilespmem:s7+$0x20] =	vst v2  }
0x475: {  	[tilespmem:s7+$0xFFFFFFC0] =	vst v0  }
0x476: {  	s29 =	sld [smem:$0x7D4];
	_ =	sdelay $0x1  }
0x477: {  	s6 =	simm.s32 $0x8000  }
0x478: {  	s8 =	simm.s32 $0x8100;
	s7 =	simm.s32 $0x10;
	s10 =	sadd.s32 $0x0, s29  }
.LBB2_104:
0x479: {  	[hbm4b:s10+s1] =	stream.linear.scatter [tilespmem:s6], [sflag:$0x3], $0x80, $0x38;
	[tilespmem:$0x14000] =	vst v63  }
0x47a: {  	s10 =	smov.u32 s7;
	s6 =	smov.u32 s8;
	p0 =	sne.s32 s7, $0x7F0  }
.Ltmp51:
0x47b: {  	s7 =	sadd.s32 $0x10, s7;
	(pc) =	sbr.rel @p0 .LBB2_104-.Ltmp51, $2  }
0x47c: {  	_ =	sdelay $0x2  }
0x47d: {  	s8 =	sadd.s32 $0x100, s8;
	s10 =	sadd.s32 s10, s29  }
0x47e: {  	[hbm4b:s10+s1] =	stream.linear.scatter [tilespmem:s6], [sflag:$0x3], $0x80, $0x38;
	[tilespmem:$0x14000] =	vst v63  }
0x47f: {  	s6 =	simm.s32 $0x0  }
0x480: {  	s7 =	simm.s32 $0x10;
	s10 =	sadd.s32 $0x0, s30;
	s8 =	simm.s32 $0x100  }
.LBB2_106:
0x481: {  	[tilespmem:s6], [sflag:$0x1] =	stream.linear.gather [hbm4b:s10+s1], $0x80, $0x38;
	[tilespmem:$0x14000] =	vst v63  }
0x482: {  	s10 =	smov.u32 s7;
	s6 =	smov.u32 s8;
	p0 =	sne.s32 s7, $0x7F0  }
.Ltmp52:
0x483: {  	s7 =	sadd.s32 $0x10, s7;
	(pc) =	sbr.rel @p0 .LBB2_106-.Ltmp52, $2  }
0x484: {  	_ =	sdelay $0x2  }
0x485: {  	s8 =	sadd.s32 $0x100, s8;
	s10 =	sadd.s32 s10, s30  }
0x486: {  	[tilespmem:s6], [sflag:$0x1] =	stream.linear.gather [hbm4b:s10+s1], $0x80, $0x38;
	[tilespmem:$0x14000] =	vst v63  }
0x487: {  	s17 =	simm.s32 $0x2  }
0x488: {  	_ =	swait.ge [sflag:s17], $0x4000  }
0x489: {  	[sflag:s17] =	ssyncset.done $0x0  }
0x48a: {  	s19 =	simm.s32 $0x4;
	[sflag:s17] =	ssyncadd.s32 $0xFFFFC000  }
0x48b: {  	_ =	swait.ge [sflag:s19], $0x4000  }
0x48c: {  	[sflag:s19] =	ssyncset.done $0x0  }
0x48d: {  	s30 =	simm.s32 $0xF0;
	[sflag:s19] =	ssyncadd.s32 $0xFFFFC000  }
0x48e: {  	s6 =	simm.s32 $0x10040;
	v1 =	vld [tilespmem:s30+$0x0]  }
0x48f: {  	v2 =	vld [tilespmem:s6+$0x30]  }
0x490: {  	v3 =	vld [tilespmem:s30+$0xFFFFFFA0]  }
0x491: {  	v4 =	vld [tilespmem:s6+$0xFFFFFFD0]  }
0x492: {  	v5 =	vld [tilespmem:s30+$0xFFFFFFB0]  }
0x493: {  	v6 =	vld [tilespmem:s6+$0xFFFFFFE0]  }
0x494: {  	v7 =	vld [tilespmem:s30+$0xFFFFFFC0]  }
0x495: {  	v8 =	vld [tilespmem:s6+$0xFFFFFFF0]  }
0x496: {  	v0 =	vld [tilespmem:s6+$0xFFFFFFC0]  }
0x497: {  	v9 =	vld [tilespmem:s30+$0xFFFFFFD0];
	v2 =	vadd.f32 v2, v1  }
0x498: {  	s7 =	simm.s32 $0x80F0;
	v10 =	vld [tilespmem:s6+$0x0];
	v4 =	vadd.f32 v4, v3  }
0x499: {  	v1 =	vld [tilespmem:s30+$0xFFFFFFE0];
	v5 =	vadd.f32 v6, v5;
	[tilespmem:s7+$0x0] =	vst v2  }
0x49a: {  	v3 =	vld [tilespmem:s6+$0x10];
	v6 =	vadd.f32 v8, v7;
	[tilespmem:s7+$0xFFFFFFA0] =	vst v4  }
0x49b: {  	v2 =	vld [tilespmem:s30+$0xFFFFFFF0];
	[tilespmem:s7+$0xFFFFFFB0] =	vst v5  }
0x49c: {  	v5 =	vld [tilespmem:s6+$0x20];
	[tilespmem:s7+$0xFFFFFFC0] =	vst v6  }
0x49d: {  	s8 =	simm.s32 $0x0;
	s10 =	simm.s32 $0x1F0;
	v4 =	vld [tilespmem:s30+$0xFFFFFF90];
	v6 =	vadd.f32 v10, v9;
	s29 =	sld [smem:$0x7F3]  }
.LBB2_108:
0x49e: {  	v7 =	vld [tilespmem:s10+$0x0];
	s6 =	sadd.s32 $0x80, s6  }
0x49f: {  	s8 =	sadd.s32 $0x8, s8;
	v8 =	vld [tilespmem:s6+$0x30];
	[tilespmem:s7+$0xFFFFFFD0] =	vst v6;
	v1 =	vadd.f32 v3, v1  }
0x4a0: {  	p0 =	slt.u32 s8, $0x3F8;
	v3 =	vld [tilespmem:s6+$0xFFFFFFC0]  }
0x4a1: {  	v6 =	vld [tilespmem:s10+$0xFFFFFFA0];
	[tilespmem:s7+$0xFFFFFFE0] =	vst v1;
	v1 =	vadd.f32 v5, v2  }
0x4a2: {  	v2 =	vld [tilespmem:s6+$0xFFFFFFD0];
	v9 =	vadd.f32 v0, v4  }
0x4a3: {  	v4 =	vld [tilespmem:s10+$0xFFFFFFB0];
	[tilespmem:s7+$0xFFFFFFF0] =	vst v1  }
0x4a4: {  	v1 =	vld [tilespmem:s6+$0xFFFFFFE0];
	v5 =	vadd.f32 v8, v7;
	[tilespmem:s7+$0xFFFFFF90] =	vst v9  }
0x4a5: {  	s7 =	sadd.s32 $0x100, s7;
	v7 =	vld [tilespmem:s10+$0xFFFFFFC0];
	v0 =	vmov v3  }
0x4a6: {  	v8 =	vld [tilespmem:s6+$0xFFFFFFF0];
	[tilespmem:s7+$0x0] =	vst v5  }
0x4a7: {  	v2 =	vadd.f32 v2, v6;
	v6 =	vld [tilespmem:s10+$0xFFFFFFD0]  }
0x4a8: {  	v9 =	vld [tilespmem:s6+$0x0]  }
.Ltmp53:
0x4a9: {  	[tilespmem:s7+$0xFFFFFFA0] =	vst v2;
	v2 =	vadd.f32 v1, v4;
	v1 =	vld [tilespmem:s10+$0xFFFFFFE0];
	(pc) =	sbr.rel @p0 .LBB2_108-.Ltmp53, $4  }
0x4aa: {  	v3 =	vld [tilespmem:s6+$0x10]  }
0x4ab: {  	[tilespmem:s7+$0xFFFFFFB0] =	vst v2;
	v7 =	vadd.f32 v8, v7;
	v2 =	vld [tilespmem:s10+$0xFFFFFFF0]  }
0x4ac: {  	v5 =	vld [tilespmem:s6+$0x20]  }
0x4ad: {  	v4 =	vld [tilespmem:s10+$0xFFFFFF90];
	[tilespmem:s7+$0xFFFFFFC0] =	vst v7;
	v6 =	vadd.f32 v9, v6;
	s10 =	sadd.s32 $0x100, s10  }
0x4ae: {  	_ =	sdelay $0x1  }
0x4af: {  	v1 =	vadd.f32 v3, v1  }
0x4b0: {  	[tilespmem:s7+$0xFFFFFFD0] =	vst v6;
	v2 =	vadd.f32 v5, v2  }
0x4b1: {  	[tilespmem:s7+$0xFFFFFFE0] =	vst v1;
	v0 =	vadd.f32 v0, v4  }
0x4b2: {  	[tilespmem:s7+$0xFFFFFFF0] =	vst v2  }
0x4b3: {  	[tilespmem:s7+$0xFFFFFF90] =	vst v0  }
0x4b4: {  	s30 =	sld [smem:$0x7D5];
	_ =	sdelay $0x1  }
0x4b5: {  	s6 =	simm.s32 $0x8080  }
0x4b6: {  	s8 =	simm.s32 $0x8180;
	s7 =	simm.s32 $0x10;
	s10 =	sadd.s32 $0x0, s30  }
.LBB2_110:
0x4b7: {  	[hbm4b:s10+s1] =	stream.linear.scatter [tilespmem:s6], [sflag:$0x4], $0x80, $0x38;
	[tilespmem:$0x14000] =	vst v63  }
0x4b8: {  	s10 =	smov.u32 s7;
	s6 =	smov.u32 s8;
	p0 =	sne.s32 s7, $0x7F0  }
.Ltmp54:
0x4b9: {  	s7 =	sadd.s32 $0x10, s7;
	(pc) =	sbr.rel @p0 .LBB2_110-.Ltmp54, $2  }
0x4ba: {  	_ =	sdelay $0x2  }
0x4bb: {  	s8 =	sadd.s32 $0x100, s8;
	s10 =	sadd.s32 s10, s30  }
0x4bc: {  	[hbm4b:s10+s1] =	stream.linear.scatter [tilespmem:s6], [sflag:$0x4], $0x80, $0x38;
	[tilespmem:$0x14000] =	vst v63  }
0x4bd: {  	s6 =	simm.s32 $0x80  }
0x4be: {  	s7 =	simm.s32 $0x10;
	s10 =	sadd.s32 $0x0, s31;
	s8 =	simm.s32 $0x180  }
.LBB2_112:
0x4bf: {  	[tilespmem:s6], [sflag:$0x2] =	stream.linear.gather [hbm4b:s10+s1], $0x80, $0x38;
	[tilespmem:$0x14000] =	vst v63  }
0x4c0: {  	s10 =	smov.u32 s7;
	s6 =	smov.u32 s8;
	p0 =	sne.s32 s7, $0x7F0  }
.Ltmp55:
0x4c1: {  	s7 =	sadd.s32 $0x10, s7;
	(pc) =	sbr.rel @p0 .LBB2_112-.Ltmp55, $2  }
0x4c2: {  	_ =	sdelay $0x2  }
0x4c3: {  	s8 =	sadd.s32 $0x100, s8;
	s10 =	sadd.s32 s10, s31  }
0x4c4: {  	[tilespmem:s6], [sflag:$0x2] =	stream.linear.gather [hbm4b:s10+s1], $0x80, $0x38;
	[tilespmem:$0x14000] =	vst v63  }
0x4c5: {  	s17 =	simm.s32 $0x1  }
0x4c6: {  	_ =	swait.ge [sflag:s17], $0x4000  }
0x4c7: {  	[sflag:s17] =	ssyncset.done $0x0  }
0x4c8: {  	s19 =	simm.s32 $0x3;
	[sflag:s17] =	ssyncadd.s32 $0xFFFFC000  }
0x4c9: {  	_ =	swait.ge [sflag:s19], $0x4000  }
0x4ca: {  	[sflag:s19] =	ssyncset.done $0x0  }
0x4cb: {  	s31 =	simm.s32 $0x40;
	[sflag:s19] =	ssyncadd.s32 $0xFFFFC000  }
0x4cc: {  	s6 =	simm.s32 $0x10040;
	v1 =	vld [tilespmem:s31+$0x30]  }
0x4cd: {  	v2 =	vld [tilespmem:s6+$0x30]  }
0x4ce: {  	v3 =	vld [tilespmem:s31+$0xFFFFFFD0]  }
0x4cf: {  	v4 =	vld [tilespmem:s6+$0xFFFFFFD0]  }
0x4d0: {  	v5 =	vld [tilespmem:s31+$0xFFFFFFE0]  }
0x4d1: {  	v6 =	vld [tilespmem:s6+$0xFFFFFFE0]  }
0x4d2: {  	v7 =	vld [tilespmem:s31+$0xFFFFFFF0]  }
0x4d3: {  	v8 =	vld [tilespmem:s6+$0xFFFFFFF0]  }
0x4d4: {  	v0 =	vld [tilespmem:s6+$0xFFFFFFC0]  }
0x4d5: {  	v9 =	vld [tilespmem:s31+$0x0];
	v2 =	vadd.f32 v2, v1  }
0x4d6: {  	s7 =	simm.s32 $0x8040;
	v10 =	vld [tilespmem:s6+$0x0];
	v4 =	vadd.f32 v4, v3  }
0x4d7: {  	v1 =	vld [tilespmem:s31+$0x10];
	v5 =	vadd.f32 v6, v5;
	[tilespmem:s7+$0x30] =	vst v2  }
0x4d8: {  	v3 =	vld [tilespmem:s6+$0x10];
	v6 =	vadd.f32 v8, v7;
	[tilespmem:s7+$0xFFFFFFD0] =	vst v4  }
0x4d9: {  	v2 =	vld [tilespmem:s31+$0x20];
	[tilespmem:s7+$0xFFFFFFE0] =	vst v5  }
0x4da: {  	v5 =	vld [tilespmem:s6+$0x20];
	[tilespmem:s7+$0xFFFFFFF0] =	vst v6  }
0x4db: {  	s8 =	simm.s32 $0x0;
	s10 =	simm.s32 $0x140;
	v4 =	vld [tilespmem:s31+$0xFFFFFFC0];
	v6 =	vadd.f32 v10, v9;
	s30 =	sld [smem:$0x7F4]  }
.LBB2_114:
0x4dc: {  	v7 =	vld [tilespmem:s10+$0x30];
	s6 =	sadd.s32 $0x80, s6  }
0x4dd: {  	s8 =	sadd.s32 $0x8, s8;
	v8 =	vld [tilespmem:s6+$0x30];
	[tilespmem:s7+$0x0] =	vst v6;
	v1 =	vadd.f32 v3, v1  }
0x4de: {  	p0 =	slt.u32 s8, $0x3F8;
	v3 =	vld [tilespmem:s6+$0xFFFFFFC0]  }
0x4df: {  	v6 =	vld [tilespmem:s10+$0xFFFFFFD0];
	[tilespmem:s7+$0x10] =	vst v1;
	v1 =	vadd.f32 v5, v2  }
0x4e0: {  	v2 =	vld [tilespmem:s6+$0xFFFFFFD0];
	v9 =	vadd.f32 v0, v4  }
0x4e1: {  	v4 =	vld [tilespmem:s10+$0xFFFFFFE0];
	[tilespmem:s7+$0x20] =	vst v1  }
0x4e2: {  	v1 =	vld [tilespmem:s6+$0xFFFFFFE0];
	v5 =	vadd.f32 v8, v7;
	[tilespmem:s7+$0xFFFFFFC0] =	vst v9  }
0x4e3: {  	s7 =	sadd.s32 $0x100, s7;
	v7 =	vld [tilespmem:s10+$0xFFFFFFF0];
	v0 =	vmov v3  }
0x4e4: {  	v8 =	vld [tilespmem:s6+$0xFFFFFFF0];
	[tilespmem:s7+$0x30] =	vst v5  }
0x4e5: {  	v2 =	vadd.f32 v2, v6;
	v6 =	vld [tilespmem:s10+$0x0]  }
0x4e6: {  	v9 =	vld [tilespmem:s6+$0x0]  }
.Ltmp56:
0x4e7: {  	[tilespmem:s7+$0xFFFFFFD0] =	vst v2;
	v2 =	vadd.f32 v1, v4;
	v1 =	vld [tilespmem:s10+$0x10];
	(pc) =	sbr.rel @p0 .LBB2_114-.Ltmp56, $4  }
0x4e8: {  	v3 =	vld [tilespmem:s6+$0x10]  }
0x4e9: {  	[tilespmem:s7+$0xFFFFFFE0] =	vst v2;
	v7 =	vadd.f32 v8, v7;
	v2 =	vld [tilespmem:s10+$0x20]  }
0x4ea: {  	v5 =	vld [tilespmem:s6+$0x20]  }
0x4eb: {  	v4 =	vld [tilespmem:s10+$0xFFFFFFC0];
	[tilespmem:s7+$0xFFFFFFF0] =	vst v7;
	v6 =	vadd.f32 v9, v6;
	s10 =	sadd.s32 $0x100, s10  }
0x4ec: {  	_ =	sdelay $0x1  }
0x4ed: {  	v1 =	vadd.f32 v3, v1  }
0x4ee: {  	[tilespmem:s7+$0x0] =	vst v6;
	v2 =	vadd.f32 v5, v2  }
0x4ef: {  	[tilespmem:s7+$0x10] =	vst v1;
	v0 =	vadd.f32 v0, v4  }
0x4f0: {  	[tilespmem:s7+$0x20] =	vst v2  }
0x4f1: {  	[tilespmem:s7+$0xFFFFFFC0] =	vst v0  }
0x4f2: {  	s31 =	sld [smem:$0x7D6];
	_ =	sdelay $0x1  }
0x4f3: {  	s6 =	simm.s32 $0x8000  }
0x4f4: {  	s8 =	simm.s32 $0x8100;
	s7 =	simm.s32 $0x10;
	s10 =	sadd.s32 $0x0, s31  }
.LBB2_116:
0x4f5: {  	[hbm4b:s10+s1] =	stream.linear.scatter [tilespmem:s6], [sflag:$0x3], $0x80, $0x38;
	[tilespmem:$0x14000] =	vst v63  }
0x4f6: {  	s10 =	smov.u32 s7;
	s6 =	smov.u32 s8;
	p0 =	sne.s32 s7, $0x7F0  }
.Ltmp57:
0x4f7: {  	s7 =	sadd.s32 $0x10, s7;
	(pc) =	sbr.rel @p0 .LBB2_116-.Ltmp57, $2  }
0x4f8: {  	_ =	sdelay $0x2  }
0x4f9: {  	s8 =	sadd.s32 $0x100, s8;
	s10 =	sadd.s32 s10, s31  }
0x4fa: {  	[hbm4b:s10+s1] =	stream.linear.scatter [tilespmem:s6], [sflag:$0x3], $0x80, $0x38;
	[tilespmem:$0x14000] =	vst v63  }
0x4fb: {  	s6 =	simm.s32 $0x0  }
0x4fc: {  	s7 =	simm.s32 $0x10;
	s10 =	sadd.s32 $0x0, s0;
	s8 =	simm.s32 $0x100  }
.LBB2_118:
0x4fd: {  	[tilespmem:s6], [sflag:$0x1] =	stream.linear.gather [hbm4b:s10+s1], $0x80, $0x38;
	[tilespmem:$0x14000] =	vst v63  }
0x4fe: {  	s10 =	smov.u32 s7;
	s6 =	smov.u32 s8;
	p0 =	sne.s32 s7, $0x7F0  }
.Ltmp58:
0x4ff: {  	s7 =	sadd.s32 $0x10, s7;
	(pc) =	sbr.rel @p0 .LBB2_118-.Ltmp58, $2  }
0x500: {  	_ =	sdelay $0x2  }
0x501: {  	s8 =	sadd.s32 $0x100, s8;
	s10 =	sadd.s32 s10, s0  }
0x502: {  	[tilespmem:s6], [sflag:$0x1] =	stream.linear.gather [hbm4b:s10+s1], $0x80, $0x38;
	[tilespmem:$0x14000] =	vst v63  }
0x503: {  	s0 =	simm.s32 $0x2  }
0x504: {  	_ =	swait.ge [sflag:s0], $0x4000  }
0x505: {  	[sflag:s0] =	ssyncset.done $0x0  }
0x506: {  	s17 =	simm.s32 $0x4;
	[sflag:s0] =	ssyncadd.s32 $0xFFFFC000  }
0x507: {  	_ =	swait.ge [sflag:s17], $0x4000  }
0x508: {  	[sflag:s17] =	ssyncset.done $0x0  }
0x509: {  	s19 =	simm.s32 $0xF0;
	[sflag:s17] =	ssyncadd.s32 $0xFFFFC000  }
0x50a: {  	s6 =	simm.s32 $0x10040;
	v1 =	vld [tilespmem:s19+$0x0]  }
0x50b: {  	v2 =	vld [tilespmem:s6+$0x30]  }
0x50c: {  	v3 =	vld [tilespmem:s19+$0xFFFFFFA0]  }
0x50d: {  	v4 =	vld [tilespmem:s6+$0xFFFFFFD0]  }
0x50e: {  	v5 =	vld [tilespmem:s19+$0xFFFFFFB0]  }
0x50f: {  	v6 =	vld [tilespmem:s6+$0xFFFFFFE0]  }
0x510: {  	v7 =	vld [tilespmem:s19+$0xFFFFFFC0]  }
0x511: {  	v8 =	vld [tilespmem:s6+$0xFFFFFFF0]  }
0x512: {  	v0 =	vld [tilespmem:s6+$0xFFFFFFC0]  }
0x513: {  	v9 =	vld [tilespmem:s19+$0xFFFFFFD0];
	v2 =	vadd.f32 v2, v1  }
0x514: {  	s7 =	simm.s32 $0x80F0;
	v10 =	vld [tilespmem:s6+$0x0];
	v4 =	vadd.f32 v4, v3  }
0x515: {  	v1 =	vld [tilespmem:s19+$0xFFFFFFE0];
	v5 =	vadd.f32 v6, v5;
	[tilespmem:s7+$0x0] =	vst v2  }
0x516: {  	v3 =	vld [tilespmem:s6+$0x10];
	v6 =	vadd.f32 v8, v7;
	[tilespmem:s7+$0xFFFFFFA0] =	vst v4  }
0x517: {  	v2 =	vld [tilespmem:s19+$0xFFFFFFF0];
	[tilespmem:s7+$0xFFFFFFB0] =	vst v5  }
0x518: {  	v5 =	vld [tilespmem:s6+$0x20];
	[tilespmem:s7+$0xFFFFFFC0] =	vst v6  }
0x519: {  	s8 =	simm.s32 $0x0;
	s10 =	simm.s32 $0x1F0;
	v4 =	vld [tilespmem:s19+$0xFFFFFF90];
	v6 =	vadd.f32 v10, v9;
	s31 =	sld [smem:$0x7F5]  }
.LBB2_120:
0x51a: {  	v7 =	vld [tilespmem:s10+$0x0];
	s6 =	sadd.s32 $0x80, s6  }
0x51b: {  	s8 =	sadd.s32 $0x8, s8;
	v8 =	vld [tilespmem:s6+$0x30];
	[tilespmem:s7+$0xFFFFFFD0] =	vst v6;
	v1 =	vadd.f32 v3, v1  }
0x51c: {  	p0 =	slt.u32 s8, $0x3F8;
	v3 =	vld [tilespmem:s6+$0xFFFFFFC0]  }
0x51d: {  	v6 =	vld [tilespmem:s10+$0xFFFFFFA0];
	[tilespmem:s7+$0xFFFFFFE0] =	vst v1;
	v1 =	vadd.f32 v5, v2  }
0x51e: {  	v2 =	vld [tilespmem:s6+$0xFFFFFFD0];
	v9 =	vadd.f32 v0, v4  }
0x51f: {  	v4 =	vld [tilespmem:s10+$0xFFFFFFB0];
	[tilespmem:s7+$0xFFFFFFF0] =	vst v1  }
0x520: {  	v1 =	vld [tilespmem:s6+$0xFFFFFFE0];
	v5 =	vadd.f32 v8, v7;
	[tilespmem:s7+$0xFFFFFF90] =	vst v9  }
0x521: {  	s7 =	sadd.s32 $0x100, s7;
	v7 =	vld [tilespmem:s10+$0xFFFFFFC0];
	v0 =	vmov v3  }
0x522: {  	v8 =	vld [tilespmem:s6+$0xFFFFFFF0];
	[tilespmem:s7+$0x0] =	vst v5  }
0x523: {  	v2 =	vadd.f32 v2, v6;
	v6 =	vld [tilespmem:s10+$0xFFFFFFD0]  }
0x524: {  	v9 =	vld [tilespmem:s6+$0x0]  }
.Ltmp59:
0x525: {  	[tilespmem:s7+$0xFFFFFFA0] =	vst v2;
	v2 =	vadd.f32 v1, v4;
	v1 =	vld [tilespmem:s10+$0xFFFFFFE0];
	(pc) =	sbr.rel @p0 .LBB2_120-.Ltmp59, $4  }
0x526: {  	v3 =	vld [tilespmem:s6+$0x10]  }
0x527: {  	[tilespmem:s7+$0xFFFFFFB0] =	vst v2;
	v7 =	vadd.f32 v8, v7;
	v2 =	vld [tilespmem:s10+$0xFFFFFFF0]  }
0x528: {  	v5 =	vld [tilespmem:s6+$0x20]  }
0x529: {  	v4 =	vld [tilespmem:s10+$0xFFFFFF90];
	[tilespmem:s7+$0xFFFFFFC0] =	vst v7;
	v6 =	vadd.f32 v9, v6;
	s10 =	sadd.s32 $0x100, s10  }
0x52a: {  	_ =	sdelay $0x1  }
0x52b: {  	v1 =	vadd.f32 v3, v1  }
0x52c: {  	[tilespmem:s7+$0xFFFFFFD0] =	vst v6;
	v2 =	vadd.f32 v5, v2  }
0x52d: {  	[tilespmem:s7+$0xFFFFFFE0] =	vst v1;
	v0 =	vadd.f32 v0, v4  }
0x52e: {  	[tilespmem:s7+$0xFFFFFFF0] =	vst v2  }
0x52f: {  	[tilespmem:s7+$0xFFFFFF90] =	vst v0  }
0x530: {  	s0 =	sld [smem:$0x7D7];
	_ =	sdelay $0x1  }
0x531: {  	s6 =	simm.s32 $0x8080  }
0x532: {  	s8 =	simm.s32 $0x8180;
	s7 =	simm.s32 $0x10;
	s10 =	sadd.s32 $0x0, s0  }
.LBB2_122:
0x533: {  	[hbm4b:s10+s1] =	stream.linear.scatter [tilespmem:s6], [sflag:$0x4], $0x80, $0x38;
	[tilespmem:$0x14000] =	vst v63  }
0x534: {  	s10 =	smov.u32 s7;
	s6 =	smov.u32 s8;
	p0 =	sne.s32 s7, $0x7F0  }
.Ltmp60:
0x535: {  	s7 =	sadd.s32 $0x10, s7;
	(pc) =	sbr.rel @p0 .LBB2_122-.Ltmp60, $2  }
0x536: {  	_ =	sdelay $0x2  }
0x537: {  	s8 =	sadd.s32 $0x100, s8;
	s10 =	sadd.s32 s10, s0  }
0x538: {  	s0 =	sld [smem:$0x7D9]  }
0x539: {  	[hbm4b:s10+s1] =	stream.linear.scatter [tilespmem:s6], [sflag:$0x4], $0x80, $0x38;
	[tilespmem:$0x14000] =	vst v63  }
0x53a: {  	s17 =	simm.s32 $0x0;
	s7 =	simm.s32 $0x10000;
	s19 =	simm.s32 $0x5  }
0x53b: {  	[tilespmem:s7], [sflag:$0x5] =	stream.linear.gather [hbm4b:s0+s17], $0x4000, $0x38;
	[tilespmem:$0x14000] =	vst v63  }
0x53c: {  	_ =	swait.ge [sflag:s19], $0x4000  }
0x53d: {  	s0 =	sld [smem:$0x7DA];
	_ =	sdelay $0x1  }
0x53e: {  	s6 =	simm.s32 $0x80;
	s8 =	simm.s32 $0x180;
	[sflag:s19] =	ssyncset.done $0x0  }
0x53f: {  	s7 =	simm.s32 $0x10;
	[sflag:s19] =	ssyncadd.s32 $0xFFFFC000;
	s10 =	sadd.s32 $0x0, s0  }
.LBB2_124:
0x540: {  	[tilespmem:s6], [sflag:$0x2] =	stream.linear.gather [hbm4b:s10+s1], $0x80, $0x38;
	[tilespmem:$0x14000] =	vst v63  }
0x541: {  	s10 =	smov.u32 s7;
	s6 =	smov.u32 s8;
	p0 =	sne.s32 s7, $0x7F0  }
.Ltmp61:
0x542: {  	s7 =	sadd.s32 $0x10, s7;
	(pc) =	sbr.rel @p0 .LBB2_124-.Ltmp61, $2  }
0x543: {  	_ =	sdelay $0x2  }
0x544: {  	s8 =	sadd.s32 $0x100, s8;
	s10 =	sadd.s32 s10, s0  }
0x545: {  	[tilespmem:s6], [sflag:$0x2] =	stream.linear.gather [hbm4b:s10+s1], $0x80, $0x38;
	[tilespmem:$0x14000] =	vst v63  }
0x546: {  	s0 =	simm.s32 $0x1  }
0x547: {  	_ =	swait.ge [sflag:s0], $0x4000  }
0x548: {  	[sflag:s0] =	ssyncset.done $0x0  }
0x549: {  	s17 =	simm.s32 $0x3;
	[sflag:s0] =	ssyncadd.s32 $0xFFFFC000  }
0x54a: {  	_ =	swait.ge [sflag:s17], $0x4000  }
0x54b: {  	[sflag:s17] =	ssyncset.done $0x0  }
0x54c: {  	s19 =	simm.s32 $0x40;
	[sflag:s17] =	ssyncadd.s32 $0xFFFFC000  }
0x54d: {  	s6 =	simm.s32 $0x10040;
	v1 =	vld [tilespmem:s19+$0x30]  }
0x54e: {  	v2 =	vld [tilespmem:s6+$0x30]  }
0x54f: {  	v3 =	vld [tilespmem:s19+$0xFFFFFFD0]  }
0x550: {  	v4 =	vld [tilespmem:s6+$0xFFFFFFD0]  }
0x551: {  	v5 =	vld [tilespmem:s19+$0xFFFFFFE0]  }
0x552: {  	v6 =	vld [tilespmem:s6+$0xFFFFFFE0]  }
0x553: {  	v7 =	vld [tilespmem:s19+$0xFFFFFFF0]  }
0x554: {  	v8 =	vld [tilespmem:s6+$0xFFFFFFF0]  }
0x555: {  	v0 =	vld [tilespmem:s6+$0xFFFFFFC0]  }
0x556: {  	v9 =	vld [tilespmem:s19+$0x0];
	v2 =	vadd.f32 v2, v1  }
0x557: {  	s7 =	simm.s32 $0x8040;
	v10 =	vld [tilespmem:s6+$0x0];
	v4 =	vadd.f32 v4, v3  }
0x558: {  	v1 =	vld [tilespmem:s19+$0x10];
	v5 =	vadd.f32 v6, v5;
	[tilespmem:s7+$0x30] =	vst v2  }
0x559: {  	v3 =	vld [tilespmem:s6+$0x10];
	v6 =	vadd.f32 v8, v7;
	[tilespmem:s7+$0xFFFFFFD0] =	vst v4  }
0x55a: {  	v2 =	vld [tilespmem:s19+$0x20];
	[tilespmem:s7+$0xFFFFFFE0] =	vst v5  }
0x55b: {  	v5 =	vld [tilespmem:s6+$0x20];
	[tilespmem:s7+$0xFFFFFFF0] =	vst v6  }
0x55c: {  	s8 =	simm.s32 $0x0;
	s10 =	simm.s32 $0x140;
	v4 =	vld [tilespmem:s19+$0xFFFFFFC0];
	v6 =	vadd.f32 v10, v9;
	s0 =	sld [smem:$0x7F6]  }
.LBB2_126:
0x55d: {  	v7 =	vld [tilespmem:s10+$0x30];
	s6 =	sadd.s32 $0x80, s6  }
0x55e: {  	s8 =	sadd.s32 $0x8, s8;
	v8 =	vld [tilespmem:s6+$0x30];
	[tilespmem:s7+$0x0] =	vst v6;
	v1 =	vadd.f32 v3, v1  }
0x55f: {  	p0 =	slt.u32 s8, $0x3F8;
	v3 =	vld [tilespmem:s6+$0xFFFFFFC0]  }
0x560: {  	v6 =	vld [tilespmem:s10+$0xFFFFFFD0];
	[tilespmem:s7+$0x10] =	vst v1;
	v1 =	vadd.f32 v5, v2  }
0x561: {  	v2 =	vld [tilespmem:s6+$0xFFFFFFD0];
	v9 =	vadd.f32 v0, v4  }
0x562: {  	v4 =	vld [tilespmem:s10+$0xFFFFFFE0];
	[tilespmem:s7+$0x20] =	vst v1  }
0x563: {  	v1 =	vld [tilespmem:s6+$0xFFFFFFE0];
	v5 =	vadd.f32 v8, v7;
	[tilespmem:s7+$0xFFFFFFC0] =	vst v9  }
0x564: {  	s7 =	sadd.s32 $0x100, s7;
	v7 =	vld [tilespmem:s10+$0xFFFFFFF0];
	v0 =	vmov v3  }
0x565: {  	v8 =	vld [tilespmem:s6+$0xFFFFFFF0];
	[tilespmem:s7+$0x30] =	vst v5  }
0x566: {  	v2 =	vadd.f32 v2, v6;
	v6 =	vld [tilespmem:s10+$0x0]  }
0x567: {  	v9 =	vld [tilespmem:s6+$0x0]  }
.Ltmp62:
0x568: {  	[tilespmem:s7+$0xFFFFFFD0] =	vst v2;
	v2 =	vadd.f32 v1, v4;
	v1 =	vld [tilespmem:s10+$0x10];
	(pc) =	sbr.rel @p0 .LBB2_126-.Ltmp62, $4  }
0x569: {  	v3 =	vld [tilespmem:s6+$0x10]  }
0x56a: {  	[tilespmem:s7+$0xFFFFFFE0] =	vst v2;
	v7 =	vadd.f32 v8, v7;
	v2 =	vld [tilespmem:s10+$0x20]  }
0x56b: {  	v5 =	vld [tilespmem:s6+$0x20]  }
0x56c: {  	v4 =	vld [tilespmem:s10+$0xFFFFFFC0];
	[tilespmem:s7+$0xFFFFFFF0] =	vst v7;
	v6 =	vadd.f32 v9, v6;
	s10 =	sadd.s32 $0x100, s10  }
0x56d: {  	_ =	sdelay $0x1  }
0x56e: {  	v1 =	vadd.f32 v3, v1  }
0x56f: {  	[tilespmem:s7+$0x0] =	vst v6;
	v2 =	vadd.f32 v5, v2  }
0x570: {  	[tilespmem:s7+$0x10] =	vst v1;
	v0 =	vadd.f32 v0, v4  }
0x571: {  	s6 =	simm.s32 $0x8000;
	[tilespmem:s7+$0x20] =	vst v2  }
0x572: {  	s10 =	sadd.s32 $0x0, s0;
	s8 =	simm.s32 $0x8100;
	[tilespmem:s7+$0xFFFFFFC0] =	vst v0;
	s7 =	simm.s32 $0x10  }
.LBB2_128:
0x573: {  	[hbm4b:s10+s1] =	stream.linear.scatter [tilespmem:s6], [sflag:$0x3], $0x80, $0x38;
	[tilespmem:$0x14000] =	vst v63  }
0x574: {  	s10 =	smov.u32 s7;
	s6 =	smov.u32 s8;
	p0 =	sne.s32 s7, $0x7F0  }
.Ltmp63:
0x575: {  	s7 =	sadd.s32 $0x10, s7;
	(pc) =	sbr.rel @p0 .LBB2_128-.Ltmp63, $2  }
0x576: {  	_ =	sdelay $0x2  }
0x577: {  	s8 =	sadd.s32 $0x100, s8;
	s10 =	sadd.s32 s10, s0  }
0x578: {  	[hbm4b:s10+s1] =	stream.linear.scatter [tilespmem:s6], [sflag:$0x3], $0x80, $0x38;
	[tilespmem:$0x14000] =	vst v63  }
0x579: {  	s6 =	simm.s32 $0x0  }
0x57a: {  	s7 =	simm.s32 $0x10;
	s10 =	sadd.s32 $0x0, s9;
	s8 =	simm.s32 $0x100  }
.LBB2_130:
0x57b: {  	[tilespmem:s6], [sflag:$0x1] =	stream.linear.gather [hbm4b:s10+s1], $0x80, $0x38;
	[tilespmem:$0x14000] =	vst v63  }
0x57c: {  	s10 =	smov.u32 s7;
	s6 =	smov.u32 s8;
	p0 =	sne.s32 s7, $0x7F0  }
.Ltmp64:
0x57d: {  	s7 =	sadd.s32 $0x10, s7;
	(pc) =	sbr.rel @p0 .LBB2_130-.Ltmp64, $2  }
0x57e: {  	_ =	sdelay $0x2  }
0x57f: {  	s8 =	sadd.s32 $0x100, s8;
	s10 =	sadd.s32 s10, s9  }
0x580: {  	[tilespmem:s6], [sflag:$0x1] =	stream.linear.gather [hbm4b:s10+s1], $0x80, $0x38;
	[tilespmem:$0x14000] =	vst v63  }
0x581: {  	s16 =	simm.s32 $0x2  }
0x582: {  	_ =	swait.ge [sflag:s16], $0x4000  }
0x583: {  	[sflag:s16] =	ssyncset.done $0x0  }
0x584: {  	s17 =	simm.s32 $0x4;
	[sflag:s16] =	ssyncadd.s32 $0xFFFFC000  }
0x585: {  	_ =	swait.ge [sflag:s17], $0x4000  }
0x586: {  	[sflag:s17] =	ssyncset.done $0x0  }
0x587: {  	s19 =	simm.s32 $0xF0;
	[sflag:s17] =	ssyncadd.s32 $0xFFFFC000  }
0x588: {  	s6 =	simm.s32 $0x10040;
	v1 =	vld [tilespmem:s19+$0x0]  }
0x589: {  	v2 =	vld [tilespmem:s6+$0x30]  }
0x58a: {  	v0 =	vld [tilespmem:s6+$0xFFFFFFC0]  }
0x58b: {  	v3 =	vld [tilespmem:s19+$0xFFFFFFA0]  }
0x58c: {  	v4 =	vld [tilespmem:s6+$0xFFFFFFD0]  }
0x58d: {  	v5 =	vld [tilespmem:s19+$0xFFFFFFB0]  }
0x58e: {  	v6 =	vld [tilespmem:s6+$0xFFFFFFE0]  }
0x58f: {  	v7 =	vld [tilespmem:s19+$0xFFFFFFC0]  }
0x590: {  	v8 =	vld [tilespmem:s6+$0xFFFFFFF0]  }
0x591: {  	v9 =	vld [tilespmem:s19+$0xFFFFFFD0]  }
0x592: {  	v10 =	vld [tilespmem:s6+$0x0];
	v2 =	vadd.f32 v2, v1  }
0x593: {  	s7 =	simm.s32 $0x80F0;
	v4 =	vadd.f32 v4, v3;
	v1 =	vld [tilespmem:s19+$0xFFFFFFE0]  }
0x594: {  	v5 =	vadd.f32 v6, v5;
	v3 =	vld [tilespmem:s6+$0x10];
	[tilespmem:s7+$0x0] =	vst v2  }
0x595: {  	v6 =	vadd.f32 v8, v7;
	[tilespmem:s7+$0xFFFFFFA0] =	vst v4;
	v2 =	vld [tilespmem:s19+$0xFFFFFFF0]  }
0x596: {  	[tilespmem:s7+$0xFFFFFFB0] =	vst v5;
	v5 =	vld [tilespmem:s6+$0x20]  }
0x597: {  	s8 =	simm.s32 $0x0;
	s10 =	simm.s32 $0x1F0;
	v4 =	vld [tilespmem:s19+$0xFFFFFF90];
	[tilespmem:s7+$0xFFFFFFC0] =	vst v6;
	v6 =	vadd.f32 v10, v9  }
.LBB2_132:
0x598: {  	v7 =	vld [tilespmem:s10+$0x0];
	s6 =	sadd.s32 $0x80, s6  }
0x599: {  	s8 =	sadd.s32 $0x8, s8;
	v8 =	vld [tilespmem:s6+$0x30];
	[tilespmem:s7+$0xFFFFFFD0] =	vst v6;
	v1 =	vadd.f32 v3, v1  }
0x59a: {  	p0 =	slt.u32 s8, $0x3F8;
	v3 =	vld [tilespmem:s6+$0xFFFFFFC0]  }
0x59b: {  	v6 =	vld [tilespmem:s10+$0xFFFFFFA0];
	[tilespmem:s7+$0xFFFFFFE0] =	vst v1;
	v1 =	vadd.f32 v5, v2  }
0x59c: {  	v2 =	vld [tilespmem:s6+$0xFFFFFFD0];
	v9 =	vadd.f32 v0, v4  }
0x59d: {  	v4 =	vld [tilespmem:s10+$0xFFFFFFB0];
	[tilespmem:s7+$0xFFFFFFF0] =	vst v1  }
0x59e: {  	v1 =	vld [tilespmem:s6+$0xFFFFFFE0];
	v5 =	vadd.f32 v8, v7;
	[tilespmem:s7+$0xFFFFFF90] =	vst v9  }
0x59f: {  	s7 =	sadd.s32 $0x100, s7;
	v7 =	vld [tilespmem:s10+$0xFFFFFFC0];
	v0 =	vmov v3  }
0x5a0: {  	v8 =	vld [tilespmem:s6+$0xFFFFFFF0];
	[tilespmem:s7+$0x0] =	vst v5  }
0x5a1: {  	v2 =	vadd.f32 v2, v6;
	v6 =	vld [tilespmem:s10+$0xFFFFFFD0]  }
0x5a2: {  	v9 =	vld [tilespmem:s6+$0x0]  }
.Ltmp65:
0x5a3: {  	[tilespmem:s7+$0xFFFFFFA0] =	vst v2;
	v2 =	vadd.f32 v1, v4;
	v1 =	vld [tilespmem:s10+$0xFFFFFFE0];
	(pc) =	sbr.rel @p0 .LBB2_132-.Ltmp65, $4  }
0x5a4: {  	v3 =	vld [tilespmem:s6+$0x10]  }
0x5a5: {  	[tilespmem:s7+$0xFFFFFFB0] =	vst v2;
	v7 =	vadd.f32 v8, v7;
	v2 =	vld [tilespmem:s10+$0xFFFFFFF0]  }
0x5a6: {  	v5 =	vld [tilespmem:s6+$0x20]  }
0x5a7: {  	v4 =	vld [tilespmem:s10+$0xFFFFFF90];
	[tilespmem:s7+$0xFFFFFFC0] =	vst v7;
	v6 =	vadd.f32 v9, v6;
	s10 =	sadd.s32 $0x100, s10  }
0x5a8: {  	_ =	sdelay $0x1  }
0x5a9: {  	v1 =	vadd.f32 v3, v1  }
0x5aa: {  	[tilespmem:s7+$0xFFFFFFD0] =	vst v6;
	v2 =	vadd.f32 v5, v2  }
0x5ab: {  	[tilespmem:s7+$0xFFFFFFE0] =	vst v1;
	v0 =	vadd.f32 v0, v4  }
0x5ac: {  	[tilespmem:s7+$0xFFFFFFF0] =	vst v2  }
0x5ad: {  	[tilespmem:s7+$0xFFFFFF90] =	vst v0  }
0x5ae: {  	s9 =	sld [smem:$0x7DB];
	_ =	sdelay $0x1  }
0x5af: {  	s6 =	simm.s32 $0x8080  }
0x5b0: {  	s8 =	simm.s32 $0x8180;
	s7 =	simm.s32 $0x10;
	s10 =	sadd.s32 $0x0, s9  }
.LBB2_134:
0x5b1: {  	[hbm4b:s10+s1] =	stream.linear.scatter [tilespmem:s6], [sflag:$0x4], $0x80, $0x38;
	[tilespmem:$0x14000] =	vst v63  }
0x5b2: {  	s10 =	smov.u32 s7;
	s6 =	smov.u32 s8;
	p0 =	sne.s32 s7, $0x7F0  }
.Ltmp66:
0x5b3: {  	s7 =	sadd.s32 $0x10, s7;
	(pc) =	sbr.rel @p0 .LBB2_134-.Ltmp66, $2  }
0x5b4: {  	_ =	sdelay $0x2  }
0x5b5: {  	s8 =	sadd.s32 $0x100, s8;
	s10 =	sadd.s32 s10, s9  }
0x5b6: {  	[hbm4b:s10+s1] =	stream.linear.scatter [tilespmem:s6], [sflag:$0x4], $0x80, $0x38;
	[tilespmem:$0x14000] =	vst v63  }
0x5b7: {  	s6 =	simm.s32 $0x80  }
0x5b8: {  	s7 =	simm.s32 $0x10;
	s10 =	sadd.s32 $0x0, s18;
	s8 =	simm.s32 $0x180  }
.LBB2_136:
0x5b9: {  	[tilespmem:s6], [sflag:$0x2] =	stream.linear.gather [hbm4b:s10+s1], $0x80, $0x38;
	[tilespmem:$0x14000] =	vst v63  }
0x5ba: {  	s10 =	smov.u32 s7;
	s6 =	smov.u32 s8;
	p0 =	sne.s32 s7, $0x7F0  }
.Ltmp67:
0x5bb: {  	s7 =	sadd.s32 $0x10, s7;
	(pc) =	sbr.rel @p0 .LBB2_136-.Ltmp67, $2  }
0x5bc: {  	_ =	sdelay $0x2  }
0x5bd: {  	s8 =	sadd.s32 $0x100, s8;
	s10 =	sadd.s32 s10, s18  }
0x5be: {  	[tilespmem:s6], [sflag:$0x2] =	stream.linear.gather [hbm4b:s10+s1], $0x80, $0x38;
	[tilespmem:$0x14000] =	vst v63  }
0x5bf: {  	s17 =	simm.s32 $0x1  }
0x5c0: {  	_ =	swait.ge [sflag:s17], $0x4000  }
0x5c1: {  	[sflag:s17] =	ssyncset.done $0x0  }
0x5c2: {  	s18 =	simm.s32 $0x3;
	[sflag:s17] =	ssyncadd.s32 $0xFFFFC000  }
0x5c3: {  	_ =	swait.ge [sflag:s18], $0x4000  }
0x5c4: {  	[sflag:s18] =	ssyncset.done $0x0  }
0x5c5: {  	s19 =	simm.s32 $0x40;
	[sflag:s18] =	ssyncadd.s32 $0xFFFFC000  }
0x5c6: {  	s6 =	simm.s32 $0x10040;
	v1 =	vld [tilespmem:s19+$0x30]  }
0x5c7: {  	v2 =	vld [tilespmem:s6+$0x30]  }
0x5c8: {  	v3 =	vld [tilespmem:s19+$0xFFFFFFD0]  }
0x5c9: {  	v4 =	vld [tilespmem:s6+$0xFFFFFFD0]  }
0x5ca: {  	v5 =	vld [tilespmem:s19+$0xFFFFFFE0]  }
0x5cb: {  	v6 =	vld [tilespmem:s6+$0xFFFFFFE0]  }
0x5cc: {  	v7 =	vld [tilespmem:s19+$0xFFFFFFF0]  }
0x5cd: {  	v8 =	vld [tilespmem:s6+$0xFFFFFFF0]  }
0x5ce: {  	v0 =	vld [tilespmem:s6+$0xFFFFFFC0]  }
0x5cf: {  	v9 =	vld [tilespmem:s19+$0x0];
	v2 =	vadd.f32 v2, v1  }
0x5d0: {  	s7 =	simm.s32 $0x8040;
	v10 =	vld [tilespmem:s6+$0x0];
	v4 =	vadd.f32 v4, v3  }
0x5d1: {  	v1 =	vld [tilespmem:s19+$0x10];
	v5 =	vadd.f32 v6, v5;
	[tilespmem:s7+$0x30] =	vst v2  }
0x5d2: {  	v3 =	vld [tilespmem:s6+$0x10];
	v6 =	vadd.f32 v8, v7;
	[tilespmem:s7+$0xFFFFFFD0] =	vst v4  }
0x5d3: {  	v2 =	vld [tilespmem:s19+$0x20];
	[tilespmem:s7+$0xFFFFFFE0] =	vst v5  }
0x5d4: {  	v5 =	vld [tilespmem:s6+$0x20];
	[tilespmem:s7+$0xFFFFFFF0] =	vst v6  }
0x5d5: {  	s8 =	simm.s32 $0x0;
	s10 =	simm.s32 $0x140;
	v4 =	vld [tilespmem:s19+$0xFFFFFFC0];
	v6 =	vadd.f32 v10, v9;
	s9 =	sld [smem:$0x7F7]  }
.LBB2_138:
0x5d6: {  	v7 =	vld [tilespmem:s10+$0x30];
	s6 =	sadd.s32 $0x80, s6  }
0x5d7: {  	s8 =	sadd.s32 $0x8, s8;
	v8 =	vld [tilespmem:s6+$0x30];
	[tilespmem:s7+$0x0] =	vst v6;
	v1 =	vadd.f32 v3, v1  }
0x5d8: {  	p0 =	slt.u32 s8, $0x3F8;
	v3 =	vld [tilespmem:s6+$0xFFFFFFC0]  }
0x5d9: {  	v6 =	vld [tilespmem:s10+$0xFFFFFFD0];
	[tilespmem:s7+$0x10] =	vst v1;
	v1 =	vadd.f32 v5, v2  }
0x5da: {  	v2 =	vld [tilespmem:s6+$0xFFFFFFD0];
	v9 =	vadd.f32 v0, v4  }
0x5db: {  	v4 =	vld [tilespmem:s10+$0xFFFFFFE0];
	[tilespmem:s7+$0x20] =	vst v1  }
0x5dc: {  	v1 =	vld [tilespmem:s6+$0xFFFFFFE0];
	v5 =	vadd.f32 v8, v7;
	[tilespmem:s7+$0xFFFFFFC0] =	vst v9  }
0x5dd: {  	s7 =	sadd.s32 $0x100, s7;
	v7 =	vld [tilespmem:s10+$0xFFFFFFF0];
	v0 =	vmov v3  }
0x5de: {  	v8 =	vld [tilespmem:s6+$0xFFFFFFF0];
	[tilespmem:s7+$0x30] =	vst v5  }
0x5df: {  	v2 =	vadd.f32 v2, v6;
	v6 =	vld [tilespmem:s10+$0x0]  }
0x5e0: {  	v9 =	vld [tilespmem:s6+$0x0]  }
.Ltmp68:
0x5e1: {  	[tilespmem:s7+$0xFFFFFFD0] =	vst v2;
	v2 =	vadd.f32 v1, v4;
	v1 =	vld [tilespmem:s10+$0x10];
	(pc) =	sbr.rel @p0 .LBB2_138-.Ltmp68, $4  }
0x5e2: {  	v3 =	vld [tilespmem:s6+$0x10]  }
0x5e3: {  	[tilespmem:s7+$0xFFFFFFE0] =	vst v2;
	v7 =	vadd.f32 v8, v7;
	v2 =	vld [tilespmem:s10+$0x20]  }
0x5e4: {  	v5 =	vld [tilespmem:s6+$0x20]  }
0x5e5: {  	v4 =	vld [tilespmem:s10+$0xFFFFFFC0];
	[tilespmem:s7+$0xFFFFFFF0] =	vst v7;
	v6 =	vadd.f32 v9, v6;
	s10 =	sadd.s32 $0x100, s10  }
0x5e6: {  	_ =	sdelay $0x1  }
0x5e7: {  	v1 =	vadd.f32 v3, v1  }
0x5e8: {  	[tilespmem:s7+$0x0] =	vst v6;
	v2 =	vadd.f32 v5, v2  }
0x5e9: {  	[tilespmem:s7+$0x10] =	vst v1;
	v0 =	vadd.f32 v0, v4  }
0x5ea: {  	[tilespmem:s7+$0x20] =	vst v2  }
0x5eb: {  	[tilespmem:s7+$0xFFFFFFC0] =	vst v0  }
0x5ec: {  	s18 =	sld [smem:$0x7DC];
	_ =	sdelay $0x1  }
0x5ed: {  	s6 =	simm.s32 $0x8000  }
0x5ee: {  	s8 =	simm.s32 $0x8100;
	s7 =	simm.s32 $0x10;
	s10 =	sadd.s32 $0x0, s18  }
.LBB2_140:
0x5ef: {  	[hbm4b:s10+s1] =	stream.linear.scatter [tilespmem:s6], [sflag:$0x3], $0x80, $0x38;
	[tilespmem:$0x14000] =	vst v63  }
0x5f0: {  	s10 =	smov.u32 s7;
	s6 =	smov.u32 s8;
	p0 =	sne.s32 s7, $0x7F0  }
.Ltmp69:
0x5f1: {  	s7 =	sadd.s32 $0x10, s7;
	(pc) =	sbr.rel @p0 .LBB2_140-.Ltmp69, $2  }
0x5f2: {  	_ =	sdelay $0x2  }
0x5f3: {  	s8 =	sadd.s32 $0x100, s8;
	s10 =	sadd.s32 s10, s18  }
0x5f4: {  	[hbm4b:s10+s1] =	stream.linear.scatter [tilespmem:s6], [sflag:$0x3], $0x80, $0x38;
	[tilespmem:$0x14000] =	vst v63  }
0x5f5: {  	s6 =	simm.s32 $0x0  }
0x5f6: {  	s7 =	simm.s32 $0x10;
	s10 =	sadd.s32 $0x0, s28;
	s8 =	simm.s32 $0x100  }
.LBB2_142:
0x5f7: {  	[tilespmem:s6], [sflag:$0x1] =	stream.linear.gather [hbm4b:s10+s1], $0x80, $0x38;
	[tilespmem:$0x14000] =	vst v63  }
0x5f8: {  	s10 =	smov.u32 s7;
	s6 =	smov.u32 s8;
	p0 =	sne.s32 s7, $0x7F0  }
.Ltmp70:
0x5f9: {  	s7 =	sadd.s32 $0x10, s7;
	(pc) =	sbr.rel @p0 .LBB2_142-.Ltmp70, $2  }
0x5fa: {  	_ =	sdelay $0x2  }
0x5fb: {  	s8 =	sadd.s32 $0x100, s8;
	s10 =	sadd.s32 s10, s28  }
0x5fc: {  	[tilespmem:s6], [sflag:$0x1] =	stream.linear.gather [hbm4b:s10+s1], $0x80, $0x38;
	[tilespmem:$0x14000] =	vst v63  }
0x5fd: {  	s18 =	simm.s32 $0x2  }
0x5fe: {  	_ =	swait.ge [sflag:s18], $0x4000  }
0x5ff: {  	[sflag:s18] =	ssyncset.done $0x0  }
0x600: {  	s19 =	simm.s32 $0x4;
	[sflag:s18] =	ssyncadd.s32 $0xFFFFC000  }
0x601: {  	_ =	swait.ge [sflag:s19], $0x4000  }
0x602: {  	[sflag:s19] =	ssyncset.done $0x0  }
0x603: {  	s28 =	simm.s32 $0xF0;
	[sflag:s19] =	ssyncadd.s32 $0xFFFFC000  }
0x604: {  	s6 =	simm.s32 $0x10040;
	v1 =	vld [tilespmem:s28+$0x0]  }
0x605: {  	v2 =	vld [tilespmem:s6+$0x30]  }
0x606: {  	v3 =	vld [tilespmem:s28+$0xFFFFFFA0]  }
0x607: {  	v4 =	vld [tilespmem:s6+$0xFFFFFFD0]  }
0x608: {  	v5 =	vld [tilespmem:s28+$0xFFFFFFB0]  }
0x609: {  	v6 =	vld [tilespmem:s6+$0xFFFFFFE0]  }
0x60a: {  	v7 =	vld [tilespmem:s28+$0xFFFFFFC0]  }
0x60b: {  	v8 =	vld [tilespmem:s6+$0xFFFFFFF0]  }
0x60c: {  	v0 =	vld [tilespmem:s6+$0xFFFFFFC0]  }
0x60d: {  	v9 =	vld [tilespmem:s28+$0xFFFFFFD0];
	v2 =	vadd.f32 v2, v1  }
0x60e: {  	s7 =	simm.s32 $0x80F0;
	v10 =	vld [tilespmem:s6+$0x0];
	v4 =	vadd.f32 v4, v3  }
0x60f: {  	v1 =	vld [tilespmem:s28+$0xFFFFFFE0];
	v5 =	vadd.f32 v6, v5;
	[tilespmem:s7+$0x0] =	vst v2  }
0x610: {  	v3 =	vld [tilespmem:s6+$0x10];
	v6 =	vadd.f32 v8, v7;
	[tilespmem:s7+$0xFFFFFFA0] =	vst v4  }
0x611: {  	v2 =	vld [tilespmem:s28+$0xFFFFFFF0];
	[tilespmem:s7+$0xFFFFFFB0] =	vst v5  }
0x612: {  	v5 =	vld [tilespmem:s6+$0x20];
	[tilespmem:s7+$0xFFFFFFC0] =	vst v6  }
0x613: {  	s8 =	simm.s32 $0x0;
	s10 =	simm.s32 $0x1F0;
	v4 =	vld [tilespmem:s28+$0xFFFFFF90];
	v6 =	vadd.f32 v10, v9;
	s18 =	sld [smem:$0x7F8]  }
.LBB2_144:
0x614: {  	v7 =	vld [tilespmem:s10+$0x0];
	s6 =	sadd.s32 $0x80, s6  }
0x615: {  	s8 =	sadd.s32 $0x8, s8;
	v8 =	vld [tilespmem:s6+$0x30];
	[tilespmem:s7+$0xFFFFFFD0] =	vst v6;
	v1 =	vadd.f32 v3, v1  }
0x616: {  	p0 =	slt.u32 s8, $0x3F8;
	v3 =	vld [tilespmem:s6+$0xFFFFFFC0]  }
0x617: {  	v6 =	vld [tilespmem:s10+$0xFFFFFFA0];
	[tilespmem:s7+$0xFFFFFFE0] =	vst v1;
	v1 =	vadd.f32 v5, v2  }
0x618: {  	v2 =	vld [tilespmem:s6+$0xFFFFFFD0];
	v9 =	vadd.f32 v0, v4  }
0x619: {  	v4 =	vld [tilespmem:s10+$0xFFFFFFB0];
	[tilespmem:s7+$0xFFFFFFF0] =	vst v1  }
0x61a: {  	v1 =	vld [tilespmem:s6+$0xFFFFFFE0];
	v5 =	vadd.f32 v8, v7;
	[tilespmem:s7+$0xFFFFFF90] =	vst v9  }
0x61b: {  	s7 =	sadd.s32 $0x100, s7;
	v7 =	vld [tilespmem:s10+$0xFFFFFFC0];
	v0 =	vmov v3  }
0x61c: {  	v8 =	vld [tilespmem:s6+$0xFFFFFFF0];
	[tilespmem:s7+$0x0] =	vst v5  }
0x61d: {  	v2 =	vadd.f32 v2, v6;
	v6 =	vld [tilespmem:s10+$0xFFFFFFD0]  }
0x61e: {  	v9 =	vld [tilespmem:s6+$0x0]  }
.Ltmp71:
0x61f: {  	[tilespmem:s7+$0xFFFFFFA0] =	vst v2;
	v2 =	vadd.f32 v1, v4;
	v1 =	vld [tilespmem:s10+$0xFFFFFFE0];
	(pc) =	sbr.rel @p0 .LBB2_144-.Ltmp71, $4  }
0x620: {  	v3 =	vld [tilespmem:s6+$0x10]  }
0x621: {  	[tilespmem:s7+$0xFFFFFFB0] =	vst v2;
	v7 =	vadd.f32 v8, v7;
	v2 =	vld [tilespmem:s10+$0xFFFFFFF0]  }
0x622: {  	v5 =	vld [tilespmem:s6+$0x20]  }
0x623: {  	v4 =	vld [tilespmem:s10+$0xFFFFFF90];
	[tilespmem:s7+$0xFFFFFFC0] =	vst v7;
	v6 =	vadd.f32 v9, v6;
	s10 =	sadd.s32 $0x100, s10  }
0x624: {  	_ =	sdelay $0x1  }
0x625: {  	v1 =	vadd.f32 v3, v1  }
0x626: {  	[tilespmem:s7+$0xFFFFFFD0] =	vst v6;
	v2 =	vadd.f32 v5, v2  }
0x627: {  	[tilespmem:s7+$0xFFFFFFE0] =	vst v1;
	v0 =	vadd.f32 v0, v4  }
0x628: {  	[tilespmem:s7+$0xFFFFFFF0] =	vst v2  }
0x629: {  	[tilespmem:s7+$0xFFFFFF90] =	vst v0  }
0x62a: {  	s28 =	sld [smem:$0x7DD];
	_ =	sdelay $0x1  }
0x62b: {  	s6 =	simm.s32 $0x8080  }
0x62c: {  	s8 =	simm.s32 $0x8180;
	s7 =	simm.s32 $0x10;
	s10 =	sadd.s32 $0x0, s28  }
.LBB2_146:
0x62d: {  	[hbm4b:s10+s1] =	stream.linear.scatter [tilespmem:s6], [sflag:$0x4], $0x80, $0x38;
	[tilespmem:$0x14000] =	vst v63  }
0x62e: {  	s10 =	smov.u32 s7;
	s6 =	smov.u32 s8;
	p0 =	sne.s32 s7, $0x7F0  }
.Ltmp72:
0x62f: {  	s7 =	sadd.s32 $0x10, s7;
	(pc) =	sbr.rel @p0 .LBB2_146-.Ltmp72, $2  }
0x630: {  	_ =	sdelay $0x2  }
0x631: {  	s8 =	sadd.s32 $0x100, s8;
	s10 =	sadd.s32 s10, s28  }
0x632: {  	s7 =	sld [smem:$0x7DE]  }
0x633: {  	[hbm4b:s10+s1] =	stream.linear.scatter [tilespmem:s6], [sflag:$0x4], $0x80, $0x38;
	[tilespmem:$0x14000] =	vst v63  }
0x634: {  	s19 =	simm.s32 $0x0;
	s8 =	simm.s32 $0x10000;
	s28 =	simm.s32 $0x5  }
0x635: {  	[tilespmem:s8], [sflag:$0x5] =	stream.linear.gather [hbm4b:s7+s19], $0x4000, $0x38;
	[tilespmem:$0x14000] =	vst v63  }
0x636: {  	_ =	swait.ge [sflag:s28], $0x4000  }
0x637: {  	s6 =	simm.s32 $0x80;
	s10 =	sadd.s32 $0x0, s2;
	[sflag:s28] =	ssyncset.done $0x0  }
0x638: {  	s7 =	simm.s32 $0x10;
	s8 =	simm.s32 $0x180;
	[sflag:s28] =	ssyncadd.s32 $0xFFFFC000  }
.LBB2_148:
0x639: {  	[tilespmem:s6], [sflag:$0x2] =	stream.linear.gather [hbm4b:s10+s1], $0x80, $0x38;
	[tilespmem:$0x14000] =	vst v63  }
0x63a: {  	s10 =	smov.u32 s7;
	s6 =	smov.u32 s8;
	p0 =	sne.s32 s7, $0x7F0  }
.Ltmp73:
0x63b: {  	s7 =	sadd.s32 $0x10, s7;
	(pc) =	sbr.rel @p0 .LBB2_148-.Ltmp73, $2  }
0x63c: {  	_ =	sdelay $0x2  }
0x63d: {  	s8 =	sadd.s32 $0x100, s8;
	s10 =	sadd.s32 s10, s2  }
0x63e: {  	[tilespmem:s6], [sflag:$0x2] =	stream.linear.gather [hbm4b:s10+s1], $0x80, $0x38;
	[tilespmem:$0x14000] =	vst v63  }
0x63f: {  	s2 =	simm.s32 $0x1  }
0x640: {  	_ =	swait.ge [sflag:s2], $0x4000  }
0x641: {  	[sflag:s2] =	ssyncset.done $0x0  }
0x642: {  	s17 =	simm.s32 $0x3;
	[sflag:s2] =	ssyncadd.s32 $0xFFFFC000  }
0x643: {  	_ =	swait.ge [sflag:s17], $0x4000  }
0x644: {  	[sflag:s17] =	ssyncset.done $0x0  }
0x645: {  	s19 =	simm.s32 $0x40;
	[sflag:s17] =	ssyncadd.s32 $0xFFFFC000  }
0x646: {  	s6 =	simm.s32 $0x10040;
	v1 =	vld [tilespmem:s19+$0x30]  }
0x647: {  	v2 =	vld [tilespmem:s6+$0x30]  }
0x648: {  	v3 =	vld [tilespmem:s19+$0xFFFFFFD0]  }
0x649: {  	v4 =	vld [tilespmem:s6+$0xFFFFFFD0]  }
0x64a: {  	v5 =	vld [tilespmem:s19+$0xFFFFFFE0]  }
0x64b: {  	v6 =	vld [tilespmem:s6+$0xFFFFFFE0]  }
0x64c: {  	v7 =	vld [tilespmem:s19+$0xFFFFFFF0]  }
0x64d: {  	v8 =	vld [tilespmem:s6+$0xFFFFFFF0]  }
0x64e: {  	v0 =	vld [tilespmem:s6+$0xFFFFFFC0]  }
0x64f: {  	v9 =	vld [tilespmem:s19+$0x0];
	v2 =	vadd.f32 v2, v1  }
0x650: {  	s7 =	simm.s32 $0x8040;
	v10 =	vld [tilespmem:s6+$0x0];
	v4 =	vadd.f32 v4, v3  }
0x651: {  	v1 =	vld [tilespmem:s19+$0x10];
	v5 =	vadd.f32 v6, v5;
	[tilespmem:s7+$0x30] =	vst v2  }
0x652: {  	v3 =	vld [tilespmem:s6+$0x10];
	v6 =	vadd.f32 v8, v7;
	[tilespmem:s7+$0xFFFFFFD0] =	vst v4  }
0x653: {  	v2 =	vld [tilespmem:s19+$0x20];
	[tilespmem:s7+$0xFFFFFFE0] =	vst v5  }
0x654: {  	v5 =	vld [tilespmem:s6+$0x20];
	[tilespmem:s7+$0xFFFFFFF0] =	vst v6  }
0x655: {  	s8 =	simm.s32 $0x0;
	s10 =	simm.s32 $0x140;
	v4 =	vld [tilespmem:s19+$0xFFFFFFC0];
	v6 =	vadd.f32 v10, v9;
	s28 =	sld [smem:$0x7F9]  }
.LBB2_150:
0x656: {  	v7 =	vld [tilespmem:s10+$0x30];
	s6 =	sadd.s32 $0x80, s6  }
0x657: {  	s8 =	sadd.s32 $0x8, s8;
	v8 =	vld [tilespmem:s6+$0x30];
	[tilespmem:s7+$0x0] =	vst v6;
	v1 =	vadd.f32 v3, v1  }
0x658: {  	p0 =	slt.u32 s8, $0x3F8;
	v3 =	vld [tilespmem:s6+$0xFFFFFFC0]  }
0x659: {  	v6 =	vld [tilespmem:s10+$0xFFFFFFD0];
	[tilespmem:s7+$0x10] =	vst v1;
	v1 =	vadd.f32 v5, v2  }
0x65a: {  	v2 =	vld [tilespmem:s6+$0xFFFFFFD0];
	v9 =	vadd.f32 v0, v4  }
0x65b: {  	v4 =	vld [tilespmem:s10+$0xFFFFFFE0];
	[tilespmem:s7+$0x20] =	vst v1  }
0x65c: {  	v1 =	vld [tilespmem:s6+$0xFFFFFFE0];
	v5 =	vadd.f32 v8, v7;
	[tilespmem:s7+$0xFFFFFFC0] =	vst v9  }
0x65d: {  	s7 =	sadd.s32 $0x100, s7;
	v7 =	vld [tilespmem:s10+$0xFFFFFFF0];
	v0 =	vmov v3  }
0x65e: {  	v8 =	vld [tilespmem:s6+$0xFFFFFFF0];
	[tilespmem:s7+$0x30] =	vst v5  }
0x65f: {  	v2 =	vadd.f32 v2, v6;
	v6 =	vld [tilespmem:s10+$0x0]  }
0x660: {  	v9 =	vld [tilespmem:s6+$0x0]  }
.Ltmp74:
0x661: {  	[tilespmem:s7+$0xFFFFFFD0] =	vst v2;
	v2 =	vadd.f32 v1, v4;
	v1 =	vld [tilespmem:s10+$0x10];
	(pc) =	sbr.rel @p0 .LBB2_150-.Ltmp74, $4  }
0x662: {  	v3 =	vld [tilespmem:s6+$0x10]  }
0x663: {  	[tilespmem:s7+$0xFFFFFFE0] =	vst v2;
	v7 =	vadd.f32 v8, v7;
	v2 =	vld [tilespmem:s10+$0x20]  }
0x664: {  	v5 =	vld [tilespmem:s6+$0x20]  }
0x665: {  	v4 =	vld [tilespmem:s10+$0xFFFFFFC0];
	[tilespmem:s7+$0xFFFFFFF0] =	vst v7;
	v6 =	vadd.f32 v9, v6;
	s10 =	sadd.s32 $0x100, s10  }
0x666: {  	_ =	sdelay $0x1  }
0x667: {  	v1 =	vadd.f32 v3, v1  }
0x668: {  	[tilespmem:s7+$0x0] =	vst v6;
	v2 =	vadd.f32 v5, v2  }
0x669: {  	[tilespmem:s7+$0x10] =	vst v1;
	v0 =	vadd.f32 v0, v4  }
0x66a: {  	[tilespmem:s7+$0x20] =	vst v2  }
0x66b: {  	[tilespmem:s7+$0xFFFFFFC0] =	vst v0  }
0x66c: {  	s2 =	sld [smem:$0x7DF];
	_ =	sdelay $0x1  }
0x66d: {  	s6 =	simm.s32 $0x8000  }
0x66e: {  	s8 =	simm.s32 $0x8100;
	s7 =	simm.s32 $0x10;
	s10 =	sadd.s32 $0x0, s2  }
.LBB2_152:
0x66f: {  	[hbm4b:s10+s1] =	stream.linear.scatter [tilespmem:s6], [sflag:$0x3], $0x80, $0x38;
	[tilespmem:$0x14000] =	vst v63  }
0x670: {  	s10 =	smov.u32 s7;
	s6 =	smov.u32 s8;
	p0 =	sne.s32 s7, $0x7F0  }
.Ltmp75:
0x671: {  	s7 =	sadd.s32 $0x10, s7;
	(pc) =	sbr.rel @p0 .LBB2_152-.Ltmp75, $2  }
0x672: {  	_ =	sdelay $0x2  }
0x673: {  	s8 =	sadd.s32 $0x100, s8;
	s10 =	sadd.s32 s10, s2  }
0x674: {  	s2 =	sld [smem:$0x7E1]  }
0x675: {  	[hbm4b:s10+s1] =	stream.linear.scatter [tilespmem:s6], [sflag:$0x3], $0x80, $0x38;
	[tilespmem:$0x14000] =	vst v63  }
0x676: {  	s6 =	simm.s32 $0x0  }
0x677: {  	s7 =	simm.s32 $0x10;
	s8 =	simm.s32 $0x100;
	s10 =	sadd.s32 $0x0, s2  }
.LBB2_154:
0x678: {  	[tilespmem:s6], [sflag:$0x1] =	stream.linear.gather [hbm4b:s10+s1], $0x80, $0x38;
	[tilespmem:$0x14000] =	vst v63  }
0x679: {  	s10 =	smov.u32 s7;
	s6 =	smov.u32 s8;
	p0 =	sne.s32 s7, $0x7F0  }
.Ltmp76:
0x67a: {  	s7 =	sadd.s32 $0x10, s7;
	(pc) =	sbr.rel @p0 .LBB2_154-.Ltmp76, $2  }
0x67b: {  	_ =	sdelay $0x2  }
0x67c: {  	s8 =	sadd.s32 $0x100, s8;
	s10 =	sadd.s32 s10, s2  }
0x67d: {  	[tilespmem:s6], [sflag:$0x1] =	stream.linear.gather [hbm4b:s10+s1], $0x80, $0x38;
	[tilespmem:$0x14000] =	vst v63  }
0x67e: {  	s2 =	simm.s32 $0x2  }
0x67f: {  	_ =	swait.ge [sflag:s2], $0x4000  }
0x680: {  	[sflag:s2] =	ssyncset.done $0x0  }
0x681: {  	s17 =	simm.s32 $0x4;
	[sflag:s2] =	ssyncadd.s32 $0xFFFFC000  }
0x682: {  	_ =	swait.ge [sflag:s17], $0x4000  }
0x683: {  	[sflag:s17] =	ssyncset.done $0x0  }
0x684: {  	s19 =	simm.s32 $0xF0;
	[sflag:s17] =	ssyncadd.s32 $0xFFFFC000  }
0x685: {  	s6 =	simm.s32 $0x10040;
	v1 =	vld [tilespmem:s19+$0x0]  }
0x686: {  	v2 =	vld [tilespmem:s6+$0x30]  }
0x687: {  	v3 =	vld [tilespmem:s19+$0xFFFFFFA0]  }
0x688: {  	v4 =	vld [tilespmem:s6+$0xFFFFFFD0]  }
0x689: {  	v5 =	vld [tilespmem:s19+$0xFFFFFFB0]  }
0x68a: {  	v6 =	vld [tilespmem:s6+$0xFFFFFFE0]  }
0x68b: {  	v7 =	vld [tilespmem:s19+$0xFFFFFFC0]  }
0x68c: {  	v8 =	vld [tilespmem:s6+$0xFFFFFFF0]  }
0x68d: {  	v0 =	vld [tilespmem:s6+$0xFFFFFFC0]  }
0x68e: {  	v9 =	vld [tilespmem:s19+$0xFFFFFFD0];
	v2 =	vadd.f32 v2, v1  }
0x68f: {  	s7 =	simm.s32 $0x80F0;
	v10 =	vld [tilespmem:s6+$0x0];
	v4 =	vadd.f32 v4, v3  }
0x690: {  	v1 =	vld [tilespmem:s19+$0xFFFFFFE0];
	v5 =	vadd.f32 v6, v5;
	[tilespmem:s7+$0x0] =	vst v2  }
0x691: {  	v3 =	vld [tilespmem:s6+$0x10];
	v6 =	vadd.f32 v8, v7;
	[tilespmem:s7+$0xFFFFFFA0] =	vst v4  }
0x692: {  	v2 =	vld [tilespmem:s19+$0xFFFFFFF0];
	[tilespmem:s7+$0xFFFFFFB0] =	vst v5  }
0x693: {  	v5 =	vld [tilespmem:s6+$0x20];
	[tilespmem:s7+$0xFFFFFFC0] =	vst v6  }
0x694: {  	s8 =	simm.s32 $0x0;
	s10 =	simm.s32 $0x1F0;
	v4 =	vld [tilespmem:s19+$0xFFFFFF90];
	v6 =	vadd.f32 v10, v9;
	s2 =	sld [smem:$0x7FA]  }
.LBB2_156:
0x695: {  	v7 =	vld [tilespmem:s10+$0x0];
	s6 =	sadd.s32 $0x80, s6  }
0x696: {  	s8 =	sadd.s32 $0x8, s8;
	v8 =	vld [tilespmem:s6+$0x30];
	[tilespmem:s7+$0xFFFFFFD0] =	vst v6;
	v1 =	vadd.f32 v3, v1  }
0x697: {  	p0 =	slt.u32 s8, $0x3F8;
	v3 =	vld [tilespmem:s6+$0xFFFFFFC0]  }
0x698: {  	v6 =	vld [tilespmem:s10+$0xFFFFFFA0];
	[tilespmem:s7+$0xFFFFFFE0] =	vst v1;
	v1 =	vadd.f32 v5, v2  }
0x699: {  	v2 =	vld [tilespmem:s6+$0xFFFFFFD0];
	v9 =	vadd.f32 v0, v4  }
0x69a: {  	v4 =	vld [tilespmem:s10+$0xFFFFFFB0];
	[tilespmem:s7+$0xFFFFFFF0] =	vst v1  }
0x69b: {  	v1 =	vld [tilespmem:s6+$0xFFFFFFE0];
	v5 =	vadd.f32 v8, v7;
	[tilespmem:s7+$0xFFFFFF90] =	vst v9  }
0x69c: {  	s7 =	sadd.s32 $0x100, s7;
	v7 =	vld [tilespmem:s10+$0xFFFFFFC0];
	v0 =	vmov v3  }
0x69d: {  	v8 =	vld [tilespmem:s6+$0xFFFFFFF0];
	[tilespmem:s7+$0x0] =	vst v5  }
0x69e: {  	v2 =	vadd.f32 v2, v6;
	v6 =	vld [tilespmem:s10+$0xFFFFFFD0]  }
0x69f: {  	v9 =	vld [tilespmem:s6+$0x0]  }
.Ltmp77:
0x6a0: {  	[tilespmem:s7+$0xFFFFFFA0] =	vst v2;
	v2 =	vadd.f32 v1, v4;
	v1 =	vld [tilespmem:s10+$0xFFFFFFE0];
	(pc) =	sbr.rel @p0 .LBB2_156-.Ltmp77, $4  }
0x6a1: {  	v3 =	vld [tilespmem:s6+$0x10]  }
0x6a2: {  	[tilespmem:s7+$0xFFFFFFB0] =	vst v2;
	v7 =	vadd.f32 v8, v7;
	v2 =	vld [tilespmem:s10+$0xFFFFFFF0]  }
0x6a3: {  	v5 =	vld [tilespmem:s6+$0x20]  }
0x6a4: {  	v4 =	vld [tilespmem:s10+$0xFFFFFF90];
	[tilespmem:s7+$0xFFFFFFC0] =	vst v7;
	v6 =	vadd.f32 v9, v6;
	s10 =	sadd.s32 $0x100, s10  }
0x6a5: {  	_ =	sdelay $0x1  }
0x6a6: {  	v1 =	vadd.f32 v3, v1  }
0x6a7: {  	[tilespmem:s7+$0xFFFFFFD0] =	vst v6;
	v2 =	vadd.f32 v5, v2  }
0x6a8: {  	[tilespmem:s7+$0xFFFFFFE0] =	vst v1;
	v0 =	vadd.f32 v0, v4  }
0x6a9: {  	s6 =	simm.s32 $0x8080;
	[tilespmem:s7+$0xFFFFFFF0] =	vst v2  }
0x6aa: {  	s10 =	sadd.s32 $0x0, s2;
	s8 =	simm.s32 $0x8180;
	[tilespmem:s7+$0xFFFFFF90] =	vst v0;
	s7 =	simm.s32 $0x10  }
.LBB2_158:
0x6ab: {  	[hbm4b:s10+s1] =	stream.linear.scatter [tilespmem:s6], [sflag:$0x4], $0x80, $0x38;
	[tilespmem:$0x14000] =	vst v63  }
0x6ac: {  	s10 =	smov.u32 s7;
	s6 =	smov.u32 s8;
	p0 =	sne.s32 s7, $0x7F0  }
.Ltmp78:
0x6ad: {  	s7 =	sadd.s32 $0x10, s7;
	(pc) =	sbr.rel @p0 .LBB2_158-.Ltmp78, $2  }
0x6ae: {  	_ =	sdelay $0x2  }
0x6af: {  	s8 =	sadd.s32 $0x100, s8;
	s10 =	sadd.s32 s10, s2  }
0x6b0: {  	[hbm4b:s10+s1] =	stream.linear.scatter [tilespmem:s6], [sflag:$0x4], $0x80, $0x38;
	[tilespmem:$0x14000] =	vst v63  }
0x6b1: {  	s6 =	simm.s32 $0x80  }
0x6b2: {  	s7 =	simm.s32 $0x10;
	s10 =	sadd.s32 $0x0, s3;
	s8 =	simm.s32 $0x180  }
.LBB2_160:
0x6b3: {  	[tilespmem:s6], [sflag:$0x2] =	stream.linear.gather [hbm4b:s10+s1], $0x80, $0x38;
	[tilespmem:$0x14000] =	vst v63  }
0x6b4: {  	s10 =	smov.u32 s7;
	s6 =	smov.u32 s8;
	p0 =	sne.s32 s7, $0x7F0  }
.Ltmp79:
0x6b5: {  	s7 =	sadd.s32 $0x10, s7;
	(pc) =	sbr.rel @p0 .LBB2_160-.Ltmp79, $2  }
0x6b6: {  	_ =	sdelay $0x2  }
0x6b7: {  	s8 =	sadd.s32 $0x100, s8;
	s10 =	sadd.s32 s10, s3  }
0x6b8: {  	[tilespmem:s6], [sflag:$0x2] =	stream.linear.gather [hbm4b:s10+s1], $0x80, $0x38;
	[tilespmem:$0x14000] =	vst v63  }
0x6b9: {  	s3 =	simm.s32 $0x1  }
0x6ba: {  	_ =	swait.ge [sflag:s3], $0x4000  }
0x6bb: {  	[sflag:s3] =	ssyncset.done $0x0  }
0x6bc: {  	s17 =	simm.s32 $0x3;
	[sflag:s3] =	ssyncadd.s32 $0xFFFFC000  }
0x6bd: {  	_ =	swait.ge [sflag:s17], $0x4000  }
0x6be: {  	[sflag:s17] =	ssyncset.done $0x0  }
0x6bf: {  	s19 =	simm.s32 $0x40;
	[sflag:s17] =	ssyncadd.s32 $0xFFFFC000  }
0x6c0: {  	s6 =	simm.s32 $0x10040;
	v1 =	vld [tilespmem:s19+$0x30]  }
0x6c1: {  	v2 =	vld [tilespmem:s6+$0x30]  }
0x6c2: {  	v0 =	vld [tilespmem:s6+$0xFFFFFFC0]  }
0x6c3: {  	v3 =	vld [tilespmem:s19+$0xFFFFFFD0]  }
0x6c4: {  	v4 =	vld [tilespmem:s6+$0xFFFFFFD0]  }
0x6c5: {  	v5 =	vld [tilespmem:s19+$0xFFFFFFE0]  }
0x6c6: {  	v6 =	vld [tilespmem:s6+$0xFFFFFFE0]  }
0x6c7: {  	v7 =	vld [tilespmem:s19+$0xFFFFFFF0]  }
0x6c8: {  	v8 =	vld [tilespmem:s6+$0xFFFFFFF0]  }
0x6c9: {  	v9 =	vld [tilespmem:s19+$0x0]  }
0x6ca: {  	v10 =	vld [tilespmem:s6+$0x0];
	v2 =	vadd.f32 v2, v1  }
0x6cb: {  	s7 =	simm.s32 $0x8040;
	v4 =	vadd.f32 v4, v3;
	v1 =	vld [tilespmem:s19+$0x10]  }
0x6cc: {  	v5 =	vadd.f32 v6, v5;
	v3 =	vld [tilespmem:s6+$0x10];
	[tilespmem:s7+$0x30] =	vst v2  }
0x6cd: {  	v6 =	vadd.f32 v8, v7;
	[tilespmem:s7+$0xFFFFFFD0] =	vst v4;
	v2 =	vld [tilespmem:s19+$0x20]  }
0x6ce: {  	[tilespmem:s7+$0xFFFFFFE0] =	vst v5;
	v5 =	vld [tilespmem:s6+$0x20]  }
0x6cf: {  	s8 =	simm.s32 $0x0;
	s10 =	simm.s32 $0x140;
	v4 =	vld [tilespmem:s19+$0xFFFFFFC0];
	[tilespmem:s7+$0xFFFFFFF0] =	vst v6;
	v6 =	vadd.f32 v10, v9  }
.LBB2_162:
0x6d0: {  	v7 =	vld [tilespmem:s10+$0x30];
	s6 =	sadd.s32 $0x80, s6  }
0x6d1: {  	s8 =	sadd.s32 $0x8, s8;
	v8 =	vld [tilespmem:s6+$0x30];
	[tilespmem:s7+$0x0] =	vst v6;
	v1 =	vadd.f32 v3, v1  }
0x6d2: {  	p0 =	slt.u32 s8, $0x3F8;
	v3 =	vld [tilespmem:s6+$0xFFFFFFC0]  }
0x6d3: {  	v6 =	vld [tilespmem:s10+$0xFFFFFFD0];
	[tilespmem:s7+$0x10] =	vst v1;
	v1 =	vadd.f32 v5, v2  }
0x6d4: {  	v2 =	vld [tilespmem:s6+$0xFFFFFFD0];
	v9 =	vadd.f32 v0, v4  }
0x6d5: {  	v4 =	vld [tilespmem:s10+$0xFFFFFFE0];
	[tilespmem:s7+$0x20] =	vst v1  }
0x6d6: {  	v1 =	vld [tilespmem:s6+$0xFFFFFFE0];
	v5 =	vadd.f32 v8, v7;
	[tilespmem:s7+$0xFFFFFFC0] =	vst v9  }
0x6d7: {  	s7 =	sadd.s32 $0x100, s7;
	v7 =	vld [tilespmem:s10+$0xFFFFFFF0];
	v0 =	vmov v3  }
0x6d8: {  	v8 =	vld [tilespmem:s6+$0xFFFFFFF0];
	[tilespmem:s7+$0x30] =	vst v5  }
0x6d9: {  	v2 =	vadd.f32 v2, v6;
	v6 =	vld [tilespmem:s10+$0x0]  }
0x6da: {  	v9 =	vld [tilespmem:s6+$0x0]  }
.Ltmp80:
0x6db: {  	[tilespmem:s7+$0xFFFFFFD0] =	vst v2;
	v2 =	vadd.f32 v1, v4;
	v1 =	vld [tilespmem:s10+$0x10];
	(pc) =	sbr.rel @p0 .LBB2_162-.Ltmp80, $4  }
0x6dc: {  	v3 =	vld [tilespmem:s6+$0x10]  }
0x6dd: {  	[tilespmem:s7+$0xFFFFFFE0] =	vst v2;
	v7 =	vadd.f32 v8, v7;
	v2 =	vld [tilespmem:s10+$0x20]  }
0x6de: {  	v5 =	vld [tilespmem:s6+$0x20]  }
0x6df: {  	v4 =	vld [tilespmem:s10+$0xFFFFFFC0];
	[tilespmem:s7+$0xFFFFFFF0] =	vst v7;
	v6 =	vadd.f32 v9, v6;
	s10 =	sadd.s32 $0x100, s10  }
0x6e0: {  	_ =	sdelay $0x1  }
0x6e1: {  	v1 =	vadd.f32 v3, v1  }
0x6e2: {  	[tilespmem:s7+$0x0] =	vst v6;
	v2 =	vadd.f32 v5, v2  }
0x6e3: {  	[tilespmem:s7+$0x10] =	vst v1;
	v0 =	vadd.f32 v0, v4  }
0x6e4: {  	[tilespmem:s7+$0x20] =	vst v2  }
0x6e5: {  	[tilespmem:s7+$0xFFFFFFC0] =	vst v0  }
0x6e6: {  	s3 =	sld [smem:$0x7E2];
	_ =	sdelay $0x1  }
0x6e7: {  	s6 =	simm.s32 $0x8000  }
0x6e8: {  	s8 =	simm.s32 $0x8100;
	s7 =	simm.s32 $0x10;
	s10 =	sadd.s32 $0x0, s3  }
.LBB2_164:
0x6e9: {  	[hbm4b:s10+s1] =	stream.linear.scatter [tilespmem:s6], [sflag:$0x3], $0x80, $0x38;
	[tilespmem:$0x14000] =	vst v63  }
0x6ea: {  	s10 =	smov.u32 s7;
	s6 =	smov.u32 s8;
	p0 =	sne.s32 s7, $0x7F0  }
.Ltmp81:
0x6eb: {  	s7 =	sadd.s32 $0x10, s7;
	(pc) =	sbr.rel @p0 .LBB2_164-.Ltmp81, $2  }
0x6ec: {  	_ =	sdelay $0x2  }
0x6ed: {  	s8 =	sadd.s32 $0x100, s8;
	s10 =	sadd.s32 s10, s3  }
0x6ee: {  	s3 =	sld [smem:$0x7E6]  }
0x6ef: {  	[hbm4b:s10+s1] =	stream.linear.scatter [tilespmem:s6], [sflag:$0x3], $0x80, $0x38;
	[tilespmem:$0x14000] =	vst v63  }
0x6f0: {  	s6 =	simm.s32 $0x0  }
0x6f1: {  	s7 =	simm.s32 $0x10;
	s8 =	simm.s32 $0x100;
	s10 =	sadd.s32 $0x0, s3  }
.LBB2_166:
0x6f2: {  	[tilespmem:s6], [sflag:$0x1] =	stream.linear.gather [hbm4b:s10+s1], $0x80, $0x38;
	[tilespmem:$0x14000] =	vst v63  }
0x6f3: {  	s10 =	smov.u32 s7;
	s6 =	smov.u32 s8;
	p0 =	sne.s32 s7, $0x7F0  }
.Ltmp82:
0x6f4: {  	s7 =	sadd.s32 $0x10, s7;
	(pc) =	sbr.rel @p0 .LBB2_166-.Ltmp82, $2  }
0x6f5: {  	_ =	sdelay $0x2  }
0x6f6: {  	s8 =	sadd.s32 $0x100, s8;
	s10 =	sadd.s32 s10, s3  }
0x6f7: {  	[tilespmem:s6], [sflag:$0x1] =	stream.linear.gather [hbm4b:s10+s1], $0x80, $0x38;
	[tilespmem:$0x14000] =	vst v63  }
0x6f8: {  	s3 =	simm.s32 $0x2  }
0x6f9: {  	_ =	swait.ge [sflag:s3], $0x4000  }
0x6fa: {  	[sflag:s3] =	ssyncset.done $0x0  }
0x6fb: {  	s17 =	simm.s32 $0x4;
	[sflag:s3] =	ssyncadd.s32 $0xFFFFC000  }
0x6fc: {  	_ =	swait.ge [sflag:s17], $0x4000  }
0x6fd: {  	[sflag:s17] =	ssyncset.done $0x0  }
0x6fe: {  	s19 =	simm.s32 $0xF0;
	[sflag:s17] =	ssyncadd.s32 $0xFFFFC000  }
0x6ff: {  	s6 =	simm.s32 $0x10040;
	v1 =	vld [tilespmem:s19+$0x0]  }
0x700: {  	v2 =	vld [tilespmem:s6+$0x30]  }
0x701: {  	v3 =	vld [tilespmem:s19+$0xFFFFFFA0]  }
0x702: {  	v4 =	vld [tilespmem:s6+$0xFFFFFFD0]  }
0x703: {  	v5 =	vld [tilespmem:s19+$0xFFFFFFB0]  }
0x704: {  	v6 =	vld [tilespmem:s6+$0xFFFFFFE0]  }
0x705: {  	v7 =	vld [tilespmem:s19+$0xFFFFFFC0]  }
0x706: {  	v8 =	vld [tilespmem:s6+$0xFFFFFFF0]  }
0x707: {  	v0 =	vld [tilespmem:s6+$0xFFFFFFC0]  }
0x708: {  	v9 =	vld [tilespmem:s19+$0xFFFFFFD0];
	v2 =	vadd.f32 v2, v1  }
0x709: {  	s7 =	simm.s32 $0x80F0;
	v10 =	vld [tilespmem:s6+$0x0];
	v4 =	vadd.f32 v4, v3  }
0x70a: {  	v1 =	vld [tilespmem:s19+$0xFFFFFFE0];
	v5 =	vadd.f32 v6, v5;
	[tilespmem:s7+$0x0] =	vst v2  }
0x70b: {  	v3 =	vld [tilespmem:s6+$0x10];
	v6 =	vadd.f32 v8, v7;
	[tilespmem:s7+$0xFFFFFFA0] =	vst v4  }
0x70c: {  	v2 =	vld [tilespmem:s19+$0xFFFFFFF0];
	[tilespmem:s7+$0xFFFFFFB0] =	vst v5  }
0x70d: {  	v5 =	vld [tilespmem:s6+$0x20];
	[tilespmem:s7+$0xFFFFFFC0] =	vst v6  }
0x70e: {  	s8 =	simm.s32 $0x0;
	s10 =	simm.s32 $0x1F0;
	v4 =	vld [tilespmem:s19+$0xFFFFFF90];
	v6 =	vadd.f32 v10, v9;
	s3 =	sld [smem:$0x7FB]  }
.LBB2_168:
0x70f: {  	v7 =	vld [tilespmem:s10+$0x0];
	s6 =	sadd.s32 $0x80, s6  }
0x710: {  	s8 =	sadd.s32 $0x8, s8;
	v8 =	vld [tilespmem:s6+$0x30];
	[tilespmem:s7+$0xFFFFFFD0] =	vst v6;
	v1 =	vadd.f32 v3, v1  }
0x711: {  	p0 =	slt.u32 s8, $0x3F8;
	v3 =	vld [tilespmem:s6+$0xFFFFFFC0]  }
0x712: {  	v6 =	vld [tilespmem:s10+$0xFFFFFFA0];
	[tilespmem:s7+$0xFFFFFFE0] =	vst v1;
	v1 =	vadd.f32 v5, v2  }
0x713: {  	v2 =	vld [tilespmem:s6+$0xFFFFFFD0];
	v9 =	vadd.f32 v0, v4  }
0x714: {  	v4 =	vld [tilespmem:s10+$0xFFFFFFB0];
	[tilespmem:s7+$0xFFFFFFF0] =	vst v1  }
0x715: {  	v1 =	vld [tilespmem:s6+$0xFFFFFFE0];
	v5 =	vadd.f32 v8, v7;
	[tilespmem:s7+$0xFFFFFF90] =	vst v9  }
0x716: {  	s7 =	sadd.s32 $0x100, s7;
	v7 =	vld [tilespmem:s10+$0xFFFFFFC0];
	v0 =	vmov v3  }
0x717: {  	v8 =	vld [tilespmem:s6+$0xFFFFFFF0];
	[tilespmem:s7+$0x0] =	vst v5  }
0x718: {  	v2 =	vadd.f32 v2, v6;
	v6 =	vld [tilespmem:s10+$0xFFFFFFD0]  }
0x719: {  	v9 =	vld [tilespmem:s6+$0x0]  }
.Ltmp83:
0x71a: {  	[tilespmem:s7+$0xFFFFFFA0] =	vst v2;
	v2 =	vadd.f32 v1, v4;
	v1 =	vld [tilespmem:s10+$0xFFFFFFE0];
	(pc) =	sbr.rel @p0 .LBB2_168-.Ltmp83, $4  }
0x71b: {  	v3 =	vld [tilespmem:s6+$0x10]  }
0x71c: {  	[tilespmem:s7+$0xFFFFFFB0] =	vst v2;
	v7 =	vadd.f32 v8, v7;
	v2 =	vld [tilespmem:s10+$0xFFFFFFF0]  }
0x71d: {  	v5 =	vld [tilespmem:s6+$0x20]  }
0x71e: {  	v4 =	vld [tilespmem:s10+$0xFFFFFF90];
	[tilespmem:s7+$0xFFFFFFC0] =	vst v7;
	v6 =	vadd.f32 v9, v6;
	s10 =	sadd.s32 $0x100, s10  }
0x71f: {  	_ =	sdelay $0x1  }
0x720: {  	v1 =	vadd.f32 v3, v1  }
0x721: {  	[tilespmem:s7+$0xFFFFFFD0] =	vst v6;
	v2 =	vadd.f32 v5, v2  }
0x722: {  	[tilespmem:s7+$0xFFFFFFE0] =	vst v1;
	v0 =	vadd.f32 v0, v4  }
0x723: {  	s6 =	simm.s32 $0x8080;
	[tilespmem:s7+$0xFFFFFFF0] =	vst v2  }
0x724: {  	s10 =	sadd.s32 $0x0, s3;
	s8 =	simm.s32 $0x8180;
	[tilespmem:s7+$0xFFFFFF90] =	vst v0;
	s7 =	simm.s32 $0x10  }
.LBB2_170:
0x725: {  	[hbm4b:s10+s1] =	stream.linear.scatter [tilespmem:s6], [sflag:$0x4], $0x80, $0x38;
	[tilespmem:$0x14000] =	vst v63  }
0x726: {  	s10 =	smov.u32 s7;
	s6 =	smov.u32 s8;
	p0 =	sne.s32 s7, $0x7F0  }
.Ltmp84:
0x727: {  	s7 =	sadd.s32 $0x10, s7;
	(pc) =	sbr.rel @p0 .LBB2_170-.Ltmp84, $2  }
0x728: {  	_ =	sdelay $0x2  }
0x729: {  	s8 =	sadd.s32 $0x100, s8;
	s10 =	sadd.s32 s10, s3  }
0x72a: {  	s7 =	sld [smem:$0x7E5]  }
0x72b: {  	[hbm4b:s10+s1] =	stream.linear.scatter [tilespmem:s6], [sflag:$0x4], $0x80, $0x38;
	[tilespmem:$0x14000] =	vst v63  }
0x72c: {  	s17 =	simm.s32 $0x0;
	s8 =	simm.s32 $0x10000;
	s19 =	simm.s32 $0x5  }
0x72d: {  	[tilespmem:s8], [sflag:$0x5] =	stream.linear.gather [hbm4b:s7+s17], $0x4000, $0x38;
	[tilespmem:$0x14000] =	vst v63  }
0x72e: {  	_ =	swait.ge [sflag:s19], $0x4000  }
0x72f: {  	s6 =	simm.s32 $0x80;
	s10 =	sadd.s32 $0x0, s4;
	[sflag:s19] =	ssyncset.done $0x0  }
0x730: {  	s7 =	simm.s32 $0x10;
	s8 =	simm.s32 $0x180;
	[sflag:s19] =	ssyncadd.s32 $0xFFFFC000  }
.LBB2_172:
0x731: {  	[tilespmem:s6], [sflag:$0x2] =	stream.linear.gather [hbm4b:s10+s1], $0x80, $0x38;
	[tilespmem:$0x14000] =	vst v63  }
0x732: {  	s10 =	smov.u32 s7;
	s6 =	smov.u32 s8;
	p0 =	sne.s32 s7, $0x7F0  }
.Ltmp85:
0x733: {  	s7 =	sadd.s32 $0x10, s7;
	(pc) =	sbr.rel @p0 .LBB2_172-.Ltmp85, $2  }
0x734: {  	_ =	sdelay $0x2  }
0x735: {  	s8 =	sadd.s32 $0x100, s8;
	s10 =	sadd.s32 s10, s4  }
0x736: {  	[tilespmem:s6], [sflag:$0x2] =	stream.linear.gather [hbm4b:s10+s1], $0x80, $0x38;
	[tilespmem:$0x14000] =	vst v63  }
0x737: {  	s4 =	simm.s32 $0x1  }
0x738: {  	_ =	swait.ge [sflag:s4], $0x4000  }
0x739: {  	[sflag:s4] =	ssyncset.done $0x0  }
0x73a: {  	s17 =	simm.s32 $0x3;
	[sflag:s4] =	ssyncadd.s32 $0xFFFFC000  }
0x73b: {  	_ =	swait.ge [sflag:s17], $0x4000  }
0x73c: {  	[sflag:s17] =	ssyncset.done $0x0  }
0x73d: {  	s19 =	simm.s32 $0x40;
	[sflag:s17] =	ssyncadd.s32 $0xFFFFC000  }
0x73e: {  	s6 =	simm.s32 $0x10040;
	v1 =	vld [tilespmem:s19+$0x30]  }
0x73f: {  	v2 =	vld [tilespmem:s6+$0x30]  }
0x740: {  	v0 =	vld [tilespmem:s6+$0xFFFFFFC0]  }
0x741: {  	v3 =	vld [tilespmem:s19+$0xFFFFFFD0]  }
0x742: {  	v4 =	vld [tilespmem:s6+$0xFFFFFFD0]  }
0x743: {  	v5 =	vld [tilespmem:s19+$0xFFFFFFE0]  }
0x744: {  	v6 =	vld [tilespmem:s6+$0xFFFFFFE0]  }
0x745: {  	v7 =	vld [tilespmem:s19+$0xFFFFFFF0]  }
0x746: {  	v8 =	vld [tilespmem:s6+$0xFFFFFFF0]  }
0x747: {  	v9 =	vld [tilespmem:s19+$0x0]  }
0x748: {  	v10 =	vld [tilespmem:s6+$0x0];
	v2 =	vadd.f32 v2, v1  }
0x749: {  	s7 =	simm.s32 $0x8040;
	v4 =	vadd.f32 v4, v3;
	v1 =	vld [tilespmem:s19+$0x10]  }
0x74a: {  	v5 =	vadd.f32 v6, v5;
	v3 =	vld [tilespmem:s6+$0x10];
	[tilespmem:s7+$0x30] =	vst v2  }
0x74b: {  	v6 =	vadd.f32 v8, v7;
	[tilespmem:s7+$0xFFFFFFD0] =	vst v4;
	v2 =	vld [tilespmem:s19+$0x20]  }
0x74c: {  	[tilespmem:s7+$0xFFFFFFE0] =	vst v5;
	v5 =	vld [tilespmem:s6+$0x20]  }
0x74d: {  	s8 =	simm.s32 $0x0;
	s10 =	simm.s32 $0x140;
	v4 =	vld [tilespmem:s19+$0xFFFFFFC0];
	[tilespmem:s7+$0xFFFFFFF0] =	vst v6;
	v6 =	vadd.f32 v10, v9  }
.LBB2_174:
0x74e: {  	v7 =	vld [tilespmem:s10+$0x30];
	s6 =	sadd.s32 $0x80, s6  }
0x74f: {  	s8 =	sadd.s32 $0x8, s8;
	v8 =	vld [tilespmem:s6+$0x30];
	[tilespmem:s7+$0x0] =	vst v6;
	v1 =	vadd.f32 v3, v1  }
0x750: {  	p0 =	slt.u32 s8, $0x3F8;
	v3 =	vld [tilespmem:s6+$0xFFFFFFC0]  }
0x751: {  	v6 =	vld [tilespmem:s10+$0xFFFFFFD0];
	[tilespmem:s7+$0x10] =	vst v1;
	v1 =	vadd.f32 v5, v2  }
0x752: {  	v2 =	vld [tilespmem:s6+$0xFFFFFFD0];
	v9 =	vadd.f32 v0, v4  }
0x753: {  	v4 =	vld [tilespmem:s10+$0xFFFFFFE0];
	[tilespmem:s7+$0x20] =	vst v1  }
0x754: {  	v1 =	vld [tilespmem:s6+$0xFFFFFFE0];
	v5 =	vadd.f32 v8, v7;
	[tilespmem:s7+$0xFFFFFFC0] =	vst v9  }
0x755: {  	s7 =	sadd.s32 $0x100, s7;
	v7 =	vld [tilespmem:s10+$0xFFFFFFF0];
	v0 =	vmov v3  }
0x756: {  	v8 =	vld [tilespmem:s6+$0xFFFFFFF0];
	[tilespmem:s7+$0x30] =	vst v5  }
0x757: {  	v2 =	vadd.f32 v2, v6;
	v6 =	vld [tilespmem:s10+$0x0]  }
0x758: {  	v9 =	vld [tilespmem:s6+$0x0]  }
.Ltmp86:
0x759: {  	[tilespmem:s7+$0xFFFFFFD0] =	vst v2;
	v2 =	vadd.f32 v1, v4;
	v1 =	vld [tilespmem:s10+$0x10];
	(pc) =	sbr.rel @p0 .LBB2_174-.Ltmp86, $4  }
0x75a: {  	v3 =	vld [tilespmem:s6+$0x10]  }
0x75b: {  	[tilespmem:s7+$0xFFFFFFE0] =	vst v2;
	v7 =	vadd.f32 v8, v7;
	v2 =	vld [tilespmem:s10+$0x20]  }
0x75c: {  	v5 =	vld [tilespmem:s6+$0x20]  }
0x75d: {  	v4 =	vld [tilespmem:s10+$0xFFFFFFC0];
	[tilespmem:s7+$0xFFFFFFF0] =	vst v7;
	v6 =	vadd.f32 v9, v6;
	s10 =	sadd.s32 $0x100, s10  }
0x75e: {  	_ =	sdelay $0x1  }
0x75f: {  	v1 =	vadd.f32 v3, v1  }
0x760: {  	[tilespmem:s7+$0x0] =	vst v6;
	v2 =	vadd.f32 v5, v2  }
0x761: {  	[tilespmem:s7+$0x10] =	vst v1;
	v0 =	vadd.f32 v0, v4  }
0x762: {  	[tilespmem:s7+$0x20] =	vst v2  }
0x763: {  	[tilespmem:s7+$0xFFFFFFC0] =	vst v0  }
0x764: {  	s4 =	sld [smem:$0x7E7];
	_ =	sdelay $0x1  }
0x765: {  	s6 =	simm.s32 $0x8000  }
0x766: {  	s8 =	simm.s32 $0x8100;
	s7 =	simm.s32 $0x10;
	s10 =	sadd.s32 $0x0, s4  }
.LBB2_176:
0x767: {  	[hbm4b:s10+s1] =	stream.linear.scatter [tilespmem:s6], [sflag:$0x3], $0x80, $0x38;
	[tilespmem:$0x14000] =	vst v63  }
0x768: {  	s10 =	smov.u32 s7;
	s6 =	smov.u32 s8;
	p0 =	sne.s32 s7, $0x7F0  }
.Ltmp87:
0x769: {  	s7 =	sadd.s32 $0x10, s7;
	(pc) =	sbr.rel @p0 .LBB2_176-.Ltmp87, $2  }
0x76a: {  	_ =	sdelay $0x2  }
0x76b: {  	s8 =	sadd.s32 $0x100, s8;
	s10 =	sadd.s32 s10, s4  }
0x76c: {  	s4 =	sld [smem:$0x7EB]  }
0x76d: {  	[hbm4b:s10+s1] =	stream.linear.scatter [tilespmem:s6], [sflag:$0x3], $0x80, $0x38;
	[tilespmem:$0x14000] =	vst v63  }
0x76e: {  	s6 =	simm.s32 $0x0  }
0x76f: {  	s7 =	simm.s32 $0x10;
	s8 =	simm.s32 $0x100;
	s10 =	sadd.s32 $0x0, s4  }
.LBB2_178:
0x770: {  	[tilespmem:s6], [sflag:$0x1] =	stream.linear.gather [hbm4b:s10+s1], $0x80, $0x38;
	[tilespmem:$0x14000] =	vst v63  }
0x771: {  	s10 =	smov.u32 s7;
	s6 =	smov.u32 s8;
	p0 =	sne.s32 s7, $0x7F0  }
.Ltmp88:
0x772: {  	s7 =	sadd.s32 $0x10, s7;
	(pc) =	sbr.rel @p0 .LBB2_178-.Ltmp88, $2  }
0x773: {  	_ =	sdelay $0x2  }
0x774: {  	s8 =	sadd.s32 $0x100, s8;
	s10 =	sadd.s32 s10, s4  }
0x775: {  	[tilespmem:s6], [sflag:$0x1] =	stream.linear.gather [hbm4b:s10+s1], $0x80, $0x38;
	[tilespmem:$0x14000] =	vst v63  }
0x776: {  	s4 =	simm.s32 $0x2  }
0x777: {  	_ =	swait.ge [sflag:s4], $0x4000  }
0x778: {  	[sflag:s4] =	ssyncset.done $0x0  }
0x779: {  	s17 =	simm.s32 $0x4;
	[sflag:s4] =	ssyncadd.s32 $0xFFFFC000  }
0x77a: {  	_ =	swait.ge [sflag:s17], $0x4000  }
0x77b: {  	[sflag:s17] =	ssyncset.done $0x0  }
0x77c: {  	s19 =	simm.s32 $0xF0;
	[sflag:s17] =	ssyncadd.s32 $0xFFFFC000  }
0x77d: {  	s6 =	simm.s32 $0x10040;
	v1 =	vld [tilespmem:s19+$0x0]  }
0x77e: {  	v2 =	vld [tilespmem:s6+$0x30]  }
0x77f: {  	v3 =	vld [tilespmem:s19+$0xFFFFFFA0]  }
0x780: {  	v4 =	vld [tilespmem:s6+$0xFFFFFFD0]  }
0x781: {  	v5 =	vld [tilespmem:s19+$0xFFFFFFB0]  }
0x782: {  	v6 =	vld [tilespmem:s6+$0xFFFFFFE0]  }
0x783: {  	v7 =	vld [tilespmem:s19+$0xFFFFFFC0]  }
0x784: {  	v8 =	vld [tilespmem:s6+$0xFFFFFFF0]  }
0x785: {  	v0 =	vld [tilespmem:s6+$0xFFFFFFC0]  }
0x786: {  	v9 =	vld [tilespmem:s19+$0xFFFFFFD0];
	v2 =	vadd.f32 v2, v1  }
0x787: {  	s7 =	simm.s32 $0x80F0;
	v10 =	vld [tilespmem:s6+$0x0];
	v4 =	vadd.f32 v4, v3  }
0x788: {  	v1 =	vld [tilespmem:s19+$0xFFFFFFE0];
	v5 =	vadd.f32 v6, v5;
	[tilespmem:s7+$0x0] =	vst v2  }
0x789: {  	v3 =	vld [tilespmem:s6+$0x10];
	v6 =	vadd.f32 v8, v7;
	[tilespmem:s7+$0xFFFFFFA0] =	vst v4  }
0x78a: {  	v2 =	vld [tilespmem:s19+$0xFFFFFFF0];
	[tilespmem:s7+$0xFFFFFFB0] =	vst v5  }
0x78b: {  	v5 =	vld [tilespmem:s6+$0x20];
	[tilespmem:s7+$0xFFFFFFC0] =	vst v6  }
0x78c: {  	s8 =	simm.s32 $0x0;
	s10 =	simm.s32 $0x1F0;
	v4 =	vld [tilespmem:s19+$0xFFFFFF90];
	v6 =	vadd.f32 v10, v9;
	s4 =	sld [smem:$0x7FC]  }
.LBB2_180:
0x78d: {  	v7 =	vld [tilespmem:s10+$0x0];
	s6 =	sadd.s32 $0x80, s6  }
0x78e: {  	s8 =	sadd.s32 $0x8, s8;
	v8 =	vld [tilespmem:s6+$0x30];
	[tilespmem:s7+$0xFFFFFFD0] =	vst v6;
	v1 =	vadd.f32 v3, v1  }
0x78f: {  	p0 =	slt.u32 s8, $0x3F8;
	v3 =	vld [tilespmem:s6+$0xFFFFFFC0]  }
0x790: {  	v6 =	vld [tilespmem:s10+$0xFFFFFFA0];
	[tilespmem:s7+$0xFFFFFFE0] =	vst v1;
	v1 =	vadd.f32 v5, v2  }
0x791: {  	v2 =	vld [tilespmem:s6+$0xFFFFFFD0];
	v9 =	vadd.f32 v0, v4  }
0x792: {  	v4 =	vld [tilespmem:s10+$0xFFFFFFB0];
	[tilespmem:s7+$0xFFFFFFF0] =	vst v1  }
0x793: {  	v1 =	vld [tilespmem:s6+$0xFFFFFFE0];
	v5 =	vadd.f32 v8, v7;
	[tilespmem:s7+$0xFFFFFF90] =	vst v9  }
0x794: {  	s7 =	sadd.s32 $0x100, s7;
	v7 =	vld [tilespmem:s10+$0xFFFFFFC0];
	v0 =	vmov v3  }
0x795: {  	v8 =	vld [tilespmem:s6+$0xFFFFFFF0];
	[tilespmem:s7+$0x0] =	vst v5  }
0x796: {  	v2 =	vadd.f32 v2, v6;
	v6 =	vld [tilespmem:s10+$0xFFFFFFD0]  }
0x797: {  	v9 =	vld [tilespmem:s6+$0x0]  }
.Ltmp89:
0x798: {  	[tilespmem:s7+$0xFFFFFFA0] =	vst v2;
	v2 =	vadd.f32 v1, v4;
	v1 =	vld [tilespmem:s10+$0xFFFFFFE0];
	(pc) =	sbr.rel @p0 .LBB2_180-.Ltmp89, $4  }
0x799: {  	v3 =	vld [tilespmem:s6+$0x10]  }
0x79a: {  	[tilespmem:s7+$0xFFFFFFB0] =	vst v2;
	v7 =	vadd.f32 v8, v7;
	v2 =	vld [tilespmem:s10+$0xFFFFFFF0]  }
0x79b: {  	v5 =	vld [tilespmem:s6+$0x20]  }
0x79c: {  	v4 =	vld [tilespmem:s10+$0xFFFFFF90];
	[tilespmem:s7+$0xFFFFFFC0] =	vst v7;
	v6 =	vadd.f32 v9, v6;
	s10 =	sadd.s32 $0x100, s10  }
0x79d: {  	_ =	sdelay $0x1  }
0x79e: {  	v1 =	vadd.f32 v3, v1  }
0x79f: {  	[tilespmem:s7+$0xFFFFFFD0] =	vst v6;
	v2 =	vadd.f32 v5, v2  }
0x7a0: {  	[tilespmem:s7+$0xFFFFFFE0] =	vst v1;
	v0 =	vadd.f32 v0, v4  }
0x7a1: {  	s6 =	simm.s32 $0x8080;
	[tilespmem:s7+$0xFFFFFFF0] =	vst v2  }
0x7a2: {  	s10 =	sadd.s32 $0x0, s4;
	s8 =	simm.s32 $0x8180;
	[tilespmem:s7+$0xFFFFFF90] =	vst v0;
	s7 =	simm.s32 $0x10  }
.LBB2_182:
0x7a3: {  	[hbm4b:s10+s1] =	stream.linear.scatter [tilespmem:s6], [sflag:$0x4], $0x80, $0x38;
	[tilespmem:$0x14000] =	vst v63  }
0x7a4: {  	s10 =	smov.u32 s7;
	s6 =	smov.u32 s8;
	p0 =	sne.s32 s7, $0x7F0  }
.Ltmp90:
0x7a5: {  	s7 =	sadd.s32 $0x10, s7;
	(pc) =	sbr.rel @p0 .LBB2_182-.Ltmp90, $2  }
0x7a6: {  	_ =	sdelay $0x2  }
0x7a7: {  	s8 =	sadd.s32 $0x100, s8;
	s10 =	sadd.s32 s10, s4  }
0x7a8: {  	s5 =	sld [smem:$0x7EC]  }
0x7a9: {  	[hbm4b:s10+s1] =	stream.linear.scatter [tilespmem:s6], [sflag:$0x4], $0x80, $0x38;
	[tilespmem:$0x14000] =	vst v63  }
0x7aa: {  	s6 =	simm.s32 $0x80  }
0x7ab: {  	s7 =	simm.s32 $0x10;
	s8 =	simm.s32 $0x180;
	s10 =	sadd.s32 $0x0, s5  }
.LBB2_184:
0x7ac: {  	[tilespmem:s6], [sflag:$0x2] =	stream.linear.gather [hbm4b:s10+s1], $0x80, $0x38;
	[tilespmem:$0x14000] =	vst v63  }
0x7ad: {  	s10 =	smov.u32 s7;
	s6 =	smov.u32 s8;
	p0 =	sne.s32 s7, $0x7F0  }
.Ltmp91:
0x7ae: {  	s7 =	sadd.s32 $0x10, s7;
	(pc) =	sbr.rel @p0 .LBB2_184-.Ltmp91, $2  }
0x7af: {  	_ =	sdelay $0x2  }
0x7b0: {  	s8 =	sadd.s32 $0x100, s8;
	s10 =	sadd.s32 s10, s5  }
0x7b1: {  	[tilespmem:s6], [sflag:$0x2] =	stream.linear.gather [hbm4b:s10+s1], $0x80, $0x38;
	[tilespmem:$0x14000] =	vst v63  }
0x7b2: {  	s5 =	simm.s32 $0x1  }
0x7b3: {  	_ =	swait.ge [sflag:s5], $0x4000  }
0x7b4: {  	[sflag:s5] =	ssyncset.done $0x0  }
0x7b5: {  	s17 =	simm.s32 $0x3;
	[sflag:s5] =	ssyncadd.s32 $0xFFFFC000  }
0x7b6: {  	_ =	swait.ge [sflag:s17], $0x4000  }
0x7b7: {  	[sflag:s17] =	ssyncset.done $0x0  }
0x7b8: {  	s19 =	simm.s32 $0x40;
	[sflag:s17] =	ssyncadd.s32 $0xFFFFC000  }
0x7b9: {  	s6 =	simm.s32 $0x10040;
	v1 =	vld [tilespmem:s19+$0x30]  }
0x7ba: {  	v2 =	vld [tilespmem:s6+$0x30]  }
0x7bb: {  	v0 =	vld [tilespmem:s6+$0xFFFFFFC0]  }
0x7bc: {  	v3 =	vld [tilespmem:s19+$0xFFFFFFD0]  }
0x7bd: {  	v4 =	vld [tilespmem:s6+$0xFFFFFFD0]  }
0x7be: {  	v5 =	vld [tilespmem:s19+$0xFFFFFFE0]  }
0x7bf: {  	v6 =	vld [tilespmem:s6+$0xFFFFFFE0]  }
0x7c0: {  	v7 =	vld [tilespmem:s19+$0xFFFFFFF0]  }
0x7c1: {  	v8 =	vld [tilespmem:s6+$0xFFFFFFF0]  }
0x7c2: {  	v9 =	vld [tilespmem:s19+$0x0]  }
0x7c3: {  	v10 =	vld [tilespmem:s6+$0x0];
	v2 =	vadd.f32 v2, v1  }
0x7c4: {  	s7 =	simm.s32 $0x8040;
	v4 =	vadd.f32 v4, v3;
	v1 =	vld [tilespmem:s19+$0x10]  }
0x7c5: {  	v5 =	vadd.f32 v6, v5;
	v3 =	vld [tilespmem:s6+$0x10];
	[tilespmem:s7+$0x30] =	vst v2  }
0x7c6: {  	v6 =	vadd.f32 v8, v7;
	[tilespmem:s7+$0xFFFFFFD0] =	vst v4;
	v2 =	vld [tilespmem:s19+$0x20]  }
0x7c7: {  	[tilespmem:s7+$0xFFFFFFE0] =	vst v5;
	v5 =	vld [tilespmem:s6+$0x20]  }
0x7c8: {  	s8 =	simm.s32 $0x0;
	s10 =	simm.s32 $0x140;
	v4 =	vld [tilespmem:s19+$0xFFFFFFC0];
	[tilespmem:s7+$0xFFFFFFF0] =	vst v6;
	v6 =	vadd.f32 v10, v9  }
.LBB2_186:
0x7c9: {  	v7 =	vld [tilespmem:s10+$0x30];
	s6 =	sadd.s32 $0x80, s6  }
0x7ca: {  	s8 =	sadd.s32 $0x8, s8;
	v8 =	vld [tilespmem:s6+$0x30];
	[tilespmem:s7+$0x0] =	vst v6;
	v1 =	vadd.f32 v3, v1  }
0x7cb: {  	p0 =	slt.u32 s8, $0x3F8;
	v3 =	vld [tilespmem:s6+$0xFFFFFFC0]  }
0x7cc: {  	v6 =	vld [tilespmem:s10+$0xFFFFFFD0];
	[tilespmem:s7+$0x10] =	vst v1;
	v1 =	vadd.f32 v5, v2  }
0x7cd: {  	v2 =	vld [tilespmem:s6+$0xFFFFFFD0];
	v9 =	vadd.f32 v0, v4  }
0x7ce: {  	v4 =	vld [tilespmem:s10+$0xFFFFFFE0];
	[tilespmem:s7+$0x20] =	vst v1  }
0x7cf: {  	v1 =	vld [tilespmem:s6+$0xFFFFFFE0];
	v5 =	vadd.f32 v8, v7;
	[tilespmem:s7+$0xFFFFFFC0] =	vst v9  }
0x7d0: {  	s7 =	sadd.s32 $0x100, s7;
	v7 =	vld [tilespmem:s10+$0xFFFFFFF0];
	v0 =	vmov v3  }
0x7d1: {  	v8 =	vld [tilespmem:s6+$0xFFFFFFF0];
	[tilespmem:s7+$0x30] =	vst v5  }
0x7d2: {  	v2 =	vadd.f32 v2, v6;
	v6 =	vld [tilespmem:s10+$0x0]  }
0x7d3: {  	v9 =	vld [tilespmem:s6+$0x0]  }
.Ltmp92:
0x7d4: {  	[tilespmem:s7+$0xFFFFFFD0] =	vst v2;
	v2 =	vadd.f32 v1, v4;
	v1 =	vld [tilespmem:s10+$0x10];
	(pc) =	sbr.rel @p0 .LBB2_186-.Ltmp92, $4  }
0x7d5: {  	v3 =	vld [tilespmem:s6+$0x10]  }
0x7d6: {  	[tilespmem:s7+$0xFFFFFFE0] =	vst v2;
	v7 =	vadd.f32 v8, v7;
	v2 =	vld [tilespmem:s10+$0x20]  }
0x7d7: {  	v5 =	vld [tilespmem:s6+$0x20]  }
0x7d8: {  	v4 =	vld [tilespmem:s10+$0xFFFFFFC0];
	[tilespmem:s7+$0xFFFFFFF0] =	vst v7;
	v6 =	vadd.f32 v9, v6;
	s10 =	sadd.s32 $0x100, s10  }
0x7d9: {  	_ =	sdelay $0x1  }
0x7da: {  	v1 =	vadd.f32 v3, v1  }
0x7db: {  	[tilespmem:s7+$0x0] =	vst v6;
	v2 =	vadd.f32 v5, v2  }
0x7dc: {  	[tilespmem:s7+$0x10] =	vst v1;
	v0 =	vadd.f32 v0, v4  }
0x7dd: {  	[tilespmem:s7+$0x20] =	vst v2  }
0x7de: {  	[tilespmem:s7+$0xFFFFFFC0] =	vst v0  }
0x7df: {  	s5 =	sld [smem:$0x7FD];
	_ =	sdelay $0x1  }
0x7e0: {  	s6 =	simm.s32 $0x8000  }
0x7e1: {  	s8 =	simm.s32 $0x8100;
	s7 =	simm.s32 $0x10;
	s10 =	sadd.s32 $0x0, s5  }
.LBB2_188:
0x7e2: {  	[hbm4b:s10+s1] =	stream.linear.scatter [tilespmem:s6], [sflag:$0x3], $0x80, $0x38;
	[tilespmem:$0x14000] =	vst v63  }
0x7e3: {  	s10 =	smov.u32 s7;
	s6 =	smov.u32 s8;
	p0 =	sne.s32 s7, $0x7F0  }
.Ltmp93:
0x7e4: {  	s7 =	sadd.s32 $0x10, s7;
	(pc) =	sbr.rel @p0 .LBB2_188-.Ltmp93, $2  }
0x7e5: {  	_ =	sdelay $0x2  }
0x7e6: {  	s8 =	sadd.s32 $0x100, s8;
	s10 =	sadd.s32 s10, s5  }
0x7e7: {  	[hbm4b:s10+s1] =	stream.linear.scatter [tilespmem:s6], [sflag:$0x3], $0x80, $0x38;
	[tilespmem:$0x14000] =	vst v63  }
0x7e8: {  	s16 =	simm.s32 $0x2  }
0x7e9: {  	_ =	swait.ge [sflag:s16], $0x4000  }
0x7ea: {  	[sflag:s16] =	ssyncset.done $0x0  }
0x7eb: {  	s17 =	simm.s32 $0x4;
	[sflag:s16] =	ssyncadd.s32 $0xFFFFC000  }
0x7ec: {  	_ =	swait.ge [sflag:s17], $0x4000  }
0x7ed: {  	[sflag:s17] =	ssyncset.done $0x0  }
0x7ee: {  	s19 =	simm.s32 $0xF0;
	[sflag:s17] =	ssyncadd.s32 $0xFFFFC000  }
0x7ef: {  	s6 =	simm.s32 $0x10040;
	v1 =	vld [tilespmem:s19+$0x0]  }
0x7f0: {  	v2 =	vld [tilespmem:s6+$0x30]  }
0x7f1: {  	v0 =	vld [tilespmem:s6+$0xFFFFFFC0]  }
0x7f2: {  	v3 =	vld [tilespmem:s19+$0xFFFFFFA0]  }
0x7f3: {  	v4 =	vld [tilespmem:s6+$0xFFFFFFD0]  }
0x7f4: {  	v5 =	vld [tilespmem:s19+$0xFFFFFFB0]  }
0x7f5: {  	v6 =	vld [tilespmem:s6+$0xFFFFFFE0]  }
0x7f6: {  	v7 =	vld [tilespmem:s19+$0xFFFFFFC0]  }
0x7f7: {  	v8 =	vld [tilespmem:s6+$0xFFFFFFF0]  }
0x7f8: {  	v9 =	vld [tilespmem:s19+$0xFFFFFFD0]  }
0x7f9: {  	v10 =	vld [tilespmem:s6+$0x0];
	v2 =	vadd.f32 v2, v1  }
0x7fa: {  	s7 =	simm.s32 $0x80F0;
	v4 =	vadd.f32 v4, v3;
	v1 =	vld [tilespmem:s19+$0xFFFFFFE0]  }
0x7fb: {  	v5 =	vadd.f32 v6, v5;
	v3 =	vld [tilespmem:s6+$0x10];
	[tilespmem:s7+$0x0] =	vst v2  }
0x7fc: {  	v6 =	vadd.f32 v8, v7;
	[tilespmem:s7+$0xFFFFFFA0] =	vst v4;
	v2 =	vld [tilespmem:s19+$0xFFFFFFF0]  }
0x7fd: {  	[tilespmem:s7+$0xFFFFFFB0] =	vst v5;
	v5 =	vld [tilespmem:s6+$0x20]  }
0x7fe: {  	s8 =	simm.s32 $0x0;
	s10 =	simm.s32 $0x1F0;
	v4 =	vld [tilespmem:s19+$0xFFFFFF90];
	[tilespmem:s7+$0xFFFFFFC0] =	vst v6;
	v6 =	vadd.f32 v10, v9  }
.LBB2_190:
0x7ff: {  	v7 =	vld [tilespmem:s10+$0x0];
	s6 =	sadd.s32 $0x80, s6  }
0x800: {  	s8 =	sadd.s32 $0x8, s8;
	v8 =	vld [tilespmem:s6+$0x30];
	[tilespmem:s7+$0xFFFFFFD0] =	vst v6;
	v1 =	vadd.f32 v3, v1  }
0x801: {  	p0 =	slt.u32 s8, $0x3F8;
	v3 =	vld [tilespmem:s6+$0xFFFFFFC0]  }
0x802: {  	v6 =	vld [tilespmem:s10+$0xFFFFFFA0];
	[tilespmem:s7+$0xFFFFFFE0] =	vst v1;
	v1 =	vadd.f32 v5, v2  }
0x803: {  	v2 =	vld [tilespmem:s6+$0xFFFFFFD0];
	v9 =	vadd.f32 v0, v4  }
0x804: {  	v4 =	vld [tilespmem:s10+$0xFFFFFFB0];
	[tilespmem:s7+$0xFFFFFFF0] =	vst v1  }
0x805: {  	v1 =	vld [tilespmem:s6+$0xFFFFFFE0];
	v5 =	vadd.f32 v8, v7;
	[tilespmem:s7+$0xFFFFFF90] =	vst v9  }
0x806: {  	s7 =	sadd.s32 $0x100, s7;
	v7 =	vld [tilespmem:s10+$0xFFFFFFC0];
	v0 =	vmov v3  }
0x807: {  	v8 =	vld [tilespmem:s6+$0xFFFFFFF0];
	[tilespmem:s7+$0x0] =	vst v5  }
0x808: {  	v2 =	vadd.f32 v2, v6;
	v6 =	vld [tilespmem:s10+$0xFFFFFFD0]  }
0x809: {  	v9 =	vld [tilespmem:s6+$0x0]  }
.Ltmp94:
0x80a: {  	[tilespmem:s7+$0xFFFFFFA0] =	vst v2;
	v2 =	vadd.f32 v1, v4;
	v1 =	vld [tilespmem:s10+$0xFFFFFFE0];
	(pc) =	sbr.rel @p0 .LBB2_190-.Ltmp94, $4  }
0x80b: {  	v3 =	vld [tilespmem:s6+$0x10]  }
0x80c: {  	[tilespmem:s7+$0xFFFFFFB0] =	vst v2;
	v7 =	vadd.f32 v8, v7;
	v2 =	vld [tilespmem:s10+$0xFFFFFFF0]  }
0x80d: {  	v5 =	vld [tilespmem:s6+$0x20]  }
0x80e: {  	v4 =	vld [tilespmem:s10+$0xFFFFFF90];
	[tilespmem:s7+$0xFFFFFFC0] =	vst v7;
	v6 =	vadd.f32 v9, v6;
	s10 =	sadd.s32 $0x100, s10  }
0x80f: {  	_ =	sdelay $0x1  }
0x810: {  	v1 =	vadd.f32 v3, v1  }
0x811: {  	[tilespmem:s7+$0xFFFFFFD0] =	vst v6;
	v2 =	vadd.f32 v5, v2  }
0x812: {  	[tilespmem:s7+$0xFFFFFFE0] =	vst v1;
	v0 =	vadd.f32 v0, v4  }
0x813: {  	[tilespmem:s7+$0xFFFFFFF0] =	vst v2  }
0x814: {  	[tilespmem:s7+$0xFFFFFF90] =	vst v0  }
0x815: {  	s11 =	sld [smem:$0x7ED];
	_ =	sdelay $0x1  }
0x816: {  	s6 =	simm.s32 $0x8080  }
0x817: {  	s8 =	simm.s32 $0x8180;
	s7 =	simm.s32 $0x10;
	s10 =	sadd.s32 $0x0, s11  }
.LBB2_192:
0x818: {  	[hbm4b:s10+s1] =	stream.linear.scatter [tilespmem:s6], [sflag:$0x4], $0x80, $0x38;
	[tilespmem:$0x14000] =	vst v63  }
0x819: {  	s10 =	smov.u32 s7;
	s6 =	smov.u32 s8;
	p0 =	sne.s32 s7, $0x7F0  }
.Ltmp95:
0x81a: {  	s7 =	sadd.s32 $0x10, s7;
	(pc) =	sbr.rel @p0 .LBB2_192-.Ltmp95, $2  }
0x81b: {  	_ =	sdelay $0x2  }
0x81c: {  	s8 =	sadd.s32 $0x100, s8;
	s10 =	sadd.s32 s10, s11  }
0x81d: {  	[hbm4b:s10+s1] =	stream.linear.scatter [tilespmem:s6], [sflag:$0x4], $0x80, $0x38;
	[tilespmem:$0x14000] =	vst v63  }
0x81e: {  	s17 =	simm.s32 $0x3  }
0x81f: {  	_ =	swait.ge [sflag:s17], $0x4000  }
0x820: {  	[sflag:s17] =	ssyncset.done $0x0  }
0x821: {  	s7 =	simm.s32 $0x4;
	[sflag:s17] =	ssyncadd.s32 $0xFFFFC000  }
0x822: {  	_ =	swait.ge [sflag:s7], $0x4000  }
0x823: {  	s8 =	sld [smem:$0x7D0]  }
0x824: {  	s19 =	sld [smem:$0x7EF];
	_ =	sdelay $0x1  }
0x825: {  	s8 =	sadd.s32 $0x1, s8  }
0x826: {  	p0 =	sne.s32 s8, s19  }
.Ltmp96:
0x827: {  	_ = 	snop;
	(pc) =	sbr.rel @p0 .LBB2_1-.Ltmp96, $3  }
0x828: {  	_ =	sdelay $0x1  }
0x829: {  	[sflag:s7] =	ssyncset.done $0x0  }
0x82a: {  	[sflag:s7] =	ssyncadd.s32 $0xFFFFC000  }
0x82b: {  	_ =	sfence.sel $0x180000  }
0x82c: {  	[bflag:$0x0] =	sbarrier.arrive $0xFFFF  }
0x82d: {  	_ =	strace $0x9000004A  }
0x82e: {  	s0 =	stileid.u32;
	[bflag:$0x2] =	sbarrier.arrive $0xFFFF  }
0x82f: {  	p0 =	sne.s32 s0, $0x0;
	s0 =	rddreg [dreg:$0x2]  }
0x830: {  	s0 =	sadd.s32 @!p0 $0x100000, s0  }
0x831: {  	[sflag:s0] =	ssyncadd.tile.s32 @!p0 $0x1;
	_ =	shalt  }
.Lfunc_end2:
_tile_overlayer_lowered:
.L_overlay_start_2:
0x832: {  	(tag) =	ssettag $0x2  }
0x833: {  	s0 =	rddreg [dreg:$0x0];
	s2 =	stileid.u32  }
0x834: {  	s1 =	rddreg [dreg:$0x1];
	p0 =	sne.s32 s2, $0x0  }
0x835: {  	s3 =	rddreg [dreg:$0x2];
	[bflag:$0x3] =	sbarrier.arrive $0xFFFF;
	s2 =	simm.s32 @!p0 $0x1C05  }
0x836: {  	[timem:s3], [sflag:s2] =	dma.local @!p0 [hbm:s0], s1  }
0x837: {  	s0 =	simm.s32 @!p0 $0x5  }
0x838: {  	_ =	swait.ge @!p0 [sflag:s0], s1  }
0x839: {  	s1 =	ssub.s32 @!p0 $0x0, s1;
	[sflag:s0] =	ssyncset.done @!p0 $0x0  }
0x83a: {  	[sflag:s0] =	ssyncadd.s32 @!p0 s1  }
0x83b: {  	[bflag:$0x3] =	sbarrier.arrive $0xFFFF  }
0x83c: {  	_ =	shalt  }

// kernel: sparse-core-data-format-call.cloned.1.call-start
scs
called_computation_lowered:
.L_overlay_start_0:
0x0: {  	s2 =	sld [smem:$0x3FD9]  }
0x1: {  	s3 =	sld [smem:$0x3FFE];
	_ =	sdelay $0x1  }
0x2: {  	s1 =	srdreg.scid  }
0x3: {  	s0 =	sand.u32 $0x1, s1  }
0x4: {  	s19 =	sshll.u32 s0, $0xA;
	s2 =	sadd.s32 s3, s2  }
0x5: {  	s2 =	sadd.s32 s2, s19  }
0x6: {  	[smem:$0x3FC6] =	sst s2  }
0x7: {  	_ = 	snop  }
0x8: {  	s2 =	sld [smem:$0x3FC9]  }
0x9: {  	s20 =	sld [smem:$0x3FD0];
	(tm) =	ssettm $0x1  }
0xa: {  	s4 =	sld [smem:$0x3FFB];
	_ =	sdelay $0x3  }
0xb: {  	_ =	strace s4  }
0xc: {  	s4 =	sld [smem:$0x3FFC];
	_ =	sdelay $0x3  }
0xd: {  	_ =	strace s4  }
0xe: {  	s4 =	sld [smem:$0x3FFD];
	_ =	sdelay $0x3  }
0xf: {  	_ =	strace s4  }
0x10: {  	_ =	strace $0x8FFFFFFF  }
0x11: {  	s21 =	sld [smem:$0x3FDB];
	_ =	sdelay $0x1  }
0x12: {  	s5 =	simm.s32 $_scs_section_size  }
0x13: {  	s6 =	simm.s32 $_size__tile_overlayer_lowered;
	s7 =	simm.s32 $_tile_overlayer_lowered  }
0x14: {  	s24 =	simm.s32 $0x1BFF;
	s23 =	sshll.u32 s7, $0x1;
	s4 =	sadd.s32 s5, s21  }
0x15: {  	s8 =	simm.s32 $0x0;
	s22 =	sshll.u32 s6, $0x1;
	s6 =	sadd.s32 s23, s4  }
0x16: {  	[timem:s8], [sflag:s24] =	dma.local [hbm:s6], s22  }
0x17: {  	_ =	swait.ge [sflag:s24], s22  }
0x18: {  	s5 =	ssub.s32 $0x0, s22;
	[sflag:s24] =	ssyncset.done $0x0  }
0x19: {  	[sflag:s24] =	ssyncadd.s32 s5;
	_ =	sdelay $0x1  }
0x1a: {  	s25 =	simm.s32 $0x1B8B  }
0x1b: {  	_ =	swait.ge [sflag:s25], $0x1  }
0x1c: {  	[sflag:s25] =	ssyncset.done $0x0  }
0x1d: {  	s26 =	simm.s32 $0x1B8E;
	[sflag:s25] =	ssyncadd.s32 $0xFFFFFFFF  }
0x1e: {  	s27 =	simm.s32 $execute0_lowered;
	[smem:$0x3FD2] =	sst s26  }
0x1f: {  	s5 =	sshll.u32 s27, $0x1;
	_ =	strace $0x80000046;
	[dreg:$0x1] =	wrdreg $0xFFFFFFFF  }
0x20: {  	s28 =	simm.s32 $_size_execute0_lowered;
	s4 =	sadd.s32 s4, s5;
	[dreg:$0x0] =	wrdreg $0x0  }
0x21: {  	s5 =	sshll.u32 s28, $0x1;
	[dreg:$0x2] =	wrdreg s4  }
0x22: {  	[dreg:$0x3] =	wrdreg s5  }
0x23: {  	[dreg:$0x4] =	wrdreg $0xC0  }
0x24: {  	_ =	task [dreg:s8], $0x5FFFF  }
0x25: {  	[dreg:$0x1] =	wrdreg $0xFFFFFFFF  }
0x26: {  	[dreg:$0x0] =	wrdreg $0x60  }
0x27: {  	[dreg:$0x2] =	wrdreg s2  }
0x28: {  	[dreg:$0x3] =	wrdreg s20  }
0x29: {  	[dreg:$0x4] =	wrdreg $0x9  }
0x2a: {  	_ =	task.clear_ibuf [dreg:s8], $0x5FFFF;
	_ =	strace $0x90000046  }
0x2b: {  	s29 =	simm.s32 $0x9;
	_ =	strace $0x80000048  }
0x2c: {  	_ =	swait.ge [sflag:s29], $0x1  }
0x2d: {  	[sflag:s29] =	ssyncadd.s32 $0xFFFFFFFF  }
0x2e: {  	_ =	strace $0x90000048  }
0x2f: {  	_ =	sfence  }
0x30: {  	s30 =	sld [smem:$0x0];
	_ =	sdelay $0x2  }
0x31: {  	s31 =	sshll.u32 s1, $0xD;
	s1 =	sshrl.u32 s1, $0x2  }
0x32: {  	s3 =	sand.u32 $0x4000, s31;
	s1 =	sadd.s32 s1, s30  }
0x33: {  	s0 =	sor.u32 s3, s0;
	s1 =	sshll.u32 s1, $0x11  }
0x34: {  	s0 =	sor.u32 s1, s0  }
0x35: {  	s0 =	sadd.s32 $0x8F2B, s0  }
0x36: {  	[sflag:s0] =	ssyncadd.remote.s32 $0x1  }
0x37: {  	_ =	sfence.sel $0xFFFF  }
0x38: {  	[dreg:$0x0] =	wrdreg $0xFFFFFFFF;
	(pc) =	sbr.abs _section_cstart, $3  }
0x39: {  	[dreg:$0x1] =	wrdreg $0xFFFFFFFF  }
0x3a: {  	_ =	task.clear_ibuf [dreg:s8], $0x2FFFF;
	_ =	strace $0x9FFFFFFF  }
0x3b: {  	(tm) =	ssettm $0x7FFFFFFF  }
tec
execute0_lowered:
.L_overlay_start_1:
0x0: {  	(tag) =	ssettag $0x1  }
0x1: {  	s2 =	rddreg [dreg:$0x0]  }
0x2: {  	s3 =	rddreg [dreg:$0x1]  }
0x3: {  	s0 =	rddreg [dreg:$0x2];
	s4 =	srdreg.scid  }
.Ltmp0:
0x4: {  	_ =	strace $0x80000047;
	s1 =	stileid.u32;
	(pc) =	sbr.rel .LBB1_1-.Ltmp0, $4  }
0x5: {  	s6 =	simm.s32 $0x2;
	p0 =	por $0x0, $0x0;
	s5 =	sshll.u32 s4, $0x4  }
0x6: {  	s9 =	simm.s32 $0x0;
	s4 =	simm.s32 $0x1;
	s5 =	sand.u32 $0x10, s5  }
0x7: {  	s7 =	simm.s32 $0x0;
	[sflag:s4] =	ssyncpa.u1 $0x0;
	s5 =	sor.u32 s1, s5  }
0x8: {  	[sflag:s6] =	ssyncpa.u1 $0x0;
	s6 =	simm.s32 $0x0;
	s8 =	smov.u32 s5  }
.LBB1_7:
0x9: {  	s11 =	sadd.s32 $0x20, s8  }
0xa: {  	p1 =	slt.u32 s7, $0x2;
	s7 =	sadd.s32 $0x1, s7;
	p2 =	sgt.s32 s11, $0x3FF  }
0xb: {  	s11 =	smov.u32 @p2 s5;
	p2 =	sne.s32 s7, $0x22  }
.Ltmp1:
0xc: {  	_ = 	snop;
	(pc) =	sbr.rel @!p2 .LBB1_8-.Ltmp1, $4  }
0xd: {  	s10 =	simm.s32 @!p1 $0x2  }
0xe: {  	_ =	swait.ge @!p1 [sflag:s10], $0x4000  }
0xf: {  	s9 =	smov.u32 s8;
	[sflag:s10] =	ssyncset.done @!p1 $0x0  }
0x10: {  	p0 =	por !p0, !p0;
	s8 =	smov.u32 s11;
	[sflag:s10] =	ssyncadd.s32 @!p1 $0xFFFFC000  }
.LBB1_1:
0x11: {  	p1 =	sgt.u32 s7, $0x1F  }
0x12: {  	s10 =	sxor.u32 @!p1 $0xFFFFFFFF, s7  }
0x13: {  	s11 =	sshll.u32 @!p1 s8, $0xB;
	s10 =	sshll.u32 @!p1 s10, $0xE  }
0x14: {  	s12 =	simm.s32 @!p1 $0x0;
	s11 =	sadd.s32 @!p1 s2, s11;
	s10 =	sand.u32 @!p1 $0x4000, s10  }
0x15: {  	[tilespmem:s10], [sflag:$0x1] =	stream.linear.gather @!p1 [hbm4b:s11+s12], $0x4000, $0x38;
	[tilespmem:$0x10000] =	vst v63  }
0x16: {  	p1 =	seq.s32 s7, $0x0  }
0x17: {  	p2 =	seq.s32 @!p1 s7, $0x21  }
0x18: {  	p1 =	por p1, p2  }
.Ltmp2:
0x19: {  	_ = 	snop;
	(pc) =	sbr.rel @p1 .LBB1_7-.Ltmp2, $1  }
0x1a: {  	_ =	sdelay $0x3  }
0x1b: {  	s10 =	simm.s32 $0x1;
	_ =	swait.ge [sflag:s4], $0x4000;
	s12 =	sshll.u32 s7, $0xE  }
0x1c: {  	s13 =	simm.s32 $0x0;
	s10 =	simm.s32 @!p0 $0x0;
	[sflag:s4] =	ssyncset.done $0x0  }
0x1d: {  	s12 =	sand.u32 $0x4000, s12;
	s11 =	sshll.u32 s10, $0xE;
	[sflag:s4] =	ssyncadd.s32 $0xFFFFC000  }
0x1e: {  	s12 =	sor.u32 $0x8000, s12;
	s10 =	sor.u32 $0x8040, s11;
	s11 =	sor.u32 $0x40, s11  }
.LBB1_3:
0x1f: {  	v0 =	vmov s11;
	_ =	sdelay $0x3  }
0x20: {  	s15 =	simm.s32 $0x0  }
0x21: {  	v6 =	vld.idx.msk [tilespmem:v0+s15+$0x30 ss:$0x1], $0xffff  }
0x22: {  	v7 =	vld.idx.msk [tilespmem:v0+s15+$0xFFFFFFC0 ss:$0x1], $0xffff  }
0x23: {  	v5 =	vld.idx.msk [tilespmem:v0+s15+$0xFFFFFFD0 ss:$0x1], $0xffff  }
0x24: {  	v4 =	vld.idx.msk [tilespmem:v0+s15+$0xFFFFFFE0 ss:$0x1], $0xffff  }
0x25: {  	v3 =	vld.idx.msk [tilespmem:v0+s15+$0xFFFFFFF0 ss:$0x1], $0xffff  }
0x26: {  	v1 =	vld.idx.msk [tilespmem:v0+s15+$0x0 ss:$0x1], $0xffff  }
0x27: {  	v2 =	vld.idx.msk [tilespmem:v0+s15+$0x10 ss:$0x1], $0xffff;
	[tilespmem:s10+$0x30] =	vst v6  }
0x28: {  	s14 =	simm.s32 $0x80;
	s16 =	simm.s32 $0x400;
	[tilespmem:s10+$0xFFFFFFC0] =	vst v7;
	v6 =	vld.idx.msk [tilespmem:v0+s15+$0x20 ss:$0x1], $0xffff;
	s15 =	smov.u32 s10  }
.LBB1_4:
0x29: {  	p1 =	sne.s32 s16, $0xE00;
	v7 =	vld.idx.msk [tilespmem:v0+s14+$0x30 ss:$0x1], $0xffff;
	[tilespmem:s15+$0xFFFFFFD0] =	vst v5  }
0x2a: {  	v8 =	vld.idx.msk [tilespmem:v0+s14+$0xFFFFFFC0 ss:$0x1], $0xffff;
	[tilespmem:s15+$0xFFFFFFE0] =	vst v4  }
0x2b: {  	v5 =	vld.idx.msk [tilespmem:v0+s14+$0xFFFFFFD0 ss:$0x1], $0xffff;
	[tilespmem:s15+$0xFFFFFFF0] =	vst v3  }
.Ltmp3:
0x2c: {  	v4 =	vld.idx.msk [tilespmem:v0+s14+$0xFFFFFFE0 ss:$0x1], $0xffff;
	[tilespmem:s15+$0x0] =	vst v1;
	(pc) =	sbr.rel @p1 .LBB1_4-.Ltmp3, $4  }
0x2d: {  	v3 =	vld.idx.msk [tilespmem:v0+s14+$0xFFFFFFF0 ss:$0x1], $0xffff;
	[tilespmem:s15+$0x10] =	vst v2  }
0x2e: {  	v1 =	vld.idx.msk [tilespmem:v0+s14+$0x0 ss:$0x1], $0xffff;
	[tilespmem:s15+$0x20] =	vst v6;
	s15 =	sadd.s32 $0x800, s15  }
0x2f: {  	v2 =	vld.idx.msk [tilespmem:v0+s14+$0x10 ss:$0x1], $0xffff;
	[tilespmem:s15+$0x30] =	vst v7  }
0x30: {  	[tilespmem:s15+$0xFFFFFFC0] =	vst v8;
	v6 =	vld.idx.msk [tilespmem:v0+s14+$0x20 ss:$0x1], $0xffff;
	s14 =	sshra.s32 s16, $0x2;
	s16 =	sadd.s32 $0x200, s16  }
0x31: {  	_ =	sdelay $0x2  }
0x32: {  	[tilespmem:s15+$0xFFFFFFD0] =	vst v5  }
0x33: {  	v56 =	vld.idx.msk [tilespmem:v0+s14+$0x30 ss:$0x1], $0xffff;
	[tilespmem:s15+$0xFFFFFFE0] =	vst v4  }
0x34: {  	v57 =	vld.idx.msk [tilespmem:v0+s14+$0xFFFFFFC0 ss:$0x1], $0xffff;
	[tilespmem:s15+$0xFFFFFFF0] =	vst v3  }
0x35: {  	v58 =	vld.idx.msk [tilespmem:v0+s14+$0xFFFFFFD0 ss:$0x1], $0xffff;
	[tilespmem:s15+$0x0] =	vst v1  }
0x36: {  	v59 =	vld.idx.msk [tilespmem:v0+s14+$0xFFFFFFE0 ss:$0x1], $0xffff;
	[tilespmem:s15+$0x10] =	vst v2  }
0x37: {  	v60 =	vld.idx.msk [tilespmem:v0+s14+$0xFFFFFFF0 ss:$0x1], $0xffff;
	s31 =	sadd.s32 $0x800, s15;
	[tilespmem:s15+$0x20] =	vst v6  }
0x38: {  	v61 =	vld.idx.msk [tilespmem:v0+s14+$0x0 ss:$0x1], $0xffff;
	[tilespmem:s31+$0x30] =	vst v56  }
0x39: {  	v62 =	vld.idx.msk [tilespmem:v0+s14+$0x10 ss:$0x1], $0xffff;
	s13 =	sadd.s32 $0x1, s13;
	[tilespmem:s31+$0xFFFFFFC0] =	vst v57  }
0x3a: {  	v63 =	vld.idx.msk [tilespmem:v0+s14+$0x20 ss:$0x1], $0xffff;
	p1 =	sne.s32 s13, $0x10;
	[tilespmem:s31+$0xFFFFFFD0] =	vst v58  }
.Ltmp4:
0x3b: {  	[tilespmem:s31+$0xFFFFFFE0] =	vst v59;
	(pc) =	sbr.rel @p1 .LBB1_3-.Ltmp4, $4  }
0x3c: {  	[tilespmem:s31+$0xFFFFFFF0] =	vst v60  }
0x3d: {  	[tilespmem:s31+$0x0] =	vst v61  }
0x3e: {  	[tilespmem:s31+$0x10] =	vst v62  }
0x3f: {  	s10 =	sadd.s32 $0x80, s10;
	s11 =	sadd.s32 $0x400, s11;
	[tilespmem:s31+$0x20] =	vst v63  }
.Ltmp5:
0x40: {  	(pc) =	sbr.rel .LBB1_7-.Ltmp5, $4  }
0x41: {  	_ = 	snop  }
0x42: {  	s9 =	sshll.u32 s9, $0xB  }
0x43: {  	s9 =	sadd.s32 s3, s9  }
0x44: {  	[hbm4b:s9+s6] =	stream.linear.scatter [tilespmem:s12], [sflag:$0x2], $0x4000, $0x38;
	[tilespmem:$0x10000] =	vst v63  }
.LBB1_8:
0x45: {  	_ =	sfence.sel $0x180000  }
0x46: {  	s2 =	simm.s32 $0x1;
	[bflag:$0x0] =	sbarrier.arrive $0xFFFF  }
0x47: {  	s31 =	simm.s32 $0x2;
	[sflag:s2] =	ssyncpa.u1 $0x1  }
0x48: {  	[sflag:s31] =	ssyncpa.u1 $0x1  }
0x49: {  	p0 =	sne.s32 s1, $0x0;
	_ =	strace $0x90000047  }
0x4a: {  	s0 =	sadd.s32 @!p0 $0x100000, s0;
	[bflag:$0x2] =	sbarrier.arrive $0xFFFF  }
0x4b: {  	[sflag:s0] =	ssyncadd.tile.s32 @!p0 $0x1;
	_ =	shalt  }
.Lfunc_end1:
_tile_overlayer_lowered:
.L_overlay_start_2:
0x4c: {  	(tag) =	ssettag $0x2  }
0x4d: {  	s0 =	rddreg [dreg:$0x0];
	s2 =	stileid.u32  }
0x4e: {  	s1 =	rddreg [dreg:$0x1];
	p0 =	sne.s32 s2, $0x0  }
0x4f: {  	s3 =	rddreg [dreg:$0x2];
	[bflag:$0x3] =	sbarrier.arrive $0xFFFF;
	s2 =	simm.s32 @!p0 $0x1C01  }
0x50: {  	[timem:s3], [sflag:s2] =	dma.local @!p0 [hbm:s0], s1  }
0x51: {  	s0 =	simm.s32 @!p0 $0x1  }
0x52: {  	_ =	swait.ge @!p0 [sflag:s0], s1  }
0x53: {  	s1 =	ssub.s32 @!p0 $0x0, s1;
	[sflag:s0] =	ssyncset.done @!p0 $0x0  }
0x54: {  	[sflag:s0] =	ssyncadd.s32 @!p0 s1  }
0x55: {  	[bflag:$0x3] =	sbarrier.arrive $0xFFFF  }
0x56: {  	_ =	shalt  }

</sc_bundles>
